<compile_context>
chip_gen: v7x
topology: tpu7x:2x2x1
jax: 0.10.2.dev20260603
libtpu: 0.0.44.dev20260713+nightly
codegen_flags: <defaults>
</compile_context>

<pallas_src>
import functools

import jax
import jax.numpy as jnp
from jax import lax
from jax.experimental import pallas as pl
from jax.experimental.pallas import tpu as pltpu
from jax.experimental.pallas import tpu_sc as plsc

V = 100000
C = 1600000
K = 3
B = 4
ITERS = 4

NC = 2
NS = 16
L = 16

W_PER = C // (NC * NS)
CH0 = 2000
N0 = W_PER // CH0

TILE_C = C // 8
CH = 768
NCH = TILE_C // CH
TAIL = TILE_C - NCH * CH
ROWS = K * CH // 128
TROWS = (K * TAIL + 64) // 128
DPAD = 192
DSZ = 2 * V + DPAD
ZSL = DSZ // NS
PIECE = K * CH
NPIECE = V // PIECE
PTAIL = V - NPIECE * PIECE

_mesh = plsc.VectorSubcoreMesh(core_axis_name="c", subcore_axis_name="s")


def _ds8(off, n):
    return pl.ds(pl.multiple_of(off, 8), n)


@functools.partial(
    pl.kernel,
    out_type=jax.ShapeDtypeStruct((K * C,), jnp.float32),
    mesh=_mesh,
    compiler_params=pltpu.CompilerParams(needs_layout_passes=False),
    scratch_types=[
        pltpu.VMEM((V,), jnp.float32),
        pltpu.VMEM((K * CH0,), jnp.int32),
        pltpu.VMEM((K * CH0,), jnp.float32),
    ],
)
def _phase0(lit_hbm, vw_hbm, sw_hbm, wtab, litb, swb):
    c = lax.axis_index("c")
    s = lax.axis_index("s")
    wid = s * NC + c
    base = wid * W_PER
    pltpu.sync_copy(vw_hbm, wtab)

    @pl.loop(0, N0)
    def _chunk(ch):
        cb = base + ch * CH0
        for k in range(K):
            pltpu.sync_copy(lit_hbm.at[_ds8(k * C + cb, CH0)],
                            litb.at[pl.ds(k * CH0, CH0)])

        @pl.loop(0, CH0 // L)
        def _vec(i):
            for k in range(K):
                lit = litb[pl.ds(k * CH0 + i * L, L)]
                var = lax.shift_right_logical(lit, 1)
                w = plsc.load_gather(wtab, [var])
                sgn = jnp.where(lax.rem(lit, 2) == 0, 0.1, -0.1)
                swb[pl.ds(k * CH0 + i * L, L)] = sgn.astype(jnp.float32) * w

        for k in range(K):
            pltpu.sync_copy(swb.at[pl.ds(k * CH0, CH0)],
                            sw_hbm.at[_ds8(k * C + cb, CH0)])


@functools.partial(
    pl.kernel,
    out_type=(jax.ShapeDtypeStruct((B * V,), jnp.float32),
              jax.ShapeDtypeStruct((B, L), jnp.float32)),
    mesh=_mesh,
    compiler_params=pltpu.CompilerParams(needs_layout_passes=False),
    scratch_types=[
        pltpu.VMEM((V,), jnp.float32),
        pltpu.VMEM((K * CH,), jnp.int32),
        pltpu.VMEM((K * CH,), jnp.int32),
        pltpu.VMEM((K * CH,), jnp.float32),
        pltpu.VMEM((K * CH,), jnp.float32),
        pltpu.VMEM((ROWS, 128), jnp.int32),
        pltpu.VMEM((ROWS, 128), jnp.float32),
        pltpu.VMEM((L,), jnp.float32),
        pltpu.VMEM((8, L), jnp.float32),
        pltpu.VMEM_SHARED((DSZ,), jnp.float32),
        pltpu.VMEM_SHARED((NS, L), jnp.float32),
        pltpu.SemaphoreType.DMA,
        pltpu.SemaphoreType.DMA,
        pltpu.SemaphoreType.DMA,
    ],
)
def _main(lit_hbm, sw_hbm, a0_hbm, a_out, sat_out,
          a_loc, litb0, litb1, swb0, swb1, idxb, cb, tb, pb,
          delta, parts, sem_in0, sem_in1, sem_sc):
    c = lax.axis_index("c")
    s = lax.axis_index("s")
    b_in = s // 8
    p = lax.rem(s, 8)
    b = 2 * c + b_in
    boff = b_in * V
    tbase = p * TILE_C

    litb = (litb0, litb1)
    swb = (swb0, swb1)
    sem_in = (sem_in0, sem_in1)

    pltpu.sync_copy(a0_hbm.at[_ds8(b * V, V)], a_loc)

    zero16 = jnp.zeros((L,), jnp.float32)
    ones = jnp.ones((L,), jnp.float32)
    iota16 = lax.iota(jnp.int32, L)

    def in_copies(ch, par, n, with_sw):
        cbs = tbase + ch * CH
        cps = []
        for k in range(K):
            cps.append((lit_hbm.at[_ds8(k * C + cbs, n)],
                        litb[par].at[pl.ds(k * n, n)]))
            if with_sw:
                cps.append((sw_hbm.at[_ds8(k * C + cbs, n)],
                            swb[par].at[pl.ds(k * n, n)]))
        return cps

    def start_in(ch, par, n, with_sw):
        for src_, dst in in_copies(ch, par, n, with_sw):
            pltpu.async_copy(src_, dst, sem_in[par])

    def wait_in(ch, par, n, with_sw):
        for src_, dst in in_copies(ch, par, n, with_sw):
            pltpu.make_async_copy(src_, dst, sem_in[par]).wait()

    def fire_scatter(rows):
        for j in range(rows):
            pltpu.async_copy(cb.at[j], delta.at[idxb.at[j]], sem_sc,
                             add=True)

    def drain_scatter(rows):
        for j in range(rows):
            pltpu.make_async_copy(cb.at[j], delta.at[idxb.at[j]],
                                  sem_sc).wait()

    def gather_litvals(par, i, n):
        vars_ = []
        litvals = []
        for k in range(K):
            lit = litb[par][pl.ds(k * n + i * L, L)]
            var = lax.shift_right_logical(lit, 1)
            g = plsc.load_gather(a_loc, [var])
            lv = jnp.where(lax.rem(lit, 2) == 0, g, 1.0 - g)
            vars_.append(var)
            litvals.append(lv)
        return vars_, litvals

    def body(ch, par, n, rows, drain, prefetch):
        wait_in(ch, par, n, True)
        if drain == "always":
            drain_scatter(ROWS)
        elif drain == "cond":
            @pl.when(ch >= 1)
            def _():
                drain_scatter(ROWS)

        @pl.loop(0, n // L)
        def _vec(i):
            vars_, litvals = gather_litvals(par, i, n)
            viol = 1.0 - jnp.maximum(jnp.maximum(litvals[0], litvals[1]),
                                     litvals[2])
            for k in range(K):
                swv = swb[par][pl.ds(k * n + i * L, L)]
                off = k * n + i * L
                r = lax.shift_right_logical(off, 7)
                col = lax.rem(off, 128)
                cb[r, pl.ds(col, L)] = viol * swv
                idxb[r, pl.ds(col, L)] = vars_[k] + boff

        if n == TAIL:
            for j in range(4):
                off = K * TAIL + j * L
                cb[off >> 7, pl.ds(off % 128, L)] = zero16
                idxb[off >> 7, pl.ds(off % 128, L)] = (
                    2 * V + j * L + iota16)
        fire_scatter(rows)
        if prefetch:
            @pl.when(ch + 2 < NCH)
            def _():
                start_in(ch + 2, par, CH, True)

            @pl.when(ch + 2 == NCH)
            def _():
                start_in(NCH, par, TAIL, True)

    @pl.loop(0, ITERS)
    def _iter(it):
        @pl.loop(0, PIECE // L)
        def _z(i):
            swb0[pl.ds(i * L, L)] = zero16

        zb = s * ZSL
        for t in range(5):
            pltpu.sync_copy(swb0.at[pl.ds(0, PIECE)],
                            delta.at[_ds8(zb + t * PIECE, PIECE)])
        pltpu.sync_copy(swb0.at[pl.ds(0, ZSL - 5 * PIECE)],
                        delta.at[_ds8(zb + 5 * PIECE, ZSL - 5 * PIECE)])
        plsc.subcore_barrier()

        with jax.named_scope("scat_pass"):
            start_in(0, 0, CH, True)
            start_in(1, 1, CH, True)

            @pl.loop(0, NCH, step=2)
            def _pair(ch):
                body(ch, 0, CH, ROWS, "cond", True)
                body(ch + 1, 1, CH, ROWS, "always", True)

            body(NCH, 0, TAIL, TROWS, "always", False)
            drain_scatter(TROWS)

        plsc.subcore_barrier()

        def start_piece(j, par, n):
            pltpu.async_copy(delta.at[_ds8(boff + j * PIECE, n)],
                             swb[par].at[pl.ds(0, n)], sem_in[par])

        def apply_piece(j, par, n, pre_j, pre_n):
            pltpu.make_async_copy(delta.at[_ds8(boff + j * PIECE, n)],
                                  swb[par].at[pl.ds(0, n)],
                                  sem_in[par]).wait()
            jb = j * PIECE

            @pl.loop(0, n // L)
            def _v(i):
                av = a_loc[pl.ds(jb + i * L, L)]
                dv = swb[par][pl.ds(i * L, L)]
                a_loc[pl.ds(jb + i * L, L)] = jnp.clip(av + dv, 0.0, 1.0)

            if pre_n:
                start_piece(pre_j, par, pre_n)

        with jax.named_scope("upd_pass"):
            start_piece(0, 0, PIECE)
            start_piece(1, 1, PIECE)

            @pl.loop(0, NPIECE - 3, step=2)
            def _u(j):
                apply_piece(j, 0, PIECE, j + 2, PIECE)
                apply_piece(j + 1, 1, PIECE, j + 3, PIECE)

            apply_piece(NPIECE - 3, 0, PIECE, NPIECE - 1, PIECE)
            apply_piece(NPIECE - 2, 1, PIECE, NPIECE, PTAIL)
            apply_piece(NPIECE - 1, 0, PIECE, 0, 0)
            apply_piece(NPIECE, 1, PTAIL, 0, 0)
        plsc.subcore_barrier()

    @pl.when(lax.rem(p, 2) == 0)
    def _():
        pltpu.sync_copy(a_loc.at[_ds8(p * (V // 8), 2 * (V // 8))],
                        a_out.at[_ds8(b * V + p * (V // 8), 2 * (V // 8))])

    def sat_body(ch, par, n, pv, prefetch):
        wait_in(ch, par, n, False)

        @pl.loop(0, n // L, init_carry=pv)
        def _vec(i, acc):
            _, litvals = gather_litvals(par, i, n)
            csat = jnp.maximum(jnp.maximum(litvals[0], litvals[1]),
                               litvals[2])
            return acc * csat

        if prefetch:
            @pl.when(ch + 2 < NCH)
            def _():
                start_in(ch + 2, par, CH, False)

            @pl.when(ch + 2 == NCH)
            def _():
                start_in(NCH, par, TAIL, False)
        return _vec

    with jax.named_scope("sat_pass"):
        start_in(0, 0, CH, False)
        start_in(1, 1, CH, False)

        @pl.loop(0, NCH, step=2, init_carry=ones)
        def _sat(ch, pv):
            pv = sat_body(ch, 0, CH, pv, True)
            return sat_body(ch + 1, 1, CH, pv, True)

        pv = sat_body(NCH, 0, TAIL, _sat, False)

    for sh in (8, 4, 2, 1):
        tb[...] = pv
        rolled = plsc.load_gather(tb, [lax.rem(iota16 + sh, L)])
        pv = pv * rolled
    tb[...] = pv
    pltpu.sync_copy(tb, parts.at[s])
    plsc.subcore_barrier()

    @pl.when(p == 0)
    def _():
        pltpu.sync_copy(parts.at[pl.ds(b_in * 8, 8)], pb)
        sv = ones
        for k in range(8):
            sv = sv * pb[k]
        tb[...] = sv
        pltpu.sync_copy(tb, sat_out.at[b])


def kernel(clauses, initial_assignment, variable_weights, clause_weights):
    del clause_weights
    lit_t = clauses.T.reshape(-1)
    a0 = initial_assignment.reshape(-1)
    sw = _phase0(lit_t, variable_weights)
    a_flat, sat = _main(lit_t, sw, a0)
    return a_flat.reshape(B, V), sat[:, 0]

# --- scband reference (transcript-rebuilt; emitter-appended) ---
"""Pipeline reference for scband-differentiable-satsolver-18571438588593 (READ-ONLY COPY).

The authoritative reference and input builder live on the scoring server;
editing this copy changes nothing except your own understanding.
"""

import jax, jax.numpy as jnp
import numpy as np

NUM_VARIABLES = 100000
MAX_ITERATIONS = 4
N_CLAUSES = 1600000
K_LITS = 3
BATCH = 4

# Clause encoding: each literal is an int in [0, 2*NUM_VARIABLES).
#   var_idx = lit // 2  (0-based variable index, == abs(signed_lit)-1 in the torch code)
#   sign    = +1 if lit % 2 == 0 (positive literal) else -1 (negated literal)

def setup_inputs(seed: int = 0) -> dict:
    key = jax.random.key(seed)
    k1, k2, k3, k4 = jax.random.split(key, 4)
    clauses = jax.random.randint(k1, (N_CLAUSES, K_LITS), 0, 2 * NUM_VARIABLES, dtype=jnp.int32)
    initial_assignment = jax.random.uniform(k2, (BATCH, NUM_VARIABLES), dtype=jnp.float32)
    variable_weights = jax.random.normal(k3, (NUM_VARIABLES,), dtype=jnp.float32)
    clause_weights = jax.random.normal(k4, (1,), dtype=jnp.float32)
    return {"clauses": clauses, "initial_assignment": initial_assignment,
            "variable_weights": variable_weights, "clause_weights": clause_weights}


def reference(clauses, initial_assignment, variable_weights, clause_weights):
    var_idx = clauses // 2                              # [C, K] int
    sign = jnp.where(clauses % 2 == 0, 1.0, -1.0).astype(jnp.float32)  # [C, K]
    flat_idx = var_idx.reshape(-1)                      # [C*K]
    w_gather = variable_weights[var_idx]                # [C, K]

    a = initial_assignment
    for _ in range(MAX_ITERATIONS):
        g = a[:, var_idx]                               # gather -> [B, C, K]
        lit_val = jnp.where(sign[None] > 0, g, 1.0 - g)  # [B, C, K]
        viol = 1.0 - jnp.max(lit_val, axis=-1)          # [B, C] clause violation (on old assignment)
        contrib = 0.1 * viol[:, :, None] * sign[None] * w_gather[None]  # [B, C, K]
        # scatter-add all literal updates into the assignment (memory-bound)
        a = a.at[:, flat_idx].add(contrib.reshape(a.shape[0], -1))
        a = jnp.clip(a, 0.0, 1.0)

    # NeuralSATInterface.check_satisfaction: product over clauses of max over literals
    g = a[:, var_idx]
    lit_val = jnp.where(sign[None] > 0, g, 1.0 - g)
    clause_sat = jnp.max(lit_val, axis=-1)              # [B, C]
    satisfaction = jnp.prod(clause_sat, axis=-1)        # [B]
    return a, satisfaction

if __name__ == "__main__":
    import jax
    _d = setup_inputs()
    print(jax.jit(kernel)(*tuple(_d.values())))

</pallas_src>

<mosaic_0001>
#map = affine_map<(d0, d1) -> (0)>
module attributes {stable_mosaic.version = 14 : i64} {
  func.func @_phase0(%arg0: i32, %arg1: i32, %arg2: memref<4800000xi32, #tpu.memory_space<hbm>>, %arg3: memref<100000xf32, #tpu.memory_space<hbm>>, %arg4: memref<4800000xf32, #tpu.memory_space<hbm>>, %arg5: memref<100000xf32, #tpu.memory_space<vmem>>, %arg6: memref<6000xi32, #tpu.memory_space<vmem>>, %arg7: memref<6000xf32, #tpu.memory_space<vmem>>) attributes {dimension_semantics = [#tpu.dimension_semantics<core_parallel>, #tpu.dimension_semantics<subcore_parallel>], iteration_bounds = array<i64: 2, 16>, scalar_prefetch = 0 : i64, scratch_operands = 3 : i64, tpu.core_type = #tpu.core_type<sc_vector_subcore>, window_params = [{transform_indices = #map}, {transform_indices = #map}, {transform_indices = #map}]} {
    %mul3A = arith.constant 2 : i32
    %mul3A_0 = arith.muli %arg1, %mul3A : i32
    %add3A = arith.addi %mul3A_0, %arg0 : i32
    %mul3A_1 = arith.constant 50000 : i32
    %mul3A_2 = arith.muli %add3A, %mul3A_1 : i32
    "tpu.region"() ({
      %run_scoped3A = tpu.sem_alloc : memref<!tpu.dma_semaphore, #tpu.memory_space<semaphore_mem>>
      tpu.enqueue_dma source(%arg3 : memref<100000xf32, #tpu.memory_space<hbm>>) target(%arg5 : memref<100000xf32, #tpu.memory_space<vmem>>) target_semaphore(%run_scoped3A : memref<!tpu.dma_semaphore, #tpu.memory_space<semaphore_mem>>)
      tpu.wait_dma2 semaphore(%run_scoped3A : memref<!tpu.dma_semaphore, #tpu.memory_space<semaphore_mem>>) src(%arg3 : memref<100000xf32, #tpu.memory_space<hbm>>) dst(%arg5 : memref<100000xf32, #tpu.memory_space<vmem>>)
      tpu.yield
    }) : () -> ()
    %scan3A = arith.constant 0 : i32
    %scan3A_3 = arith.constant 25 : i32
    %scan3A_4 = arith.addi %scan3A, %scan3A_3 : i32
    %scan3A_5 = arith.constant 1 : i32
    scf.for %scan3A_7 = %scan3A to %scan3A_4 step %scan3A_5  : i32 {
      %mul3A_8 = arith.constant 1 : i32
      %mul3A_9 = arith.muli %scan3A_7, %mul3A_8 : i32
      %add3A_10 = arith.constant 0 : i32
      %add3A_11 = arith.addi %add3A_10, %mul3A_9 : i32
      %mul3A_12 = arith.constant 2000 : i32
      %mul3A_13 = arith.muli %add3A_11, %mul3A_12 : i32
      %add3A_14 = arith.addi %mul3A_2, %mul3A_13 : i32
      %add3A_15 = arith.constant 0 : i32
      %add3A_16 = arith.addi %add3A_15, %add3A_14 : i32
      %multiple_of3A = tpu.assume_multiple %add3A_16, 8 : i32
      "tpu.region"() ({
        %run_scoped3A = tpu.sem_alloc : memref<!tpu.dma_semaphore, #tpu.memory_space<semaphore_mem>>
        %dma_start3A = arith.constant 0 : i32
        %dma_start3A_37 = tpu.memref_slice %arg6[%dma_start3A] : memref<6000xi32, #tpu.memory_space<vmem>> -> memref<2000xi32, #tpu.memory_space<vmem>>
        %dma_start3A_38 = tpu.memref_slice %arg2[%multiple_of3A] : memref<4800000xi32, #tpu.memory_space<hbm>> -> memref<2000xi32, #tpu.memory_space<hbm>>
        %dma_start3A_39 = arith.constant 0 : i32
        %dma_start3A_40 = tpu.memref_slice %arg6[%dma_start3A_39] : memref<6000xi32, #tpu.memory_space<vmem>> -> memref<2000xi32, #tpu.memory_space<vmem>>
        %dma_start3A_41 = tpu.memref_slice %arg2[%multiple_of3A] : memref<4800000xi32, #tpu.memory_space<hbm>> -> memref<2000xi32, #tpu.memory_space<hbm>>
        tpu.enqueue_dma source(%dma_start3A_41 : memref<2000xi32, #tpu.memory_space<hbm>>) target(%dma_start3A_40 : memref<2000xi32, #tpu.memory_space<vmem>>) target_semaphore(%run_scoped3A : memref<!tpu.dma_semaphore, #tpu.memory_space<semaphore_mem>>)
        %dma_wait3A = arith.constant 0 : i32
        %dma_wait3A_42 = tpu.memref_slice %arg6[%dma_wait3A] : memref<6000xi32, #tpu.memory_space<vmem>> -> memref<2000xi32, #tpu.memory_space<vmem>>
        %dma_wait3A_43 = tpu.memref_slice %arg2[%multiple_of3A] : memref<4800000xi32, #tpu.memory_space<hbm>> -> memref<2000xi32, #tpu.memory_space<hbm>>
        %dma_wait3A_44 = arith.constant 0 : i32
        %dma_wait3A_45 = tpu.memref_slice %arg6[%dma_wait3A_44] : memref<6000xi32, #tpu.memory_space<vmem>> -> memref<2000xi32, #tpu.memory_space<vmem>>
        %dma_wait3A_46 = tpu.memref_slice %arg2[%multiple_of3A] : memref<4800000xi32, #tpu.memory_space<hbm>> -> memref<2000xi32, #tpu.memory_space<hbm>>
        tpu.wait_dma2 semaphore(%run_scoped3A : memref<!tpu.dma_semaphore, #tpu.memory_space<semaphore_mem>>) src(%dma_wait3A_46 : memref<2000xi32, #tpu.memory_space<hbm>>) dst(%dma_wait3A_45 : memref<2000xi32, #tpu.memory_space<vmem>>)
        tpu.yield
      }) : () -> ()
      %add3A_17 = arith.constant 1600000 : i32
      %add3A_18 = arith.addi %add3A_17, %add3A_14 : i32
      %multiple_of3A_19 = tpu.assume_multiple %add3A_18, 8 : i32
      "tpu.region"() ({
        %run_scoped3A = tpu.sem_alloc : memref<!tpu.dma_semaphore, #tpu.memory_space<semaphore_mem>>
        %dma_start3A = arith.constant 2000 : i32
        %dma_start3A_37 = tpu.memref_slice %arg6[%dma_start3A] : memref<6000xi32, #tpu.memory_space<vmem>> -> memref<2000xi32, #tpu.memory_space<vmem>>
        %dma_start3A_38 = tpu.memref_slice %arg2[%multiple_of3A_19] : memref<4800000xi32, #tpu.memory_space<hbm>> -> memref<2000xi32, #tpu.memory_space<hbm>>
        %dma_start3A_39 = arith.constant 2000 : i32
        %dma_start3A_40 = tpu.memref_slice %arg6[%dma_start3A_39] : memref<6000xi32, #tpu.memory_space<vmem>> -> memref<2000xi32, #tpu.memory_space<vmem>>
        %dma_start3A_41 = tpu.memref_slice %arg2[%multiple_of3A_19] : memref<4800000xi32, #tpu.memory_space<hbm>> -> memref<2000xi32, #tpu.memory_space<hbm>>
        tpu.enqueue_dma source(%dma_start3A_41 : memref<2000xi32, #tpu.memory_space<hbm>>) target(%dma_start3A_40 : memref<2000xi32, #tpu.memory_space<vmem>>) target_semaphore(%run_scoped3A : memref<!tpu.dma_semaphore, #tpu.memory_space<semaphore_mem>>)
        %dma_wait3A = arith.constant 2000 : i32
        %dma_wait3A_42 = tpu.memref_slice %arg6[%dma_wait3A] : memref<6000xi32, #tpu.memory_space<vmem>> -> memref<2000xi32, #tpu.memory_space<vmem>>
        %dma_wait3A_43 = tpu.memref_slice %arg2[%multiple_of3A_19] : memref<4800000xi32, #tpu.memory_space<hbm>> -> memref<2000xi32, #tpu.memory_space<hbm>>
        %dma_wait3A_44 = arith.constant 2000 : i32
        %dma_wait3A_45 = tpu.memref_slice %arg6[%dma_wait3A_44] : memref<6000xi32, #tpu.memory_space<vmem>> -> memref<2000xi32, #tpu.memory_space<vmem>>
        %dma_wait3A_46 = tpu.memref_slice %arg2[%multiple_of3A_19] : memref<4800000xi32, #tpu.memory_space<hbm>> -> memref<2000xi32, #tpu.memory_space<hbm>>
        tpu.wait_dma2 semaphore(%run_scoped3A : memref<!tpu.dma_semaphore, #tpu.memory_space<semaphore_mem>>) src(%dma_wait3A_46 : memref<2000xi32, #tpu.memory_space<hbm>>) dst(%dma_wait3A_45 : memref<2000xi32, #tpu.memory_space<vmem>>)
        tpu.yield
      }) : () -> ()
      %add3A_20 = arith.constant 3200000 : i32
      %add3A_21 = arith.addi %add3A_20, %add3A_14 : i32
      %multiple_of3A_22 = tpu.assume_multiple %add3A_21, 8 : i32
      "tpu.region"() ({
        %run_scoped3A = tpu.sem_alloc : memref<!tpu.dma_semaphore, #tpu.memory_space<semaphore_mem>>
        %dma_start3A = arith.constant 4000 : i32
        %dma_start3A_37 = tpu.memref_slice %arg6[%dma_start3A] : memref<6000xi32, #tpu.memory_space<vmem>> -> memref<2000xi32, #tpu.memory_space<vmem>>
        %dma_start3A_38 = tpu.memref_slice %arg2[%multiple_of3A_22] : memref<4800000xi32, #tpu.memory_space<hbm>> -> memref<2000xi32, #tpu.memory_space<hbm>>
        %dma_start3A_39 = arith.constant 4000 : i32
        %dma_start3A_40 = tpu.memref_slice %arg6[%dma_start3A_39] : memref<6000xi32, #tpu.memory_space<vmem>> -> memref<2000xi32, #tpu.memory_space<vmem>>
        %dma_start3A_41 = tpu.memref_slice %arg2[%multiple_of3A_22] : memref<4800000xi32, #tpu.memory_space<hbm>> -> memref<2000xi32, #tpu.memory_space<hbm>>
        tpu.enqueue_dma source(%dma_start3A_41 : memref<2000xi32, #tpu.memory_space<hbm>>) target(%dma_start3A_40 : memref<2000xi32, #tpu.memory_space<vmem>>) target_semaphore(%run_scoped3A : memref<!tpu.dma_semaphore, #tpu.memory_space<semaphore_mem>>)
        %dma_wait3A = arith.constant 4000 : i32
        %dma_wait3A_42 = tpu.memref_slice %arg6[%dma_wait3A] : memref<6000xi32, #tpu.memory_space<vmem>> -> memref<2000xi32, #tpu.memory_space<vmem>>
        %dma_wait3A_43 = tpu.memref_slice %arg2[%multiple_of3A_22] : memref<4800000xi32, #tpu.memory_space<hbm>> -> memref<2000xi32, #tpu.memory_space<hbm>>
        %dma_wait3A_44 = arith.constant 4000 : i32
        %dma_wait3A_45 = tpu.memref_slice %arg6[%dma_wait3A_44] : memref<6000xi32, #tpu.memory_space<vmem>> -> memref<2000xi32, #tpu.memory_space<vmem>>
        %dma_wait3A_46 = tpu.memref_slice %arg2[%multiple_of3A_22] : memref<4800000xi32, #tpu.memory_space<hbm>> -> memref<2000xi32, #tpu.memory_space<hbm>>
        tpu.wait_dma2 semaphore(%run_scoped3A : memref<!tpu.dma_semaphore, #tpu.memory_space<semaphore_mem>>) src(%dma_wait3A_46 : memref<2000xi32, #tpu.memory_space<hbm>>) dst(%dma_wait3A_45 : memref<2000xi32, #tpu.memory_space<vmem>>)
        tpu.yield
      }) : () -> ()
      %scan3A_23 = arith.constant 0 : i32
      %scan3A_24 = arith.constant 125 : i32
      %scan3A_25 = arith.addi %scan3A_23, %scan3A_24 : i32
      %scan3A_26 = arith.constant 1 : i32
      scf.for %scan3A_37 = %scan3A_23 to %scan3A_25 step %scan3A_26  : i32 {
        %mul3A_38 = arith.constant 1 : i32
        %mul3A_39 = arith.muli %scan3A_37, %mul3A_38 : i32
        %add3A_40 = arith.constant 0 : i32
        %add3A_41 = arith.addi %add3A_40, %mul3A_39 : i32
        %mul3A_42 = arith.constant 16 : i32
        %mul3A_43 = arith.muli %add3A_41, %mul3A_42 : i32
        %add3A_44 = arith.constant 0 : i32
        %add3A_45 = arith.addi %add3A_44, %mul3A_43 : i32
        %get3A = arith.index_cast %add3A_45 : i32 to index
        %get3A_46 = tpu.vector_load %arg6[%get3A] {strides = array<i32>} : memref<6000xi32, #tpu.memory_space<vmem>>, vector<16xi32>,
        %shift_right_logical3A = arith.constant 1 : i32
        %shift_right_logical3A_47 = vector.broadcast %shift_right_logical3A : i32 to vector<16xi32>
        %shift_right_logical3A_48 = arith.shrui %get3A_46, %shift_right_logical3A_47 : vector<16xi32>
        %gather3A = tpu.vector_load_idx %arg5[%shift_right_logical3A_48] : memref<100000xf32, #tpu.memory_space<vmem>>[vector<16xi32>], vector<16xf32>,
        %rem3A = arith.constant 2 : i32
        %rem3A_49 = vector.broadcast %rem3A : i32 to vector<16xi32>
        %rem3A_50 = arith.remsi %get3A_46, %rem3A_49 : vector<16xi32>
        %eq3A = arith.constant 0 : i32
        %eq3A_51 = vector.broadcast %eq3A : i32 to vector<16xi32>
        %eq3A_52 = arith.cmpi eq, %rem3A_50, %eq3A_51 : vector<16xi32>
        %jit3A = arith.constant 1.000000e-01 : f32
        %jit3A_53 = arith.constant -1.000000e-01 : f32
        %broadcast_in_dim3A = vector.broadcast %jit3A : f32 to vector<16xf32>
        %broadcast_in_dim3A_54 = vector.broadcast %jit3A_53 : f32 to vector<16xf32>
        %select_n3A = arith.select %eq3A_52, %broadcast_in_dim3A, %broadcast_in_dim3A_54 : vector<16xi1>, vector<16xf32>
        %mul3A_55 = arith.mulf %select_n3A, %gather3A : vector<16xf32>
        %mul3A_56 = arith.constant 16 : i32
        %mul3A_57 = arith.muli %add3A_41, %mul3A_56 : i32
        %add3A_58 = arith.constant 0 : i32
        %add3A_59 = arith.addi %add3A_58, %mul3A_57 : i32
        %swap3A = arith.index_cast %add3A_59 : i32 to index
        %swap3A_60 = tpu.vector_load %arg7[%swap3A] {strides = array<i32>} : memref<6000xf32, #tpu.memory_space<vmem>>, vector<16xf32>,
        tpu.vector_store %arg7[%swap3A], %mul3A_55 {strides = array<i32>} : memref<6000xf32, #tpu.memory_space<vmem>>, vector<16xf32>,
        %mul3A_61 = arith.constant 16 : i32
        %mul3A_62 = arith.muli %add3A_41, %mul3A_61 : i32
        %add3A_63 = arith.constant 2000 : i32
        %add3A_64 = arith.addi %add3A_63, %mul3A_62 : i32
        %get3A_65 = arith.index_cast %add3A_64 : i32 to index
        %get3A_66 = tpu.vector_load %arg6[%get3A_65] {strides = array<i32>} : memref<6000xi32, #tpu.memory_space<vmem>>, vector<16xi32>,
        %shift_right_logical3A_67 = arith.constant 1 : i32
        %shift_right_logical3A_68 = vector.broadcast %shift_right_logical3A_67 : i32 to vector<16xi32>
        %shift_right_logical3A_69 = arith.shrui %get3A_66, %shift_right_logical3A_68 : vector<16xi32>
        %gather3A_70 = tpu.vector_load_idx %arg5[%shift_right_logical3A_69] : memref<100000xf32, #tpu.memory_space<vmem>>[vector<16xi32>], vector<16xf32>,
        %rem3A_71 = arith.constant 2 : i32
        %rem3A_72 = vector.broadcast %rem3A_71 : i32 to vector<16xi32>
        %rem3A_73 = arith.remsi %get3A_66, %rem3A_72 : vector<16xi32>
        %eq3A_74 = arith.constant 0 : i32
        %eq3A_75 = vector.broadcast %eq3A_74 : i32 to vector<16xi32>
        %eq3A_76 = arith.cmpi eq, %rem3A_73, %eq3A_75 : vector<16xi32>
        %jit3A_77 = arith.constant 1.000000e-01 : f32
        %jit3A_78 = arith.constant -1.000000e-01 : f32
        %broadcast_in_dim3A_79 = vector.broadcast %jit3A_77 : f32 to vector<16xf32>
        %broadcast_in_dim3A_80 = vector.broadcast %jit3A_78 : f32 to vector<16xf32>
        %select_n3A_81 = arith.select %eq3A_76, %broadcast_in_dim3A_79, %broadcast_in_dim3A_80 : vector<16xi1>, vector<16xf32>
        %mul3A_82 = arith.mulf %select_n3A_81, %gather3A_70 : vector<16xf32>
        %mul3A_83 = arith.constant 16 : i32
        %mul3A_84 = arith.muli %add3A_41, %mul3A_83 : i32
        %add3A_85 = arith.constant 2000 : i32
        %add3A_86 = arith.addi %add3A_85, %mul3A_84 : i32
        %swap3A_87 = arith.index_cast %add3A_86 : i32 to index
        %swap3A_88 = tpu.vector_load %arg7[%swap3A_87] {strides = array<i32>} : memref<6000xf32, #tpu.memory_space<vmem>>, vector<16xf32>,
        tpu.vector_store %arg7[%swap3A_87], %mul3A_82 {strides = array<i32>} : memref<6000xf32, #tpu.memory_space<vmem>>, vector<16xf32>,
        %mul3A_89 = arith.constant 16 : i32
        %mul3A_90 = arith.muli %add3A_41, %mul3A_89 : i32
        %add3A_91 = arith.constant 4000 : i32
        %add3A_92 = arith.addi %add3A_91, %mul3A_90 : i32
        %get3A_93 = arith.index_cast %add3A_92 : i32 to index
        %get3A_94 = tpu.vector_load %arg6[%get3A_93] {strides = array<i32>} : memref<6000xi32, #tpu.memory_space<vmem>>, vector<16xi32>,
        %shift_right_logical3A_95 = arith.constant 1 : i32
        %shift_right_logical3A_96 = vector.broadcast %shift_right_logical3A_95 : i32 to vector<16xi32>
        %shift_right_logical3A_97 = arith.shrui %get3A_94, %shift_right_logical3A_96 : vector<16xi32>
        %gather3A_98 = tpu.vector_load_idx %arg5[%shift_right_logical3A_97] : memref<100000xf32, #tpu.memory_space<vmem>>[vector<16xi32>], vector<16xf32>,
        %rem3A_99 = arith.constant 2 : i32
        %rem3A_100 = vector.broadcast %rem3A_99 : i32 to vector<16xi32>
        %rem3A_101 = arith.remsi %get3A_94, %rem3A_100 : vector<16xi32>
        %eq3A_102 = arith.constant 0 : i32
        %eq3A_103 = vector.broadcast %eq3A_102 : i32 to vector<16xi32>
        %eq3A_104 = arith.cmpi eq, %rem3A_101, %eq3A_103 : vector<16xi32>
        %jit3A_105 = arith.constant 1.000000e-01 : f32
        %jit3A_106 = arith.constant -1.000000e-01 : f32
        %broadcast_in_dim3A_107 = vector.broadcast %jit3A_105 : f32 to vector<16xf32>
        %broadcast_in_dim3A_108 = vector.broadcast %jit3A_106 : f32 to vector<16xf32>
        %select_n3A_109 = arith.select %eq3A_104, %broadcast_in_dim3A_107, %broadcast_in_dim3A_108 : vector<16xi1>, vector<16xf32>
        %mul3A_110 = arith.mulf %select_n3A_109, %gather3A_98 : vector<16xf32>
        %mul3A_111 = arith.constant 16 : i32
        %mul3A_112 = arith.muli %add3A_41, %mul3A_111 : i32
        %add3A_113 = arith.constant 4000 : i32
        %add3A_114 = arith.addi %add3A_113, %mul3A_112 : i32
        %swap3A_115 = arith.index_cast %add3A_114 : i32 to index
        %swap3A_116 = tpu.vector_load %arg7[%swap3A_115] {strides = array<i32>} : memref<6000xf32, #tpu.memory_space<vmem>>, vector<16xf32>,
        tpu.vector_store %arg7[%swap3A_115], %mul3A_110 {strides = array<i32>} : memref<6000xf32, #tpu.memory_space<vmem>>, vector<16xf32>,
      }
      %scan3A_27 = arith.constant 125 : i32
      %add3A_28 = arith.constant 0 : i32
      %add3A_29 = arith.addi %add3A_28, %add3A_14 : i32
      %multiple_of3A_30 = tpu.assume_multiple %add3A_29, 8 : i32
      "tpu.region"() ({
        %run_scoped3A = tpu.sem_alloc : memref<!tpu.dma_semaphore, #tpu.memory_space<semaphore_mem>>
        %dma_start3A = arith.constant 0 : i32
        %dma_start3A_37 = tpu.memref_slice %arg7[%dma_start3A] : memref<6000xf32, #tpu.memory_space<vmem>> -> memref<2000xf32, #tpu.memory_space<vmem>>
        %dma_start3A_38 = tpu.memref_slice %arg4[%multiple_of3A_30] : memref<4800000xf32, #tpu.memory_space<hbm>> -> memref<2000xf32, #tpu.memory_space<hbm>>
        %dma_start3A_39 = tpu.memref_slice %arg4[%multiple_of3A_30] : memref<4800000xf32, #tpu.memory_space<hbm>> -> memref<2000xf32, #tpu.memory_space<hbm>>
        %dma_start3A_40 = arith.constant 0 : i32
        %dma_start3A_41 = tpu.memref_slice %arg7[%dma_start3A_40] : memref<6000xf32, #tpu.memory_space<vmem>> -> memref<2000xf32, #tpu.memory_space<vmem>>
        tpu.enqueue_dma source(%dma_start3A_41 : memref<2000xf32, #tpu.memory_space<vmem>>) target(%dma_start3A_39 : memref<2000xf32, #tpu.memory_space<hbm>>) target_semaphore(%run_scoped3A : memref<!tpu.dma_semaphore, #tpu.memory_space<semaphore_mem>>)
        %dma_wait3A = arith.constant 0 : i32
        %dma_wait3A_42 = tpu.memref_slice %arg7[%dma_wait3A] : memref<6000xf32, #tpu.memory_space<vmem>> -> memref<2000xf32, #tpu.memory_space<vmem>>
        %dma_wait3A_43 = tpu.memref_slice %arg4[%multiple_of3A_30] : memref<4800000xf32, #tpu.memory_space<hbm>> -> memref<2000xf32, #tpu.memory_space<hbm>>
        %dma_wait3A_44 = tpu.memref_slice %arg4[%multiple_of3A_30] : memref<4800000xf32, #tpu.memory_space<hbm>> -> memref<2000xf32, #tpu.memory_space<hbm>>
        %dma_wait3A_45 = arith.constant 0 : i32
        %dma_wait3A_46 = tpu.memref_slice %arg7[%dma_wait3A_45] : memref<6000xf32, #tpu.memory_space<vmem>> -> memref<2000xf32, #tpu.memory_space<vmem>>
        tpu.wait_dma2 semaphore(%run_scoped3A : memref<!tpu.dma_semaphore, #tpu.memory_space<semaphore_mem>>) src(%dma_wait3A_46 : memref<2000xf32, #tpu.memory_space<vmem>>) dst(%dma_wait3A_44 : memref<2000xf32, #tpu.memory_space<hbm>>)
        tpu.yield
      }) : () -> ()
      %add3A_31 = arith.constant 1600000 : i32
      %add3A_32 = arith.addi %add3A_31, %add3A_14 : i32
      %multiple_of3A_33 = tpu.assume_multiple %add3A_32, 8 : i32
      "tpu.region"() ({
        %run_scoped3A = tpu.sem_alloc : memref<!tpu.dma_semaphore, #tpu.memory_space<semaphore_mem>>
        %dma_start3A = arith.constant 2000 : i32
        %dma_start3A_37 = tpu.memref_slice %arg7[%dma_start3A] : memref<6000xf32, #tpu.memory_space<vmem>> -> memref<2000xf32, #tpu.memory_space<vmem>>
        %dma_start3A_38 = tpu.memref_slice %arg4[%multiple_of3A_33] : memref<4800000xf32, #tpu.memory_space<hbm>> -> memref<2000xf32, #tpu.memory_space<hbm>>
        %dma_start3A_39 = tpu.memref_slice %arg4[%multiple_of3A_33] : memref<4800000xf32, #tpu.memory_space<hbm>> -> memref<2000xf32, #tpu.memory_space<hbm>>
        %dma_start3A_40 = arith.constant 2000 : i32
        %dma_start3A_41 = tpu.memref_slice %arg7[%dma_start3A_40] : memref<6000xf32, #tpu.memory_space<vmem>> -> memref<2000xf32, #tpu.memory_space<vmem>>
        tpu.enqueue_dma source(%dma_start3A_41 : memref<2000xf32, #tpu.memory_space<vmem>>) target(%dma_start3A_39 : memref<2000xf32, #tpu.memory_space<hbm>>) target_semaphore(%run_scoped3A : memref<!tpu.dma_semaphore, #tpu.memory_space<semaphore_mem>>)
        %dma_wait3A = arith.constant 2000 : i32
        %dma_wait3A_42 = tpu.memref_slice %arg7[%dma_wait3A] : memref<6000xf32, #tpu.memory_space<vmem>> -> memref<2000xf32, #tpu.memory_space<vmem>>
        %dma_wait3A_43 = tpu.memref_slice %arg4[%multiple_of3A_33] : memref<4800000xf32, #tpu.memory_space<hbm>> -> memref<2000xf32, #tpu.memory_space<hbm>>
        %dma_wait3A_44 = tpu.memref_slice %arg4[%multiple_of3A_33] : memref<4800000xf32, #tpu.memory_space<hbm>> -> memref<2000xf32, #tpu.memory_space<hbm>>
        %dma_wait3A_45 = arith.constant 2000 : i32
        %dma_wait3A_46 = tpu.memref_slice %arg7[%dma_wait3A_45] : memref<6000xf32, #tpu.memory_space<vmem>> -> memref<2000xf32, #tpu.memory_space<vmem>>
        tpu.wait_dma2 semaphore(%run_scoped3A : memref<!tpu.dma_semaphore, #tpu.memory_space<semaphore_mem>>) src(%dma_wait3A_46 : memref<2000xf32, #tpu.memory_space<vmem>>) dst(%dma_wait3A_44 : memref<2000xf32, #tpu.memory_space<hbm>>)
        tpu.yield
      }) : () -> ()
      %add3A_34 = arith.constant 3200000 : i32
      %add3A_35 = arith.addi %add3A_34, %add3A_14 : i32
      %multiple_of3A_36 = tpu.assume_multiple %add3A_35, 8 : i32
      "tpu.region"() ({
        %run_scoped3A = tpu.sem_alloc : memref<!tpu.dma_semaphore, #tpu.memory_space<semaphore_mem>>
        %dma_start3A = arith.constant 4000 : i32
        %dma_start3A_37 = tpu.memref_slice %arg7[%dma_start3A] : memref<6000xf32, #tpu.memory_space<vmem>> -> memref<2000xf32, #tpu.memory_space<vmem>>
        %dma_start3A_38 = tpu.memref_slice %arg4[%multiple_of3A_36] : memref<4800000xf32, #tpu.memory_space<hbm>> -> memref<2000xf32, #tpu.memory_space<hbm>>
        %dma_start3A_39 = tpu.memref_slice %arg4[%multiple_of3A_36] : memref<4800000xf32, #tpu.memory_space<hbm>> -> memref<2000xf32, #tpu.memory_space<hbm>>
        %dma_start3A_40 = arith.constant 4000 : i32
        %dma_start3A_41 = tpu.memref_slice %arg7[%dma_start3A_40] : memref<6000xf32, #tpu.memory_space<vmem>> -> memref<2000xf32, #tpu.memory_space<vmem>>
        tpu.enqueue_dma source(%dma_start3A_41 : memref<2000xf32, #tpu.memory_space<vmem>>) target(%dma_start3A_39 : memref<2000xf32, #tpu.memory_space<hbm>>) target_semaphore(%run_scoped3A : memref<!tpu.dma_semaphore, #tpu.memory_space<semaphore_mem>>)
        %dma_wait3A = arith.constant 4000 : i32
        %dma_wait3A_42 = tpu.memref_slice %arg7[%dma_wait3A] : memref<6000xf32, #tpu.memory_space<vmem>> -> memref<2000xf32, #tpu.memory_space<vmem>>
        %dma_wait3A_43 = tpu.memref_slice %arg4[%multiple_of3A_36] : memref<4800000xf32, #tpu.memory_space<hbm>> -> memref<2000xf32, #tpu.memory_space<hbm>>
        %dma_wait3A_44 = tpu.memref_slice %arg4[%multiple_of3A_36] : memref<4800000xf32, #tpu.memory_space<hbm>> -> memref<2000xf32, #tpu.memory_space<hbm>>
        %dma_wait3A_45 = arith.constant 4000 : i32
        %dma_wait3A_46 = tpu.memref_slice %arg7[%dma_wait3A_45] : memref<6000xf32, #tpu.memory_space<vmem>> -> memref<2000xf32, #tpu.memory_space<vmem>>
        tpu.wait_dma2 semaphore(%run_scoped3A : memref<!tpu.dma_semaphore, #tpu.memory_space<semaphore_mem>>) src(%dma_wait3A_46 : memref<2000xf32, #tpu.memory_space<vmem>>) dst(%dma_wait3A_44 : memref<2000xf32, #tpu.memory_space<hbm>>)
        tpu.yield
      }) : () -> ()
    }
    %scan3A_6 = arith.constant 25 : i32
    return
  }
}

#map = affine_map<(d0, d1) -> (0)>
#map1 = affine_map<(d0, d1) -> (0, 0)>
module attributes {stable_mosaic.version = 14 : i64} {
  func.func @_main(%arg0: i32, %arg1: i32, %arg2: memref<4800000xi32, #tpu.memory_space<hbm>>, %arg3: memref<4800000xf32, #tpu.memory_space<hbm>>, %arg4: memref<400000xf32, #tpu.memory_space<hbm>>, %arg5: memref<400000xf32, #tpu.memory_space<hbm>>, %arg6: memref<4x16xf32, #tpu.memory_space<hbm>>, %arg7: memref<100000xf32, #tpu.memory_space<vmem>>, %arg8: memref<2304xi32, #tpu.memory_space<vmem>>, %arg9: memref<2304xi32, #tpu.memory_space<vmem>>, %arg10: memref<2304xf32, #tpu.memory_space<vmem>>, %arg11: memref<2304xf32, #tpu.memory_space<vmem>>, %arg12: memref<18x128xi32, #tpu.memory_space<vmem>>, %arg13: memref<18x128xf32, #tpu.memory_space<vmem>>, %arg14: memref<16xf32, #tpu.memory_space<vmem>>, %arg15: memref<8x16xf32, #tpu.memory_space<vmem>>, %arg16: memref<200192xf32, #tpu.memory_space<vmem_shared>>, %arg17: memref<16x16xf32, #tpu.memory_space<vmem_shared>>, %arg18: memref<!tpu.dma_semaphore, #tpu.memory_space<semaphore_mem>>, %arg19: memref<!tpu.dma_semaphore, #tpu.memory_space<semaphore_mem>>, %arg20: memref<!tpu.dma_semaphore, #tpu.memory_space<semaphore_mem>>) attributes {dimension_semantics = [#tpu.dimension_semantics<core_parallel>, #tpu.dimension_semantics<subcore_parallel>], iteration_bounds = array<i64: 2, 16>, scalar_prefetch = 0 : i64, scratch_operands = 14 : i64, tpu.core_type = #tpu.core_type<sc_vector_subcore>, window_params = [{transform_indices = #map}, {transform_indices = #map}, {transform_indices = #map}, {transform_indices = #map}, {transform_indices = #map1}]} {
    %jit3A = arith.constant 8 : i32
    %div3A = arith.divsi %arg1, %jit3A : i32
    %sign3A = arith.constant 0 : i32
    %sign3A_0 = arith.cmpi sgt, %arg1, %sign3A : i32
    %sign3A_1 = arith.extui %sign3A_0 : i1 to i32
    %sign3A_2 = arith.constant 0 : i32
    %sign3A_3 = arith.cmpi slt, %arg1, %sign3A_2 : i32
    %sign3A_4 = arith.extui %sign3A_3 : i1 to i32
    %sign3A_5 = arith.subi %sign3A_1, %sign3A_4 : i32
    %sign3A_6 = arith.constant 0 : i32
    %sign3A_7 = arith.cmpi sgt, %jit3A, %sign3A_6 : i32
    %sign3A_8 = arith.extui %sign3A_7 : i1 to i32
    %sign3A_9 = arith.constant 0 : i32
    %sign3A_10 = arith.cmpi slt, %jit3A, %sign3A_9 : i32
    %sign3A_11 = arith.extui %sign3A_10 : i1 to i32
    %sign3A_12 = arith.subi %sign3A_8, %sign3A_11 : i32
    %ne3A = arith.cmpi ne, %sign3A_5, %sign3A_12 : i32
    %rem3A = arith.remsi %arg1, %jit3A : i32
    %ne3A_13 = arith.constant 0 : i32
    %ne3A_14 = arith.cmpi ne, %rem3A, %ne3A_13 : i32
    %and3A = arith.andi %ne3A, %ne3A_14 : i1
    %sub3A = arith.constant 1 : i32
    %sub3A_15 = arith.subi %div3A, %sub3A : i32
    %select_n3A = arith.select %and3A, %sub3A_15, %div3A : i32
    %rem3A_16 = arith.constant 8 : i32
    %rem3A_17 = arith.remsi %arg1, %rem3A_16 : i32
    %mul3A = arith.constant 2 : i32
    %mul3A_18 = arith.muli %mul3A, %arg0 : i32
    %add3A = arith.addi %mul3A_18, %select_n3A : i32
    %mul3A_19 = arith.constant 100000 : i32
    %mul3A_20 = arith.muli %select_n3A, %mul3A_19 : i32
    %mul3A_21 = arith.constant 200000 : i32
    %mul3A_22 = arith.muli %rem3A_17, %mul3A_21 : i32
    %mul3A_23 = arith.constant 100000 : i32
    %mul3A_24 = arith.muli %add3A, %mul3A_23 : i32
    %multiple_of3A = tpu.assume_multiple %mul3A_24, 8 : i32
    "tpu.region"() ({
      %run_scoped3A = tpu.sem_alloc : memref<!tpu.dma_semaphore, #tpu.memory_space<semaphore_mem>>
      %dma_start3A_178 = tpu.memref_slice %arg4[%multiple_of3A] : memref<400000xf32, #tpu.memory_space<hbm>> -> memref<100000xf32, #tpu.memory_space<hbm>>
      %dma_start3A_179 = tpu.memref_slice %arg4[%multiple_of3A] : memref<400000xf32, #tpu.memory_space<hbm>> -> memref<100000xf32, #tpu.memory_space<hbm>>
      tpu.enqueue_dma source(%dma_start3A_179 : memref<100000xf32, #tpu.memory_space<hbm>>) target(%arg7 : memref<100000xf32, #tpu.memory_space<vmem>>) target_semaphore(%run_scoped3A : memref<!tpu.dma_semaphore, #tpu.memory_space<semaphore_mem>>)
      %dma_wait3A_180 = tpu.memref_slice %arg4[%multiple_of3A] : memref<400000xf32, #tpu.memory_space<hbm>> -> memref<100000xf32, #tpu.memory_space<hbm>>
      %dma_wait3A_181 = tpu.memref_slice %arg4[%multiple_of3A] : memref<400000xf32, #tpu.memory_space<hbm>> -> memref<100000xf32, #tpu.memory_space<hbm>>
      tpu.wait_dma2 semaphore(%run_scoped3A : memref<!tpu.dma_semaphore, #tpu.memory_space<semaphore_mem>>) src(%dma_wait3A_181 : memref<100000xf32, #tpu.memory_space<hbm>>) dst(%arg7 : memref<100000xf32, #tpu.memory_space<vmem>>)
      tpu.yield
    }) : () -> ()
    %broadcast_in_dim3A = arith.constant 0.000000e+00 : f32
    %broadcast_in_dim3A_25 = vector.broadcast %broadcast_in_dim3A : f32 to vector<16xf32>
    %broadcast_in_dim3A_26 = arith.constant 1.000000e+00 : f32
    %broadcast_in_dim3A_27 = vector.broadcast %broadcast_in_dim3A_26 : f32 to vector<16xf32>
    %iota3A = tpu.iota {dimensions = array<i32: 0>} : vector<16xi32>
    %scan3A = arith.constant 0 : i32
    %scan3A_28 = arith.constant 4 : i32
    %scan3A_29 = arith.addi %scan3A, %scan3A_28 : i32
    %scan3A_30 = arith.constant 1 : i32
    scf.for %scan3A_178 = %scan3A to %scan3A_29 step %scan3A_30  : i32 {
      %mul3A_179 = arith.constant 1 : i32
      %mul3A_180 = arith.muli %scan3A_178, %mul3A_179 : i32
      %add3A_181 = arith.constant 0 : i32
      %add3A_182 = arith.addi %add3A_181, %mul3A_180 : i32
      %scan3A_183 = arith.constant 0 : i32
      %scan3A_184 = arith.constant 144 : i32
      %scan3A_185 = arith.addi %scan3A_183, %scan3A_184 : i32
      %scan3A_186 = arith.constant 1 : i32
      scf.for %scan3A_870 = %scan3A_183 to %scan3A_185 step %scan3A_186  : i32 {
        %mul3A_871 = arith.constant 1 : i32
        %mul3A_872 = arith.muli %scan3A_870, %mul3A_871 : i32
        %add3A_873 = arith.constant 0 : i32
        %add3A_874 = arith.addi %add3A_873, %mul3A_872 : i32
        %mul3A_875 = arith.constant 16 : i32
        %mul3A_876 = arith.muli %add3A_874, %mul3A_875 : i32
        %swap3A_877 = arith.index_cast %mul3A_876 : i32 to index
        %swap3A_878 = tpu.vector_load %arg10[%swap3A_877] {strides = array<i32>} : memref<2304xf32, #tpu.memory_space<vmem>>, vector<16xf32>,
        tpu.vector_store %arg10[%swap3A_877], %broadcast_in_dim3A_25 {strides = array<i32>} : memref<2304xf32, #tpu.memory_space<vmem>>, vector<16xf32>,
      }
      %scan3A_187 = arith.constant 144 : i32
      %mul3A_188 = arith.constant 12512 : i32
      %mul3A_189 = arith.muli %arg1, %mul3A_188 : i32
      %add3A_190 = arith.constant 0 : i32
      %add3A_191 = arith.addi %mul3A_189, %add3A_190 : i32
      %multiple_of3A_192 = tpu.assume_multiple %add3A_191, 8 : i32
      "tpu.region"() ({
        %run_scoped3A = tpu.sem_alloc : memref<!tpu.dma_semaphore, #tpu.memory_space<semaphore_mem>>
        %dma_start3A_870 = arith.constant 0 : i32
        %dma_start3A_871 = tpu.memref_slice %arg10[%dma_start3A_870] : memref<2304xf32, #tpu.memory_space<vmem>> -> memref<2304xf32, #tpu.memory_space<vmem>>
        %dma_start3A_872 = tpu.memref_slice %arg16[%multiple_of3A_192] : memref<200192xf32, #tpu.memory_space<vmem_shared>> -> memref<2304xf32, #tpu.memory_space<vmem_shared>>
        %dma_start3A_873 = tpu.memref_slice %arg16[%multiple_of3A_192] : memref<200192xf32, #tpu.memory_space<vmem_shared>> -> memref<2304xf32, #tpu.memory_space<vmem_shared>>
        %dma_start3A_874 = arith.constant 0 : i32
        %dma_start3A_875 = tpu.memref_slice %arg10[%dma_start3A_874] : memref<2304xf32, #tpu.memory_space<vmem>> -> memref<2304xf32, #tpu.memory_space<vmem>>
        tpu.enqueue_dma source(%dma_start3A_875 : memref<2304xf32, #tpu.memory_space<vmem>>) target(%dma_start3A_873 : memref<2304xf32, #tpu.memory_space<vmem_shared>>) target_semaphore(%run_scoped3A : memref<!tpu.dma_semaphore, #tpu.memory_space<semaphore_mem>>)
        %dma_wait3A_876 = arith.constant 0 : i32
        %dma_wait3A_877 = tpu.memref_slice %arg10[%dma_wait3A_876] : memref<2304xf32, #tpu.memory_space<vmem>> -> memref<2304xf32, #tpu.memory_space<vmem>>
        %dma_wait3A_878 = tpu.memref_slice %arg16[%multiple_of3A_192] : memref<200192xf32, #tpu.memory_space<vmem_shared>> -> memref<2304xf32, #tpu.memory_space<vmem_shared>>
        %dma_wait3A_879 = tpu.memref_slice %arg16[%multiple_of3A_192] : memref<200192xf32, #tpu.memory_space<vmem_shared>> -> memref<2304xf32, #tpu.memory_space<vmem_shared>>
        %dma_wait3A_880 = arith.constant 0 : i32
        %dma_wait3A_881 = tpu.memref_slice %arg10[%dma_wait3A_880] : memref<2304xf32, #tpu.memory_space<vmem>> -> memref<2304xf32, #tpu.memory_space<vmem>>
        tpu.wait_dma2 semaphore(%run_scoped3A : memref<!tpu.dma_semaphore, #tpu.memory_space<semaphore_mem>>) src(%dma_wait3A_881 : memref<2304xf32, #tpu.memory_space<vmem>>) dst(%dma_wait3A_879 : memref<2304xf32, #tpu.memory_space<vmem_shared>>)
        tpu.yield
      }) : () -> ()
      %add3A_193 = arith.constant 2304 : i32
      %add3A_194 = arith.addi %mul3A_189, %add3A_193 : i32
      %multiple_of3A_195 = tpu.assume_multiple %add3A_194, 8 : i32
      "tpu.region"() ({
        %run_scoped3A = tpu.sem_alloc : memref<!tpu.dma_semaphore, #tpu.memory_space<semaphore_mem>>
        %dma_start3A_870 = arith.constant 0 : i32
        %dma_start3A_871 = tpu.memref_slice %arg10[%dma_start3A_870] : memref<2304xf32, #tpu.memory_space<vmem>> -> memref<2304xf32, #tpu.memory_space<vmem>>
        %dma_start3A_872 = tpu.memref_slice %arg16[%multiple_of3A_195] : memref<200192xf32, #tpu.memory_space<vmem_shared>> -> memref<2304xf32, #tpu.memory_space<vmem_shared>>
        %dma_start3A_873 = tpu.memref_slice %arg16[%multiple_of3A_195] : memref<200192xf32, #tpu.memory_space<vmem_shared>> -> memref<2304xf32, #tpu.memory_space<vmem_shared>>
        %dma_start3A_874 = arith.constant 0 : i32
        %dma_start3A_875 = tpu.memref_slice %arg10[%dma_start3A_874] : memref<2304xf32, #tpu.memory_space<vmem>> -> memref<2304xf32, #tpu.memory_space<vmem>>
        tpu.enqueue_dma source(%dma_start3A_875 : memref<2304xf32, #tpu.memory_space<vmem>>) target(%dma_start3A_873 : memref<2304xf32, #tpu.memory_space<vmem_shared>>) target_semaphore(%run_scoped3A : memref<!tpu.dma_semaphore, #tpu.memory_space<semaphore_mem>>)
        %dma_wait3A_876 = arith.constant 0 : i32
        %dma_wait3A_877 = tpu.memref_slice %arg10[%dma_wait3A_876] : memref<2304xf32, #tpu.memory_space<vmem>> -> memref<2304xf32, #tpu.memory_space<vmem>>
        %dma_wait3A_878 = tpu.memref_slice %arg16[%multiple_of3A_195] : memref<200192xf32, #tpu.memory_space<vmem_shared>> -> memref<2304xf32, #tpu.memory_space<vmem_shared>>
        %dma_wait3A_879 = tpu.memref_slice %arg16[%multiple_of3A_195] : memref<200192xf32, #tpu.memory_space<vmem_shared>> -> memref<2304xf32, #tpu.memory_space<vmem_shared>>
        %dma_wait3A_880 = arith.constant 0 : i32
        %dma_wait3A_881 = tpu.memref_slice %arg10[%dma_wait3A_880] : memref<2304xf32, #tpu.memory_space<vmem>> -> memref<2304xf32, #tpu.memory_space<vmem>>
        tpu.wait_dma2 semaphore(%run_scoped3A : memref<!tpu.dma_semaphore, #tpu.memory_space<semaphore_mem>>) src(%dma_wait3A_881 : memref<2304xf32, #tpu.memory_space<vmem>>) dst(%dma_wait3A_879 : memref<2304xf32, #tpu.memory_space<vmem_shared>>)
        tpu.yield
      }) : () -> ()
      %add3A_196 = arith.constant 4608 : i32
      %add3A_197 = arith.addi %mul3A_189, %add3A_196 : i32
      %multiple_of3A_198 = tpu.assume_multiple %add3A_197, 8 : i32
      "tpu.region"() ({
        %run_scoped3A = tpu.sem_alloc : memref<!tpu.dma_semaphore, #tpu.memory_space<semaphore_mem>>
        %dma_start3A_870 = arith.constant 0 : i32
        %dma_start3A_871 = tpu.memref_slice %arg10[%dma_start3A_870] : memref<2304xf32, #tpu.memory_space<vmem>> -> memref<2304xf32, #tpu.memory_space<vmem>>
        %dma_start3A_872 = tpu.memref_slice %arg16[%multiple_of3A_198] : memref<200192xf32, #tpu.memory_space<vmem_shared>> -> memref<2304xf32, #tpu.memory_space<vmem_shared>>
        %dma_start3A_873 = tpu.memref_slice %arg16[%multiple_of3A_198] : memref<200192xf32, #tpu.memory_space<vmem_shared>> -> memref<2304xf32, #tpu.memory_space<vmem_shared>>
        %dma_start3A_874 = arith.constant 0 : i32
        %dma_start3A_875 = tpu.memref_slice %arg10[%dma_start3A_874] : memref<2304xf32, #tpu.memory_space<vmem>> -> memref<2304xf32, #tpu.memory_space<vmem>>
        tpu.enqueue_dma source(%dma_start3A_875 : memref<2304xf32, #tpu.memory_space<vmem>>) target(%dma_start3A_873 : memref<2304xf32, #tpu.memory_space<vmem_shared>>) target_semaphore(%run_scoped3A : memref<!tpu.dma_semaphore, #tpu.memory_space<semaphore_mem>>)
        %dma_wait3A_876 = arith.constant 0 : i32
        %dma_wait3A_877 = tpu.memref_slice %arg10[%dma_wait3A_876] : memref<2304xf32, #tpu.memory_space<vmem>> -> memref<2304xf32, #tpu.memory_space<vmem>>
        %dma_wait3A_878 = tpu.memref_slice %arg16[%multiple_of3A_198] : memref<200192xf32, #tpu.memory_space<vmem_shared>> -> memref<2304xf32, #tpu.memory_space<vmem_shared>>
        %dma_wait3A_879 = tpu.memref_slice %arg16[%multiple_of3A_198] : memref<200192xf32, #tpu.memory_space<vmem_shared>> -> memref<2304xf32, #tpu.memory_space<vmem_shared>>
        %dma_wait3A_880 = arith.constant 0 : i32
        %dma_wait3A_881 = tpu.memref_slice %arg10[%dma_wait3A_880] : memref<2304xf32, #tpu.memory_space<vmem>> -> memref<2304xf32, #tpu.memory_space<vmem>>
        tpu.wait_dma2 semaphore(%run_scoped3A : memref<!tpu.dma_semaphore, #tpu.memory_space<semaphore_mem>>) src(%dma_wait3A_881 : memref<2304xf32, #tpu.memory_space<vmem>>) dst(%dma_wait3A_879 : memref<2304xf32, #tpu.memory_space<vmem_shared>>)
        tpu.yield
      }) : () -> ()
      %add3A_199 = arith.constant 6912 : i32
      %add3A_200 = arith.addi %mul3A_189, %add3A_199 : i32
      %multiple_of3A_201 = tpu.assume_multiple %add3A_200, 8 : i32
      "tpu.region"() ({
        %run_scoped3A = tpu.sem_alloc : memref<!tpu.dma_semaphore, #tpu.memory_space<semaphore_mem>>
        %dma_start3A_870 = arith.constant 0 : i32
        %dma_start3A_871 = tpu.memref_slice %arg10[%dma_start3A_870] : memref<2304xf32, #tpu.memory_space<vmem>> -> memref<2304xf32, #tpu.memory_space<vmem>>
        %dma_start3A_872 = tpu.memref_slice %arg16[%multiple_of3A_201] : memref<200192xf32, #tpu.memory_space<vmem_shared>> -> memref<2304xf32, #tpu.memory_space<vmem_shared>>
        %dma_start3A_873 = tpu.memref_slice %arg16[%multiple_of3A_201] : memref<200192xf32, #tpu.memory_space<vmem_shared>> -> memref<2304xf32, #tpu.memory_space<vmem_shared>>
        %dma_start3A_874 = arith.constant 0 : i32
        %dma_start3A_875 = tpu.memref_slice %arg10[%dma_start3A_874] : memref<2304xf32, #tpu.memory_space<vmem>> -> memref<2304xf32, #tpu.memory_space<vmem>>
        tpu.enqueue_dma source(%dma_start3A_875 : memref<2304xf32, #tpu.memory_space<vmem>>) target(%dma_start3A_873 : memref<2304xf32, #tpu.memory_space<vmem_shared>>) target_semaphore(%run_scoped3A : memref<!tpu.dma_semaphore, #tpu.memory_space<semaphore_mem>>)
        %dma_wait3A_876 = arith.constant 0 : i32
        %dma_wait3A_877 = tpu.memref_slice %arg10[%dma_wait3A_876] : memref<2304xf32, #tpu.memory_space<vmem>> -> memref<2304xf32, #tpu.memory_space<vmem>>
        %dma_wait3A_878 = tpu.memref_slice %arg16[%multiple_of3A_201] : memref<200192xf32, #tpu.memory_space<vmem_shared>> -> memref<2304xf32, #tpu.memory_space<vmem_shared>>
        %dma_wait3A_879 = tpu.memref_slice %arg16[%multiple_of3A_201] : memref<200192xf32, #tpu.memory_space<vmem_shared>> -> memref<2304xf32, #tpu.memory_space<vmem_shared>>
        %dma_wait3A_880 = arith.constant 0 : i32
        %dma_wait3A_881 = tpu.memref_slice %arg10[%dma_wait3A_880] : memref<2304xf32, #tpu.memory_space<vmem>> -> memref<2304xf32, #tpu.memory_space<vmem>>
        tpu.wait_dma2 semaphore(%run_scoped3A : memref<!tpu.dma_semaphore, #tpu.memory_space<semaphore_mem>>) src(%dma_wait3A_881 : memref<2304xf32, #tpu.memory_space<vmem>>) dst(%dma_wait3A_879 : memref<2304xf32, #tpu.memory_space<vmem_shared>>)
        tpu.yield
      }) : () -> ()
      %add3A_202 = arith.constant 9216 : i32
      %add3A_203 = arith.addi %mul3A_189, %add3A_202 : i32
      %multiple_of3A_204 = tpu.assume_multiple %add3A_203, 8 : i32
      "tpu.region"() ({
        %run_scoped3A = tpu.sem_alloc : memref<!tpu.dma_semaphore, #tpu.memory_space<semaphore_mem>>
        %dma_start3A_870 = arith.constant 0 : i32
        %dma_start3A_871 = tpu.memref_slice %arg10[%dma_start3A_870] : memref<2304xf32, #tpu.memory_space<vmem>> -> memref<2304xf32, #tpu.memory_space<vmem>>
        %dma_start3A_872 = tpu.memref_slice %arg16[%multiple_of3A_204] : memref<200192xf32, #tpu.memory_space<vmem_shared>> -> memref<2304xf32, #tpu.memory_space<vmem_shared>>
        %dma_start3A_873 = tpu.memref_slice %arg16[%multiple_of3A_204] : memref<200192xf32, #tpu.memory_space<vmem_shared>> -> memref<2304xf32, #tpu.memory_space<vmem_shared>>
        %dma_start3A_874 = arith.constant 0 : i32
        %dma_start3A_875 = tpu.memref_slice %arg10[%dma_start3A_874] : memref<2304xf32, #tpu.memory_space<vmem>> -> memref<2304xf32, #tpu.memory_space<vmem>>
        tpu.enqueue_dma source(%dma_start3A_875 : memref<2304xf32, #tpu.memory_space<vmem>>) target(%dma_start3A_873 : memref<2304xf32, #tpu.memory_space<vmem_shared>>) target_semaphore(%run_scoped3A : memref<!tpu.dma_semaphore, #tpu.memory_space<semaphore_mem>>)
        %dma_wait3A_876 = arith.constant 0 : i32
        %dma_wait3A_877 = tpu.memref_slice %arg10[%dma_wait3A_876] : memref<2304xf32, #tpu.memory_space<vmem>> -> memref<2304xf32, #tpu.memory_space<vmem>>
        %dma_wait3A_878 = tpu.memref_slice %arg16[%multiple_of3A_204] : memref<200192xf32, #tpu.memory_space<vmem_shared>> -> memref<2304xf32, #tpu.memory_space<vmem_shared>>
        %dma_wait3A_879 = tpu.memref_slice %arg16[%multiple_of3A_204] : memref<200192xf32, #tpu.memory_space<vmem_shared>> -> memref<2304xf32, #tpu.memory_space<vmem_shared>>
        %dma_wait3A_880 = arith.constant 0 : i32
        %dma_wait3A_881 = tpu.memref_slice %arg10[%dma_wait3A_880] : memref<2304xf32, #tpu.memory_space<vmem>> -> memref<2304xf32, #tpu.memory_space<vmem>>
        tpu.wait_dma2 semaphore(%run_scoped3A : memref<!tpu.dma_semaphore, #tpu.memory_space<semaphore_mem>>) src(%dma_wait3A_881 : memref<2304xf32, #tpu.memory_space<vmem>>) dst(%dma_wait3A_879 : memref<2304xf32, #tpu.memory_space<vmem_shared>>)
        tpu.yield
      }) : () -> ()
      %add3A_205 = arith.constant 11520 : i32
      %add3A_206 = arith.addi %mul3A_189, %add3A_205 : i32
      %multiple_of3A_207 = tpu.assume_multiple %add3A_206, 8 : i32
      "tpu.region"() ({
        %run_scoped3A = tpu.sem_alloc : memref<!tpu.dma_semaphore, #tpu.memory_space<semaphore_mem>>
        %dma_start3A_870 = arith.constant 0 : i32
        %dma_start3A_871 = tpu.memref_slice %arg10[%dma_start3A_870] : memref<2304xf32, #tpu.memory_space<vmem>> -> memref<992xf32, #tpu.memory_space<vmem>>
        %dma_start3A_872 = tpu.memref_slice %arg16[%multiple_of3A_207] : memref<200192xf32, #tpu.memory_space<vmem_shared>> -> memref<992xf32, #tpu.memory_space<vmem_shared>>
        %dma_start3A_873 = tpu.memref_slice %arg16[%multiple_of3A_207] : memref<200192xf32, #tpu.memory_space<vmem_shared>> -> memref<992xf32, #tpu.memory_space<vmem_shared>>
        %dma_start3A_874 = arith.constant 0 : i32
        %dma_start3A_875 = tpu.memref_slice %arg10[%dma_start3A_874] : memref<2304xf32, #tpu.memory_space<vmem>> -> memref<992xf32, #tpu.memory_space<vmem>>
        tpu.enqueue_dma source(%dma_start3A_875 : memref<992xf32, #tpu.memory_space<vmem>>) target(%dma_start3A_873 : memref<992xf32, #tpu.memory_space<vmem_shared>>) target_semaphore(%run_scoped3A : memref<!tpu.dma_semaphore, #tpu.memory_space<semaphore_mem>>)
        %dma_wait3A_876 = arith.constant 0 : i32
        %dma_wait3A_877 = tpu.memref_slice %arg10[%dma_wait3A_876] : memref<2304xf32, #tpu.memory_space<vmem>> -> memref<992xf32, #tpu.memory_space<vmem>>
        %dma_wait3A_878 = tpu.memref_slice %arg16[%multiple_of3A_207] : memref<200192xf32, #tpu.memory_space<vmem_shared>> -> memref<992xf32, #tpu.memory_space<vmem_shared>>
        %dma_wait3A_879 = tpu.memref_slice %arg16[%multiple_of3A_207] : memref<200192xf32, #tpu.memory_space<vmem_shared>> -> memref<992xf32, #tpu.memory_space<vmem_shared>>
        %dma_wait3A_880 = arith.constant 0 : i32
        %dma_wait3A_881 = tpu.memref_slice %arg10[%dma_wait3A_880] : memref<2304xf32, #tpu.memory_space<vmem>> -> memref<992xf32, #tpu.memory_space<vmem>>
        tpu.wait_dma2 semaphore(%run_scoped3A : memref<!tpu.dma_semaphore, #tpu.memory_space<semaphore_mem>>) src(%dma_wait3A_881 : memref<992xf32, #tpu.memory_space<vmem>>) dst(%dma_wait3A_879 : memref<992xf32, #tpu.memory_space<vmem_shared>>)
        tpu.yield
      }) : () -> ()
      %barrier3A_208 = arith.constant 0 : index
      tpu.barrier barrier_id(%barrier3A_208)
      "tpu.trace_start"() <{level = 10 : i32, message = "scat_pass"}> : () -> ()
      %add3A_209 = arith.constant 0 : i32
      %add3A_210 = arith.addi %mul3A_22, %add3A_209 : i32
      %add3A_211 = arith.constant 0 : i32
      %add3A_212 = arith.addi %add3A_211, %add3A_210 : i32
      %multiple_of3A_213 = tpu.assume_multiple %add3A_212, 8 : i32
      %add3A_214 = arith.constant 0 : i32
      %add3A_215 = arith.addi %add3A_214, %add3A_210 : i32
      %multiple_of3A_216 = tpu.assume_multiple %add3A_215, 8 : i32
      %add3A_217 = arith.constant 1600000 : i32
      %add3A_218 = arith.addi %add3A_217, %add3A_210 : i32
      %multiple_of3A_219 = tpu.assume_multiple %add3A_218, 8 : i32
      %add3A_220 = arith.constant 1600000 : i32
      %add3A_221 = arith.addi %add3A_220, %add3A_210 : i32
      %multiple_of3A_222 = tpu.assume_multiple %add3A_221, 8 : i32
      %add3A_223 = arith.constant 3200000 : i32
      %add3A_224 = arith.addi %add3A_223, %add3A_210 : i32
      %multiple_of3A_225 = tpu.assume_multiple %add3A_224, 8 : i32
      %add3A_226 = arith.constant 3200000 : i32
      %add3A_227 = arith.addi %add3A_226, %add3A_210 : i32
      %multiple_of3A_228 = tpu.assume_multiple %add3A_227, 8 : i32
      %dma_start3A_229 = arith.constant 0 : i32
      %dma_start3A_230 = tpu.memref_slice %arg8[%dma_start3A_229] : memref<2304xi32, #tpu.memory_space<vmem>> -> memref<768xi32, #tpu.memory_space<vmem>>
      %dma_start3A_231 = tpu.memref_slice %arg2[%multiple_of3A_213] : memref<4800000xi32, #tpu.memory_space<hbm>> -> memref<768xi32, #tpu.memory_space<hbm>>
      %dma_start3A_232 = arith.constant 0 : i32
      %dma_start3A_233 = tpu.memref_slice %arg8[%dma_start3A_232] : memref<2304xi32, #tpu.memory_space<vmem>> -> memref<768xi32, #tpu.memory_space<vmem>>
      %dma_start3A_234 = tpu.memref_slice %arg2[%multiple_of3A_213] : memref<4800000xi32, #tpu.memory_space<hbm>> -> memref<768xi32, #tpu.memory_space<hbm>>
      tpu.enqueue_dma source(%dma_start3A_234 : memref<768xi32, #tpu.memory_space<hbm>>) target(%dma_start3A_233 : memref<768xi32, #tpu.memory_space<vmem>>) target_semaphore(%arg18 : memref<!tpu.dma_semaphore, #tpu.memory_space<semaphore_mem>>)
      %dma_start3A_235 = arith.constant 0 : i32
      %dma_start3A_236 = tpu.memref_slice %arg10[%dma_start3A_235] : memref<2304xf32, #tpu.memory_space<vmem>> -> memref<768xf32, #tpu.memory_space<vmem>>
      %dma_start3A_237 = tpu.memref_slice %arg3[%multiple_of3A_216] : memref<4800000xf32, #tpu.memory_space<hbm>> -> memref<768xf32, #tpu.memory_space<hbm>>
      %dma_start3A_238 = arith.constant 0 : i32
      %dma_start3A_239 = tpu.memref_slice %arg10[%dma_start3A_238] : memref<2304xf32, #tpu.memory_space<vmem>> -> memref<768xf32, #tpu.memory_space<vmem>>
      %dma_start3A_240 = tpu.memref_slice %arg3[%multiple_of3A_216] : memref<4800000xf32, #tpu.memory_space<hbm>> -> memref<768xf32, #tpu.memory_space<hbm>>
      tpu.enqueue_dma source(%dma_start3A_240 : memref<768xf32, #tpu.memory_space<hbm>>) target(%dma_start3A_239 : memref<768xf32, #tpu.memory_space<vmem>>) target_semaphore(%arg18 : memref<!tpu.dma_semaphore, #tpu.memory_space<semaphore_mem>>)
      %dma_start3A_241 = arith.constant 768 : i32
      %dma_start3A_242 = tpu.memref_slice %arg8[%dma_start3A_241] : memref<2304xi32, #tpu.memory_space<vmem>> -> memref<768xi32, #tpu.memory_space<vmem>>
      %dma_start3A_243 = tpu.memref_slice %arg2[%multiple_of3A_219] : memref<4800000xi32, #tpu.memory_space<hbm>> -> memref<768xi32, #tpu.memory_space<hbm>>
      %dma_start3A_244 = arith.constant 768 : i32
      %dma_start3A_245 = tpu.memref_slice %arg8[%dma_start3A_244] : memref<2304xi32, #tpu.memory_space<vmem>> -> memref<768xi32, #tpu.memory_space<vmem>>
      %dma_start3A_246 = tpu.memref_slice %arg2[%multiple_of3A_219] : memref<4800000xi32, #tpu.memory_space<hbm>> -> memref<768xi32, #tpu.memory_space<hbm>>
      tpu.enqueue_dma source(%dma_start3A_246 : memref<768xi32, #tpu.memory_space<hbm>>) target(%dma_start3A_245 : memref<768xi32, #tpu.memory_space<vmem>>) target_semaphore(%arg18 : memref<!tpu.dma_semaphore, #tpu.memory_space<semaphore_mem>>)
      %dma_start3A_247 = arith.constant 768 : i32
      %dma_start3A_248 = tpu.memref_slice %arg10[%dma_start3A_247] : memref<2304xf32, #tpu.memory_space<vmem>> -> memref<768xf32, #tpu.memory_space<vmem>>
      %dma_start3A_249 = tpu.memref_slice %arg3[%multiple_of3A_222] : memref<4800000xf32, #tpu.memory_space<hbm>> -> memref<768xf32, #tpu.memory_space<hbm>>
      %dma_start3A_250 = arith.constant 768 : i32
      %dma_start3A_251 = tpu.memref_slice %arg10[%dma_start3A_250] : memref<2304xf32, #tpu.memory_space<vmem>> -> memref<768xf32, #tpu.memory_space<vmem>>
      %dma_start3A_252 = tpu.memref_slice %arg3[%multiple_of3A_222] : memref<4800000xf32, #tpu.memory_space<hbm>> -> memref<768xf32, #tpu.memory_space<hbm>>
      tpu.enqueue_dma source(%dma_start3A_252 : memref<768xf32, #tpu.memory_space<hbm>>) target(%dma_start3A_251 : memref<768xf32, #tpu.memory_space<vmem>>) target_semaphore(%arg18 : memref<!tpu.dma_semaphore, #tpu.memory_space<semaphore_mem>>)
      %dma_start3A_253 = arith.constant 1536 : i32
      %dma_start3A_254 = tpu.memref_slice %arg8[%dma_start3A_253] : memref<2304xi32, #tpu.memory_space<vmem>> -> memref<768xi32, #tpu.memory_space<vmem>>
      %dma_start3A_255 = tpu.memref_slice %arg2[%multiple_of3A_225] : memref<4800000xi32, #tpu.memory_space<hbm>> -> memref<768xi32, #tpu.memory_space<hbm>>
      %dma_start3A_256 = arith.constant 1536 : i32
      %dma_start3A_257 = tpu.memref_slice %arg8[%dma_start3A_256] : memref<2304xi32, #tpu.memory_space<vmem>> -> memref<768xi32, #tpu.memory_space<vmem>>
      %dma_start3A_258 = tpu.memref_slice %arg2[%multiple_of3A_225] : memref<4800000xi32, #tpu.memory_space<hbm>> -> memref<768xi32, #tpu.memory_space<hbm>>
      tpu.enqueue_dma source(%dma_start3A_258 : memref<768xi32, #tpu.memory_space<hbm>>) target(%dma_start3A_257 : memref<768xi32, #tpu.memory_space<vmem>>) target_semaphore(%arg18 : memref<!tpu.dma_semaphore, #tpu.memory_space<semaphore_mem>>)
      %dma_start3A_259 = arith.constant 1536 : i32
      %dma_start3A_260 = tpu.memref_slice %arg10[%dma_start3A_259] : memref<2304xf32, #tpu.memory_space<vmem>> -> memref<768xf32, #tpu.memory_space<vmem>>
      %dma_start3A_261 = tpu.memref_slice %arg3[%multiple_of3A_228] : memref<4800000xf32, #tpu.memory_space<hbm>> -> memref<768xf32, #tpu.memory_space<hbm>>
      %dma_start3A_262 = arith.constant 1536 : i32
      %dma_start3A_263 = tpu.memref_slice %arg10[%dma_start3A_262] : memref<2304xf32, #tpu.memory_space<vmem>> -> memref<768xf32, #tpu.memory_space<vmem>>
      %dma_start3A_264 = tpu.memref_slice %arg3[%multiple_of3A_228] : memref<4800000xf32, #tpu.memory_space<hbm>> -> memref<768xf32, #tpu.memory_space<hbm>>
      tpu.enqueue_dma source(%dma_start3A_264 : memref<768xf32, #tpu.memory_space<hbm>>) target(%dma_start3A_263 : memref<768xf32, #tpu.memory_space<vmem>>) target_semaphore(%arg18 : memref<!tpu.dma_semaphore, #tpu.memory_space<semaphore_mem>>)
      %add3A_265 = arith.constant 768 : i32
      %add3A_266 = arith.addi %mul3A_22, %add3A_265 : i32
      %add3A_267 = arith.constant 0 : i32
      %add3A_268 = arith.addi %add3A_267, %add3A_266 : i32
      %multiple_of3A_269 = tpu.assume_multiple %add3A_268, 8 : i32
      %add3A_270 = arith.constant 0 : i32
      %add3A_271 = arith.addi %add3A_270, %add3A_266 : i32
      %multiple_of3A_272 = tpu.assume_multiple %add3A_271, 8 : i32
      %add3A_273 = arith.constant 1600000 : i32
      %add3A_274 = arith.addi %add3A_273, %add3A_266 : i32
      %multiple_of3A_275 = tpu.assume_multiple %add3A_274, 8 : i32
      %add3A_276 = arith.constant 1600000 : i32
      %add3A_277 = arith.addi %add3A_276, %add3A_266 : i32
      %multiple_of3A_278 = tpu.assume_multiple %add3A_277, 8 : i32
      %add3A_279 = arith.constant 3200000 : i32
      %add3A_280 = arith.addi %add3A_279, %add3A_266 : i32
      %multiple_of3A_281 = tpu.assume_multiple %add3A_280, 8 : i32
      %add3A_282 = arith.constant 3200000 : i32
      %add3A_283 = arith.addi %add3A_282, %add3A_266 : i32
      %multiple_of3A_284 = tpu.assume_multiple %add3A_283, 8 : i32
      %dma_start3A_285 = arith.constant 0 : i32
      %dma_start3A_286 = tpu.memref_slice %arg9[%dma_start3A_285] : memref<2304xi32, #tpu.memory_space<vmem>> -> memref<768xi32, #tpu.memory_space<vmem>>
      %dma_start3A_287 = tpu.memref_slice %arg2[%multiple_of3A_269] : memref<4800000xi32, #tpu.memory_space<hbm>> -> memref<768xi32, #tpu.memory_space<hbm>>
      %dma_start3A_288 = arith.constant 0 : i32
      %dma_start3A_289 = tpu.memref_slice %arg9[%dma_start3A_288] : memref<2304xi32, #tpu.memory_space<vmem>> -> memref<768xi32, #tpu.memory_space<vmem>>
      %dma_start3A_290 = tpu.memref_slice %arg2[%multiple_of3A_269] : memref<4800000xi32, #tpu.memory_space<hbm>> -> memref<768xi32, #tpu.memory_space<hbm>>
      tpu.enqueue_dma source(%dma_start3A_290 : memref<768xi32, #tpu.memory_space<hbm>>) target(%dma_start3A_289 : memref<768xi32, #tpu.memory_space<vmem>>) target_semaphore(%arg19 : memref<!tpu.dma_semaphore, #tpu.memory_space<semaphore_mem>>)
      %dma_start3A_291 = arith.constant 0 : i32
      %dma_start3A_292 = tpu.memref_slice %arg11[%dma_start3A_291] : memref<2304xf32, #tpu.memory_space<vmem>> -> memref<768xf32, #tpu.memory_space<vmem>>
      %dma_start3A_293 = tpu.memref_slice %arg3[%multiple_of3A_272] : memref<4800000xf32, #tpu.memory_space<hbm>> -> memref<768xf32, #tpu.memory_space<hbm>>
      %dma_start3A_294 = arith.constant 0 : i32
      %dma_start3A_295 = tpu.memref_slice %arg11[%dma_start3A_294] : memref<2304xf32, #tpu.memory_space<vmem>> -> memref<768xf32, #tpu.memory_space<vmem>>
      %dma_start3A_296 = tpu.memref_slice %arg3[%multiple_of3A_272] : memref<4800000xf32, #tpu.memory_space<hbm>> -> memref<768xf32, #tpu.memory_space<hbm>>
      tpu.enqueue_dma source(%dma_start3A_296 : memref<768xf32, #tpu.memory_space<hbm>>) target(%dma_start3A_295 : memref<768xf32, #tpu.memory_space<vmem>>) target_semaphore(%arg19 : memref<!tpu.dma_semaphore, #tpu.memory_space<semaphore_mem>>)
      %dma_start3A_297 = arith.constant 768 : i32
      %dma_start3A_298 = tpu.memref_slice %arg9[%dma_start3A_297] : memref<2304xi32, #tpu.memory_space<vmem>> -> memref<768xi32, #tpu.memory_space<vmem>>
      %dma_start3A_299 = tpu.memref_slice %arg2[%multiple_of3A_275] : memref<4800000xi32, #tpu.memory_space<hbm>> -> memref<768xi32, #tpu.memory_space<hbm>>
      %dma_start3A_300 = arith.constant 768 : i32
      %dma_start3A_301 = tpu.memref_slice %arg9[%dma_start3A_300] : memref<2304xi32, #tpu.memory_space<vmem>> -> memref<768xi32, #tpu.memory_space<vmem>>
      %dma_start3A_302 = tpu.memref_slice %arg2[%multiple_of3A_275] : memref<4800000xi32, #tpu.memory_space<hbm>> -> memref<768xi32, #tpu.memory_space<hbm>>
      tpu.enqueue_dma source(%dma_start3A_302 : memref<768xi32, #tpu.memory_space<hbm>>) target(%dma_start3A_301 : memref<768xi32, #tpu.memory_space<vmem>>) target_semaphore(%arg19 : memref<!tpu.dma_semaphore, #tpu.memory_space<semaphore_mem>>)
      %dma_start3A_303 = arith.constant 768 : i32
      %dma_start3A_304 = tpu.memref_slice %arg11[%dma_start3A_303] : memref<2304xf32, #tpu.memory_space<vmem>> -> memref<768xf32, #tpu.memory_space<vmem>>
      %dma_start3A_305 = tpu.memref_slice %arg3[%multiple_of3A_278] : memref<4800000xf32, #tpu.memory_space<hbm>> -> memref<768xf32, #tpu.memory_space<hbm>>
      %dma_start3A_306 = arith.constant 768 : i32
      %dma_start3A_307 = tpu.memref_slice %arg11[%dma_start3A_306] : memref<2304xf32, #tpu.memory_space<vmem>> -> memref<768xf32, #tpu.memory_space<vmem>>
      %dma_start3A_308 = tpu.memref_slice %arg3[%multiple_of3A_278] : memref<4800000xf32, #tpu.memory_space<hbm>> -> memref<768xf32, #tpu.memory_space<hbm>>
      tpu.enqueue_dma source(%dma_start3A_308 : memref<768xf32, #tpu.memory_space<hbm>>) target(%dma_start3A_307 : memref<768xf32, #tpu.memory_space<vmem>>) target_semaphore(%arg19 : memref<!tpu.dma_semaphore, #tpu.memory_space<semaphore_mem>>)
      %dma_start3A_309 = arith.constant 1536 : i32
      %dma_start3A_310 = tpu.memref_slice %arg9[%dma_start3A_309] : memref<2304xi32, #tpu.memory_space<vmem>> -> memref<768xi32, #tpu.memory_space<vmem>>
      %dma_start3A_311 = tpu.memref_slice %arg2[%multiple_of3A_281] : memref<4800000xi32, #tpu.memory_space<hbm>> -> memref<768xi32, #tpu.memory_space<hbm>>
      %dma_start3A_312 = arith.constant 1536 : i32
      %dma_start3A_313 = tpu.memref_slice %arg9[%dma_start3A_312] : memref<2304xi32, #tpu.memory_space<vmem>> -> memref<768xi32, #tpu.memory_space<vmem>>
      %dma_start3A_314 = tpu.memref_slice %arg2[%multiple_of3A_281] : memref<4800000xi32, #tpu.memory_space<hbm>> -> memref<768xi32, #tpu.memory_space<hbm>>
      tpu.enqueue_dma source(%dma_start3A_314 : memref<768xi32, #tpu.memory_space<hbm>>) target(%dma_start3A_313 : memref<768xi32, #tpu.memory_space<vmem>>) target_semaphore(%arg19 : memref<!tpu.dma_semaphore, #tpu.memory_space<semaphore_mem>>)
      %dma_start3A_315 = arith.constant 1536 : i32
      %dma_start3A_316 = tpu.memref_slice %arg11[%dma_start3A_315] : memref<2304xf32, #tpu.memory_space<vmem>> -> memref<768xf32, #tpu.memory_space<vmem>>
      %dma_start3A_317 = tpu.memref_slice %arg3[%multiple_of3A_284] : memref<4800000xf32, #tpu.memory_space<hbm>> -> memref<768xf32, #tpu.memory_space<hbm>>
      %dma_start3A_318 = arith.constant 1536 : i32
      %dma_start3A_319 = tpu.memref_slice %arg11[%dma_start3A_318] : memref<2304xf32, #tpu.memory_space<vmem>> -> memref<768xf32, #tpu.memory_space<vmem>>
      %dma_start3A_320 = tpu.memref_slice %arg3[%multiple_of3A_284] : memref<4800000xf32, #tpu.memory_space<hbm>> -> memref<768xf32, #tpu.memory_space<hbm>>
      tpu.enqueue_dma source(%dma_start3A_320 : memref<768xf32, #tpu.memory_space<hbm>>) target(%dma_start3A_319 : memref<768xf32, #tpu.memory_space<vmem>>) target_semaphore(%arg19 : memref<!tpu.dma_semaphore, #tpu.memory_space<semaphore_mem>>)
      %scan3A_321 = arith.constant 0 : i32
      %scan3A_322 = arith.constant 130 : i32
      %scan3A_323 = arith.addi %scan3A_321, %scan3A_322 : i32
      %scan3A_324 = arith.constant 1 : i32
      scf.for %scan3A_870 = %scan3A_321 to %scan3A_323 step %scan3A_324  : i32 {
        %mul3A_871 = arith.constant 2 : i32
        %mul3A_872 = arith.muli %scan3A_870, %mul3A_871 : i32
        %add3A_873 = arith.constant 0 : i32
        %add3A_874 = arith.addi %add3A_873, %mul3A_872 : i32
        %mul3A_875 = arith.constant 768 : i32
        %mul3A_876 = arith.muli %add3A_874, %mul3A_875 : i32
        %add3A_877 = arith.addi %mul3A_22, %mul3A_876 : i32
        %add3A_878 = arith.constant 0 : i32
        %add3A_879 = arith.addi %add3A_878, %add3A_877 : i32
        %multiple_of3A_880 = tpu.assume_multiple %add3A_879, 8 : i32
        %add3A_881 = arith.constant 0 : i32
        %add3A_882 = arith.addi %add3A_881, %add3A_877 : i32
        %multiple_of3A_883 = tpu.assume_multiple %add3A_882, 8 : i32
        %add3A_884 = arith.constant 1600000 : i32
        %add3A_885 = arith.addi %add3A_884, %add3A_877 : i32
        %multiple_of3A_886 = tpu.assume_multiple %add3A_885, 8 : i32
        %add3A_887 = arith.constant 1600000 : i32
        %add3A_888 = arith.addi %add3A_887, %add3A_877 : i32
        %multiple_of3A_889 = tpu.assume_multiple %add3A_888, 8 : i32
        %add3A_890 = arith.constant 3200000 : i32
        %add3A_891 = arith.addi %add3A_890, %add3A_877 : i32
        %multiple_of3A_892 = tpu.assume_multiple %add3A_891, 8 : i32
        %add3A_893 = arith.constant 3200000 : i32
        %add3A_894 = arith.addi %add3A_893, %add3A_877 : i32
        %multiple_of3A_895 = tpu.assume_multiple %add3A_894, 8 : i32
        %dma_wait3A_896 = arith.constant 0 : i32
        %dma_wait3A_897 = tpu.memref_slice %arg8[%dma_wait3A_896] : memref<2304xi32, #tpu.memory_space<vmem>> -> memref<768xi32, #tpu.memory_space<vmem>>
        %dma_wait3A_898 = tpu.memref_slice %arg2[%multiple_of3A_880] : memref<4800000xi32, #tpu.memory_space<hbm>> -> memref<768xi32, #tpu.memory_space<hbm>>
        %dma_wait3A_899 = arith.constant 0 : i32
        %dma_wait3A_900 = tpu.memref_slice %arg8[%dma_wait3A_899] : memref<2304xi32, #tpu.memory_space<vmem>> -> memref<768xi32, #tpu.memory_space<vmem>>
        %dma_wait3A_901 = tpu.memref_slice %arg2[%multiple_of3A_880] : memref<4800000xi32, #tpu.memory_space<hbm>> -> memref<768xi32, #tpu.memory_space<hbm>>
        tpu.wait_dma2 semaphore(%arg18 : memref<!tpu.dma_semaphore, #tpu.memory_space<semaphore_mem>>) src(%dma_wait3A_901 : memref<768xi32, #tpu.memory_space<hbm>>) dst(%dma_wait3A_900 : memref<768xi32, #tpu.memory_space<vmem>>)
        %dma_wait3A_902 = arith.constant 0 : i32
        %dma_wait3A_903 = tpu.memref_slice %arg10[%dma_wait3A_902] : memref<2304xf32, #tpu.memory_space<vmem>> -> memref<768xf32, #tpu.memory_space<vmem>>
        %dma_wait3A_904 = tpu.memref_slice %arg3[%multiple_of3A_883] : memref<4800000xf32, #tpu.memory_space<hbm>> -> memref<768xf32, #tpu.memory_space<hbm>>
        %dma_wait3A_905 = arith.constant 0 : i32
        %dma_wait3A_906 = tpu.memref_slice %arg10[%dma_wait3A_905] : memref<2304xf32, #tpu.memory_space<vmem>> -> memref<768xf32, #tpu.memory_space<vmem>>
        %dma_wait3A_907 = tpu.memref_slice %arg3[%multiple_of3A_883] : memref<4800000xf32, #tpu.memory_space<hbm>> -> memref<768xf32, #tpu.memory_space<hbm>>
        tpu.wait_dma2 semaphore(%arg18 : memref<!tpu.dma_semaphore, #tpu.memory_space<semaphore_mem>>) src(%dma_wait3A_907 : memref<768xf32, #tpu.memory_space<hbm>>) dst(%dma_wait3A_906 : memref<768xf32, #tpu.memory_space<vmem>>)
        %dma_wait3A_908 = arith.constant 768 : i32
        %dma_wait3A_909 = tpu.memref_slice %arg8[%dma_wait3A_908] : memref<2304xi32, #tpu.memory_space<vmem>> -> memref<768xi32, #tpu.memory_space<vmem>>
        %dma_wait3A_910 = tpu.memref_slice %arg2[%multiple_of3A_886] : memref<4800000xi32, #tpu.memory_space<hbm>> -> memref<768xi32, #tpu.memory_space<hbm>>
        %dma_wait3A_911 = arith.constant 768 : i32
        %dma_wait3A_912 = tpu.memref_slice %arg8[%dma_wait3A_911] : memref<2304xi32, #tpu.memory_space<vmem>> -> memref<768xi32, #tpu.memory_space<vmem>>
        %dma_wait3A_913 = tpu.memref_slice %arg2[%multiple_of3A_886] : memref<4800000xi32, #tpu.memory_space<hbm>> -> memref<768xi32, #tpu.memory_space<hbm>>
        tpu.wait_dma2 semaphore(%arg18 : memref<!tpu.dma_semaphore, #tpu.memory_space<semaphore_mem>>) src(%dma_wait3A_913 : memref<768xi32, #tpu.memory_space<hbm>>) dst(%dma_wait3A_912 : memref<768xi32, #tpu.memory_space<vmem>>)
        %dma_wait3A_914 = arith.constant 768 : i32
        %dma_wait3A_915 = tpu.memref_slice %arg10[%dma_wait3A_914] : memref<2304xf32, #tpu.memory_space<vmem>> -> memref<768xf32, #tpu.memory_space<vmem>>
        %dma_wait3A_916 = tpu.memref_slice %arg3[%multiple_of3A_889] : memref<4800000xf32, #tpu.memory_space<hbm>> -> memref<768xf32, #tpu.memory_space<hbm>>
        %dma_wait3A_917 = arith.constant 768 : i32
        %dma_wait3A_918 = tpu.memref_slice %arg10[%dma_wait3A_917] : memref<2304xf32, #tpu.memory_space<vmem>> -> memref<768xf32, #tpu.memory_space<vmem>>
        %dma_wait3A_919 = tpu.memref_slice %arg3[%multiple_of3A_889] : memref<4800000xf32, #tpu.memory_space<hbm>> -> memref<768xf32, #tpu.memory_space<hbm>>
        tpu.wait_dma2 semaphore(%arg18 : memref<!tpu.dma_semaphore, #tpu.memory_space<semaphore_mem>>) src(%dma_wait3A_919 : memref<768xf32, #tpu.memory_space<hbm>>) dst(%dma_wait3A_918 : memref<768xf32, #tpu.memory_space<vmem>>)
        %dma_wait3A_920 = arith.constant 1536 : i32
        %dma_wait3A_921 = tpu.memref_slice %arg8[%dma_wait3A_920] : memref<2304xi32, #tpu.memory_space<vmem>> -> memref<768xi32, #tpu.memory_space<vmem>>
        %dma_wait3A_922 = tpu.memref_slice %arg2[%multiple_of3A_892] : memref<4800000xi32, #tpu.memory_space<hbm>> -> memref<768xi32, #tpu.memory_space<hbm>>
        %dma_wait3A_923 = arith.constant 1536 : i32
        %dma_wait3A_924 = tpu.memref_slice %arg8[%dma_wait3A_923] : memref<2304xi32, #tpu.memory_space<vmem>> -> memref<768xi32, #tpu.memory_space<vmem>>
        %dma_wait3A_925 = tpu.memref_slice %arg2[%multiple_of3A_892] : memref<4800000xi32, #tpu.memory_space<hbm>> -> memref<768xi32, #tpu.memory_space<hbm>>
        tpu.wait_dma2 semaphore(%arg18 : memref<!tpu.dma_semaphore, #tpu.memory_space<semaphore_mem>>) src(%dma_wait3A_925 : memref<768xi32, #tpu.memory_space<hbm>>) dst(%dma_wait3A_924 : memref<768xi32, #tpu.memory_space<vmem>>)
        %dma_wait3A_926 = arith.constant 1536 : i32
        %dma_wait3A_927 = tpu.memref_slice %arg10[%dma_wait3A_926] : memref<2304xf32, #tpu.memory_space<vmem>> -> memref<768xf32, #tpu.memory_space<vmem>>
        %dma_wait3A_928 = tpu.memref_slice %arg3[%multiple_of3A_895] : memref<4800000xf32, #tpu.memory_space<hbm>> -> memref<768xf32, #tpu.memory_space<hbm>>
        %dma_wait3A_929 = arith.constant 1536 : i32
        %dma_wait3A_930 = tpu.memref_slice %arg10[%dma_wait3A_929] : memref<2304xf32, #tpu.memory_space<vmem>> -> memref<768xf32, #tpu.memory_space<vmem>>
        %dma_wait3A_931 = tpu.memref_slice %arg3[%multiple_of3A_895] : memref<4800000xf32, #tpu.memory_space<hbm>> -> memref<768xf32, #tpu.memory_space<hbm>>
        tpu.wait_dma2 semaphore(%arg18 : memref<!tpu.dma_semaphore, #tpu.memory_space<semaphore_mem>>) src(%dma_wait3A_931 : memref<768xf32, #tpu.memory_space<hbm>>) dst(%dma_wait3A_930 : memref<768xf32, #tpu.memory_space<vmem>>)
        %ge3A = arith.constant 1 : i32
        %ge3A_932 = arith.cmpi sge, %add3A_874, %ge3A : i32
        %convert_element_type3A_933 = arith.extui %ge3A_932 : i1 to i32
        %cond3A_934 = arith.constant 0 : i32
        %cond3A_935 = arith.cmpi ne, %convert_element_type3A_933, %cond3A_934 : i32
        scf.if %cond3A_935 {
          %dma_wait3A_1572 = arith.constant 0 : i32
          %dma_wait3A_1573 = arith.constant 0 : i32
          %dma_wait3A_1574 = arith.constant 0 : i32
          %dma_wait3A_1575 = tpu.memref_slice %arg13[%dma_wait3A_1572, %dma_wait3A_1574] : memref<18x128xf32, #tpu.memory_space<vmem>> -> memref<1x128xf32, #tpu.memory_space<vmem>>
          %dma_wait3A_1576 = tpu.memref_squeeze %dma_wait3A_1575 : memref<1x128xf32, #tpu.memory_space<vmem>> -> memref<128xf32, #tpu.memory_space<vmem>>
          %dma_wait3A_1577 = arith.constant 0 : i32
          %dma_wait3A_1578 = tpu.memref_slice %arg12[%dma_wait3A_1573, %dma_wait3A_1577] : memref<18x128xi32, #tpu.memory_space<vmem>> -> memref<1x128xi32, #tpu.memory_space<vmem>>
          %dma_wait3A_1579 = tpu.memref_squeeze %dma_wait3A_1578 : memref<1x128xi32, #tpu.memory_space<vmem>> -> memref<128xi32, #tpu.memory_space<vmem>>
          %dma_wait3A_1580 = arith.constant 0 : i32
          %dma_wait3A_1581 = tpu.memref_slice %arg16[%dma_wait3A_1580] : memref<200192xf32, #tpu.memory_space<vmem_shared>> -> memref<200192xf32, #tpu.memory_space<vmem_shared>>
          tpu.wait_indirect_dma semaphore(%arg20 : memref<!tpu.dma_semaphore, #tpu.memory_space<semaphore_mem>>) src(%dma_wait3A_1576 : memref<128xf32, #tpu.memory_space<vmem>>) dst(%dma_wait3A_1581 : memref<200192xf32, #tpu.memory_space<vmem_shared>>)
          %dma_wait3A_1582 = arith.constant 1 : i32
          %dma_wait3A_1583 = arith.constant 1 : i32
          %dma_wait3A_1584 = arith.constant 0 : i32
          %dma_wait3A_1585 = tpu.memref_slice %arg13[%dma_wait3A_1582, %dma_wait3A_1584] : memref<18x128xf32, #tpu.memory_space<vmem>> -> memref<1x128xf32, #tpu.memory_space<vmem>>
          %dma_wait3A_1586 = tpu.memref_squeeze %dma_wait3A_1585 : memref<1x128xf32, #tpu.memory_space<vmem>> -> memref<128xf32, #tpu.memory_space<vmem>>
          %dma_wait3A_1587 = arith.constant 0 : i32
          %dma_wait3A_1588 = tpu.memref_slice %arg12[%dma_wait3A_1583, %dma_wait3A_1587] : memref<18x128xi32, #tpu.memory_space<vmem>> -> memref<1x128xi32, #tpu.memory_space<vmem>>
          %dma_wait3A_1589 = tpu.memref_squeeze %dma_wait3A_1588 : memref<1x128xi32, #tpu.memory_space<vmem>> -> memref<128xi32, #tpu.memory_space<vmem>>
          %dma_wait3A_1590 = arith.constant 0 : i32
          %dma_wait3A_1591 = tpu.memref_slice %arg16[%dma_wait3A_1590] : memref<200192xf32, #tpu.memory_space<vmem_shared>> -> memref<200192xf32, #tpu.memory_space<vmem_shared>>
          tpu.wait_indirect_dma semaphore(%arg20 : memref<!tpu.dma_semaphore, #tpu.memory_space<semaphore_mem>>) src(%dma_wait3A_1586 : memref<128xf32, #tpu.memory_space<vmem>>) dst(%dma_wait3A_1591 : memref<200192xf32, #tpu.memory_space<vmem_shared>>)
          %dma_wait3A_1592 = arith.constant 2 : i32
          %dma_wait3A_1593 = arith.constant 2 : i32
          %dma_wait3A_1594 = arith.constant 0 : i32
          %dma_wait3A_1595 = tpu.memref_slice %arg13[%dma_wait3A_1592, %dma_wait3A_1594] : memref<18x128xf32, #tpu.memory_space<vmem>> -> memref<1x128xf32, #tpu.memory_space<vmem>>
          %dma_wait3A_1596 = tpu.memref_squeeze %dma_wait3A_1595 : memref<1x128xf32, #tpu.memory_space<vmem>> -> memref<128xf32, #tpu.memory_space<vmem>>
          %dma_wait3A_1597 = arith.constant 0 : i32
          %dma_wait3A_1598 = tpu.memref_slice %arg12[%dma_wait3A_1593, %dma_wait3A_1597] : memref<18x128xi32, #tpu.memory_space<vmem>> -> memref<1x128xi32, #tpu.memory_space<vmem>>
          %dma_wait3A_1599 = tpu.memref_squeeze %dma_wait3A_1598 : memref<1x128xi32, #tpu.memory_space<vmem>> -> memref<128xi32, #tpu.memory_space<vmem>>
          %dma_wait3A_1600 = arith.constant 0 : i32
          %dma_wait3A_1601 = tpu.memref_slice %arg16[%dma_wait3A_1600] : memref<200192xf32, #tpu.memory_space<vmem_shared>> -> memref<200192xf32, #tpu.memory_space<vmem_shared>>
          tpu.wait_indirect_dma semaphore(%arg20 : memref<!tpu.dma_semaphore, #tpu.memory_space<semaphore_mem>>) src(%dma_wait3A_1596 : memref<128xf32, #tpu.memory_space<vmem>>) dst(%dma_wait3A_1601 : memref<200192xf32, #tpu.memory_space<vmem_shared>>)
          %dma_wait3A_1602 = arith.constant 3 : i32
          %dma_wait3A_1603 = arith.constant 3 : i32
          %dma_wait3A_1604 = arith.constant 0 : i32
          %dma_wait3A_1605 = tpu.memref_slice %arg13[%dma_wait3A_1602, %dma_wait3A_1604] : memref<18x128xf32, #tpu.memory_space<vmem>> -> memref<1x128xf32, #tpu.memory_space<vmem>>
          %dma_wait3A_1606 = tpu.memref_squeeze %dma_wait3A_1605 : memref<1x128xf32, #tpu.memory_space<vmem>> -> memref<128xf32, #tpu.memory_space<vmem>>
          %dma_wait3A_1607 = arith.constant 0 : i32
          %dma_wait3A_1608 = tpu.memref_slice %arg12[%dma_wait3A_1603, %dma_wait3A_1607] : memref<18x128xi32, #tpu.memory_space<vmem>> -> memref<1x128xi32, #tpu.memory_space<vmem>>
          %dma_wait3A_1609 = tpu.memref_squeeze %dma_wait3A_1608 : memref<1x128xi32, #tpu.memory_space<vmem>> -> memref<128xi32, #tpu.memory_space<vmem>>
          %dma_wait3A_1610 = arith.constant 0 : i32
          %dma_wait3A_1611 = tpu.memref_slice %arg16[%dma_wait3A_1610] : memref<200192xf32, #tpu.memory_space<vmem_shared>> -> memref<200192xf32, #tpu.memory_space<vmem_shared>>
          tpu.wait_indirect_dma semaphore(%arg20 : memref<!tpu.dma_semaphore, #tpu.memory_space<semaphore_mem>>) src(%dma_wait3A_1606 : memref<128xf32, #tpu.memory_space<vmem>>) dst(%dma_wait3A_1611 : memref<200192xf32, #tpu.memory_space<vmem_shared>>)
          %dma_wait3A_1612 = arith.constant 4 : i32
          %dma_wait3A_1613 = arith.constant 4 : i32
          %dma_wait3A_1614 = arith.constant 0 : i32
          %dma_wait3A_1615 = tpu.memref_slice %arg13[%dma_wait3A_1612, %dma_wait3A_1614] : memref<18x128xf32, #tpu.memory_space<vmem>> -> memref<1x128xf32, #tpu.memory_space<vmem>>
          %dma_wait3A_1616 = tpu.memref_squeeze %dma_wait3A_1615 : memref<1x128xf32, #tpu.memory_space<vmem>> -> memref<128xf32, #tpu.memory_space<vmem>>
          %dma_wait3A_1617 = arith.constant 0 : i32
          %dma_wait3A_1618 = tpu.memref_slice %arg12[%dma_wait3A_1613, %dma_wait3A_1617] : memref<18x128xi32, #tpu.memory_space<vmem>> -> memref<1x128xi32, #tpu.memory_space<vmem>>
          %dma_wait3A_1619 = tpu.memref_squeeze %dma_wait3A_1618 : memref<1x128xi32, #tpu.memory_space<vmem>> -> memref<128xi32, #tpu.memory_space<vmem>>
          %dma_wait3A_1620 = arith.constant 0 : i32
          %dma_wait3A_1621 = tpu.memref_slice %arg16[%dma_wait3A_1620] : memref<200192xf32, #tpu.memory_space<vmem_shared>> -> memref<200192xf32, #tpu.memory_space<vmem_shared>>
          tpu.wait_indirect_dma semaphore(%arg20 : memref<!tpu.dma_semaphore, #tpu.memory_space<semaphore_mem>>) src(%dma_wait3A_1616 : memref<128xf32, #tpu.memory_space<vmem>>) dst(%dma_wait3A_1621 : memref<200192xf32, #tpu.memory_space<vmem_shared>>)
          %dma_wait3A_1622 = arith.constant 5 : i32
          %dma_wait3A_1623 = arith.constant 5 : i32
          %dma_wait3A_1624 = arith.constant 0 : i32
          %dma_wait3A_1625 = tpu.memref_slice %arg13[%dma_wait3A_1622, %dma_wait3A_1624] : memref<18x128xf32, #tpu.memory_space<vmem>> -> memref<1x128xf32, #tpu.memory_space<vmem>>
          %dma_wait3A_1626 = tpu.memref_squeeze %dma_wait3A_1625 : memref<1x128xf32, #tpu.memory_space<vmem>> -> memref<128xf32, #tpu.memory_space<vmem>>
          %dma_wait3A_1627 = arith.constant 0 : i32
          %dma_wait3A_1628 = tpu.memref_slice %arg12[%dma_wait3A_1623, %dma_wait3A_1627] : memref<18x128xi32, #tpu.memory_space<vmem>> -> memref<1x128xi32, #tpu.memory_space<vmem>>
          %dma_wait3A_1629 = tpu.memref_squeeze %dma_wait3A_1628 : memref<1x128xi32, #tpu.memory_space<vmem>> -> memref<128xi32, #tpu.memory_space<vmem>>
          %dma_wait3A_1630 = arith.constant 0 : i32
          %dma_wait3A_1631 = tpu.memref_slice %arg16[%dma_wait3A_1630] : memref<200192xf32, #tpu.memory_space<vmem_shared>> -> memref<200192xf32, #tpu.memory_space<vmem_shared>>
          tpu.wait_indirect_dma semaphore(%arg20 : memref<!tpu.dma_semaphore, #tpu.memory_space<semaphore_mem>>) src(%dma_wait3A_1626 : memref<128xf32, #tpu.memory_space<vmem>>) dst(%dma_wait3A_1631 : memref<200192xf32, #tpu.memory_space<vmem_shared>>)
          %dma_wait3A_1632 = arith.constant 6 : i32
          %dma_wait3A_1633 = arith.constant 6 : i32
          %dma_wait3A_1634 = arith.constant 0 : i32
          %dma_wait3A_1635 = tpu.memref_slice %arg13[%dma_wait3A_1632, %dma_wait3A_1634] : memref<18x128xf32, #tpu.memory_space<vmem>> -> memref<1x128xf32, #tpu.memory_space<vmem>>
          %dma_wait3A_1636 = tpu.memref_squeeze %dma_wait3A_1635 : memref<1x128xf32, #tpu.memory_space<vmem>> -> memref<128xf32, #tpu.memory_space<vmem>>
          %dma_wait3A_1637 = arith.constant 0 : i32
          %dma_wait3A_1638 = tpu.memref_slice %arg12[%dma_wait3A_1633, %dma_wait3A_1637] : memref<18x128xi32, #tpu.memory_space<vmem>> -> memref<1x128xi32, #tpu.memory_space<vmem>>
          %dma_wait3A_1639 = tpu.memref_squeeze %dma_wait3A_1638 : memref<1x128xi32, #tpu.memory_space<vmem>> -> memref<128xi32, #tpu.memory_space<vmem>>
          %dma_wait3A_1640 = arith.constant 0 : i32
          %dma_wait3A_1641 = tpu.memref_slice %arg16[%dma_wait3A_1640] : memref<200192xf32, #tpu.memory_space<vmem_shared>> -> memref<200192xf32, #tpu.memory_space<vmem_shared>>
          tpu.wait_indirect_dma semaphore(%arg20 : memref<!tpu.dma_semaphore, #tpu.memory_space<semaphore_mem>>) src(%dma_wait3A_1636 : memref<128xf32, #tpu.memory_space<vmem>>) dst(%dma_wait3A_1641 : memref<200192xf32, #tpu.memory_space<vmem_shared>>)
          %dma_wait3A_1642 = arith.constant 7 : i32
          %dma_wait3A_1643 = arith.constant 7 : i32
          %dma_wait3A_1644 = arith.constant 0 : i32
          %dma_wait3A_1645 = tpu.memref_slice %arg13[%dma_wait3A_1642, %dma_wait3A_1644] : memref<18x128xf32, #tpu.memory_space<vmem>> -> memref<1x128xf32, #tpu.memory_space<vmem>>
          %dma_wait3A_1646 = tpu.memref_squeeze %dma_wait3A_1645 : memref<1x128xf32, #tpu.memory_space<vmem>> -> memref<128xf32, #tpu.memory_space<vmem>>
          %dma_wait3A_1647 = arith.constant 0 : i32
          %dma_wait3A_1648 = tpu.memref_slice %arg12[%dma_wait3A_1643, %dma_wait3A_1647] : memref<18x128xi32, #tpu.memory_space<vmem>> -> memref<1x128xi32, #tpu.memory_space<vmem>>
          %dma_wait3A_1649 = tpu.memref_squeeze %dma_wait3A_1648 : memref<1x128xi32, #tpu.memory_space<vmem>> -> memref<128xi32, #tpu.memory_space<vmem>>
          %dma_wait3A_1650 = arith.constant 0 : i32
          %dma_wait3A_1651 = tpu.memref_slice %arg16[%dma_wait3A_1650] : memref<200192xf32, #tpu.memory_space<vmem_shared>> -> memref<200192xf32, #tpu.memory_space<vmem_shared>>
          tpu.wait_indirect_dma semaphore(%arg20 : memref<!tpu.dma_semaphore, #tpu.memory_space<semaphore_mem>>) src(%dma_wait3A_1646 : memref<128xf32, #tpu.memory_space<vmem>>) dst(%dma_wait3A_1651 : memref<200192xf32, #tpu.memory_space<vmem_shared>>)
          %dma_wait3A_1652 = arith.constant 8 : i32
          %dma_wait3A_1653 = arith.constant 8 : i32
          %dma_wait3A_1654 = arith.constant 0 : i32
          %dma_wait3A_1655 = tpu.memref_slice %arg13[%dma_wait3A_1652, %dma_wait3A_1654] : memref<18x128xf32, #tpu.memory_space<vmem>> -> memref<1x128xf32, #tpu.memory_space<vmem>>
          %dma_wait3A_1656 = tpu.memref_squeeze %dma_wait3A_1655 : memref<1x128xf32, #tpu.memory_space<vmem>> -> memref<128xf32, #tpu.memory_space<vmem>>
          %dma_wait3A_1657 = arith.constant 0 : i32
          %dma_wait3A_1658 = tpu.memref_slice %arg12[%dma_wait3A_1653, %dma_wait3A_1657] : memref<18x128xi32, #tpu.memory_space<vmem>> -> memref<1x128xi32, #tpu.memory_space<vmem>>
          %dma_wait3A_1659 = tpu.memref_squeeze %dma_wait3A_1658 : memref<1x128xi32, #tpu.memory_space<vmem>> -> memref<128xi32, #tpu.memory_space<vmem>>
          %dma_wait3A_1660 = arith.constant 0 : i32
          %dma_wait3A_1661 = tpu.memref_slice %arg16[%dma_wait3A_1660] : memref<200192xf32, #tpu.memory_space<vmem_shared>> -> memref<200192xf32, #tpu.memory_space<vmem_shared>>
          tpu.wait_indirect_dma semaphore(%arg20 : memref<!tpu.dma_semaphore, #tpu.memory_space<semaphore_mem>>) src(%dma_wait3A_1656 : memref<128xf32, #tpu.memory_space<vmem>>) dst(%dma_wait3A_1661 : memref<200192xf32, #tpu.memory_space<vmem_shared>>)
          %dma_wait3A_1662 = arith.constant 9 : i32
          %dma_wait3A_1663 = arith.constant 9 : i32
          %dma_wait3A_1664 = arith.constant 0 : i32
          %dma_wait3A_1665 = tpu.memref_slice %arg13[%dma_wait3A_1662, %dma_wait3A_1664] : memref<18x128xf32, #tpu.memory_space<vmem>> -> memref<1x128xf32, #tpu.memory_space<vmem>>
          %dma_wait3A_1666 = tpu.memref_squeeze %dma_wait3A_1665 : memref<1x128xf32, #tpu.memory_space<vmem>> -> memref<128xf32, #tpu.memory_space<vmem>>
          %dma_wait3A_1667 = arith.constant 0 : i32
          %dma_wait3A_1668 = tpu.memref_slice %arg12[%dma_wait3A_1663, %dma_wait3A_1667] : memref<18x128xi32, #tpu.memory_space<vmem>> -> memref<1x128xi32, #tpu.memory_space<vmem>>
          %dma_wait3A_1669 = tpu.memref_squeeze %dma_wait3A_1668 : memref<1x128xi32, #tpu.memory_space<vmem>> -> memref<128xi32, #tpu.memory_space<vmem>>
          %dma_wait3A_1670 = arith.constant 0 : i32
          %dma_wait3A_1671 = tpu.memref_slice %arg16[%dma_wait3A_1670] : memref<200192xf32, #tpu.memory_space<vmem_shared>> -> memref<200192xf32, #tpu.memory_space<vmem_shared>>
          tpu.wait_indirect_dma semaphore(%arg20 : memref<!tpu.dma_semaphore, #tpu.memory_space<semaphore_mem>>) src(%dma_wait3A_1666 : memref<128xf32, #tpu.memory_space<vmem>>) dst(%dma_wait3A_1671 : memref<200192xf32, #tpu.memory_space<vmem_shared>>)
          %dma_wait3A_1672 = arith.constant 10 : i32
          %dma_wait3A_1673 = arith.constant 10 : i32
          %dma_wait3A_1674 = arith.constant 0 : i32
          %dma_wait3A_1675 = tpu.memref_slice %arg13[%dma_wait3A_1672, %dma_wait3A_1674] : memref<18x128xf32, #tpu.memory_space<vmem>> -> memref<1x128xf32, #tpu.memory_space<vmem>>
          %dma_wait3A_1676 = tpu.memref_squeeze %dma_wait3A_1675 : memref<1x128xf32, #tpu.memory_space<vmem>> -> memref<128xf32, #tpu.memory_space<vmem>>
          %dma_wait3A_1677 = arith.constant 0 : i32
          %dma_wait3A_1678 = tpu.memref_slice %arg12[%dma_wait3A_1673, %dma_wait3A_1677] : memref<18x128xi32, #tpu.memory_space<vmem>> -> memref<1x128xi32, #tpu.memory_space<vmem>>
          %dma_wait3A_1679 = tpu.memref_squeeze %dma_wait3A_1678 : memref<1x128xi32, #tpu.memory_space<vmem>> -> memref<128xi32, #tpu.memory_space<vmem>>
          %dma_wait3A_1680 = arith.constant 0 : i32
          %dma_wait3A_1681 = tpu.memref_slice %arg16[%dma_wait3A_1680] : memref<200192xf32, #tpu.memory_space<vmem_shared>> -> memref<200192xf32, #tpu.memory_space<vmem_shared>>
          tpu.wait_indirect_dma semaphore(%arg20 : memref<!tpu.dma_semaphore, #tpu.memory_space<semaphore_mem>>) src(%dma_wait3A_1676 : memref<128xf32, #tpu.memory_space<vmem>>) dst(%dma_wait3A_1681 : memref<200192xf32, #tpu.memory_space<vmem_shared>>)
          %dma_wait3A_1682 = arith.constant 11 : i32
          %dma_wait3A_1683 = arith.constant 11 : i32
          %dma_wait3A_1684 = arith.constant 0 : i32
          %dma_wait3A_1685 = tpu.memref_slice %arg13[%dma_wait3A_1682, %dma_wait3A_1684] : memref<18x128xf32, #tpu.memory_space<vmem>> -> memref<1x128xf32, #tpu.memory_space<vmem>>
          %dma_wait3A_1686 = tpu.memref_squeeze %dma_wait3A_1685 : memref<1x128xf32, #tpu.memory_space<vmem>> -> memref<128xf32, #tpu.memory_space<vmem>>
          %dma_wait3A_1687 = arith.constant 0 : i32
          %dma_wait3A_1688 = tpu.memref_slice %arg12[%dma_wait3A_1683, %dma_wait3A_1687] : memref<18x128xi32, #tpu.memory_space<vmem>> -> memref<1x128xi32, #tpu.memory_space<vmem>>
          %dma_wait3A_1689 = tpu.memref_squeeze %dma_wait3A_1688 : memref<1x128xi32, #tpu.memory_space<vmem>> -> memref<128xi32, #tpu.memory_space<vmem>>
          %dma_wait3A_1690 = arith.constant 0 : i32
          %dma_wait3A_1691 = tpu.memref_slice %arg16[%dma_wait3A_1690] : memref<200192xf32, #tpu.memory_space<vmem_shared>> -> memref<200192xf32, #tpu.memory_space<vmem_shared>>
          tpu.wait_indirect_dma semaphore(%arg20 : memref<!tpu.dma_semaphore, #tpu.memory_space<semaphore_mem>>) src(%dma_wait3A_1686 : memref<128xf32, #tpu.memory_space<vmem>>) dst(%dma_wait3A_1691 : memref<200192xf32, #tpu.memory_space<vmem_shared>>)
          %dma_wait3A_1692 = arith.constant 12 : i32
          %dma_wait3A_1693 = arith.constant 12 : i32
          %dma_wait3A_1694 = arith.constant 0 : i32
          %dma_wait3A_1695 = tpu.memref_slice %arg13[%dma_wait3A_1692, %dma_wait3A_1694] : memref<18x128xf32, #tpu.memory_space<vmem>> -> memref<1x128xf32, #tpu.memory_space<vmem>>
          %dma_wait3A_1696 = tpu.memref_squeeze %dma_wait3A_1695 : memref<1x128xf32, #tpu.memory_space<vmem>> -> memref<128xf32, #tpu.memory_space<vmem>>
          %dma_wait3A_1697 = arith.constant 0 : i32
          %dma_wait3A_1698 = tpu.memref_slice %arg12[%dma_wait3A_1693, %dma_wait3A_1697] : memref<18x128xi32, #tpu.memory_space<vmem>> -> memref<1x128xi32, #tpu.memory_space<vmem>>
          %dma_wait3A_1699 = tpu.memref_squeeze %dma_wait3A_1698 : memref<1x128xi32, #tpu.memory_space<vmem>> -> memref<128xi32, #tpu.memory_space<vmem>>
          %dma_wait3A_1700 = arith.constant 0 : i32
          %dma_wait3A_1701 = tpu.memref_slice %arg16[%dma_wait3A_1700] : memref<200192xf32, #tpu.memory_space<vmem_shared>> -> memref<200192xf32, #tpu.memory_space<vmem_shared>>
          tpu.wait_indirect_dma semaphore(%arg20 : memref<!tpu.dma_semaphore, #tpu.memory_space<semaphore_mem>>) src(%dma_wait3A_1696 : memref<128xf32, #tpu.memory_space<vmem>>) dst(%dma_wait3A_1701 : memref<200192xf32, #tpu.memory_space<vmem_shared>>)
          %dma_wait3A_1702 = arith.constant 13 : i32
          %dma_wait3A_1703 = arith.constant 13 : i32
          %dma_wait3A_1704 = arith.constant 0 : i32
          %dma_wait3A_1705 = tpu.memref_slice %arg13[%dma_wait3A_1702, %dma_wait3A_1704] : memref<18x128xf32, #tpu.memory_space<vmem>> -> memref<1x128xf32, #tpu.memory_space<vmem>>
          %dma_wait3A_1706 = tpu.memref_squeeze %dma_wait3A_1705 : memref<1x128xf32, #tpu.memory_space<vmem>> -> memref<128xf32, #tpu.memory_space<vmem>>
          %dma_wait3A_1707 = arith.constant 0 : i32
          %dma_wait3A_1708 = tpu.memref_slice %arg12[%dma_wait3A_1703, %dma_wait3A_1707] : memref<18x128xi32, #tpu.memory_space<vmem>> -> memref<1x128xi32, #tpu.memory_space<vmem>>
          %dma_wait3A_1709 = tpu.memref_squeeze %dma_wait3A_1708 : memref<1x128xi32, #tpu.memory_space<vmem>> -> memref<128xi32, #tpu.memory_space<vmem>>
          %dma_wait3A_1710 = arith.constant 0 : i32
          %dma_wait3A_1711 = tpu.memref_slice %arg16[%dma_wait3A_1710] : memref<200192xf32, #tpu.memory_space<vmem_shared>> -> memref<200192xf32, #tpu.memory_space<vmem_shared>>
          tpu.wait_indirect_dma semaphore(%arg20 : memref<!tpu.dma_semaphore, #tpu.memory_space<semaphore_mem>>) src(%dma_wait3A_1706 : memref<128xf32, #tpu.memory_space<vmem>>) dst(%dma_wait3A_1711 : memref<200192xf32, #tpu.memory_space<vmem_shared>>)
          %dma_wait3A_1712 = arith.constant 14 : i32
          %dma_wait3A_1713 = arith.constant 14 : i32
          %dma_wait3A_1714 = arith.constant 0 : i32
          %dma_wait3A_1715 = tpu.memref_slice %arg13[%dma_wait3A_1712, %dma_wait3A_1714] : memref<18x128xf32, #tpu.memory_space<vmem>> -> memref<1x128xf32, #tpu.memory_space<vmem>>
          %dma_wait3A_1716 = tpu.memref_squeeze %dma_wait3A_1715 : memref<1x128xf32, #tpu.memory_space<vmem>> -> memref<128xf32, #tpu.memory_space<vmem>>
          %dma_wait3A_1717 = arith.constant 0 : i32
          %dma_wait3A_1718 = tpu.memref_slice %arg12[%dma_wait3A_1713, %dma_wait3A_1717] : memref<18x128xi32, #tpu.memory_space<vmem>> -> memref<1x128xi32, #tpu.memory_space<vmem>>
          %dma_wait3A_1719 = tpu.memref_squeeze %dma_wait3A_1718 : memref<1x128xi32, #tpu.memory_space<vmem>> -> memref<128xi32, #tpu.memory_space<vmem>>
          %dma_wait3A_1720 = arith.constant 0 : i32
          %dma_wait3A_1721 = tpu.memref_slice %arg16[%dma_wait3A_1720] : memref<200192xf32, #tpu.memory_space<vmem_shared>> -> memref<200192xf32, #tpu.memory_space<vmem_shared>>
          tpu.wait_indirect_dma semaphore(%arg20 : memref<!tpu.dma_semaphore, #tpu.memory_space<semaphore_mem>>) src(%dma_wait3A_1716 : memref<128xf32, #tpu.memory_space<vmem>>) dst(%dma_wait3A_1721 : memref<200192xf32, #tpu.memory_space<vmem_shared>>)
          %dma_wait3A_1722 = arith.constant 15 : i32
          %dma_wait3A_1723 = arith.constant 15 : i32
          %dma_wait3A_1724 = arith.constant 0 : i32
          %dma_wait3A_1725 = tpu.memref_slice %arg13[%dma_wait3A_1722, %dma_wait3A_1724] : memref<18x128xf32, #tpu.memory_space<vmem>> -> memref<1x128xf32, #tpu.memory_space<vmem>>
          %dma_wait3A_1726 = tpu.memref_squeeze %dma_wait3A_1725 : memref<1x128xf32, #tpu.memory_space<vmem>> -> memref<128xf32, #tpu.memory_space<vmem>>
          %dma_wait3A_1727 = arith.constant 0 : i32
          %dma_wait3A_1728 = tpu.memref_slice %arg12[%dma_wait3A_1723, %dma_wait3A_1727] : memref<18x128xi32, #tpu.memory_space<vmem>> -> memref<1x128xi32, #tpu.memory_space<vmem>>
          %dma_wait3A_1729 = tpu.memref_squeeze %dma_wait3A_1728 : memref<1x128xi32, #tpu.memory_space<vmem>> -> memref<128xi32, #tpu.memory_space<vmem>>
          %dma_wait3A_1730 = arith.constant 0 : i32
          %dma_wait3A_1731 = tpu.memref_slice %arg16[%dma_wait3A_1730] : memref<200192xf32, #tpu.memory_space<vmem_shared>> -> memref<200192xf32, #tpu.memory_space<vmem_shared>>
          tpu.wait_indirect_dma semaphore(%arg20 : memref<!tpu.dma_semaphore, #tpu.memory_space<semaphore_mem>>) src(%dma_wait3A_1726 : memref<128xf32, #tpu.memory_space<vmem>>) dst(%dma_wait3A_1731 : memref<200192xf32, #tpu.memory_space<vmem_shared>>)
          %dma_wait3A_1732 = arith.constant 16 : i32
          %dma_wait3A_1733 = arith.constant 16 : i32
          %dma_wait3A_1734 = arith.constant 0 : i32
          %dma_wait3A_1735 = tpu.memref_slice %arg13[%dma_wait3A_1732, %dma_wait3A_1734] : memref<18x128xf32, #tpu.memory_space<vmem>> -> memref<1x128xf32, #tpu.memory_space<vmem>>
          %dma_wait3A_1736 = tpu.memref_squeeze %dma_wait3A_1735 : memref<1x128xf32, #tpu.memory_space<vmem>> -> memref<128xf32, #tpu.memory_space<vmem>>
          %dma_wait3A_1737 = arith.constant 0 : i32
          %dma_wait3A_1738 = tpu.memref_slice %arg12[%dma_wait3A_1733, %dma_wait3A_1737] : memref<18x128xi32, #tpu.memory_space<vmem>> -> memref<1x128xi32, #tpu.memory_space<vmem>>
          %dma_wait3A_1739 = tpu.memref_squeeze %dma_wait3A_1738 : memref<1x128xi32, #tpu.memory_space<vmem>> -> memref<128xi32, #tpu.memory_space<vmem>>
          %dma_wait3A_1740 = arith.constant 0 : i32
          %dma_wait3A_1741 = tpu.memref_slice %arg16[%dma_wait3A_1740] : memref<200192xf32, #tpu.memory_space<vmem_shared>> -> memref<200192xf32, #tpu.memory_space<vmem_shared>>
          tpu.wait_indirect_dma semaphore(%arg20 : memref<!tpu.dma_semaphore, #tpu.memory_space<semaphore_mem>>) src(%dma_wait3A_1736 : memref<128xf32, #tpu.memory_space<vmem>>) dst(%dma_wait3A_1741 : memref<200192xf32, #tpu.memory_space<vmem_shared>>)
          %dma_wait3A_1742 = arith.constant 17 : i32
          %dma_wait3A_1743 = arith.constant 17 : i32
          %dma_wait3A_1744 = arith.constant 0 : i32
          %dma_wait3A_1745 = tpu.memref_slice %arg13[%dma_wait3A_1742, %dma_wait3A_1744] : memref<18x128xf32, #tpu.memory_space<vmem>> -> memref<1x128xf32, #tpu.memory_space<vmem>>
          %dma_wait3A_1746 = tpu.memref_squeeze %dma_wait3A_1745 : memref<1x128xf32, #tpu.memory_space<vmem>> -> memref<128xf32, #tpu.memory_space<vmem>>
          %dma_wait3A_1747 = arith.constant 0 : i32
          %dma_wait3A_1748 = tpu.memref_slice %arg12[%dma_wait3A_1743, %dma_wait3A_1747] : memref<18x128xi32, #tpu.memory_space<vmem>> -> memref<1x128xi32, #tpu.memory_space<vmem>>
          %dma_wait3A_1749 = tpu.memref_squeeze %dma_wait3A_1748 : memref<1x128xi32, #tpu.memory_space<vmem>> -> memref<128xi32, #tpu.memory_space<vmem>>
          %dma_wait3A_1750 = arith.constant 0 : i32
          %dma_wait3A_1751 = tpu.memref_slice %arg16[%dma_wait3A_1750] : memref<200192xf32, #tpu.memory_space<vmem_shared>> -> memref<200192xf32, #tpu.memory_space<vmem_shared>>
          tpu.wait_indirect_dma semaphore(%arg20 : memref<!tpu.dma_semaphore, #tpu.memory_space<semaphore_mem>>) src(%dma_wait3A_1746 : memref<128xf32, #tpu.memory_space<vmem>>) dst(%dma_wait3A_1751 : memref<200192xf32, #tpu.memory_space<vmem_shared>>)
        } else {
        }
        %scan3A_936 = arith.constant 0 : i32
        %scan3A_937 = arith.constant 48 : i32
        %scan3A_938 = arith.addi %scan3A_936, %scan3A_937 : i32
        %scan3A_939 = arith.constant 1 : i32
        scf.for %scan3A_1572 = %scan3A_936 to %scan3A_938 step %scan3A_939  : i32 {
          %mul3A_1573 = arith.constant 1 : i32
          %mul3A_1574 = arith.muli %scan3A_1572, %mul3A_1573 : i32
          %add3A_1575 = arith.constant 0 : i32
          %add3A_1576 = arith.addi %add3A_1575, %mul3A_1574 : i32
          %mul3A_1577 = arith.constant 16 : i32
          %mul3A_1578 = arith.muli %add3A_1576, %mul3A_1577 : i32
          %add3A_1579 = arith.constant 0 : i32
          %add3A_1580 = arith.addi %add3A_1579, %mul3A_1578 : i32
          %get3A = arith.index_cast %add3A_1580 : i32 to index
          %get3A_1581 = tpu.vector_load %arg8[%get3A] {strides = array<i32>} : memref<2304xi32, #tpu.memory_space<vmem>>, vector<16xi32>,
          %shift_right_logical3A = arith.constant 1 : i32
          %shift_right_logical3A_1582 = vector.broadcast %shift_right_logical3A : i32 to vector<16xi32>
          %shift_right_logical3A_1583 = arith.shrui %get3A_1581, %shift_right_logical3A_1582 : vector<16xi32>
          %gather3A_1584 = tpu.vector_load_idx %arg7[%shift_right_logical3A_1583] : memref<100000xf32, #tpu.memory_space<vmem>>[vector<16xi32>], vector<16xf32>,
          %rem3A_1585 = arith.constant 2 : i32
          %rem3A_1586 = vector.broadcast %rem3A_1585 : i32 to vector<16xi32>
          %rem3A_1587 = arith.remsi %get3A_1581, %rem3A_1586 : vector<16xi32>
          %eq3A_1588 = arith.constant 0 : i32
          %eq3A_1589 = vector.broadcast %eq3A_1588 : i32 to vector<16xi32>
          %eq3A_1590 = arith.cmpi eq, %rem3A_1587, %eq3A_1589 : vector<16xi32>
          %sub3A_1591 = arith.constant 1.000000e+00 : f32
          %sub3A_1592 = vector.broadcast %sub3A_1591 : f32 to vector<16xf32>
          %sub3A_1593 = arith.subf %sub3A_1592, %gather3A_1584 : vector<16xf32>
          %select_n3A_1594 = arith.select %eq3A_1590, %gather3A_1584, %sub3A_1593 : vector<16xi1>, vector<16xf32>
          %mul3A_1595 = arith.constant 16 : i32
          %mul3A_1596 = arith.muli %add3A_1576, %mul3A_1595 : i32
          %add3A_1597 = arith.constant 768 : i32
          %add3A_1598 = arith.addi %add3A_1597, %mul3A_1596 : i32
          %get3A_1599 = arith.index_cast %add3A_1598 : i32 to index
          %get3A_1600 = tpu.vector_load %arg8[%get3A_1599] {strides = array<i32>} : memref<2304xi32, #tpu.memory_space<vmem>>, vector<16xi32>,
          %shift_right_logical3A_1601 = arith.constant 1 : i32
          %shift_right_logical3A_1602 = vector.broadcast %shift_right_logical3A_1601 : i32 to vector<16xi32>
          %shift_right_logical3A_1603 = arith.shrui %get3A_1600, %shift_right_logical3A_1602 : vector<16xi32>
          %gather3A_1604 = tpu.vector_load_idx %arg7[%shift_right_logical3A_1603] : memref<100000xf32, #tpu.memory_space<vmem>>[vector<16xi32>], vector<16xf32>,
          %rem3A_1605 = arith.constant 2 : i32
          %rem3A_1606 = vector.broadcast %rem3A_1605 : i32 to vector<16xi32>
          %rem3A_1607 = arith.remsi %get3A_1600, %rem3A_1606 : vector<16xi32>
          %eq3A_1608 = arith.constant 0 : i32
          %eq3A_1609 = vector.broadcast %eq3A_1608 : i32 to vector<16xi32>
          %eq3A_1610 = arith.cmpi eq, %rem3A_1607, %eq3A_1609 : vector<16xi32>
          %sub3A_1611 = arith.constant 1.000000e+00 : f32
          %sub3A_1612 = vector.broadcast %sub3A_1611 : f32 to vector<16xf32>
          %sub3A_1613 = arith.subf %sub3A_1612, %gather3A_1604 : vector<16xf32>
          %select_n3A_1614 = arith.select %eq3A_1610, %gather3A_1604, %sub3A_1613 : vector<16xi1>, vector<16xf32>
          %mul3A_1615 = arith.constant 16 : i32
          %mul3A_1616 = arith.muli %add3A_1576, %mul3A_1615 : i32
          %add3A_1617 = arith.constant 1536 : i32
          %add3A_1618 = arith.addi %add3A_1617, %mul3A_1616 : i32
          %get3A_1619 = arith.index_cast %add3A_1618 : i32 to index
          %get3A_1620 = tpu.vector_load %arg8[%get3A_1619] {strides = array<i32>} : memref<2304xi32, #tpu.memory_space<vmem>>, vector<16xi32>,
          %shift_right_logical3A_1621 = arith.constant 1 : i32
          %shift_right_logical3A_1622 = vector.broadcast %shift_right_logical3A_1621 : i32 to vector<16xi32>
          %shift_right_logical3A_1623 = arith.shrui %get3A_1620, %shift_right_logical3A_1622 : vector<16xi32>
          %gather3A_1624 = tpu.vector_load_idx %arg7[%shift_right_logical3A_1623] : memref<100000xf32, #tpu.memory_space<vmem>>[vector<16xi32>], vector<16xf32>,
          %rem3A_1625 = arith.constant 2 : i32
          %rem3A_1626 = vector.broadcast %rem3A_1625 : i32 to vector<16xi32>
          %rem3A_1627 = arith.remsi %get3A_1620, %rem3A_1626 : vector<16xi32>
          %eq3A_1628 = arith.constant 0 : i32
          %eq3A_1629 = vector.broadcast %eq3A_1628 : i32 to vector<16xi32>
          %eq3A_1630 = arith.cmpi eq, %rem3A_1627, %eq3A_1629 : vector<16xi32>
          %sub3A_1631 = arith.constant 1.000000e+00 : f32
          %sub3A_1632 = vector.broadcast %sub3A_1631 : f32 to vector<16xf32>
          %sub3A_1633 = arith.subf %sub3A_1632, %gather3A_1624 : vector<16xf32>
          %select_n3A_1634 = arith.select %eq3A_1630, %gather3A_1624, %sub3A_1633 : vector<16xi1>, vector<16xf32>
          %max3A = arith.maximumf %select_n3A_1594, %select_n3A_1614 : vector<16xf32>
          %max3A_1635 = arith.maximumf %max3A, %select_n3A_1634 : vector<16xf32>
          %sub3A_1636 = arith.constant 1.000000e+00 : f32
          %sub3A_1637 = vector.broadcast %sub3A_1636 : f32 to vector<16xf32>
          %sub3A_1638 = arith.subf %sub3A_1637, %max3A_1635 : vector<16xf32>
          %mul3A_1639 = arith.constant 16 : i32
          %mul3A_1640 = arith.muli %add3A_1576, %mul3A_1639 : i32
          %add3A_1641 = arith.constant 0 : i32
          %add3A_1642 = arith.addi %add3A_1641, %mul3A_1640 : i32
          %get3A_1643 = arith.index_cast %add3A_1642 : i32 to index
          %get3A_1644 = tpu.vector_load %arg10[%get3A_1643] {strides = array<i32>} : memref<2304xf32, #tpu.memory_space<vmem>>, vector<16xf32>,
          %mul3A_1645 = arith.constant 16 : i32
          %mul3A_1646 = arith.muli %add3A_1576, %mul3A_1645 : i32
          %add3A_1647 = arith.constant 0 : i32
          %add3A_1648 = arith.addi %add3A_1647, %mul3A_1646 : i32
          %shift_right_logical3A_1649 = arith.constant 7 : i32
          %shift_right_logical3A_1650 = arith.shrui %add3A_1648, %shift_right_logical3A_1649 : i32
          %rem3A_1651 = arith.constant 128 : i32
          %rem3A_1652 = arith.remsi %add3A_1648, %rem3A_1651 : i32
          %mul3A_1653 = arith.mulf %sub3A_1638, %get3A_1644 : vector<16xf32>
          %swap3A_1654 = arith.index_cast %shift_right_logical3A_1650 : i32 to index
          %swap3A_1655 = arith.index_cast %rem3A_1652 : i32 to index
          %swap3A_1656 = tpu.vector_load %arg13[%swap3A_1654, %swap3A_1655] {strides = array<i32>} : memref<18x128xf32, #tpu.memory_space<vmem>>, vector<16xf32>,
          tpu.vector_store %arg13[%swap3A_1654, %swap3A_1655], %mul3A_1653 {strides = array<i32>} : memref<18x128xf32, #tpu.memory_space<vmem>>, vector<16xf32>,
          %add3A_1657 = vector.broadcast %mul3A_20 : i32 to vector<16xi32>
          %add3A_1658 = arith.addi %shift_right_logical3A_1583, %add3A_1657 : vector<16xi32>
          %swap3A_1659 = arith.index_cast %shift_right_logical3A_1650 : i32 to index
          %swap3A_1660 = arith.index_cast %rem3A_1652 : i32 to index
          %swap3A_1661 = tpu.vector_load %arg12[%swap3A_1659, %swap3A_1660] {strides = array<i32>} : memref<18x128xi32, #tpu.memory_space<vmem>>, vector<16xi32>,
          tpu.vector_store %arg12[%swap3A_1659, %swap3A_1660], %add3A_1658 {strides = array<i32>} : memref<18x128xi32, #tpu.memory_space<vmem>>, vector<16xi32>,
          %mul3A_1662 = arith.constant 16 : i32
          %mul3A_1663 = arith.muli %add3A_1576, %mul3A_1662 : i32
          %add3A_1664 = arith.constant 768 : i32
          %add3A_1665 = arith.addi %add3A_1664, %mul3A_1663 : i32
          %get3A_1666 = arith.index_cast %add3A_1665 : i32 to index
          %get3A_1667 = tpu.vector_load %arg10[%get3A_1666] {strides = array<i32>} : memref<2304xf32, #tpu.memory_space<vmem>>, vector<16xf32>,
          %mul3A_1668 = arith.constant 16 : i32
          %mul3A_1669 = arith.muli %add3A_1576, %mul3A_1668 : i32
          %add3A_1670 = arith.constant 768 : i32
          %add3A_1671 = arith.addi %add3A_1670, %mul3A_1669 : i32
          %shift_right_logical3A_1672 = arith.constant 7 : i32
          %shift_right_logical3A_1673 = arith.shrui %add3A_1671, %shift_right_logical3A_1672 : i32
          %rem3A_1674 = arith.constant 128 : i32
          %rem3A_1675 = arith.remsi %add3A_1671, %rem3A_1674 : i32
          %mul3A_1676 = arith.mulf %sub3A_1638, %get3A_1667 : vector<16xf32>
          %swap3A_1677 = arith.index_cast %shift_right_logical3A_1673 : i32 to index
          %swap3A_1678 = arith.index_cast %rem3A_1675 : i32 to index
          %swap3A_1679 = tpu.vector_load %arg13[%swap3A_1677, %swap3A_1678] {strides = array<i32>} : memref<18x128xf32, #tpu.memory_space<vmem>>, vector<16xf32>,
          tpu.vector_store %arg13[%swap3A_1677, %swap3A_1678], %mul3A_1676 {strides = array<i32>} : memref<18x128xf32, #tpu.memory_space<vmem>>, vector<16xf32>,
          %add3A_1680 = vector.broadcast %mul3A_20 : i32 to vector<16xi32>
          %add3A_1681 = arith.addi %shift_right_logical3A_1603, %add3A_1680 : vector<16xi32>
          %swap3A_1682 = arith.index_cast %shift_right_logical3A_1673 : i32 to index
          %swap3A_1683 = arith.index_cast %rem3A_1675 : i32 to index
          %swap3A_1684 = tpu.vector_load %arg12[%swap3A_1682, %swap3A_1683] {strides = array<i32>} : memref<18x128xi32, #tpu.memory_space<vmem>>, vector<16xi32>,
          tpu.vector_store %arg12[%swap3A_1682, %swap3A_1683], %add3A_1681 {strides = array<i32>} : memref<18x128xi32, #tpu.memory_space<vmem>>, vector<16xi32>,
          %mul3A_1685 = arith.constant 16 : i32
          %mul3A_1686 = arith.muli %add3A_1576, %mul3A_1685 : i32
          %add3A_1687 = arith.constant 1536 : i32
          %add3A_1688 = arith.addi %add3A_1687, %mul3A_1686 : i32
          %get3A_1689 = arith.index_cast %add3A_1688 : i32 to index
          %get3A_1690 = tpu.vector_load %arg10[%get3A_1689] {strides = array<i32>} : memref<2304xf32, #tpu.memory_space<vmem>>, vector<16xf32>,
          %mul3A_1691 = arith.constant 16 : i32
          %mul3A_1692 = arith.muli %add3A_1576, %mul3A_1691 : i32
          %add3A_1693 = arith.constant 1536 : i32
          %add3A_1694 = arith.addi %add3A_1693, %mul3A_1692 : i32
          %shift_right_logical3A_1695 = arith.constant 7 : i32
          %shift_right_logical3A_1696 = arith.shrui %add3A_1694, %shift_right_logical3A_1695 : i32
          %rem3A_1697 = arith.constant 128 : i32
          %rem3A_1698 = arith.remsi %add3A_1694, %rem3A_1697 : i32
          %mul3A_1699 = arith.mulf %sub3A_1638, %get3A_1690 : vector<16xf32>
          %swap3A_1700 = arith.index_cast %shift_right_logical3A_1696 : i32 to index
          %swap3A_1701 = arith.index_cast %rem3A_1698 : i32 to index
          %swap3A_1702 = tpu.vector_load %arg13[%swap3A_1700, %swap3A_1701] {strides = array<i32>} : memref<18x128xf32, #tpu.memory_space<vmem>>, vector<16xf32>,
          tpu.vector_store %arg13[%swap3A_1700, %swap3A_1701], %mul3A_1699 {strides = array<i32>} : memref<18x128xf32, #tpu.memory_space<vmem>>, vector<16xf32>,
          %add3A_1703 = vector.broadcast %mul3A_20 : i32 to vector<16xi32>
          %add3A_1704 = arith.addi %shift_right_logical3A_1623, %add3A_1703 : vector<16xi32>
          %swap3A_1705 = arith.index_cast %shift_right_logical3A_1696 : i32 to index
          %swap3A_1706 = arith.index_cast %rem3A_1698 : i32 to index
          %swap3A_1707 = tpu.vector_load %arg12[%swap3A_1705, %swap3A_1706] {strides = array<i32>} : memref<18x128xi32, #tpu.memory_space<vmem>>, vector<16xi32>,
          tpu.vector_store %arg12[%swap3A_1705, %swap3A_1706], %add3A_1704 {strides = array<i32>} : memref<18x128xi32, #tpu.memory_space<vmem>>, vector<16xi32>,
        }
        %scan3A_940 = arith.constant 48 : i32
        %dma_start3A_941 = arith.constant 0 : i32
        %dma_start3A_942 = arith.constant 0 : i32
        %dma_start3A_943 = arith.constant 0 : i32
        %dma_start3A_944 = tpu.memref_slice %arg13[%dma_start3A_941, %dma_start3A_943] : memref<18x128xf32, #tpu.memory_space<vmem>> -> memref<1x128xf32, #tpu.memory_space<vmem>>
        %dma_start3A_945 = tpu.memref_squeeze %dma_start3A_944 : memref<1x128xf32, #tpu.memory_space<vmem>> -> memref<128xf32, #tpu.memory_space<vmem>>
        %dma_start3A_946 = arith.constant 0 : i32
        %dma_start3A_947 = tpu.memref_slice %arg12[%dma_start3A_942, %dma_start3A_946] : memref<18x128xi32, #tpu.memory_space<vmem>> -> memref<1x128xi32, #tpu.memory_space<vmem>>
        %dma_start3A_948 = tpu.memref_squeeze %dma_start3A_947 : memref<1x128xi32, #tpu.memory_space<vmem>> -> memref<128xi32, #tpu.memory_space<vmem>>
        %dma_start3A_949 = arith.constant 0 : i32
        %dma_start3A_950 = tpu.memref_slice %arg16[%dma_start3A_949] : memref<200192xf32, #tpu.memory_space<vmem_shared>> -> memref<200192xf32, #tpu.memory_space<vmem_shared>>
        tpu.enqueue_indirect_dma source(%dma_start3A_945 : memref<128xf32, #tpu.memory_space<vmem>>) target(%dma_start3A_950 : memref<200192xf32, #tpu.memory_space<vmem_shared>>) offsets(%dma_start3A_948 : memref<128xi32, #tpu.memory_space<vmem>>) semaphore(%arg20 : memref<!tpu.dma_semaphore, #tpu.memory_space<semaphore_mem>>) {add = true}
        %dma_start3A_951 = arith.constant 1 : i32
        %dma_start3A_952 = arith.constant 1 : i32
        %dma_start3A_953 = arith.constant 0 : i32
        %dma_start3A_954 = tpu.memref_slice %arg13[%dma_start3A_951, %dma_start3A_953] : memref<18x128xf32, #tpu.memory_space<vmem>> -> memref<1x128xf32, #tpu.memory_space<vmem>>
        %dma_start3A_955 = tpu.memref_squeeze %dma_start3A_954 : memref<1x128xf32, #tpu.memory_space<vmem>> -> memref<128xf32, #tpu.memory_space<vmem>>
        %dma_start3A_956 = arith.constant 0 : i32
        %dma_start3A_957 = tpu.memref_slice %arg12[%dma_start3A_952, %dma_start3A_956] : memref<18x128xi32, #tpu.memory_space<vmem>> -> memref<1x128xi32, #tpu.memory_space<vmem>>
        %dma_start3A_958 = tpu.memref_squeeze %dma_start3A_957 : memref<1x128xi32, #tpu.memory_space<vmem>> -> memref<128xi32, #tpu.memory_space<vmem>>
        %dma_start3A_959 = arith.constant 0 : i32
        %dma_start3A_960 = tpu.memref_slice %arg16[%dma_start3A_959] : memref<200192xf32, #tpu.memory_space<vmem_shared>> -> memref<200192xf32, #tpu.memory_space<vmem_shared>>
        tpu.enqueue_indirect_dma source(%dma_start3A_955 : memref<128xf32, #tpu.memory_space<vmem>>) target(%dma_start3A_960 : memref<200192xf32, #tpu.memory_space<vmem_shared>>) offsets(%dma_start3A_958 : memref<128xi32, #tpu.memory_space<vmem>>) semaphore(%arg20 : memref<!tpu.dma_semaphore, #tpu.memory_space<semaphore_mem>>) {add = true}
        %dma_start3A_961 = arith.constant 2 : i32
        %dma_start3A_962 = arith.constant 2 : i32
        %dma_start3A_963 = arith.constant 0 : i32
        %dma_start3A_964 = tpu.memref_slice %arg13[%dma_start3A_961, %dma_start3A_963] : memref<18x128xf32, #tpu.memory_space<vmem>> -> memref<1x128xf32, #tpu.memory_space<vmem>>
        %dma_start3A_965 = tpu.memref_squeeze %dma_start3A_964 : memref<1x128xf32, #tpu.memory_space<vmem>> -> memref<128xf32, #tpu.memory_space<vmem>>
        %dma_start3A_966 = arith.constant 0 : i32
        %dma_start3A_967 = tpu.memref_slice %arg12[%dma_start3A_962, %dma_start3A_966] : memref<18x128xi32, #tpu.memory_space<vmem>> -> memref<1x128xi32, #tpu.memory_space<vmem>>
        %dma_start3A_968 = tpu.memref_squeeze %dma_start3A_967 : memref<1x128xi32, #tpu.memory_space<vmem>> -> memref<128xi32, #tpu.memory_space<vmem>>
        %dma_start3A_969 = arith.constant 0 : i32
        %dma_start3A_970 = tpu.memref_slice %arg16[%dma_start3A_969] : memref<200192xf32, #tpu.memory_space<vmem_shared>> -> memref<200192xf32, #tpu.memory_space<vmem_shared>>
        tpu.enqueue_indirect_dma source(%dma_start3A_965 : memref<128xf32, #tpu.memory_space<vmem>>) target(%dma_start3A_970 : memref<200192xf32, #tpu.memory_space<vmem_shared>>) offsets(%dma_start3A_968 : memref<128xi32, #tpu.memory_space<vmem>>) semaphore(%arg20 : memref<!tpu.dma_semaphore, #tpu.memory_space<semaphore_mem>>) {add = true}
        %dma_start3A_971 = arith.constant 3 : i32
        %dma_start3A_972 = arith.constant 3 : i32
        %dma_start3A_973 = arith.constant 0 : i32
        %dma_start3A_974 = tpu.memref_slice %arg13[%dma_start3A_971, %dma_start3A_973] : memref<18x128xf32, #tpu.memory_space<vmem>> -> memref<1x128xf32, #tpu.memory_space<vmem>>
        %dma_start3A_975 = tpu.memref_squeeze %dma_start3A_974 : memref<1x128xf32, #tpu.memory_space<vmem>> -> memref<128xf32, #tpu.memory_space<vmem>>
        %dma_start3A_976 = arith.constant 0 : i32
        %dma_start3A_977 = tpu.memref_slice %arg12[%dma_start3A_972, %dma_start3A_976] : memref<18x128xi32, #tpu.memory_space<vmem>> -> memref<1x128xi32, #tpu.memory_space<vmem>>
        %dma_start3A_978 = tpu.memref_squeeze %dma_start3A_977 : memref<1x128xi32, #tpu.memory_space<vmem>> -> memref<128xi32, #tpu.memory_space<vmem>>
        %dma_start3A_979 = arith.constant 0 : i32
        %dma_start3A_980 = tpu.memref_slice %arg16[%dma_start3A_979] : memref<200192xf32, #tpu.memory_space<vmem_shared>> -> memref<200192xf32, #tpu.memory_space<vmem_shared>>
        tpu.enqueue_indirect_dma source(%dma_start3A_975 : memref<128xf32, #tpu.memory_space<vmem>>) target(%dma_start3A_980 : memref<200192xf32, #tpu.memory_space<vmem_shared>>) offsets(%dma_start3A_978 : memref<128xi32, #tpu.memory_space<vmem>>) semaphore(%arg20 : memref<!tpu.dma_semaphore, #tpu.memory_space<semaphore_mem>>) {add = true}
        %dma_start3A_981 = arith.constant 4 : i32
        %dma_start3A_982 = arith.constant 4 : i32
        %dma_start3A_983 = arith.constant 0 : i32
        %dma_start3A_984 = tpu.memref_slice %arg13[%dma_start3A_981, %dma_start3A_983] : memref<18x128xf32, #tpu.memory_space<vmem>> -> memref<1x128xf32, #tpu.memory_space<vmem>>
        %dma_start3A_985 = tpu.memref_squeeze %dma_start3A_984 : memref<1x128xf32, #tpu.memory_space<vmem>> -> memref<128xf32, #tpu.memory_space<vmem>>
        %dma_start3A_986 = arith.constant 0 : i32
        %dma_start3A_987 = tpu.memref_slice %arg12[%dma_start3A_982, %dma_start3A_986] : memref<18x128xi32, #tpu.memory_space<vmem>> -> memref<1x128xi32, #tpu.memory_space<vmem>>
        %dma_start3A_988 = tpu.memref_squeeze %dma_start3A_987 : memref<1x128xi32, #tpu.memory_space<vmem>> -> memref<128xi32, #tpu.memory_space<vmem>>
        %dma_start3A_989 = arith.constant 0 : i32
        %dma_start3A_990 = tpu.memref_slice %arg16[%dma_start3A_989] : memref<200192xf32, #tpu.memory_space<vmem_shared>> -> memref<200192xf32, #tpu.memory_space<vmem_shared>>
        tpu.enqueue_indirect_dma source(%dma_start3A_985 : memref<128xf32, #tpu.memory_space<vmem>>) target(%dma_start3A_990 : memref<200192xf32, #tpu.memory_space<vmem_shared>>) offsets(%dma_start3A_988 : memref<128xi32, #tpu.memory_space<vmem>>) semaphore(%arg20 : memref<!tpu.dma_semaphore, #tpu.memory_space<semaphore_mem>>) {add = true}
        %dma_start3A_991 = arith.constant 5 : i32
        %dma_start3A_992 = arith.constant 5 : i32
        %dma_start3A_993 = arith.constant 0 : i32
        %dma_start3A_994 = tpu.memref_slice %arg13[%dma_start3A_991, %dma_start3A_993] : memref<18x128xf32, #tpu.memory_space<vmem>> -> memref<1x128xf32, #tpu.memory_space<vmem>>
        %dma_start3A_995 = tpu.memref_squeeze %dma_start3A_994 : memref<1x128xf32, #tpu.memory_space<vmem>> -> memref<128xf32, #tpu.memory_space<vmem>>
        %dma_start3A_996 = arith.constant 0 : i32
        %dma_start3A_997 = tpu.memref_slice %arg12[%dma_start3A_992, %dma_start3A_996] : memref<18x128xi32, #tpu.memory_space<vmem>> -> memref<1x128xi32, #tpu.memory_space<vmem>>
        %dma_start3A_998 = tpu.memref_squeeze %dma_start3A_997 : memref<1x128xi32, #tpu.memory_space<vmem>> -> memref<128xi32, #tpu.memory_space<vmem>>
        %dma_start3A_999 = arith.constant 0 : i32
        %dma_start3A_1000 = tpu.memref_slice %arg16[%dma_start3A_999] : memref<200192xf32, #tpu.memory_space<vmem_shared>> -> memref<200192xf32, #tpu.memory_space<vmem_shared>>
        tpu.enqueue_indirect_dma source(%dma_start3A_995 : memref<128xf32, #tpu.memory_space<vmem>>) target(%dma_start3A_1000 : memref<200192xf32, #tpu.memory_space<vmem_shared>>) offsets(%dma_start3A_998 : memref<128xi32, #tpu.memory_space<vmem>>) semaphore(%arg20 : memref<!tpu.dma_semaphore, #tpu.memory_space<semaphore_mem>>) {add = true}
        %dma_start3A_1001 = arith.constant 6 : i32
        %dma_start3A_1002 = arith.constant 6 : i32
        %dma_start3A_1003 = arith.constant 0 : i32
        %dma_start3A_1004 = tpu.memref_slice %arg13[%dma_start3A_1001, %dma_start3A_1003] : memref<18x128xf32, #tpu.memory_space<vmem>> -> memref<1x128xf32, #tpu.memory_space<vmem>>
        %dma_start3A_1005 = tpu.memref_squeeze %dma_start3A_1004 : memref<1x128xf32, #tpu.memory_space<vmem>> -> memref<128xf32, #tpu.memory_space<vmem>>
        %dma_start3A_1006 = arith.constant 0 : i32
        %dma_start3A_1007 = tpu.memref_slice %arg12[%dma_start3A_1002, %dma_start3A_1006] : memref<18x128xi32, #tpu.memory_space<vmem>> -> memref<1x128xi32, #tpu.memory_space<vmem>>
        %dma_start3A_1008 = tpu.memref_squeeze %dma_start3A_1007 : memref<1x128xi32, #tpu.memory_space<vmem>> -> memref<128xi32, #tpu.memory_space<vmem>>
        %dma_start3A_1009 = arith.constant 0 : i32
        %dma_start3A_1010 = tpu.memref_slice %arg16[%dma_start3A_1009] : memref<200192xf32, #tpu.memory_space<vmem_shared>> -> memref<200192xf32, #tpu.memory_space<vmem_shared>>
        tpu.enqueue_indirect_dma source(%dma_start3A_1005 : memref<128xf32, #tpu.memory_space<vmem>>) target(%dma_start3A_1010 : memref<200192xf32, #tpu.memory_space<vmem_shared>>) offsets(%dma_start3A_1008 : memref<128xi32, #tpu.memory_space<vmem>>) semaphore(%arg20 : memref<!tpu.dma_semaphore, #tpu.memory_space<semaphore_mem>>) {add = true}
        %dma_start3A_1011 = arith.constant 7 : i32
        %dma_start3A_1012 = arith.constant 7 : i32
        %dma_start3A_1013 = arith.constant 0 : i32
        %dma_start3A_1014 = tpu.memref_slice %arg13[%dma_start3A_1011, %dma_start3A_1013] : memref<18x128xf32, #tpu.memory_space<vmem>> -> memref<1x128xf32, #tpu.memory_space<vmem>>
        %dma_start3A_1015 = tpu.memref_squeeze %dma_start3A_1014 : memref<1x128xf32, #tpu.memory_space<vmem>> -> memref<128xf32, #tpu.memory_space<vmem>>
        %dma_start3A_1016 = arith.constant 0 : i32
        %dma_start3A_1017 = tpu.memref_slice %arg12[%dma_start3A_1012, %dma_start3A_1016] : memref<18x128xi32, #tpu.memory_space<vmem>> -> memref<1x128xi32, #tpu.memory_space<vmem>>
        %dma_start3A_1018 = tpu.memref_squeeze %dma_start3A_1017 : memref<1x128xi32, #tpu.memory_space<vmem>> -> memref<128xi32, #tpu.memory_space<vmem>>
        %dma_start3A_1019 = arith.constant 0 : i32
        %dma_start3A_1020 = tpu.memref_slice %arg16[%dma_start3A_1019] : memref<200192xf32, #tpu.memory_space<vmem_shared>> -> memref<200192xf32, #tpu.memory_space<vmem_shared>>
        tpu.enqueue_indirect_dma source(%dma_start3A_1015 : memref<128xf32, #tpu.memory_space<vmem>>) target(%dma_start3A_1020 : memref<200192xf32, #tpu.memory_space<vmem_shared>>) offsets(%dma_start3A_1018 : memref<128xi32, #tpu.memory_space<vmem>>) semaphore(%arg20 : memref<!tpu.dma_semaphore, #tpu.memory_space<semaphore_mem>>) {add = true}
        %dma_start3A_1021 = arith.constant 8 : i32
        %dma_start3A_1022 = arith.constant 8 : i32
        %dma_start3A_1023 = arith.constant 0 : i32
        %dma_start3A_1024 = tpu.memref_slice %arg13[%dma_start3A_1021, %dma_start3A_1023] : memref<18x128xf32, #tpu.memory_space<vmem>> -> memref<1x128xf32, #tpu.memory_space<vmem>>
        %dma_start3A_1025 = tpu.memref_squeeze %dma_start3A_1024 : memref<1x128xf32, #tpu.memory_space<vmem>> -> memref<128xf32, #tpu.memory_space<vmem>>
        %dma_start3A_1026 = arith.constant 0 : i32
        %dma_start3A_1027 = tpu.memref_slice %arg12[%dma_start3A_1022, %dma_start3A_1026] : memref<18x128xi32, #tpu.memory_space<vmem>> -> memref<1x128xi32, #tpu.memory_space<vmem>>
        %dma_start3A_1028 = tpu.memref_squeeze %dma_start3A_1027 : memref<1x128xi32, #tpu.memory_space<vmem>> -> memref<128xi32, #tpu.memory_space<vmem>>
        %dma_start3A_1029 = arith.constant 0 : i32
        %dma_start3A_1030 = tpu.memref_slice %arg16[%dma_start3A_1029] : memref<200192xf32, #tpu.memory_space<vmem_shared>> -> memref<200192xf32, #tpu.memory_space<vmem_shared>>
        tpu.enqueue_indirect_dma source(%dma_start3A_1025 : memref<128xf32, #tpu.memory_space<vmem>>) target(%dma_start3A_1030 : memref<200192xf32, #tpu.memory_space<vmem_shared>>) offsets(%dma_start3A_1028 : memref<128xi32, #tpu.memory_space<vmem>>) semaphore(%arg20 : memref<!tpu.dma_semaphore, #tpu.memory_space<semaphore_mem>>) {add = true}
        %dma_start3A_1031 = arith.constant 9 : i32
        %dma_start3A_1032 = arith.constant 9 : i32
        %dma_start3A_1033 = arith.constant 0 : i32
        %dma_start3A_1034 = tpu.memref_slice %arg13[%dma_start3A_1031, %dma_start3A_1033] : memref<18x128xf32, #tpu.memory_space<vmem>> -> memref<1x128xf32, #tpu.memory_space<vmem>>
        %dma_start3A_1035 = tpu.memref_squeeze %dma_start3A_1034 : memref<1x128xf32, #tpu.memory_space<vmem>> -> memref<128xf32, #tpu.memory_space<vmem>>
        %dma_start3A_1036 = arith.constant 0 : i32
        %dma_start3A_1037 = tpu.memref_slice %arg12[%dma_start3A_1032, %dma_start3A_1036] : memref<18x128xi32, #tpu.memory_space<vmem>> -> memref<1x128xi32, #tpu.memory_space<vmem>>
        %dma_start3A_1038 = tpu.memref_squeeze %dma_start3A_1037 : memref<1x128xi32, #tpu.memory_space<vmem>> -> memref<128xi32, #tpu.memory_space<vmem>>
        %dma_start3A_1039 = arith.constant 0 : i32
        %dma_start3A_1040 = tpu.memref_slice %arg16[%dma_start3A_1039] : memref<200192xf32, #tpu.memory_space<vmem_shared>> -> memref<200192xf32, #tpu.memory_space<vmem_shared>>
        tpu.enqueue_indirect_dma source(%dma_start3A_1035 : memref<128xf32, #tpu.memory_space<vmem>>) target(%dma_start3A_1040 : memref<200192xf32, #tpu.memory_space<vmem_shared>>) offsets(%dma_start3A_1038 : memref<128xi32, #tpu.memory_space<vmem>>) semaphore(%arg20 : memref<!tpu.dma_semaphore, #tpu.memory_space<semaphore_mem>>) {add = true}
        %dma_start3A_1041 = arith.constant 10 : i32
        %dma_start3A_1042 = arith.constant 10 : i32
        %dma_start3A_1043 = arith.constant 0 : i32
        %dma_start3A_1044 = tpu.memref_slice %arg13[%dma_start3A_1041, %dma_start3A_1043] : memref<18x128xf32, #tpu.memory_space<vmem>> -> memref<1x128xf32, #tpu.memory_space<vmem>>
        %dma_start3A_1045 = tpu.memref_squeeze %dma_start3A_1044 : memref<1x128xf32, #tpu.memory_space<vmem>> -> memref<128xf32, #tpu.memory_space<vmem>>
        %dma_start3A_1046 = arith.constant 0 : i32
        %dma_start3A_1047 = tpu.memref_slice %arg12[%dma_start3A_1042, %dma_start3A_1046] : memref<18x128xi32, #tpu.memory_space<vmem>> -> memref<1x128xi32, #tpu.memory_space<vmem>>
        %dma_start3A_1048 = tpu.memref_squeeze %dma_start3A_1047 : memref<1x128xi32, #tpu.memory_space<vmem>> -> memref<128xi32, #tpu.memory_space<vmem>>
        %dma_start3A_1049 = arith.constant 0 : i32
        %dma_start3A_1050 = tpu.memref_slice %arg16[%dma_start3A_1049] : memref<200192xf32, #tpu.memory_space<vmem_shared>> -> memref<200192xf32, #tpu.memory_space<vmem_shared>>
        tpu.enqueue_indirect_dma source(%dma_start3A_1045 : memref<128xf32, #tpu.memory_space<vmem>>) target(%dma_start3A_1050 : memref<200192xf32, #tpu.memory_space<vmem_shared>>) offsets(%dma_start3A_1048 : memref<128xi32, #tpu.memory_space<vmem>>) semaphore(%arg20 : memref<!tpu.dma_semaphore, #tpu.memory_space<semaphore_mem>>) {add = true}
        %dma_start3A_1051 = arith.constant 11 : i32
        %dma_start3A_1052 = arith.constant 11 : i32
        %dma_start3A_1053 = arith.constant 0 : i32
        %dma_start3A_1054 = tpu.memref_slice %arg13[%dma_start3A_1051, %dma_start3A_1053] : memref<18x128xf32, #tpu.memory_space<vmem>> -> memref<1x128xf32, #tpu.memory_space<vmem>>
        %dma_start3A_1055 = tpu.memref_squeeze %dma_start3A_1054 : memref<1x128xf32, #tpu.memory_space<vmem>> -> memref<128xf32, #tpu.memory_space<vmem>>
        %dma_start3A_1056 = arith.constant 0 : i32
        %dma_start3A_1057 = tpu.memref_slice %arg12[%dma_start3A_1052, %dma_start3A_1056] : memref<18x128xi32, #tpu.memory_space<vmem>> -> memref<1x128xi32, #tpu.memory_space<vmem>>
        %dma_start3A_1058 = tpu.memref_squeeze %dma_start3A_1057 : memref<1x128xi32, #tpu.memory_space<vmem>> -> memref<128xi32, #tpu.memory_space<vmem>>
        %dma_start3A_1059 = arith.constant 0 : i32
        %dma_start3A_1060 = tpu.memref_slice %arg16[%dma_start3A_1059] : memref<200192xf32, #tpu.memory_space<vmem_shared>> -> memref<200192xf32, #tpu.memory_space<vmem_shared>>
        tpu.enqueue_indirect_dma source(%dma_start3A_1055 : memref<128xf32, #tpu.memory_space<vmem>>) target(%dma_start3A_1060 : memref<200192xf32, #tpu.memory_space<vmem_shared>>) offsets(%dma_start3A_1058 : memref<128xi32, #tpu.memory_space<vmem>>) semaphore(%arg20 : memref<!tpu.dma_semaphore, #tpu.memory_space<semaphore_mem>>) {add = true}
        %dma_start3A_1061 = arith.constant 12 : i32
        %dma_start3A_1062 = arith.constant 12 : i32
        %dma_start3A_1063 = arith.constant 0 : i32
        %dma_start3A_1064 = tpu.memref_slice %arg13[%dma_start3A_1061, %dma_start3A_1063] : memref<18x128xf32, #tpu.memory_space<vmem>> -> memref<1x128xf32, #tpu.memory_space<vmem>>
        %dma_start3A_1065 = tpu.memref_squeeze %dma_start3A_1064 : memref<1x128xf32, #tpu.memory_space<vmem>> -> memref<128xf32, #tpu.memory_space<vmem>>
        %dma_start3A_1066 = arith.constant 0 : i32
        %dma_start3A_1067 = tpu.memref_slice %arg12[%dma_start3A_1062, %dma_start3A_1066] : memref<18x128xi32, #tpu.memory_space<vmem>> -> memref<1x128xi32, #tpu.memory_space<vmem>>
        %dma_start3A_1068 = tpu.memref_squeeze %dma_start3A_1067 : memref<1x128xi32, #tpu.memory_space<vmem>> -> memref<128xi32, #tpu.memory_space<vmem>>
        %dma_start3A_1069 = arith.constant 0 : i32
        %dma_start3A_1070 = tpu.memref_slice %arg16[%dma_start3A_1069] : memref<200192xf32, #tpu.memory_space<vmem_shared>> -> memref<200192xf32, #tpu.memory_space<vmem_shared>>
        tpu.enqueue_indirect_dma source(%dma_start3A_1065 : memref<128xf32, #tpu.memory_space<vmem>>) target(%dma_start3A_1070 : memref<200192xf32, #tpu.memory_space<vmem_shared>>) offsets(%dma_start3A_1068 : memref<128xi32, #tpu.memory_space<vmem>>) semaphore(%arg20 : memref<!tpu.dma_semaphore, #tpu.memory_space<semaphore_mem>>) {add = true}
        %dma_start3A_1071 = arith.constant 13 : i32
        %dma_start3A_1072 = arith.constant 13 : i32
        %dma_start3A_1073 = arith.constant 0 : i32
        %dma_start3A_1074 = tpu.memref_slice %arg13[%dma_start3A_1071, %dma_start3A_1073] : memref<18x128xf32, #tpu.memory_space<vmem>> -> memref<1x128xf32, #tpu.memory_space<vmem>>
        %dma_start3A_1075 = tpu.memref_squeeze %dma_start3A_1074 : memref<1x128xf32, #tpu.memory_space<vmem>> -> memref<128xf32, #tpu.memory_space<vmem>>
        %dma_start3A_1076 = arith.constant 0 : i32
        %dma_start3A_1077 = tpu.memref_slice %arg12[%dma_start3A_1072, %dma_start3A_1076] : memref<18x128xi32, #tpu.memory_space<vmem>> -> memref<1x128xi32, #tpu.memory_space<vmem>>
        %dma_start3A_1078 = tpu.memref_squeeze %dma_start3A_1077 : memref<1x128xi32, #tpu.memory_space<vmem>> -> memref<128xi32, #tpu.memory_space<vmem>>
        %dma_start3A_1079 = arith.constant 0 : i32
        %dma_start3A_1080 = tpu.memref_slice %arg16[%dma_start3A_1079] : memref<200192xf32, #tpu.memory_space<vmem_shared>> -> memref<200192xf32, #tpu.memory_space<vmem_shared>>
        tpu.enqueue_indirect_dma source(%dma_start3A_1075 : memref<128xf32, #tpu.memory_space<vmem>>) target(%dma_start3A_1080 : memref<200192xf32, #tpu.memory_space<vmem_shared>>) offsets(%dma_start3A_1078 : memref<128xi32, #tpu.memory_space<vmem>>) semaphore(%arg20 : memref<!tpu.dma_semaphore, #tpu.memory_space<semaphore_mem>>) {add = true}
        %dma_start3A_1081 = arith.constant 14 : i32
        %dma_start3A_1082 = arith.constant 14 : i32
        %dma_start3A_1083 = arith.constant 0 : i32
        %dma_start3A_1084 = tpu.memref_slice %arg13[%dma_start3A_1081, %dma_start3A_1083] : memref<18x128xf32, #tpu.memory_space<vmem>> -> memref<1x128xf32, #tpu.memory_space<vmem>>
        %dma_start3A_1085 = tpu.memref_squeeze %dma_start3A_1084 : memref<1x128xf32, #tpu.memory_space<vmem>> -> memref<128xf32, #tpu.memory_space<vmem>>
        %dma_start3A_1086 = arith.constant 0 : i32
        %dma_start3A_1087 = tpu.memref_slice %arg12[%dma_start3A_1082, %dma_start3A_1086] : memref<18x128xi32, #tpu.memory_space<vmem>> -> memref<1x128xi32, #tpu.memory_space<vmem>>
        %dma_start3A_1088 = tpu.memref_squeeze %dma_start3A_1087 : memref<1x128xi32, #tpu.memory_space<vmem>> -> memref<128xi32, #tpu.memory_space<vmem>>
        %dma_start3A_1089 = arith.constant 0 : i32
        %dma_start3A_1090 = tpu.memref_slice %arg16[%dma_start3A_1089] : memref<200192xf32, #tpu.memory_space<vmem_shared>> -> memref<200192xf32, #tpu.memory_space<vmem_shared>>
        tpu.enqueue_indirect_dma source(%dma_start3A_1085 : memref<128xf32, #tpu.memory_space<vmem>>) target(%dma_start3A_1090 : memref<200192xf32, #tpu.memory_space<vmem_shared>>) offsets(%dma_start3A_1088 : memref<128xi32, #tpu.memory_space<vmem>>) semaphore(%arg20 : memref<!tpu.dma_semaphore, #tpu.memory_space<semaphore_mem>>) {add = true}
        %dma_start3A_1091 = arith.constant 15 : i32
        %dma_start3A_1092 = arith.constant 15 : i32
        %dma_start3A_1093 = arith.constant 0 : i32
        %dma_start3A_1094 = tpu.memref_slice %arg13[%dma_start3A_1091, %dma_start3A_1093] : memref<18x128xf32, #tpu.memory_space<vmem>> -> memref<1x128xf32, #tpu.memory_space<vmem>>
        %dma_start3A_1095 = tpu.memref_squeeze %dma_start3A_1094 : memref<1x128xf32, #tpu.memory_space<vmem>> -> memref<128xf32, #tpu.memory_space<vmem>>
        %dma_start3A_1096 = arith.constant 0 : i32
        %dma_start3A_1097 = tpu.memref_slice %arg12[%dma_start3A_1092, %dma_start3A_1096] : memref<18x128xi32, #tpu.memory_space<vmem>> -> memref<1x128xi32, #tpu.memory_space<vmem>>
        %dma_start3A_1098 = tpu.memref_squeeze %dma_start3A_1097 : memref<1x128xi32, #tpu.memory_space<vmem>> -> memref<128xi32, #tpu.memory_space<vmem>>
        %dma_start3A_1099 = arith.constant 0 : i32
        %dma_start3A_1100 = tpu.memref_slice %arg16[%dma_start3A_1099] : memref<200192xf32, #tpu.memory_space<vmem_shared>> -> memref<200192xf32, #tpu.memory_space<vmem_shared>>
        tpu.enqueue_indirect_dma source(%dma_start3A_1095 : memref<128xf32, #tpu.memory_space<vmem>>) target(%dma_start3A_1100 : memref<200192xf32, #tpu.memory_space<vmem_shared>>) offsets(%dma_start3A_1098 : memref<128xi32, #tpu.memory_space<vmem>>) semaphore(%arg20 : memref<!tpu.dma_semaphore, #tpu.memory_space<semaphore_mem>>) {add = true}
        %dma_start3A_1101 = arith.constant 16 : i32
        %dma_start3A_1102 = arith.constant 16 : i32
        %dma_start3A_1103 = arith.constant 0 : i32
        %dma_start3A_1104 = tpu.memref_slice %arg13[%dma_start3A_1101, %dma_start3A_1103] : memref<18x128xf32, #tpu.memory_space<vmem>> -> memref<1x128xf32, #tpu.memory_space<vmem>>
        %dma_start3A_1105 = tpu.memref_squeeze %dma_start3A_1104 : memref<1x128xf32, #tpu.memory_space<vmem>> -> memref<128xf32, #tpu.memory_space<vmem>>
        %dma_start3A_1106 = arith.constant 0 : i32
        %dma_start3A_1107 = tpu.memref_slice %arg12[%dma_start3A_1102, %dma_start3A_1106] : memref<18x128xi32, #tpu.memory_space<vmem>> -> memref<1x128xi32, #tpu.memory_space<vmem>>
        %dma_start3A_1108 = tpu.memref_squeeze %dma_start3A_1107 : memref<1x128xi32, #tpu.memory_space<vmem>> -> memref<128xi32, #tpu.memory_space<vmem>>
        %dma_start3A_1109 = arith.constant 0 : i32
        %dma_start3A_1110 = tpu.memref_slice %arg16[%dma_start3A_1109] : memref<200192xf32, #tpu.memory_space<vmem_shared>> -> memref<200192xf32, #tpu.memory_space<vmem_shared>>
        tpu.enqueue_indirect_dma source(%dma_start3A_1105 : memref<128xf32, #tpu.memory_space<vmem>>) target(%dma_start3A_1110 : memref<200192xf32, #tpu.memory_space<vmem_shared>>) offsets(%dma_start3A_1108 : memref<128xi32, #tpu.memory_space<vmem>>) semaphore(%arg20 : memref<!tpu.dma_semaphore, #tpu.memory_space<semaphore_mem>>) {add = true}
        %dma_start3A_1111 = arith.constant 17 : i32
        %dma_start3A_1112 = arith.constant 17 : i32
        %dma_start3A_1113 = arith.constant 0 : i32
        %dma_start3A_1114 = tpu.memref_slice %arg13[%dma_start3A_1111, %dma_start3A_1113] : memref<18x128xf32, #tpu.memory_space<vmem>> -> memref<1x128xf32, #tpu.memory_space<vmem>>
        %dma_start3A_1115 = tpu.memref_squeeze %dma_start3A_1114 : memref<1x128xf32, #tpu.memory_space<vmem>> -> memref<128xf32, #tpu.memory_space<vmem>>
        %dma_start3A_1116 = arith.constant 0 : i32
        %dma_start3A_1117 = tpu.memref_slice %arg12[%dma_start3A_1112, %dma_start3A_1116] : memref<18x128xi32, #tpu.memory_space<vmem>> -> memref<1x128xi32, #tpu.memory_space<vmem>>
        %dma_start3A_1118 = tpu.memref_squeeze %dma_start3A_1117 : memref<1x128xi32, #tpu.memory_space<vmem>> -> memref<128xi32, #tpu.memory_space<vmem>>
        %dma_start3A_1119 = arith.constant 0 : i32
        %dma_start3A_1120 = tpu.memref_slice %arg16[%dma_start3A_1119] : memref<200192xf32, #tpu.memory_space<vmem_shared>> -> memref<200192xf32, #tpu.memory_space<vmem_shared>>
        tpu.enqueue_indirect_dma source(%dma_start3A_1115 : memref<128xf32, #tpu.memory_space<vmem>>) target(%dma_start3A_1120 : memref<200192xf32, #tpu.memory_space<vmem_shared>>) offsets(%dma_start3A_1118 : memref<128xi32, #tpu.memory_space<vmem>>) semaphore(%arg20 : memref<!tpu.dma_semaphore, #tpu.memory_space<semaphore_mem>>) {add = true}
        %add3A_1121 = arith.constant 2 : i32
        %add3A_1122 = arith.addi %add3A_874, %add3A_1121 : i32
        %lt3A = arith.constant 260 : i32
        %lt3A_1123 = arith.cmpi slt, %add3A_1122, %lt3A : i32
        %convert_element_type3A_1124 = arith.extui %lt3A_1123 : i1 to i32
        %cond3A_1125 = arith.constant 0 : i32
        %cond3A_1126 = arith.cmpi ne, %convert_element_type3A_1124, %cond3A_1125 : i32
        scf.if %cond3A_1126 {
          %add3A_1572 = arith.constant 2 : i32
          %add3A_1573 = arith.addi %add3A_874, %add3A_1572 : i32
          %mul3A_1574 = arith.constant 768 : i32
          %mul3A_1575 = arith.muli %add3A_1573, %mul3A_1574 : i32
          %add3A_1576 = arith.addi %mul3A_22, %mul3A_1575 : i32
          %add3A_1577 = arith.constant 0 : i32
          %add3A_1578 = arith.addi %add3A_1577, %add3A_1576 : i32
          %multiple_of3A_1579 = tpu.assume_multiple %add3A_1578, 8 : i32
          %add3A_1580 = arith.constant 0 : i32
          %add3A_1581 = arith.addi %add3A_1580, %add3A_1576 : i32
          %multiple_of3A_1582 = tpu.assume_multiple %add3A_1581, 8 : i32
          %add3A_1583 = arith.constant 1600000 : i32
          %add3A_1584 = arith.addi %add3A_1583, %add3A_1576 : i32
          %multiple_of3A_1585 = tpu.assume_multiple %add3A_1584, 8 : i32
          %add3A_1586 = arith.constant 1600000 : i32
          %add3A_1587 = arith.addi %add3A_1586, %add3A_1576 : i32
          %multiple_of3A_1588 = tpu.assume_multiple %add3A_1587, 8 : i32
          %add3A_1589 = arith.constant 3200000 : i32
          %add3A_1590 = arith.addi %add3A_1589, %add3A_1576 : i32
          %multiple_of3A_1591 = tpu.assume_multiple %add3A_1590, 8 : i32
          %add3A_1592 = arith.constant 3200000 : i32
          %add3A_1593 = arith.addi %add3A_1592, %add3A_1576 : i32
          %multiple_of3A_1594 = tpu.assume_multiple %add3A_1593, 8 : i32
          %dma_start3A_1595 = arith.constant 0 : i32
          %dma_start3A_1596 = tpu.memref_slice %arg8[%dma_start3A_1595] : memref<2304xi32, #tpu.memory_space<vmem>> -> memref<768xi32, #tpu.memory_space<vmem>>
          %dma_start3A_1597 = tpu.memref_slice %arg2[%multiple_of3A_1579] : memref<4800000xi32, #tpu.memory_space<hbm>> -> memref<768xi32, #tpu.memory_space<hbm>>
          %dma_start3A_1598 = arith.constant 0 : i32
          %dma_start3A_1599 = tpu.memref_slice %arg8[%dma_start3A_1598] : memref<2304xi32, #tpu.memory_space<vmem>> -> memref<768xi32, #tpu.memory_space<vmem>>
          %dma_start3A_1600 = tpu.memref_slice %arg2[%multiple_of3A_1579] : memref<4800000xi32, #tpu.memory_space<hbm>> -> memref<768xi32, #tpu.memory_space<hbm>>
          tpu.enqueue_dma source(%dma_start3A_1600 : memref<768xi32, #tpu.memory_space<hbm>>) target(%dma_start3A_1599 : memref<768xi32, #tpu.memory_space<vmem>>) target_semaphore(%arg18 : memref<!tpu.dma_semaphore, #tpu.memory_space<semaphore_mem>>)
          %dma_start3A_1601 = arith.constant 0 : i32
          %dma_start3A_1602 = tpu.memref_slice %arg10[%dma_start3A_1601] : memref<2304xf32, #tpu.memory_space<vmem>> -> memref<768xf32, #tpu.memory_space<vmem>>
          %dma_start3A_1603 = tpu.memref_slice %arg3[%multiple_of3A_1582] : memref<4800000xf32, #tpu.memory_space<hbm>> -> memref<768xf32, #tpu.memory_space<hbm>>
          %dma_start3A_1604 = arith.constant 0 : i32
          %dma_start3A_1605 = tpu.memref_slice %arg10[%dma_start3A_1604] : memref<2304xf32, #tpu.memory_space<vmem>> -> memref<768xf32, #tpu.memory_space<vmem>>
          %dma_start3A_1606 = tpu.memref_slice %arg3[%multiple_of3A_1582] : memref<4800000xf32, #tpu.memory_space<hbm>> -> memref<768xf32, #tpu.memory_space<hbm>>
          tpu.enqueue_dma source(%dma_start3A_1606 : memref<768xf32, #tpu.memory_space<hbm>>) target(%dma_start3A_1605 : memref<768xf32, #tpu.memory_space<vmem>>) target_semaphore(%arg18 : memref<!tpu.dma_semaphore, #tpu.memory_space<semaphore_mem>>)
          %dma_start3A_1607 = arith.constant 768 : i32
          %dma_start3A_1608 = tpu.memref_slice %arg8[%dma_start3A_1607] : memref<2304xi32, #tpu.memory_space<vmem>> -> memref<768xi32, #tpu.memory_space<vmem>>
          %dma_start3A_1609 = tpu.memref_slice %arg2[%multiple_of3A_1585] : memref<4800000xi32, #tpu.memory_space<hbm>> -> memref<768xi32, #tpu.memory_space<hbm>>
          %dma_start3A_1610 = arith.constant 768 : i32
          %dma_start3A_1611 = tpu.memref_slice %arg8[%dma_start3A_1610] : memref<2304xi32, #tpu.memory_space<vmem>> -> memref<768xi32, #tpu.memory_space<vmem>>
          %dma_start3A_1612 = tpu.memref_slice %arg2[%multiple_of3A_1585] : memref<4800000xi32, #tpu.memory_space<hbm>> -> memref<768xi32, #tpu.memory_space<hbm>>
          tpu.enqueue_dma source(%dma_start3A_1612 : memref<768xi32, #tpu.memory_space<hbm>>) target(%dma_start3A_1611 : memref<768xi32, #tpu.memory_space<vmem>>) target_semaphore(%arg18 : memref<!tpu.dma_semaphore, #tpu.memory_space<semaphore_mem>>)
          %dma_start3A_1613 = arith.constant 768 : i32
          %dma_start3A_1614 = tpu.memref_slice %arg10[%dma_start3A_1613] : memref<2304xf32, #tpu.memory_space<vmem>> -> memref<768xf32, #tpu.memory_space<vmem>>
          %dma_start3A_1615 = tpu.memref_slice %arg3[%multiple_of3A_1588] : memref<4800000xf32, #tpu.memory_space<hbm>> -> memref<768xf32, #tpu.memory_space<hbm>>
          %dma_start3A_1616 = arith.constant 768 : i32
          %dma_start3A_1617 = tpu.memref_slice %arg10[%dma_start3A_1616] : memref<2304xf32, #tpu.memory_space<vmem>> -> memref<768xf32, #tpu.memory_space<vmem>>
          %dma_start3A_1618 = tpu.memref_slice %arg3[%multiple_of3A_1588] : memref<4800000xf32, #tpu.memory_space<hbm>> -> memref<768xf32, #tpu.memory_space<hbm>>
          tpu.enqueue_dma source(%dma_start3A_1618 : memref<768xf32, #tpu.memory_space<hbm>>) target(%dma_start3A_1617 : memref<768xf32, #tpu.memory_space<vmem>>) target_semaphore(%arg18 : memref<!tpu.dma_semaphore, #tpu.memory_space<semaphore_mem>>)
          %dma_start3A_1619 = arith.constant 1536 : i32
          %dma_start3A_1620 = tpu.memref_slice %arg8[%dma_start3A_1619] : memref<2304xi32, #tpu.memory_space<vmem>> -> memref<768xi32, #tpu.memory_space<vmem>>
          %dma_start3A_1621 = tpu.memref_slice %arg2[%multiple_of3A_1591] : memref<4800000xi32, #tpu.memory_space<hbm>> -> memref<768xi32, #tpu.memory_space<hbm>>
          %dma_start3A_1622 = arith.constant 1536 : i32
          %dma_start3A_1623 = tpu.memref_slice %arg8[%dma_start3A_1622] : memref<2304xi32, #tpu.memory_space<vmem>> -> memref<768xi32, #tpu.memory_space<vmem>>
          %dma_start3A_1624 = tpu.memref_slice %arg2[%multiple_of3A_1591] : memref<4800000xi32, #tpu.memory_space<hbm>> -> memref<768xi32, #tpu.memory_space<hbm>>
          tpu.enqueue_dma source(%dma_start3A_1624 : memref<768xi32, #tpu.memory_space<hbm>>) target(%dma_start3A_1623 : memref<768xi32, #tpu.memory_space<vmem>>) target_semaphore(%arg18 : memref<!tpu.dma_semaphore, #tpu.memory_space<semaphore_mem>>)
          %dma_start3A_1625 = arith.constant 1536 : i32
          %dma_start3A_1626 = tpu.memref_slice %arg10[%dma_start3A_1625] : memref<2304xf32, #tpu.memory_space<vmem>> -> memref<768xf32, #tpu.memory_space<vmem>>
          %dma_start3A_1627 = tpu.memref_slice %arg3[%multiple_of3A_1594] : memref<4800000xf32, #tpu.memory_space<hbm>> -> memref<768xf32, #tpu.memory_space<hbm>>
          %dma_start3A_1628 = arith.constant 1536 : i32
          %dma_start3A_1629 = tpu.memref_slice %arg10[%dma_start3A_1628] : memref<2304xf32, #tpu.memory_space<vmem>> -> memref<768xf32, #tpu.memory_space<vmem>>
          %dma_start3A_1630 = tpu.memref_slice %arg3[%multiple_of3A_1594] : memref<4800000xf32, #tpu.memory_space<hbm>> -> memref<768xf32, #tpu.memory_space<hbm>>
          tpu.enqueue_dma source(%dma_start3A_1630 : memref<768xf32, #tpu.memory_space<hbm>>) target(%dma_start3A_1629 : memref<768xf32, #tpu.memory_space<vmem>>) target_semaphore(%arg18 : memref<!tpu.dma_semaphore, #tpu.memory_space<semaphore_mem>>)
        } else {
        }
        %add3A_1127 = arith.constant 2 : i32
        %add3A_1128 = arith.addi %add3A_874, %add3A_1127 : i32
        %eq3A_1129 = arith.constant 260 : i32
        %eq3A_1130 = arith.cmpi eq, %add3A_1128, %eq3A_1129 : i32
        %convert_element_type3A_1131 = arith.extui %eq3A_1130 : i1 to i32
        %cond3A_1132 = arith.constant 0 : i32
        %cond3A_1133 = arith.cmpi ne, %convert_element_type3A_1131, %cond3A_1132 : i32
        scf.if %cond3A_1133 {
          %add3A_1572 = arith.constant 199680 : i32
          %add3A_1573 = arith.addi %mul3A_22, %add3A_1572 : i32
          %add3A_1574 = arith.constant 0 : i32
          %add3A_1575 = arith.addi %add3A_1574, %add3A_1573 : i32
          %multiple_of3A_1576 = tpu.assume_multiple %add3A_1575, 8 : i32
          %add3A_1577 = arith.constant 0 : i32
          %add3A_1578 = arith.addi %add3A_1577, %add3A_1573 : i32
          %multiple_of3A_1579 = tpu.assume_multiple %add3A_1578, 8 : i32
          %add3A_1580 = arith.constant 1600000 : i32
          %add3A_1581 = arith.addi %add3A_1580, %add3A_1573 : i32
          %multiple_of3A_1582 = tpu.assume_multiple %add3A_1581, 8 : i32
          %add3A_1583 = arith.constant 1600000 : i32
          %add3A_1584 = arith.addi %add3A_1583, %add3A_1573 : i32
          %multiple_of3A_1585 = tpu.assume_multiple %add3A_1584, 8 : i32
          %add3A_1586 = arith.constant 3200000 : i32
          %add3A_1587 = arith.addi %add3A_1586, %add3A_1573 : i32
          %multiple_of3A_1588 = tpu.assume_multiple %add3A_1587, 8 : i32
          %add3A_1589 = arith.constant 3200000 : i32
          %add3A_1590 = arith.addi %add3A_1589, %add3A_1573 : i32
          %multiple_of3A_1591 = tpu.assume_multiple %add3A_1590, 8 : i32
          %dma_start3A_1592 = arith.constant 0 : i32
          %dma_start3A_1593 = tpu.memref_slice %arg8[%dma_start3A_1592] : memref<2304xi32, #tpu.memory_space<vmem>> -> memref<320xi32, #tpu.memory_space<vmem>>
          %dma_start3A_1594 = tpu.memref_slice %arg2[%multiple_of3A_1576] : memref<4800000xi32, #tpu.memory_space<hbm>> -> memref<320xi32, #tpu.memory_space<hbm>>
          %dma_start3A_1595 = arith.constant 0 : i32
          %dma_start3A_1596 = tpu.memref_slice %arg8[%dma_start3A_1595] : memref<2304xi32, #tpu.memory_space<vmem>> -> memref<320xi32, #tpu.memory_space<vmem>>
          %dma_start3A_1597 = tpu.memref_slice %arg2[%multiple_of3A_1576] : memref<4800000xi32, #tpu.memory_space<hbm>> -> memref<320xi32, #tpu.memory_space<hbm>>
          tpu.enqueue_dma source(%dma_start3A_1597 : memref<320xi32, #tpu.memory_space<hbm>>) target(%dma_start3A_1596 : memref<320xi32, #tpu.memory_space<vmem>>) target_semaphore(%arg18 : memref<!tpu.dma_semaphore, #tpu.memory_space<semaphore_mem>>)
          %dma_start3A_1598 = arith.constant 0 : i32
          %dma_start3A_1599 = tpu.memref_slice %arg10[%dma_start3A_1598] : memref<2304xf32, #tpu.memory_space<vmem>> -> memref<320xf32, #tpu.memory_space<vmem>>
          %dma_start3A_1600 = tpu.memref_slice %arg3[%multiple_of3A_1579] : memref<4800000xf32, #tpu.memory_space<hbm>> -> memref<320xf32, #tpu.memory_space<hbm>>
          %dma_start3A_1601 = arith.constant 0 : i32
          %dma_start3A_1602 = tpu.memref_slice %arg10[%dma_start3A_1601] : memref<2304xf32, #tpu.memory_space<vmem>> -> memref<320xf32, #tpu.memory_space<vmem>>
          %dma_start3A_1603 = tpu.memref_slice %arg3[%multiple_of3A_1579] : memref<4800000xf32, #tpu.memory_space<hbm>> -> memref<320xf32, #tpu.memory_space<hbm>>
          tpu.enqueue_dma source(%dma_start3A_1603 : memref<320xf32, #tpu.memory_space<hbm>>) target(%dma_start3A_1602 : memref<320xf32, #tpu.memory_space<vmem>>) target_semaphore(%arg18 : memref<!tpu.dma_semaphore, #tpu.memory_space<semaphore_mem>>)
          %dma_start3A_1604 = arith.constant 320 : i32
          %dma_start3A_1605 = tpu.memref_slice %arg8[%dma_start3A_1604] : memref<2304xi32, #tpu.memory_space<vmem>> -> memref<320xi32, #tpu.memory_space<vmem>>
          %dma_start3A_1606 = tpu.memref_slice %arg2[%multiple_of3A_1582] : memref<4800000xi32, #tpu.memory_space<hbm>> -> memref<320xi32, #tpu.memory_space<hbm>>
          %dma_start3A_1607 = arith.constant 320 : i32
          %dma_start3A_1608 = tpu.memref_slice %arg8[%dma_start3A_1607] : memref<2304xi32, #tpu.memory_space<vmem>> -> memref<320xi32, #tpu.memory_space<vmem>>
          %dma_start3A_1609 = tpu.memref_slice %arg2[%multiple_of3A_1582] : memref<4800000xi32, #tpu.memory_space<hbm>> -> memref<320xi32, #tpu.memory_space<hbm>>
          tpu.enqueue_dma source(%dma_start3A_1609 : memref<320xi32, #tpu.memory_space<hbm>>) target(%dma_start3A_1608 : memref<320xi32, #tpu.memory_space<vmem>>) target_semaphore(%arg18 : memref<!tpu.dma_semaphore, #tpu.memory_space<semaphore_mem>>)
          %dma_start3A_1610 = arith.constant 320 : i32
          %dma_start3A_1611 = tpu.memref_slice %arg10[%dma_start3A_1610] : memref<2304xf32, #tpu.memory_space<vmem>> -> memref<320xf32, #tpu.memory_space<vmem>>
          %dma_start3A_1612 = tpu.memref_slice %arg3[%multiple_of3A_1585] : memref<4800000xf32, #tpu.memory_space<hbm>> -> memref<320xf32, #tpu.memory_space<hbm>>
          %dma_start3A_1613 = arith.constant 320 : i32
          %dma_start3A_1614 = tpu.memref_slice %arg10[%dma_start3A_1613] : memref<2304xf32, #tpu.memory_space<vmem>> -> memref<320xf32, #tpu.memory_space<vmem>>
          %dma_start3A_1615 = tpu.memref_slice %arg3[%multiple_of3A_1585] : memref<4800000xf32, #tpu.memory_space<hbm>> -> memref<320xf32, #tpu.memory_space<hbm>>
          tpu.enqueue_dma source(%dma_start3A_1615 : memref<320xf32, #tpu.memory_space<hbm>>) target(%dma_start3A_1614 : memref<320xf32, #tpu.memory_space<vmem>>) target_semaphore(%arg18 : memref<!tpu.dma_semaphore, #tpu.memory_space<semaphore_mem>>)
          %dma_start3A_1616 = arith.constant 640 : i32
          %dma_start3A_1617 = tpu.memref_slice %arg8[%dma_start3A_1616] : memref<2304xi32, #tpu.memory_space<vmem>> -> memref<320xi32, #tpu.memory_space<vmem>>
          %dma_start3A_1618 = tpu.memref_slice %arg2[%multiple_of3A_1588] : memref<4800000xi32, #tpu.memory_space<hbm>> -> memref<320xi32, #tpu.memory_space<hbm>>
          %dma_start3A_1619 = arith.constant 640 : i32
          %dma_start3A_1620 = tpu.memref_slice %arg8[%dma_start3A_1619] : memref<2304xi32, #tpu.memory_space<vmem>> -> memref<320xi32, #tpu.memory_space<vmem>>
          %dma_start3A_1621 = tpu.memref_slice %arg2[%multiple_of3A_1588] : memref<4800000xi32, #tpu.memory_space<hbm>> -> memref<320xi32, #tpu.memory_space<hbm>>
          tpu.enqueue_dma source(%dma_start3A_1621 : memref<320xi32, #tpu.memory_space<hbm>>) target(%dma_start3A_1620 : memref<320xi32, #tpu.memory_space<vmem>>) target_semaphore(%arg18 : memref<!tpu.dma_semaphore, #tpu.memory_space<semaphore_mem>>)
          %dma_start3A_1622 = arith.constant 640 : i32
          %dma_start3A_1623 = tpu.memref_slice %arg10[%dma_start3A_1622] : memref<2304xf32, #tpu.memory_space<vmem>> -> memref<320xf32, #tpu.memory_space<vmem>>
          %dma_start3A_1624 = tpu.memref_slice %arg3[%multiple_of3A_1591] : memref<4800000xf32, #tpu.memory_space<hbm>> -> memref<320xf32, #tpu.memory_space<hbm>>
          %dma_start3A_1625 = arith.constant 640 : i32
          %dma_start3A_1626 = tpu.memref_slice %arg10[%dma_start3A_1625] : memref<2304xf32, #tpu.memory_space<vmem>> -> memref<320xf32, #tpu.memory_space<vmem>>
          %dma_start3A_1627 = tpu.memref_slice %arg3[%multiple_of3A_1591] : memref<4800000xf32, #tpu.memory_space<hbm>> -> memref<320xf32, #tpu.memory_space<hbm>>
          tpu.enqueue_dma source(%dma_start3A_1627 : memref<320xf32, #tpu.memory_space<hbm>>) target(%dma_start3A_1626 : memref<320xf32, #tpu.memory_space<vmem>>) target_semaphore(%arg18 : memref<!tpu.dma_semaphore, #tpu.memory_space<semaphore_mem>>)
        } else {
        }
        %add3A_1134 = arith.constant 1 : i32
        %add3A_1135 = arith.addi %add3A_874, %add3A_1134 : i32
        %mul3A_1136 = arith.constant 768 : i32
        %mul3A_1137 = arith.muli %add3A_1135, %mul3A_1136 : i32
        %add3A_1138 = arith.addi %mul3A_22, %mul3A_1137 : i32
        %add3A_1139 = arith.constant 0 : i32
        %add3A_1140 = arith.addi %add3A_1139, %add3A_1138 : i32
        %multiple_of3A_1141 = tpu.assume_multiple %add3A_1140, 8 : i32
        %add3A_1142 = arith.constant 0 : i32
        %add3A_1143 = arith.addi %add3A_1142, %add3A_1138 : i32
        %multiple_of3A_1144 = tpu.assume_multiple %add3A_1143, 8 : i32
        %add3A_1145 = arith.constant 1600000 : i32
        %add3A_1146 = arith.addi %add3A_1145, %add3A_1138 : i32
        %multiple_of3A_1147 = tpu.assume_multiple %add3A_1146, 8 : i32
        %add3A_1148 = arith.constant 1600000 : i32
        %add3A_1149 = arith.addi %add3A_1148, %add3A_1138 : i32
        %multiple_of3A_1150 = tpu.assume_multiple %add3A_1149, 8 : i32
        %add3A_1151 = arith.constant 3200000 : i32
        %add3A_1152 = arith.addi %add3A_1151, %add3A_1138 : i32
        %multiple_of3A_1153 = tpu.assume_multiple %add3A_1152, 8 : i32
        %add3A_1154 = arith.constant 3200000 : i32
        %add3A_1155 = arith.addi %add3A_1154, %add3A_1138 : i32
        %multiple_of3A_1156 = tpu.assume_multiple %add3A_1155, 8 : i32
        %dma_wait3A_1157 = arith.constant 0 : i32
        %dma_wait3A_1158 = tpu.memref_slice %arg9[%dma_wait3A_1157] : memref<2304xi32, #tpu.memory_space<vmem>> -> memref<768xi32, #tpu.memory_space<vmem>>
        %dma_wait3A_1159 = tpu.memref_slice %arg2[%multiple_of3A_1141] : memref<4800000xi32, #tpu.memory_space<hbm>> -> memref<768xi32, #tpu.memory_space<hbm>>
        %dma_wait3A_1160 = arith.constant 0 : i32
        %dma_wait3A_1161 = tpu.memref_slice %arg9[%dma_wait3A_1160] : memref<2304xi32, #tpu.memory_space<vmem>> -> memref<768xi32, #tpu.memory_space<vmem>>
        %dma_wait3A_1162 = tpu.memref_slice %arg2[%multiple_of3A_1141] : memref<4800000xi32, #tpu.memory_space<hbm>> -> memref<768xi32, #tpu.memory_space<hbm>>
        tpu.wait_dma2 semaphore(%arg19 : memref<!tpu.dma_semaphore, #tpu.memory_space<semaphore_mem>>) src(%dma_wait3A_1162 : memref<768xi32, #tpu.memory_space<hbm>>) dst(%dma_wait3A_1161 : memref<768xi32, #tpu.memory_space<vmem>>)
        %dma_wait3A_1163 = arith.constant 0 : i32
        %dma_wait3A_1164 = tpu.memref_slice %arg11[%dma_wait3A_1163] : memref<2304xf32, #tpu.memory_space<vmem>> -> memref<768xf32, #tpu.memory_space<vmem>>
        %dma_wait3A_1165 = tpu.memref_slice %arg3[%multiple_of3A_1144] : memref<4800000xf32, #tpu.memory_space<hbm>> -> memref<768xf32, #tpu.memory_space<hbm>>
        %dma_wait3A_1166 = arith.constant 0 : i32
        %dma_wait3A_1167 = tpu.memref_slice %arg11[%dma_wait3A_1166] : memref<2304xf32, #tpu.memory_space<vmem>> -> memref<768xf32, #tpu.memory_space<vmem>>
        %dma_wait3A_1168 = tpu.memref_slice %arg3[%multiple_of3A_1144] : memref<4800000xf32, #tpu.memory_space<hbm>> -> memref<768xf32, #tpu.memory_space<hbm>>
        tpu.wait_dma2 semaphore(%arg19 : memref<!tpu.dma_semaphore, #tpu.memory_space<semaphore_mem>>) src(%dma_wait3A_1168 : memref<768xf32, #tpu.memory_space<hbm>>) dst(%dma_wait3A_1167 : memref<768xf32, #tpu.memory_space<vmem>>)
        %dma_wait3A_1169 = arith.constant 768 : i32
        %dma_wait3A_1170 = tpu.memref_slice %arg9[%dma_wait3A_1169] : memref<2304xi32, #tpu.memory_space<vmem>> -> memref<768xi32, #tpu.memory_space<vmem>>
        %dma_wait3A_1171 = tpu.memref_slice %arg2[%multiple_of3A_1147] : memref<4800000xi32, #tpu.memory_space<hbm>> -> memref<768xi32, #tpu.memory_space<hbm>>
        %dma_wait3A_1172 = arith.constant 768 : i32
        %dma_wait3A_1173 = tpu.memref_slice %arg9[%dma_wait3A_1172] : memref<2304xi32, #tpu.memory_space<vmem>> -> memref<768xi32, #tpu.memory_space<vmem>>
        %dma_wait3A_1174 = tpu.memref_slice %arg2[%multiple_of3A_1147] : memref<4800000xi32, #tpu.memory_space<hbm>> -> memref<768xi32, #tpu.memory_space<hbm>>
        tpu.wait_dma2 semaphore(%arg19 : memref<!tpu.dma_semaphore, #tpu.memory_space<semaphore_mem>>) src(%dma_wait3A_1174 : memref<768xi32, #tpu.memory_space<hbm>>) dst(%dma_wait3A_1173 : memref<768xi32, #tpu.memory_space<vmem>>)
        %dma_wait3A_1175 = arith.constant 768 : i32
        %dma_wait3A_1176 = tpu.memref_slice %arg11[%dma_wait3A_1175] : memref<2304xf32, #tpu.memory_space<vmem>> -> memref<768xf32, #tpu.memory_space<vmem>>
        %dma_wait3A_1177 = tpu.memref_slice %arg3[%multiple_of3A_1150] : memref<4800000xf32, #tpu.memory_space<hbm>> -> memref<768xf32, #tpu.memory_space<hbm>>
        %dma_wait3A_1178 = arith.constant 768 : i32
        %dma_wait3A_1179 = tpu.memref_slice %arg11[%dma_wait3A_1178] : memref<2304xf32, #tpu.memory_space<vmem>> -> memref<768xf32, #tpu.memory_space<vmem>>
        %dma_wait3A_1180 = tpu.memref_slice %arg3[%multiple_of3A_1150] : memref<4800000xf32, #tpu.memory_space<hbm>> -> memref<768xf32, #tpu.memory_space<hbm>>
        tpu.wait_dma2 semaphore(%arg19 : memref<!tpu.dma_semaphore, #tpu.memory_space<semaphore_mem>>) src(%dma_wait3A_1180 : memref<768xf32, #tpu.memory_space<hbm>>) dst(%dma_wait3A_1179 : memref<768xf32, #tpu.memory_space<vmem>>)
        %dma_wait3A_1181 = arith.constant 1536 : i32
        %dma_wait3A_1182 = tpu.memref_slice %arg9[%dma_wait3A_1181] : memref<2304xi32, #tpu.memory_space<vmem>> -> memref<768xi32, #tpu.memory_space<vmem>>
        %dma_wait3A_1183 = tpu.memref_slice %arg2[%multiple_of3A_1153] : memref<4800000xi32, #tpu.memory_space<hbm>> -> memref<768xi32, #tpu.memory_space<hbm>>
        %dma_wait3A_1184 = arith.constant 1536 : i32
        %dma_wait3A_1185 = tpu.memref_slice %arg9[%dma_wait3A_1184] : memref<2304xi32, #tpu.memory_space<vmem>> -> memref<768xi32, #tpu.memory_space<vmem>>
        %dma_wait3A_1186 = tpu.memref_slice %arg2[%multiple_of3A_1153] : memref<4800000xi32, #tpu.memory_space<hbm>> -> memref<768xi32, #tpu.memory_space<hbm>>
        tpu.wait_dma2 semaphore(%arg19 : memref<!tpu.dma_semaphore, #tpu.memory_space<semaphore_mem>>) src(%dma_wait3A_1186 : memref<768xi32, #tpu.memory_space<hbm>>) dst(%dma_wait3A_1185 : memref<768xi32, #tpu.memory_space<vmem>>)
        %dma_wait3A_1187 = arith.constant 1536 : i32
        %dma_wait3A_1188 = tpu.memref_slice %arg11[%dma_wait3A_1187] : memref<2304xf32, #tpu.memory_space<vmem>> -> memref<768xf32, #tpu.memory_space<vmem>>
        %dma_wait3A_1189 = tpu.memref_slice %arg3[%multiple_of3A_1156] : memref<4800000xf32, #tpu.memory_space<hbm>> -> memref<768xf32, #tpu.memory_space<hbm>>
        %dma_wait3A_1190 = arith.constant 1536 : i32
        %dma_wait3A_1191 = tpu.memref_slice %arg11[%dma_wait3A_1190] : memref<2304xf32, #tpu.memory_space<vmem>> -> memref<768xf32, #tpu.memory_space<vmem>>
        %dma_wait3A_1192 = tpu.memref_slice %arg3[%multiple_of3A_1156] : memref<4800000xf32, #tpu.memory_space<hbm>> -> memref<768xf32, #tpu.memory_space<hbm>>
        tpu.wait_dma2 semaphore(%arg19 : memref<!tpu.dma_semaphore, #tpu.memory_space<semaphore_mem>>) src(%dma_wait3A_1192 : memref<768xf32, #tpu.memory_space<hbm>>) dst(%dma_wait3A_1191 : memref<768xf32, #tpu.memory_space<vmem>>)
        %dma_wait3A_1193 = arith.constant 0 : i32
        %dma_wait3A_1194 = arith.constant 0 : i32
        %dma_wait3A_1195 = arith.constant 0 : i32
        %dma_wait3A_1196 = tpu.memref_slice %arg13[%dma_wait3A_1193, %dma_wait3A_1195] : memref<18x128xf32, #tpu.memory_space<vmem>> -> memref<1x128xf32, #tpu.memory_space<vmem>>
        %dma_wait3A_1197 = tpu.memref_squeeze %dma_wait3A_1196 : memref<1x128xf32, #tpu.memory_space<vmem>> -> memref<128xf32, #tpu.memory_space<vmem>>
        %dma_wait3A_1198 = arith.constant 0 : i32
        %dma_wait3A_1199 = tpu.memref_slice %arg12[%dma_wait3A_1194, %dma_wait3A_1198] : memref<18x128xi32, #tpu.memory_space<vmem>> -> memref<1x128xi32, #tpu.memory_space<vmem>>
        %dma_wait3A_1200 = tpu.memref_squeeze %dma_wait3A_1199 : memref<1x128xi32, #tpu.memory_space<vmem>> -> memref<128xi32, #tpu.memory_space<vmem>>
        %dma_wait3A_1201 = arith.constant 0 : i32
        %dma_wait3A_1202 = tpu.memref_slice %arg16[%dma_wait3A_1201] : memref<200192xf32, #tpu.memory_space<vmem_shared>> -> memref<200192xf32, #tpu.memory_space<vmem_shared>>
        tpu.wait_indirect_dma semaphore(%arg20 : memref<!tpu.dma_semaphore, #tpu.memory_space<semaphore_mem>>) src(%dma_wait3A_1197 : memref<128xf32, #tpu.memory_space<vmem>>) dst(%dma_wait3A_1202 : memref<200192xf32, #tpu.memory_space<vmem_shared>>)
        %dma_wait3A_1203 = arith.constant 1 : i32
        %dma_wait3A_1204 = arith.constant 1 : i32
        %dma_wait3A_1205 = arith.constant 0 : i32
        %dma_wait3A_1206 = tpu.memref_slice %arg13[%dma_wait3A_1203, %dma_wait3A_1205] : memref<18x128xf32, #tpu.memory_space<vmem>> -> memref<1x128xf32, #tpu.memory_space<vmem>>
        %dma_wait3A_1207 = tpu.memref_squeeze %dma_wait3A_1206 : memref<1x128xf32, #tpu.memory_space<vmem>> -> memref<128xf32, #tpu.memory_space<vmem>>
        %dma_wait3A_1208 = arith.constant 0 : i32
        %dma_wait3A_1209 = tpu.memref_slice %arg12[%dma_wait3A_1204, %dma_wait3A_1208] : memref<18x128xi32, #tpu.memory_space<vmem>> -> memref<1x128xi32, #tpu.memory_space<vmem>>
        %dma_wait3A_1210 = tpu.memref_squeeze %dma_wait3A_1209 : memref<1x128xi32, #tpu.memory_space<vmem>> -> memref<128xi32, #tpu.memory_space<vmem>>
        %dma_wait3A_1211 = arith.constant 0 : i32
        %dma_wait3A_1212 = tpu.memref_slice %arg16[%dma_wait3A_1211] : memref<200192xf32, #tpu.memory_space<vmem_shared>> -> memref<200192xf32, #tpu.memory_space<vmem_shared>>
        tpu.wait_indirect_dma semaphore(%arg20 : memref<!tpu.dma_semaphore, #tpu.memory_space<semaphore_mem>>) src(%dma_wait3A_1207 : memref<128xf32, #tpu.memory_space<vmem>>) dst(%dma_wait3A_1212 : memref<200192xf32, #tpu.memory_space<vmem_shared>>)
        %dma_wait3A_1213 = arith.constant 2 : i32
        %dma_wait3A_1214 = arith.constant 2 : i32
        %dma_wait3A_1215 = arith.constant 0 : i32
        %dma_wait3A_1216 = tpu.memref_slice %arg13[%dma_wait3A_1213, %dma_wait3A_1215] : memref<18x128xf32, #tpu.memory_space<vmem>> -> memref<1x128xf32, #tpu.memory_space<vmem>>
        %dma_wait3A_1217 = tpu.memref_squeeze %dma_wait3A_1216 : memref<1x128xf32, #tpu.memory_space<vmem>> -> memref<128xf32, #tpu.memory_space<vmem>>
        %dma_wait3A_1218 = arith.constant 0 : i32
        %dma_wait3A_1219 = tpu.memref_slice %arg12[%dma_wait3A_1214, %dma_wait3A_1218] : memref<18x128xi32, #tpu.memory_space<vmem>> -> memref<1x128xi32, #tpu.memory_space<vmem>>
        %dma_wait3A_1220 = tpu.memref_squeeze %dma_wait3A_1219 : memref<1x128xi32, #tpu.memory_space<vmem>> -> memref<128xi32, #tpu.memory_space<vmem>>
        %dma_wait3A_1221 = arith.constant 0 : i32
        %dma_wait3A_1222 = tpu.memref_slice %arg16[%dma_wait3A_1221] : memref<200192xf32, #tpu.memory_space<vmem_shared>> -> memref<200192xf32, #tpu.memory_space<vmem_shared>>
        tpu.wait_indirect_dma semaphore(%arg20 : memref<!tpu.dma_semaphore, #tpu.memory_space<semaphore_mem>>) src(%dma_wait3A_1217 : memref<128xf32, #tpu.memory_space<vmem>>) dst(%dma_wait3A_1222 : memref<200192xf32, #tpu.memory_space<vmem_shared>>)
        %dma_wait3A_1223 = arith.constant 3 : i32
        %dma_wait3A_1224 = arith.constant 3 : i32
        %dma_wait3A_1225 = arith.constant 0 : i32
        %dma_wait3A_1226 = tpu.memref_slice %arg13[%dma_wait3A_1223, %dma_wait3A_1225] : memref<18x128xf32, #tpu.memory_space<vmem>> -> memref<1x128xf32, #tpu.memory_space<vmem>>
        %dma_wait3A_1227 = tpu.memref_squeeze %dma_wait3A_1226 : memref<1x128xf32, #tpu.memory_space<vmem>> -> memref<128xf32, #tpu.memory_space<vmem>>
        %dma_wait3A_1228 = arith.constant 0 : i32
        %dma_wait3A_1229 = tpu.memref_slice %arg12[%dma_wait3A_1224, %dma_wait3A_1228] : memref<18x128xi32, #tpu.memory_space<vmem>> -> memref<1x128xi32, #tpu.memory_space<vmem>>
        %dma_wait3A_1230 = tpu.memref_squeeze %dma_wait3A_1229 : memref<1x128xi32, #tpu.memory_space<vmem>> -> memref<128xi32, #tpu.memory_space<vmem>>
        %dma_wait3A_1231 = arith.constant 0 : i32
        %dma_wait3A_1232 = tpu.memref_slice %arg16[%dma_wait3A_1231] : memref<200192xf32, #tpu.memory_space<vmem_shared>> -> memref<200192xf32, #tpu.memory_space<vmem_shared>>
        tpu.wait_indirect_dma semaphore(%arg20 : memref<!tpu.dma_semaphore, #tpu.memory_space<semaphore_mem>>) src(%dma_wait3A_1227 : memref<128xf32, #tpu.memory_space<vmem>>) dst(%dma_wait3A_1232 : memref<200192xf32, #tpu.memory_space<vmem_shared>>)
        %dma_wait3A_1233 = arith.constant 4 : i32
        %dma_wait3A_1234 = arith.constant 4 : i32
        %dma_wait3A_1235 = arith.constant 0 : i32
        %dma_wait3A_1236 = tpu.memref_slice %arg13[%dma_wait3A_1233, %dma_wait3A_1235] : memref<18x128xf32, #tpu.memory_space<vmem>> -> memref<1x128xf32, #tpu.memory_space<vmem>>
        %dma_wait3A_1237 = tpu.memref_squeeze %dma_wait3A_1236 : memref<1x128xf32, #tpu.memory_space<vmem>> -> memref<128xf32, #tpu.memory_space<vmem>>
        %dma_wait3A_1238 = arith.constant 0 : i32
        %dma_wait3A_1239 = tpu.memref_slice %arg12[%dma_wait3A_1234, %dma_wait3A_1238] : memref<18x128xi32, #tpu.memory_space<vmem>> -> memref<1x128xi32, #tpu.memory_space<vmem>>
        %dma_wait3A_1240 = tpu.memref_squeeze %dma_wait3A_1239 : memref<1x128xi32, #tpu.memory_space<vmem>> -> memref<128xi32, #tpu.memory_space<vmem>>
        %dma_wait3A_1241 = arith.constant 0 : i32
        %dma_wait3A_1242 = tpu.memref_slice %arg16[%dma_wait3A_1241] : memref<200192xf32, #tpu.memory_space<vmem_shared>> -> memref<200192xf32, #tpu.memory_space<vmem_shared>>
        tpu.wait_indirect_dma semaphore(%arg20 : memref<!tpu.dma_semaphore, #tpu.memory_space<semaphore_mem>>) src(%dma_wait3A_1237 : memref<128xf32, #tpu.memory_space<vmem>>) dst(%dma_wait3A_1242 : memref<200192xf32, #tpu.memory_space<vmem_shared>>)
        %dma_wait3A_1243 = arith.constant 5 : i32
        %dma_wait3A_1244 = arith.constant 5 : i32
        %dma_wait3A_1245 = arith.constant 0 : i32
        %dma_wait3A_1246 = tpu.memref_slice %arg13[%dma_wait3A_1243, %dma_wait3A_1245] : memref<18x128xf32, #tpu.memory_space<vmem>> -> memref<1x128xf32, #tpu.memory_space<vmem>>
        %dma_wait3A_1247 = tpu.memref_squeeze %dma_wait3A_1246 : memref<1x128xf32, #tpu.memory_space<vmem>> -> memref<128xf32, #tpu.memory_space<vmem>>
        %dma_wait3A_1248 = arith.constant 0 : i32
        %dma_wait3A_1249 = tpu.memref_slice %arg12[%dma_wait3A_1244, %dma_wait3A_1248] : memref<18x128xi32, #tpu.memory_space<vmem>> -> memref<1x128xi32, #tpu.memory_space<vmem>>
        %dma_wait3A_1250 = tpu.memref_squeeze %dma_wait3A_1249 : memref<1x128xi32, #tpu.memory_space<vmem>> -> memref<128xi32, #tpu.memory_space<vmem>>
        %dma_wait3A_1251 = arith.constant 0 : i32
        %dma_wait3A_1252 = tpu.memref_slice %arg16[%dma_wait3A_1251] : memref<200192xf32, #tpu.memory_space<vmem_shared>> -> memref<200192xf32, #tpu.memory_space<vmem_shared>>
        tpu.wait_indirect_dma semaphore(%arg20 : memref<!tpu.dma_semaphore, #tpu.memory_space<semaphore_mem>>) src(%dma_wait3A_1247 : memref<128xf32, #tpu.memory_space<vmem>>) dst(%dma_wait3A_1252 : memref<200192xf32, #tpu.memory_space<vmem_shared>>)
        %dma_wait3A_1253 = arith.constant 6 : i32
        %dma_wait3A_1254 = arith.constant 6 : i32
        %dma_wait3A_1255 = arith.constant 0 : i32
        %dma_wait3A_1256 = tpu.memref_slice %arg13[%dma_wait3A_1253, %dma_wait3A_1255] : memref<18x128xf32, #tpu.memory_space<vmem>> -> memref<1x128xf32, #tpu.memory_space<vmem>>
        %dma_wait3A_1257 = tpu.memref_squeeze %dma_wait3A_1256 : memref<1x128xf32, #tpu.memory_space<vmem>> -> memref<128xf32, #tpu.memory_space<vmem>>
        %dma_wait3A_1258 = arith.constant 0 : i32
        %dma_wait3A_1259 = tpu.memref_slice %arg12[%dma_wait3A_1254, %dma_wait3A_1258] : memref<18x128xi32, #tpu.memory_space<vmem>> -> memref<1x128xi32, #tpu.memory_space<vmem>>
        %dma_wait3A_1260 = tpu.memref_squeeze %dma_wait3A_1259 : memref<1x128xi32, #tpu.memory_space<vmem>> -> memref<128xi32, #tpu.memory_space<vmem>>
        %dma_wait3A_1261 = arith.constant 0 : i32
        %dma_wait3A_1262 = tpu.memref_slice %arg16[%dma_wait3A_1261] : memref<200192xf32, #tpu.memory_space<vmem_shared>> -> memref<200192xf32, #tpu.memory_space<vmem_shared>>
        tpu.wait_indirect_dma semaphore(%arg20 : memref<!tpu.dma_semaphore, #tpu.memory_space<semaphore_mem>>) src(%dma_wait3A_1257 : memref<128xf32, #tpu.memory_space<vmem>>) dst(%dma_wait3A_1262 : memref<200192xf32, #tpu.memory_space<vmem_shared>>)
        %dma_wait3A_1263 = arith.constant 7 : i32
        %dma_wait3A_1264 = arith.constant 7 : i32
        %dma_wait3A_1265 = arith.constant 0 : i32
        %dma_wait3A_1266 = tpu.memref_slice %arg13[%dma_wait3A_1263, %dma_wait3A_1265] : memref<18x128xf32, #tpu.memory_space<vmem>> -> memref<1x128xf32, #tpu.memory_space<vmem>>
        %dma_wait3A_1267 = tpu.memref_squeeze %dma_wait3A_1266 : memref<1x128xf32, #tpu.memory_space<vmem>> -> memref<128xf32, #tpu.memory_space<vmem>>
        %dma_wait3A_1268 = arith.constant 0 : i32
        %dma_wait3A_1269 = tpu.memref_slice %arg12[%dma_wait3A_1264, %dma_wait3A_1268] : memref<18x128xi32, #tpu.memory_space<vmem>> -> memref<1x128xi32, #tpu.memory_space<vmem>>
        %dma_wait3A_1270 = tpu.memref_squeeze %dma_wait3A_1269 : memref<1x128xi32, #tpu.memory_space<vmem>> -> memref<128xi32, #tpu.memory_space<vmem>>
        %dma_wait3A_1271 = arith.constant 0 : i32
        %dma_wait3A_1272 = tpu.memref_slice %arg16[%dma_wait3A_1271] : memref<200192xf32, #tpu.memory_space<vmem_shared>> -> memref<200192xf32, #tpu.memory_space<vmem_shared>>
        tpu.wait_indirect_dma semaphore(%arg20 : memref<!tpu.dma_semaphore, #tpu.memory_space<semaphore_mem>>) src(%dma_wait3A_1267 : memref<128xf32, #tpu.memory_space<vmem>>) dst(%dma_wait3A_1272 : memref<200192xf32, #tpu.memory_space<vmem_shared>>)
        %dma_wait3A_1273 = arith.constant 8 : i32
        %dma_wait3A_1274 = arith.constant 8 : i32
        %dma_wait3A_1275 = arith.constant 0 : i32
        %dma_wait3A_1276 = tpu.memref_slice %arg13[%dma_wait3A_1273, %dma_wait3A_1275] : memref<18x128xf32, #tpu.memory_space<vmem>> -> memref<1x128xf32, #tpu.memory_space<vmem>>
        %dma_wait3A_1277 = tpu.memref_squeeze %dma_wait3A_1276 : memref<1x128xf32, #tpu.memory_space<vmem>> -> memref<128xf32, #tpu.memory_space<vmem>>
        %dma_wait3A_1278 = arith.constant 0 : i32
        %dma_wait3A_1279 = tpu.memref_slice %arg12[%dma_wait3A_1274, %dma_wait3A_1278] : memref<18x128xi32, #tpu.memory_space<vmem>> -> memref<1x128xi32, #tpu.memory_space<vmem>>
        %dma_wait3A_1280 = tpu.memref_squeeze %dma_wait3A_1279 : memref<1x128xi32, #tpu.memory_space<vmem>> -> memref<128xi32, #tpu.memory_space<vmem>>
        %dma_wait3A_1281 = arith.constant 0 : i32
        %dma_wait3A_1282 = tpu.memref_slice %arg16[%dma_wait3A_1281] : memref<200192xf32, #tpu.memory_space<vmem_shared>> -> memref<200192xf32, #tpu.memory_space<vmem_shared>>
        tpu.wait_indirect_dma semaphore(%arg20 : memref<!tpu.dma_semaphore, #tpu.memory_space<semaphore_mem>>) src(%dma_wait3A_1277 : memref<128xf32, #tpu.memory_space<vmem>>) dst(%dma_wait3A_1282 : memref<200192xf32, #tpu.memory_space<vmem_shared>>)
        %dma_wait3A_1283 = arith.constant 9 : i32
        %dma_wait3A_1284 = arith.constant 9 : i32
        %dma_wait3A_1285 = arith.constant 0 : i32
        %dma_wait3A_1286 = tpu.memref_slice %arg13[%dma_wait3A_1283, %dma_wait3A_1285] : memref<18x128xf32, #tpu.memory_space<vmem>> -> memref<1x128xf32, #tpu.memory_space<vmem>>
        %dma_wait3A_1287 = tpu.memref_squeeze %dma_wait3A_1286 : memref<1x128xf32, #tpu.memory_space<vmem>> -> memref<128xf32, #tpu.memory_space<vmem>>
        %dma_wait3A_1288 = arith.constant 0 : i32
        %dma_wait3A_1289 = tpu.memref_slice %arg12[%dma_wait3A_1284, %dma_wait3A_1288] : memref<18x128xi32, #tpu.memory_space<vmem>> -> memref<1x128xi32, #tpu.memory_space<vmem>>
        %dma_wait3A_1290 = tpu.memref_squeeze %dma_wait3A_1289 : memref<1x128xi32, #tpu.memory_space<vmem>> -> memref<128xi32, #tpu.memory_space<vmem>>
        %dma_wait3A_1291 = arith.constant 0 : i32
        %dma_wait3A_1292 = tpu.memref_slice %arg16[%dma_wait3A_1291] : memref<200192xf32, #tpu.memory_space<vmem_shared>> -> memref<200192xf32, #tpu.memory_space<vmem_shared>>
        tpu.wait_indirect_dma semaphore(%arg20 : memref<!tpu.dma_semaphore, #tpu.memory_space<semaphore_mem>>) src(%dma_wait3A_1287 : memref<128xf32, #tpu.memory_space<vmem>>) dst(%dma_wait3A_1292 : memref<200192xf32, #tpu.memory_space<vmem_shared>>)
        %dma_wait3A_1293 = arith.constant 10 : i32
        %dma_wait3A_1294 = arith.constant 10 : i32
        %dma_wait3A_1295 = arith.constant 0 : i32
        %dma_wait3A_1296 = tpu.memref_slice %arg13[%dma_wait3A_1293, %dma_wait3A_1295] : memref<18x128xf32, #tpu.memory_space<vmem>> -> memref<1x128xf32, #tpu.memory_space<vmem>>
        %dma_wait3A_1297 = tpu.memref_squeeze %dma_wait3A_1296 : memref<1x128xf32, #tpu.memory_space<vmem>> -> memref<128xf32, #tpu.memory_space<vmem>>
        %dma_wait3A_1298 = arith.constant 0 : i32
        %dma_wait3A_1299 = tpu.memref_slice %arg12[%dma_wait3A_1294, %dma_wait3A_1298] : memref<18x128xi32, #tpu.memory_space<vmem>> -> memref<1x128xi32, #tpu.memory_space<vmem>>
        %dma_wait3A_1300 = tpu.memref_squeeze %dma_wait3A_1299 : memref<1x128xi32, #tpu.memory_space<vmem>> -> memref<128xi32, #tpu.memory_space<vmem>>
        %dma_wait3A_1301 = arith.constant 0 : i32
        %dma_wait3A_1302 = tpu.memref_slice %arg16[%dma_wait3A_1301] : memref<200192xf32, #tpu.memory_space<vmem_shared>> -> memref<200192xf32, #tpu.memory_space<vmem_shared>>
        tpu.wait_indirect_dma semaphore(%arg20 : memref<!tpu.dma_semaphore, #tpu.memory_space<semaphore_mem>>) src(%dma_wait3A_1297 : memref<128xf32, #tpu.memory_space<vmem>>) dst(%dma_wait3A_1302 : memref<200192xf32, #tpu.memory_space<vmem_shared>>)
        %dma_wait3A_1303 = arith.constant 11 : i32
        %dma_wait3A_1304 = arith.constant 11 : i32
        %dma_wait3A_1305 = arith.constant 0 : i32
        %dma_wait3A_1306 = tpu.memref_slice %arg13[%dma_wait3A_1303, %dma_wait3A_1305] : memref<18x128xf32, #tpu.memory_space<vmem>> -> memref<1x128xf32, #tpu.memory_space<vmem>>
        %dma_wait3A_1307 = tpu.memref_squeeze %dma_wait3A_1306 : memref<1x128xf32, #tpu.memory_space<vmem>> -> memref<128xf32, #tpu.memory_space<vmem>>
        %dma_wait3A_1308 = arith.constant 0 : i32
        %dma_wait3A_1309 = tpu.memref_slice %arg12[%dma_wait3A_1304, %dma_wait3A_1308] : memref<18x128xi32, #tpu.memory_space<vmem>> -> memref<1x128xi32, #tpu.memory_space<vmem>>
        %dma_wait3A_1310 = tpu.memref_squeeze %dma_wait3A_1309 : memref<1x128xi32, #tpu.memory_space<vmem>> -> memref<128xi32, #tpu.memory_space<vmem>>
        %dma_wait3A_1311 = arith.constant 0 : i32
        %dma_wait3A_1312 = tpu.memref_slice %arg16[%dma_wait3A_1311] : memref<200192xf32, #tpu.memory_space<vmem_shared>> -> memref<200192xf32, #tpu.memory_space<vmem_shared>>
        tpu.wait_indirect_dma semaphore(%arg20 : memref<!tpu.dma_semaphore, #tpu.memory_space<semaphore_mem>>) src(%dma_wait3A_1307 : memref<128xf32, #tpu.memory_space<vmem>>) dst(%dma_wait3A_1312 : memref<200192xf32, #tpu.memory_space<vmem_shared>>)
        %dma_wait3A_1313 = arith.constant 12 : i32
        %dma_wait3A_1314 = arith.constant 12 : i32
        %dma_wait3A_1315 = arith.constant 0 : i32
        %dma_wait3A_1316 = tpu.memref_slice %arg13[%dma_wait3A_1313, %dma_wait3A_1315] : memref<18x128xf32, #tpu.memory_space<vmem>> -> memref<1x128xf32, #tpu.memory_space<vmem>>
        %dma_wait3A_1317 = tpu.memref_squeeze %dma_wait3A_1316 : memref<1x128xf32, #tpu.memory_space<vmem>> -> memref<128xf32, #tpu.memory_space<vmem>>
        %dma_wait3A_1318 = arith.constant 0 : i32
        %dma_wait3A_1319 = tpu.memref_slice %arg12[%dma_wait3A_1314, %dma_wait3A_1318] : memref<18x128xi32, #tpu.memory_space<vmem>> -> memref<1x128xi32, #tpu.memory_space<vmem>>
        %dma_wait3A_1320 = tpu.memref_squeeze %dma_wait3A_1319 : memref<1x128xi32, #tpu.memory_space<vmem>> -> memref<128xi32, #tpu.memory_space<vmem>>
        %dma_wait3A_1321 = arith.constant 0 : i32
        %dma_wait3A_1322 = tpu.memref_slice %arg16[%dma_wait3A_1321] : memref<200192xf32, #tpu.memory_space<vmem_shared>> -> memref<200192xf32, #tpu.memory_space<vmem_shared>>
        tpu.wait_indirect_dma semaphore(%arg20 : memref<!tpu.dma_semaphore, #tpu.memory_space<semaphore_mem>>) src(%dma_wait3A_1317 : memref<128xf32, #tpu.memory_space<vmem>>) dst(%dma_wait3A_1322 : memref<200192xf32, #tpu.memory_space<vmem_shared>>)
        %dma_wait3A_1323 = arith.constant 13 : i32
        %dma_wait3A_1324 = arith.constant 13 : i32
        %dma_wait3A_1325 = arith.constant 0 : i32
        %dma_wait3A_1326 = tpu.memref_slice %arg13[%dma_wait3A_1323, %dma_wait3A_1325] : memref<18x128xf32, #tpu.memory_space<vmem>> -> memref<1x128xf32, #tpu.memory_space<vmem>>
        %dma_wait3A_1327 = tpu.memref_squeeze %dma_wait3A_1326 : memref<1x128xf32, #tpu.memory_space<vmem>> -> memref<128xf32, #tpu.memory_space<vmem>>
        %dma_wait3A_1328 = arith.constant 0 : i32
        %dma_wait3A_1329 = tpu.memref_slice %arg12[%dma_wait3A_1324, %dma_wait3A_1328] : memref<18x128xi32, #tpu.memory_space<vmem>> -> memref<1x128xi32, #tpu.memory_space<vmem>>
        %dma_wait3A_1330 = tpu.memref_squeeze %dma_wait3A_1329 : memref<1x128xi32, #tpu.memory_space<vmem>> -> memref<128xi32, #tpu.memory_space<vmem>>
        %dma_wait3A_1331 = arith.constant 0 : i32
        %dma_wait3A_1332 = tpu.memref_slice %arg16[%dma_wait3A_1331] : memref<200192xf32, #tpu.memory_space<vmem_shared>> -> memref<200192xf32, #tpu.memory_space<vmem_shared>>
        tpu.wait_indirect_dma semaphore(%arg20 : memref<!tpu.dma_semaphore, #tpu.memory_space<semaphore_mem>>) src(%dma_wait3A_1327 : memref<128xf32, #tpu.memory_space<vmem>>) dst(%dma_wait3A_1332 : memref<200192xf32, #tpu.memory_space<vmem_shared>>)
        %dma_wait3A_1333 = arith.constant 14 : i32
        %dma_wait3A_1334 = arith.constant 14 : i32
        %dma_wait3A_1335 = arith.constant 0 : i32
        %dma_wait3A_1336 = tpu.memref_slice %arg13[%dma_wait3A_1333, %dma_wait3A_1335] : memref<18x128xf32, #tpu.memory_space<vmem>> -> memref<1x128xf32, #tpu.memory_space<vmem>>
        %dma_wait3A_1337 = tpu.memref_squeeze %dma_wait3A_1336 : memref<1x128xf32, #tpu.memory_space<vmem>> -> memref<128xf32, #tpu.memory_space<vmem>>
        %dma_wait3A_1338 = arith.constant 0 : i32
        %dma_wait3A_1339 = tpu.memref_slice %arg12[%dma_wait3A_1334, %dma_wait3A_1338] : memref<18x128xi32, #tpu.memory_space<vmem>> -> memref<1x128xi32, #tpu.memory_space<vmem>>
        %dma_wait3A_1340 = tpu.memref_squeeze %dma_wait3A_1339 : memref<1x128xi32, #tpu.memory_space<vmem>> -> memref<128xi32, #tpu.memory_space<vmem>>
        %dma_wait3A_1341 = arith.constant 0 : i32
        %dma_wait3A_1342 = tpu.memref_slice %arg16[%dma_wait3A_1341] : memref<200192xf32, #tpu.memory_space<vmem_shared>> -> memref<200192xf32, #tpu.memory_space<vmem_shared>>
        tpu.wait_indirect_dma semaphore(%arg20 : memref<!tpu.dma_semaphore, #tpu.memory_space<semaphore_mem>>) src(%dma_wait3A_1337 : memref<128xf32, #tpu.memory_space<vmem>>) dst(%dma_wait3A_1342 : memref<200192xf32, #tpu.memory_space<vmem_shared>>)
        %dma_wait3A_1343 = arith.constant 15 : i32
        %dma_wait3A_1344 = arith.constant 15 : i32
        %dma_wait3A_1345 = arith.constant 0 : i32
        %dma_wait3A_1346 = tpu.memref_slice %arg13[%dma_wait3A_1343, %dma_wait3A_1345] : memref<18x128xf32, #tpu.memory_space<vmem>> -> memref<1x128xf32, #tpu.memory_space<vmem>>
        %dma_wait3A_1347 = tpu.memref_squeeze %dma_wait3A_1346 : memref<1x128xf32, #tpu.memory_space<vmem>> -> memref<128xf32, #tpu.memory_space<vmem>>
        %dma_wait3A_1348 = arith.constant 0 : i32
        %dma_wait3A_1349 = tpu.memref_slice %arg12[%dma_wait3A_1344, %dma_wait3A_1348] : memref<18x128xi32, #tpu.memory_space<vmem>> -> memref<1x128xi32, #tpu.memory_space<vmem>>
        %dma_wait3A_1350 = tpu.memref_squeeze %dma_wait3A_1349 : memref<1x128xi32, #tpu.memory_space<vmem>> -> memref<128xi32, #tpu.memory_space<vmem>>
        %dma_wait3A_1351 = arith.constant 0 : i32
        %dma_wait3A_1352 = tpu.memref_slice %arg16[%dma_wait3A_1351] : memref<200192xf32, #tpu.memory_space<vmem_shared>> -> memref<200192xf32, #tpu.memory_space<vmem_shared>>
        tpu.wait_indirect_dma semaphore(%arg20 : memref<!tpu.dma_semaphore, #tpu.memory_space<semaphore_mem>>) src(%dma_wait3A_1347 : memref<128xf32, #tpu.memory_space<vmem>>) dst(%dma_wait3A_1352 : memref<200192xf32, #tpu.memory_space<vmem_shared>>)
        %dma_wait3A_1353 = arith.constant 16 : i32
        %dma_wait3A_1354 = arith.constant 16 : i32
        %dma_wait3A_1355 = arith.constant 0 : i32
        %dma_wait3A_1356 = tpu.memref_slice %arg13[%dma_wait3A_1353, %dma_wait3A_1355] : memref<18x128xf32, #tpu.memory_space<vmem>> -> memref<1x128xf32, #tpu.memory_space<vmem>>
        %dma_wait3A_1357 = tpu.memref_squeeze %dma_wait3A_1356 : memref<1x128xf32, #tpu.memory_space<vmem>> -> memref<128xf32, #tpu.memory_space<vmem>>
        %dma_wait3A_1358 = arith.constant 0 : i32
        %dma_wait3A_1359 = tpu.memref_slice %arg12[%dma_wait3A_1354, %dma_wait3A_1358] : memref<18x128xi32, #tpu.memory_space<vmem>> -> memref<1x128xi32, #tpu.memory_space<vmem>>
        %dma_wait3A_1360 = tpu.memref_squeeze %dma_wait3A_1359 : memref<1x128xi32, #tpu.memory_space<vmem>> -> memref<128xi32, #tpu.memory_space<vmem>>
        %dma_wait3A_1361 = arith.constant 0 : i32
        %dma_wait3A_1362 = tpu.memref_slice %arg16[%dma_wait3A_1361] : memref<200192xf32, #tpu.memory_space<vmem_shared>> -> memref<200192xf32, #tpu.memory_space<vmem_shared>>
        tpu.wait_indirect_dma semaphore(%arg20 : memref<!tpu.dma_semaphore, #tpu.memory_space<semaphore_mem>>) src(%dma_wait3A_1357 : memref<128xf32, #tpu.memory_space<vmem>>) dst(%dma_wait3A_1362 : memref<200192xf32, #tpu.memory_space<vmem_shared>>)
        %dma_wait3A_1363 = arith.constant 17 : i32
        %dma_wait3A_1364 = arith.constant 17 : i32
        %dma_wait3A_1365 = arith.constant 0 : i32
        %dma_wait3A_1366 = tpu.memref_slice %arg13[%dma_wait3A_1363, %dma_wait3A_1365] : memref<18x128xf32, #tpu.memory_space<vmem>> -> memref<1x128xf32, #tpu.memory_space<vmem>>
        %dma_wait3A_1367 = tpu.memref_squeeze %dma_wait3A_1366 : memref<1x128xf32, #tpu.memory_space<vmem>> -> memref<128xf32, #tpu.memory_space<vmem>>
        %dma_wait3A_1368 = arith.constant 0 : i32
        %dma_wait3A_1369 = tpu.memref_slice %arg12[%dma_wait3A_1364, %dma_wait3A_1368] : memref<18x128xi32, #tpu.memory_space<vmem>> -> memref<1x128xi32, #tpu.memory_space<vmem>>
        %dma_wait3A_1370 = tpu.memref_squeeze %dma_wait3A_1369 : memref<1x128xi32, #tpu.memory_space<vmem>> -> memref<128xi32, #tpu.memory_space<vmem>>
        %dma_wait3A_1371 = arith.constant 0 : i32
        %dma_wait3A_1372 = tpu.memref_slice %arg16[%dma_wait3A_1371] : memref<200192xf32, #tpu.memory_space<vmem_shared>> -> memref<200192xf32, #tpu.memory_space<vmem_shared>>
        tpu.wait_indirect_dma semaphore(%arg20 : memref<!tpu.dma_semaphore, #tpu.memory_space<semaphore_mem>>) src(%dma_wait3A_1367 : memref<128xf32, #tpu.memory_space<vmem>>) dst(%dma_wait3A_1372 : memref<200192xf32, #tpu.memory_space<vmem_shared>>)
        %scan3A_1373 = arith.constant 0 : i32
        %scan3A_1374 = arith.constant 48 : i32
        %scan3A_1375 = arith.addi %scan3A_1373, %scan3A_1374 : i32
        %scan3A_1376 = arith.constant 1 : i32
        scf.for %scan3A_1572 = %scan3A_1373 to %scan3A_1375 step %scan3A_1376  : i32 {
          %mul3A_1573 = arith.constant 1 : i32
          %mul3A_1574 = arith.muli %scan3A_1572, %mul3A_1573 : i32
          %add3A_1575 = arith.constant 0 : i32
          %add3A_1576 = arith.addi %add3A_1575, %mul3A_1574 : i32
          %mul3A_1577 = arith.constant 16 : i32
          %mul3A_1578 = arith.muli %add3A_1576, %mul3A_1577 : i32
          %add3A_1579 = arith.constant 0 : i32
          %add3A_1580 = arith.addi %add3A_1579, %mul3A_1578 : i32
          %get3A = arith.index_cast %add3A_1580 : i32 to index
          %get3A_1581 = tpu.vector_load %arg9[%get3A] {strides = array<i32>} : memref<2304xi32, #tpu.memory_space<vmem>>, vector<16xi32>,
          %shift_right_logical3A = arith.constant 1 : i32
          %shift_right_logical3A_1582 = vector.broadcast %shift_right_logical3A : i32 to vector<16xi32>
          %shift_right_logical3A_1583 = arith.shrui %get3A_1581, %shift_right_logical3A_1582 : vector<16xi32>
          %gather3A_1584 = tpu.vector_load_idx %arg7[%shift_right_logical3A_1583] : memref<100000xf32, #tpu.memory_space<vmem>>[vector<16xi32>], vector<16xf32>,
          %rem3A_1585 = arith.constant 2 : i32
          %rem3A_1586 = vector.broadcast %rem3A_1585 : i32 to vector<16xi32>
          %rem3A_1587 = arith.remsi %get3A_1581, %rem3A_1586 : vector<16xi32>
          %eq3A_1588 = arith.constant 0 : i32
          %eq3A_1589 = vector.broadcast %eq3A_1588 : i32 to vector<16xi32>
          %eq3A_1590 = arith.cmpi eq, %rem3A_1587, %eq3A_1589 : vector<16xi32>
          %sub3A_1591 = arith.constant 1.000000e+00 : f32
          %sub3A_1592 = vector.broadcast %sub3A_1591 : f32 to vector<16xf32>
          %sub3A_1593 = arith.subf %sub3A_1592, %gather3A_1584 : vector<16xf32>
          %select_n3A_1594 = arith.select %eq3A_1590, %gather3A_1584, %sub3A_1593 : vector<16xi1>, vector<16xf32>
          %mul3A_1595 = arith.constant 16 : i32
          %mul3A_1596 = arith.muli %add3A_1576, %mul3A_1595 : i32
          %add3A_1597 = arith.constant 768 : i32
          %add3A_1598 = arith.addi %add3A_1597, %mul3A_1596 : i32
          %get3A_1599 = arith.index_cast %add3A_1598 : i32 to index
          %get3A_1600 = tpu.vector_load %arg9[%get3A_1599] {strides = array<i32>} : memref<2304xi32, #tpu.memory_space<vmem>>, vector<16xi32>,
          %shift_right_logical3A_1601 = arith.constant 1 : i32
          %shift_right_logical3A_1602 = vector.broadcast %shift_right_logical3A_1601 : i32 to vector<16xi32>
          %shift_right_logical3A_1603 = arith.shrui %get3A_1600, %shift_right_logical3A_1602 : vector<16xi32>
          %gather3A_1604 = tpu.vector_load_idx %arg7[%shift_right_logical3A_1603] : memref<100000xf32, #tpu.memory_space<vmem>>[vector<16xi32>], vector<16xf32>,
          %rem3A_1605 = arith.constant 2 : i32
          %rem3A_1606 = vector.broadcast %rem3A_1605 : i32 to vector<16xi32>
          %rem3A_1607 = arith.remsi %get3A_1600, %rem3A_1606 : vector<16xi32>
          %eq3A_1608 = arith.constant 0 : i32
          %eq3A_1609 = vector.broadcast %eq3A_1608 : i32 to vector<16xi32>
          %eq3A_1610 = arith.cmpi eq, %rem3A_1607, %eq3A_1609 : vector<16xi32>
          %sub3A_1611 = arith.constant 1.000000e+00 : f32
          %sub3A_1612 = vector.broadcast %sub3A_1611 : f32 to vector<16xf32>
          %sub3A_1613 = arith.subf %sub3A_1612, %gather3A_1604 : vector<16xf32>
          %select_n3A_1614 = arith.select %eq3A_1610, %gather3A_1604, %sub3A_1613 : vector<16xi1>, vector<16xf32>
          %mul3A_1615 = arith.constant 16 : i32
          %mul3A_1616 = arith.muli %add3A_1576, %mul3A_1615 : i32
          %add3A_1617 = arith.constant 1536 : i32
          %add3A_1618 = arith.addi %add3A_1617, %mul3A_1616 : i32
          %get3A_1619 = arith.index_cast %add3A_1618 : i32 to index
          %get3A_1620 = tpu.vector_load %arg9[%get3A_1619] {strides = array<i32>} : memref<2304xi32, #tpu.memory_space<vmem>>, vector<16xi32>,
          %shift_right_logical3A_1621 = arith.constant 1 : i32
          %shift_right_logical3A_1622 = vector.broadcast %shift_right_logical3A_1621 : i32 to vector<16xi32>
          %shift_right_logical3A_1623 = arith.shrui %get3A_1620, %shift_right_logical3A_1622 : vector<16xi32>
          %gather3A_1624 = tpu.vector_load_idx %arg7[%shift_right_logical3A_1623] : memref<100000xf32, #tpu.memory_space<vmem>>[vector<16xi32>], vector<16xf32>,
          %rem3A_1625 = arith.constant 2 : i32
          %rem3A_1626 = vector.broadcast %rem3A_1625 : i32 to vector<16xi32>
          %rem3A_1627 = arith.remsi %get3A_1620, %rem3A_1626 : vector<16xi32>
          %eq3A_1628 = arith.constant 0 : i32
          %eq3A_1629 = vector.broadcast %eq3A_1628 : i32 to vector<16xi32>
          %eq3A_1630 = arith.cmpi eq, %rem3A_1627, %eq3A_1629 : vector<16xi32>
          %sub3A_1631 = arith.constant 1.000000e+00 : f32
          %sub3A_1632 = vector.broadcast %sub3A_1631 : f32 to vector<16xf32>
          %sub3A_1633 = arith.subf %sub3A_1632, %gather3A_1624 : vector<16xf32>
          %select_n3A_1634 = arith.select %eq3A_1630, %gather3A_1624, %sub3A_1633 : vector<16xi1>, vector<16xf32>
          %max3A = arith.maximumf %select_n3A_1594, %select_n3A_1614 : vector<16xf32>
          %max3A_1635 = arith.maximumf %max3A, %select_n3A_1634 : vector<16xf32>
          %sub3A_1636 = arith.constant 1.000000e+00 : f32
          %sub3A_1637 = vector.broadcast %sub3A_1636 : f32 to vector<16xf32>
          %sub3A_1638 = arith.subf %sub3A_1637, %max3A_1635 : vector<16xf32>
          %mul3A_1639 = arith.constant 16 : i32
          %mul3A_1640 = arith.muli %add3A_1576, %mul3A_1639 : i32
          %add3A_1641 = arith.constant 0 : i32
          %add3A_1642 = arith.addi %add3A_1641, %mul3A_1640 : i32
          %get3A_1643 = arith.index_cast %add3A_1642 : i32 to index
          %get3A_1644 = tpu.vector_load %arg11[%get3A_1643] {strides = array<i32>} : memref<2304xf32, #tpu.memory_space<vmem>>, vector<16xf32>,
          %mul3A_1645 = arith.constant 16 : i32
          %mul3A_1646 = arith.muli %add3A_1576, %mul3A_1645 : i32
          %add3A_1647 = arith.constant 0 : i32
          %add3A_1648 = arith.addi %add3A_1647, %mul3A_1646 : i32
          %shift_right_logical3A_1649 = arith.constant 7 : i32
          %shift_right_logical3A_1650 = arith.shrui %add3A_1648, %shift_right_logical3A_1649 : i32
          %rem3A_1651 = arith.constant 128 : i32
          %rem3A_1652 = arith.remsi %add3A_1648, %rem3A_1651 : i32
          %mul3A_1653 = arith.mulf %sub3A_1638, %get3A_1644 : vector<16xf32>
          %swap3A_1654 = arith.index_cast %shift_right_logical3A_1650 : i32 to index
          %swap3A_1655 = arith.index_cast %rem3A_1652 : i32 to index
          %swap3A_1656 = tpu.vector_load %arg13[%swap3A_1654, %swap3A_1655] {strides = array<i32>} : memref<18x128xf32, #tpu.memory_space<vmem>>, vector<16xf32>,
          tpu.vector_store %arg13[%swap3A_1654, %swap3A_1655], %mul3A_1653 {strides = array<i32>} : memref<18x128xf32, #tpu.memory_space<vmem>>, vector<16xf32>,
          %add3A_1657 = vector.broadcast %mul3A_20 : i32 to vector<16xi32>
          %add3A_1658 = arith.addi %shift_right_logical3A_1583, %add3A_1657 : vector<16xi32>
          %swap3A_1659 = arith.index_cast %shift_right_logical3A_1650 : i32 to index
          %swap3A_1660 = arith.index_cast %rem3A_1652 : i32 to index
          %swap3A_1661 = tpu.vector_load %arg12[%swap3A_1659, %swap3A_1660] {strides = array<i32>} : memref<18x128xi32, #tpu.memory_space<vmem>>, vector<16xi32>,
          tpu.vector_store %arg12[%swap3A_1659, %swap3A_1660], %add3A_1658 {strides = array<i32>} : memref<18x128xi32, #tpu.memory_space<vmem>>, vector<16xi32>,
          %mul3A_1662 = arith.constant 16 : i32
          %mul3A_1663 = arith.muli %add3A_1576, %mul3A_1662 : i32
          %add3A_1664 = arith.constant 768 : i32
          %add3A_1665 = arith.addi %add3A_1664, %mul3A_1663 : i32
          %get3A_1666 = arith.index_cast %add3A_1665 : i32 to index
          %get3A_1667 = tpu.vector_load %arg11[%get3A_1666] {strides = array<i32>} : memref<2304xf32, #tpu.memory_space<vmem>>, vector<16xf32>,
          %mul3A_1668 = arith.constant 16 : i32
          %mul3A_1669 = arith.muli %add3A_1576, %mul3A_1668 : i32
          %add3A_1670 = arith.constant 768 : i32
          %add3A_1671 = arith.addi %add3A_1670, %mul3A_1669 : i32
          %shift_right_logical3A_1672 = arith.constant 7 : i32
          %shift_right_logical3A_1673 = arith.shrui %add3A_1671, %shift_right_logical3A_1672 : i32
          %rem3A_1674 = arith.constant 128 : i32
          %rem3A_1675 = arith.remsi %add3A_1671, %rem3A_1674 : i32
          %mul3A_1676 = arith.mulf %sub3A_1638, %get3A_1667 : vector<16xf32>
          %swap3A_1677 = arith.index_cast %shift_right_logical3A_1673 : i32 to index
          %swap3A_1678 = arith.index_cast %rem3A_1675 : i32 to index
          %swap3A_1679 = tpu.vector_load %arg13[%swap3A_1677, %swap3A_1678] {strides = array<i32>} : memref<18x128xf32, #tpu.memory_space<vmem>>, vector<16xf32>,
          tpu.vector_store %arg13[%swap3A_1677, %swap3A_1678], %mul3A_1676 {strides = array<i32>} : memref<18x128xf32, #tpu.memory_space<vmem>>, vector<16xf32>,
          %add3A_1680 = vector.broadcast %mul3A_20 : i32 to vector<16xi32>
          %add3A_1681 = arith.addi %shift_right_logical3A_1603, %add3A_1680 : vector<16xi32>
          %swap3A_1682 = arith.index_cast %shift_right_logical3A_1673 : i32 to index
          %swap3A_1683 = arith.index_cast %rem3A_1675 : i32 to index
          %swap3A_1684 = tpu.vector_load %arg12[%swap3A_1682, %swap3A_1683] {strides = array<i32>} : memref<18x128xi32, #tpu.memory_space<vmem>>, vector<16xi32>,
          tpu.vector_store %arg12[%swap3A_1682, %swap3A_1683], %add3A_1681 {strides = array<i32>} : memref<18x128xi32, #tpu.memory_space<vmem>>, vector<16xi32>,
          %mul3A_1685 = arith.constant 16 : i32
          %mul3A_1686 = arith.muli %add3A_1576, %mul3A_1685 : i32
          %add3A_1687 = arith.constant 1536 : i32
          %add3A_1688 = arith.addi %add3A_1687, %mul3A_1686 : i32
          %get3A_1689 = arith.index_cast %add3A_1688 : i32 to index
          %get3A_1690 = tpu.vector_load %arg11[%get3A_1689] {strides = array<i32>} : memref<2304xf32, #tpu.memory_space<vmem>>, vector<16xf32>,
          %mul3A_1691 = arith.constant 16 : i32
          %mul3A_1692 = arith.muli %add3A_1576, %mul3A_1691 : i32
          %add3A_1693 = arith.constant 1536 : i32
          %add3A_1694 = arith.addi %add3A_1693, %mul3A_1692 : i32
          %shift_right_logical3A_1695 = arith.constant 7 : i32
          %shift_right_logical3A_1696 = arith.shrui %add3A_1694, %shift_right_logical3A_1695 : i32
          %rem3A_1697 = arith.constant 128 : i32
          %rem3A_1698 = arith.remsi %add3A_1694, %rem3A_1697 : i32
          %mul3A_1699 = arith.mulf %sub3A_1638, %get3A_1690 : vector<16xf32>
          %swap3A_1700 = arith.index_cast %shift_right_logical3A_1696 : i32 to index
          %swap3A_1701 = arith.index_cast %rem3A_1698 : i32 to index
          %swap3A_1702 = tpu.vector_load %arg13[%swap3A_1700, %swap3A_1701] {strides = array<i32>} : memref<18x128xf32, #tpu.memory_space<vmem>>, vector<16xf32>,
          tpu.vector_store %arg13[%swap3A_1700, %swap3A_1701], %mul3A_1699 {strides = array<i32>} : memref<18x128xf32, #tpu.memory_space<vmem>>, vector<16xf32>,
          %add3A_1703 = vector.broadcast %mul3A_20 : i32 to vector<16xi32>
          %add3A_1704 = arith.addi %shift_right_logical3A_1623, %add3A_1703 : vector<16xi32>
          %swap3A_1705 = arith.index_cast %shift_right_logical3A_1696 : i32 to index
          %swap3A_1706 = arith.index_cast %rem3A_1698 : i32 to index
          %swap3A_1707 = tpu.vector_load %arg12[%swap3A_1705, %swap3A_1706] {strides = array<i32>} : memref<18x128xi32, #tpu.memory_space<vmem>>, vector<16xi32>,
          tpu.vector_store %arg12[%swap3A_1705, %swap3A_1706], %add3A_1704 {strides = array<i32>} : memref<18x128xi32, #tpu.memory_space<vmem>>, vector<16xi32>,
        }
        %scan3A_1377 = arith.constant 48 : i32
        %dma_start3A_1378 = arith.constant 0 : i32
        %dma_start3A_1379 = arith.constant 0 : i32
        %dma_start3A_1380 = arith.constant 0 : i32
        %dma_start3A_1381 = tpu.memref_slice %arg13[%dma_start3A_1378, %dma_start3A_1380] : memref<18x128xf32, #tpu.memory_space<vmem>> -> memref<1x128xf32, #tpu.memory_space<vmem>>
        %dma_start3A_1382 = tpu.memref_squeeze %dma_start3A_1381 : memref<1x128xf32, #tpu.memory_space<vmem>> -> memref<128xf32, #tpu.memory_space<vmem>>
        %dma_start3A_1383 = arith.constant 0 : i32
        %dma_start3A_1384 = tpu.memref_slice %arg12[%dma_start3A_1379, %dma_start3A_1383] : memref<18x128xi32, #tpu.memory_space<vmem>> -> memref<1x128xi32, #tpu.memory_space<vmem>>
        %dma_start3A_1385 = tpu.memref_squeeze %dma_start3A_1384 : memref<1x128xi32, #tpu.memory_space<vmem>> -> memref<128xi32, #tpu.memory_space<vmem>>
        %dma_start3A_1386 = arith.constant 0 : i32
        %dma_start3A_1387 = tpu.memref_slice %arg16[%dma_start3A_1386] : memref<200192xf32, #tpu.memory_space<vmem_shared>> -> memref<200192xf32, #tpu.memory_space<vmem_shared>>
        tpu.enqueue_indirect_dma source(%dma_start3A_1382 : memref<128xf32, #tpu.memory_space<vmem>>) target(%dma_start3A_1387 : memref<200192xf32, #tpu.memory_space<vmem_shared>>) offsets(%dma_start3A_1385 : memref<128xi32, #tpu.memory_space<vmem>>) semaphore(%arg20 : memref<!tpu.dma_semaphore, #tpu.memory_space<semaphore_mem>>) {add = true}
        %dma_start3A_1388 = arith.constant 1 : i32
        %dma_start3A_1389 = arith.constant 1 : i32
        %dma_start3A_1390 = arith.constant 0 : i32
        %dma_start3A_1391 = tpu.memref_slice %arg13[%dma_start3A_1388, %dma_start3A_1390] : memref<18x128xf32, #tpu.memory_space<vmem>> -> memref<1x128xf32, #tpu.memory_space<vmem>>
        %dma_start3A_1392 = tpu.memref_squeeze %dma_start3A_1391 : memref<1x128xf32, #tpu.memory_space<vmem>> -> memref<128xf32, #tpu.memory_space<vmem>>
        %dma_start3A_1393 = arith.constant 0 : i32
        %dma_start3A_1394 = tpu.memref_slice %arg12[%dma_start3A_1389, %dma_start3A_1393] : memref<18x128xi32, #tpu.memory_space<vmem>> -> memref<1x128xi32, #tpu.memory_space<vmem>>
        %dma_start3A_1395 = tpu.memref_squeeze %dma_start3A_1394 : memref<1x128xi32, #tpu.memory_space<vmem>> -> memref<128xi32, #tpu.memory_space<vmem>>
        %dma_start3A_1396 = arith.constant 0 : i32
        %dma_start3A_1397 = tpu.memref_slice %arg16[%dma_start3A_1396] : memref<200192xf32, #tpu.memory_space<vmem_shared>> -> memref<200192xf32, #tpu.memory_space<vmem_shared>>
        tpu.enqueue_indirect_dma source(%dma_start3A_1392 : memref<128xf32, #tpu.memory_space<vmem>>) target(%dma_start3A_1397 : memref<200192xf32, #tpu.memory_space<vmem_shared>>) offsets(%dma_start3A_1395 : memref<128xi32, #tpu.memory_space<vmem>>) semaphore(%arg20 : memref<!tpu.dma_semaphore, #tpu.memory_space<semaphore_mem>>) {add = true}
        %dma_start3A_1398 = arith.constant 2 : i32
        %dma_start3A_1399 = arith.constant 2 : i32
        %dma_start3A_1400 = arith.constant 0 : i32
        %dma_start3A_1401 = tpu.memref_slice %arg13[%dma_start3A_1398, %dma_start3A_1400] : memref<18x128xf32, #tpu.memory_space<vmem>> -> memref<1x128xf32, #tpu.memory_space<vmem>>
        %dma_start3A_1402 = tpu.memref_squeeze %dma_start3A_1401 : memref<1x128xf32, #tpu.memory_space<vmem>> -> memref<128xf32, #tpu.memory_space<vmem>>
        %dma_start3A_1403 = arith.constant 0 : i32
        %dma_start3A_1404 = tpu.memref_slice %arg12[%dma_start3A_1399, %dma_start3A_1403] : memref<18x128xi32, #tpu.memory_space<vmem>> -> memref<1x128xi32, #tpu.memory_space<vmem>>
        %dma_start3A_1405 = tpu.memref_squeeze %dma_start3A_1404 : memref<1x128xi32, #tpu.memory_space<vmem>> -> memref<128xi32, #tpu.memory_space<vmem>>
        %dma_start3A_1406 = arith.constant 0 : i32
        %dma_start3A_1407 = tpu.memref_slice %arg16[%dma_start3A_1406] : memref<200192xf32, #tpu.memory_space<vmem_shared>> -> memref<200192xf32, #tpu.memory_space<vmem_shared>>
        tpu.enqueue_indirect_dma source(%dma_start3A_1402 : memref<128xf32, #tpu.memory_space<vmem>>) target(%dma_start3A_1407 : memref<200192xf32, #tpu.memory_space<vmem_shared>>) offsets(%dma_start3A_1405 : memref<128xi32, #tpu.memory_space<vmem>>) semaphore(%arg20 : memref<!tpu.dma_semaphore, #tpu.memory_space<semaphore_mem>>) {add = true}
        %dma_start3A_1408 = arith.constant 3 : i32
        %dma_start3A_1409 = arith.constant 3 : i32
        %dma_start3A_1410 = arith.constant 0 : i32
        %dma_start3A_1411 = tpu.memref_slice %arg13[%dma_start3A_1408, %dma_start3A_1410] : memref<18x128xf32, #tpu.memory_space<vmem>> -> memref<1x128xf32, #tpu.memory_space<vmem>>
        %dma_start3A_1412 = tpu.memref_squeeze %dma_start3A_1411 : memref<1x128xf32, #tpu.memory_space<vmem>> -> memref<128xf32, #tpu.memory_space<vmem>>
        %dma_start3A_1413 = arith.constant 0 : i32
        %dma_start3A_1414 = tpu.memref_slice %arg12[%dma_start3A_1409, %dma_start3A_1413] : memref<18x128xi32, #tpu.memory_space<vmem>> -> memref<1x128xi32, #tpu.memory_space<vmem>>
        %dma_start3A_1415 = tpu.memref_squeeze %dma_start3A_1414 : memref<1x128xi32, #tpu.memory_space<vmem>> -> memref<128xi32, #tpu.memory_space<vmem>>
        %dma_start3A_1416 = arith.constant 0 : i32
        %dma_start3A_1417 = tpu.memref_slice %arg16[%dma_start3A_1416] : memref<200192xf32, #tpu.memory_space<vmem_shared>> -> memref<200192xf32, #tpu.memory_space<vmem_shared>>
        tpu.enqueue_indirect_dma source(%dma_start3A_1412 : memref<128xf32, #tpu.memory_space<vmem>>) target(%dma_start3A_1417 : memref<200192xf32, #tpu.memory_space<vmem_shared>>) offsets(%dma_start3A_1415 : memref<128xi32, #tpu.memory_space<vmem>>) semaphore(%arg20 : memref<!tpu.dma_semaphore, #tpu.memory_space<semaphore_mem>>) {add = true}
        %dma_start3A_1418 = arith.constant 4 : i32
        %dma_start3A_1419 = arith.constant 4 : i32
        %dma_start3A_1420 = arith.constant 0 : i32
        %dma_start3A_1421 = tpu.memref_slice %arg13[%dma_start3A_1418, %dma_start3A_1420] : memref<18x128xf32, #tpu.memory_space<vmem>> -> memref<1x128xf32, #tpu.memory_space<vmem>>
        %dma_start3A_1422 = tpu.memref_squeeze %dma_start3A_1421 : memref<1x128xf32, #tpu.memory_space<vmem>> -> memref<128xf32, #tpu.memory_space<vmem>>
        %dma_start3A_1423 = arith.constant 0 : i32
        %dma_start3A_1424 = tpu.memref_slice %arg12[%dma_start3A_1419, %dma_start3A_1423] : memref<18x128xi32, #tpu.memory_space<vmem>> -> memref<1x128xi32, #tpu.memory_space<vmem>>
        %dma_start3A_1425 = tpu.memref_squeeze %dma_start3A_1424 : memref<1x128xi32, #tpu.memory_space<vmem>> -> memref<128xi32, #tpu.memory_space<vmem>>
        %dma_start3A_1426 = arith.constant 0 : i32
        %dma_start3A_1427 = tpu.memref_slice %arg16[%dma_start3A_1426] : memref<200192xf32, #tpu.memory_space<vmem_shared>> -> memref<200192xf32, #tpu.memory_space<vmem_shared>>
        tpu.enqueue_indirect_dma source(%dma_start3A_1422 : memref<128xf32, #tpu.memory_space<vmem>>) target(%dma_start3A_1427 : memref<200192xf32, #tpu.memory_space<vmem_shared>>) offsets(%dma_start3A_1425 : memref<128xi32, #tpu.memory_space<vmem>>) semaphore(%arg20 : memref<!tpu.dma_semaphore, #tpu.memory_space<semaphore_mem>>) {add = true}
        %dma_start3A_1428 = arith.constant 5 : i32
        %dma_start3A_1429 = arith.constant 5 : i32
        %dma_start3A_1430 = arith.constant 0 : i32
        %dma_start3A_1431 = tpu.memref_slice %arg13[%dma_start3A_1428, %dma_start3A_1430] : memref<18x128xf32, #tpu.memory_space<vmem>> -> memref<1x128xf32, #tpu.memory_space<vmem>>
        %dma_start3A_1432 = tpu.memref_squeeze %dma_start3A_1431 : memref<1x128xf32, #tpu.memory_space<vmem>> -> memref<128xf32, #tpu.memory_space<vmem>>
        %dma_start3A_1433 = arith.constant 0 : i32
        %dma_start3A_1434 = tpu.memref_slice %arg12[%dma_start3A_1429, %dma_start3A_1433] : memref<18x128xi32, #tpu.memory_space<vmem>> -> memref<1x128xi32, #tpu.memory_space<vmem>>
        %dma_start3A_1435 = tpu.memref_squeeze %dma_start3A_1434 : memref<1x128xi32, #tpu.memory_space<vmem>> -> memref<128xi32, #tpu.memory_space<vmem>>
        %dma_start3A_1436 = arith.constant 0 : i32
        %dma_start3A_1437 = tpu.memref_slice %arg16[%dma_start3A_1436] : memref<200192xf32, #tpu.memory_space<vmem_shared>> -> memref<200192xf32, #tpu.memory_space<vmem_shared>>
        tpu.enqueue_indirect_dma source(%dma_start3A_1432 : memref<128xf32, #tpu.memory_space<vmem>>) target(%dma_start3A_1437 : memref<200192xf32, #tpu.memory_space<vmem_shared>>) offsets(%dma_start3A_1435 : memref<128xi32, #tpu.memory_space<vmem>>) semaphore(%arg20 : memref<!tpu.dma_semaphore, #tpu.memory_space<semaphore_mem>>) {add = true}
        %dma_start3A_1438 = arith.constant 6 : i32
        %dma_start3A_1439 = arith.constant 6 : i32
        %dma_start3A_1440 = arith.constant 0 : i32
        %dma_start3A_1441 = tpu.memref_slice %arg13[%dma_start3A_1438, %dma_start3A_1440] : memref<18x128xf32, #tpu.memory_space<vmem>> -> memref<1x128xf32, #tpu.memory_space<vmem>>
        %dma_start3A_1442 = tpu.memref_squeeze %dma_start3A_1441 : memref<1x128xf32, #tpu.memory_space<vmem>> -> memref<128xf32, #tpu.memory_space<vmem>>
        %dma_start3A_1443 = arith.constant 0 : i32
        %dma_start3A_1444 = tpu.memref_slice %arg12[%dma_start3A_1439, %dma_start3A_1443] : memref<18x128xi32, #tpu.memory_space<vmem>> -> memref<1x128xi32, #tpu.memory_space<vmem>>
        %dma_start3A_1445 = tpu.memref_squeeze %dma_start3A_1444 : memref<1x128xi32, #tpu.memory_space<vmem>> -> memref<128xi32, #tpu.memory_space<vmem>>
        %dma_start3A_1446 = arith.constant 0 : i32
        %dma_start3A_1447 = tpu.memref_slice %arg16[%dma_start3A_1446] : memref<200192xf32, #tpu.memory_space<vmem_shared>> -> memref<200192xf32, #tpu.memory_space<vmem_shared>>
        tpu.enqueue_indirect_dma source(%dma_start3A_1442 : memref<128xf32, #tpu.memory_space<vmem>>) target(%dma_start3A_1447 : memref<200192xf32, #tpu.memory_space<vmem_shared>>) offsets(%dma_start3A_1445 : memref<128xi32, #tpu.memory_space<vmem>>) semaphore(%arg20 : memref<!tpu.dma_semaphore, #tpu.memory_space<semaphore_mem>>) {add = true}
        %dma_start3A_1448 = arith.constant 7 : i32
        %dma_start3A_1449 = arith.constant 7 : i32
        %dma_start3A_1450 = arith.constant 0 : i32
        %dma_start3A_1451 = tpu.memref_slice %arg13[%dma_start3A_1448, %dma_start3A_1450] : memref<18x128xf32, #tpu.memory_space<vmem>> -> memref<1x128xf32, #tpu.memory_space<vmem>>
        %dma_start3A_1452 = tpu.memref_squeeze %dma_start3A_1451 : memref<1x128xf32, #tpu.memory_space<vmem>> -> memref<128xf32, #tpu.memory_space<vmem>>
        %dma_start3A_1453 = arith.constant 0 : i32
        %dma_start3A_1454 = tpu.memref_slice %arg12[%dma_start3A_1449, %dma_start3A_1453] : memref<18x128xi32, #tpu.memory_space<vmem>> -> memref<1x128xi32, #tpu.memory_space<vmem>>
        %dma_start3A_1455 = tpu.memref_squeeze %dma_start3A_1454 : memref<1x128xi32, #tpu.memory_space<vmem>> -> memref<128xi32, #tpu.memory_space<vmem>>
        %dma_start3A_1456 = arith.constant 0 : i32
        %dma_start3A_1457 = tpu.memref_slice %arg16[%dma_start3A_1456] : memref<200192xf32, #tpu.memory_space<vmem_shared>> -> memref<200192xf32, #tpu.memory_space<vmem_shared>>
        tpu.enqueue_indirect_dma source(%dma_start3A_1452 : memref<128xf32, #tpu.memory_space<vmem>>) target(%dma_start3A_1457 : memref<200192xf32, #tpu.memory_space<vmem_shared>>) offsets(%dma_start3A_1455 : memref<128xi32, #tpu.memory_space<vmem>>) semaphore(%arg20 : memref<!tpu.dma_semaphore, #tpu.memory_space<semaphore_mem>>) {add = true}
        %dma_start3A_1458 = arith.constant 8 : i32
        %dma_start3A_1459 = arith.constant 8 : i32
        %dma_start3A_1460 = arith.constant 0 : i32
        %dma_start3A_1461 = tpu.memref_slice %arg13[%dma_start3A_1458, %dma_start3A_1460] : memref<18x128xf32, #tpu.memory_space<vmem>> -> memref<1x128xf32, #tpu.memory_space<vmem>>
        %dma_start3A_1462 = tpu.memref_squeeze %dma_start3A_1461 : memref<1x128xf32, #tpu.memory_space<vmem>> -> memref<128xf32, #tpu.memory_space<vmem>>
        %dma_start3A_1463 = arith.constant 0 : i32
        %dma_start3A_1464 = tpu.memref_slice %arg12[%dma_start3A_1459, %dma_start3A_1463] : memref<18x128xi32, #tpu.memory_space<vmem>> -> memref<1x128xi32, #tpu.memory_space<vmem>>
        %dma_start3A_1465 = tpu.memref_squeeze %dma_start3A_1464 : memref<1x128xi32, #tpu.memory_space<vmem>> -> memref<128xi32, #tpu.memory_space<vmem>>
        %dma_start3A_1466 = arith.constant 0 : i32
        %dma_start3A_1467 = tpu.memref_slice %arg16[%dma_start3A_1466] : memref<200192xf32, #tpu.memory_space<vmem_shared>> -> memref<200192xf32, #tpu.memory_space<vmem_shared>>
        tpu.enqueue_indirect_dma source(%dma_start3A_1462 : memref<128xf32, #tpu.memory_space<vmem>>) target(%dma_start3A_1467 : memref<200192xf32, #tpu.memory_space<vmem_shared>>) offsets(%dma_start3A_1465 : memref<128xi32, #tpu.memory_space<vmem>>) semaphore(%arg20 : memref<!tpu.dma_semaphore, #tpu.memory_space<semaphore_mem>>) {add = true}
        %dma_start3A_1468 = arith.constant 9 : i32
        %dma_start3A_1469 = arith.constant 9 : i32
        %dma_start3A_1470 = arith.constant 0 : i32
        %dma_start3A_1471 = tpu.memref_slice %arg13[%dma_start3A_1468, %dma_start3A_1470] : memref<18x128xf32, #tpu.memory_space<vmem>> -> memref<1x128xf32, #tpu.memory_space<vmem>>
        %dma_start3A_1472 = tpu.memref_squeeze %dma_start3A_1471 : memref<1x128xf32, #tpu.memory_space<vmem>> -> memref<128xf32, #tpu.memory_space<vmem>>
        %dma_start3A_1473 = arith.constant 0 : i32
        %dma_start3A_1474 = tpu.memref_slice %arg12[%dma_start3A_1469, %dma_start3A_1473] : memref<18x128xi32, #tpu.memory_space<vmem>> -> memref<1x128xi32, #tpu.memory_space<vmem>>
        %dma_start3A_1475 = tpu.memref_squeeze %dma_start3A_1474 : memref<1x128xi32, #tpu.memory_space<vmem>> -> memref<128xi32, #tpu.memory_space<vmem>>
        %dma_start3A_1476 = arith.constant 0 : i32
        %dma_start3A_1477 = tpu.memref_slice %arg16[%dma_start3A_1476] : memref<200192xf32, #tpu.memory_space<vmem_shared>> -> memref<200192xf32, #tpu.memory_space<vmem_shared>>
        tpu.enqueue_indirect_dma source(%dma_start3A_1472 : memref<128xf32, #tpu.memory_space<vmem>>) target(%dma_start3A_1477 : memref<200192xf32, #tpu.memory_space<vmem_shared>>) offsets(%dma_start3A_1475 : memref<128xi32, #tpu.memory_space<vmem>>) semaphore(%arg20 : memref<!tpu.dma_semaphore, #tpu.memory_space<semaphore_mem>>) {add = true}
        %dma_start3A_1478 = arith.constant 10 : i32
        %dma_start3A_1479 = arith.constant 10 : i32
        %dma_start3A_1480 = arith.constant 0 : i32
        %dma_start3A_1481 = tpu.memref_slice %arg13[%dma_start3A_1478, %dma_start3A_1480] : memref<18x128xf32, #tpu.memory_space<vmem>> -> memref<1x128xf32, #tpu.memory_space<vmem>>
        %dma_start3A_1482 = tpu.memref_squeeze %dma_start3A_1481 : memref<1x128xf32, #tpu.memory_space<vmem>> -> memref<128xf32, #tpu.memory_space<vmem>>
        %dma_start3A_1483 = arith.constant 0 : i32
        %dma_start3A_1484 = tpu.memref_slice %arg12[%dma_start3A_1479, %dma_start3A_1483] : memref<18x128xi32, #tpu.memory_space<vmem>> -> memref<1x128xi32, #tpu.memory_space<vmem>>
        %dma_start3A_1485 = tpu.memref_squeeze %dma_start3A_1484 : memref<1x128xi32, #tpu.memory_space<vmem>> -> memref<128xi32, #tpu.memory_space<vmem>>
        %dma_start3A_1486 = arith.constant 0 : i32
        %dma_start3A_1487 = tpu.memref_slice %arg16[%dma_start3A_1486] : memref<200192xf32, #tpu.memory_space<vmem_shared>> -> memref<200192xf32, #tpu.memory_space<vmem_shared>>
        tpu.enqueue_indirect_dma source(%dma_start3A_1482 : memref<128xf32, #tpu.memory_space<vmem>>) target(%dma_start3A_1487 : memref<200192xf32, #tpu.memory_space<vmem_shared>>) offsets(%dma_start3A_1485 : memref<128xi32, #tpu.memory_space<vmem>>) semaphore(%arg20 : memref<!tpu.dma_semaphore, #tpu.memory_space<semaphore_mem>>) {add = true}
        %dma_start3A_1488 = arith.constant 11 : i32
        %dma_start3A_1489 = arith.constant 11 : i32
        %dma_start3A_1490 = arith.constant 0 : i32
        %dma_start3A_1491 = tpu.memref_slice %arg13[%dma_start3A_1488, %dma_start3A_1490] : memref<18x128xf32, #tpu.memory_space<vmem>> -> memref<1x128xf32, #tpu.memory_space<vmem>>
        %dma_start3A_1492 = tpu.memref_squeeze %dma_start3A_1491 : memref<1x128xf32, #tpu.memory_space<vmem>> -> memref<128xf32, #tpu.memory_space<vmem>>
        %dma_start3A_1493 = arith.constant 0 : i32
        %dma_start3A_1494 = tpu.memref_slice %arg12[%dma_start3A_1489, %dma_start3A_1493] : memref<18x128xi32, #tpu.memory_space<vmem>> -> memref<1x128xi32, #tpu.memory_space<vmem>>
        %dma_start3A_1495 = tpu.memref_squeeze %dma_start3A_1494 : memref<1x128xi32, #tpu.memory_space<vmem>> -> memref<128xi32, #tpu.memory_space<vmem>>
        %dma_start3A_1496 = arith.constant 0 : i32
        %dma_start3A_1497 = tpu.memref_slice %arg16[%dma_start3A_1496] : memref<200192xf32, #tpu.memory_space<vmem_shared>> -> memref<200192xf32, #tpu.memory_space<vmem_shared>>
        tpu.enqueue_indirect_dma source(%dma_start3A_1492 : memref<128xf32, #tpu.memory_space<vmem>>) target(%dma_start3A_1497 : memref<200192xf32, #tpu.memory_space<vmem_shared>>) offsets(%dma_start3A_1495 : memref<128xi32, #tpu.memory_space<vmem>>) semaphore(%arg20 : memref<!tpu.dma_semaphore, #tpu.memory_space<semaphore_mem>>) {add = true}
        %dma_start3A_1498 = arith.constant 12 : i32
        %dma_start3A_1499 = arith.constant 12 : i32
        %dma_start3A_1500 = arith.constant 0 : i32
        %dma_start3A_1501 = tpu.memref_slice %arg13[%dma_start3A_1498, %dma_start3A_1500] : memref<18x128xf32, #tpu.memory_space<vmem>> -> memref<1x128xf32, #tpu.memory_space<vmem>>
        %dma_start3A_1502 = tpu.memref_squeeze %dma_start3A_1501 : memref<1x128xf32, #tpu.memory_space<vmem>> -> memref<128xf32, #tpu.memory_space<vmem>>
        %dma_start3A_1503 = arith.constant 0 : i32
        %dma_start3A_1504 = tpu.memref_slice %arg12[%dma_start3A_1499, %dma_start3A_1503] : memref<18x128xi32, #tpu.memory_space<vmem>> -> memref<1x128xi32, #tpu.memory_space<vmem>>
        %dma_start3A_1505 = tpu.memref_squeeze %dma_start3A_1504 : memref<1x128xi32, #tpu.memory_space<vmem>> -> memref<128xi32, #tpu.memory_space<vmem>>
        %dma_start3A_1506 = arith.constant 0 : i32
        %dma_start3A_1507 = tpu.memref_slice %arg16[%dma_start3A_1506] : memref<200192xf32, #tpu.memory_space<vmem_shared>> -> memref<200192xf32, #tpu.memory_space<vmem_shared>>
        tpu.enqueue_indirect_dma source(%dma_start3A_1502 : memref<128xf32, #tpu.memory_space<vmem>>) target(%dma_start3A_1507 : memref<200192xf32, #tpu.memory_space<vmem_shared>>) offsets(%dma_start3A_1505 : memref<128xi32, #tpu.memory_space<vmem>>) semaphore(%arg20 : memref<!tpu.dma_semaphore, #tpu.memory_space<semaphore_mem>>) {add = true}
        %dma_start3A_1508 = arith.constant 13 : i32
        %dma_start3A_1509 = arith.constant 13 : i32
        %dma_start3A_1510 = arith.constant 0 : i32
        %dma_start3A_1511 = tpu.memref_slice %arg13[%dma_start3A_1508, %dma_start3A_1510] : memref<18x128xf32, #tpu.memory_space<vmem>> -> memref<1x128xf32, #tpu.memory_space<vmem>>
        %dma_start3A_1512 = tpu.memref_squeeze %dma_start3A_1511 : memref<1x128xf32, #tpu.memory_space<vmem>> -> memref<128xf32, #tpu.memory_space<vmem>>
        %dma_start3A_1513 = arith.constant 0 : i32
        %dma_start3A_1514 = tpu.memref_slice %arg12[%dma_start3A_1509, %dma_start3A_1513] : memref<18x128xi32, #tpu.memory_space<vmem>> -> memref<1x128xi32, #tpu.memory_space<vmem>>
        %dma_start3A_1515 = tpu.memref_squeeze %dma_start3A_1514 : memref<1x128xi32, #tpu.memory_space<vmem>> -> memref<128xi32, #tpu.memory_space<vmem>>
        %dma_start3A_1516 = arith.constant 0 : i32
        %dma_start3A_1517 = tpu.memref_slice %arg16[%dma_start3A_1516] : memref<200192xf32, #tpu.memory_space<vmem_shared>> -> memref<200192xf32, #tpu.memory_space<vmem_shared>>
        tpu.enqueue_indirect_dma source(%dma_start3A_1512 : memref<128xf32, #tpu.memory_space<vmem>>) target(%dma_start3A_1517 : memref<200192xf32, #tpu.memory_space<vmem_shared>>) offsets(%dma_start3A_1515 : memref<128xi32, #tpu.memory_space<vmem>>) semaphore(%arg20 : memref<!tpu.dma_semaphore, #tpu.memory_space<semaphore_mem>>) {add = true}
        %dma_start3A_1518 = arith.constant 14 : i32
        %dma_start3A_1519 = arith.constant 14 : i32
        %dma_start3A_1520 = arith.constant 0 : i32
        %dma_start3A_1521 = tpu.memref_slice %arg13[%dma_start3A_1518, %dma_start3A_1520] : memref<18x128xf32, #tpu.memory_space<vmem>> -> memref<1x128xf32, #tpu.memory_space<vmem>>
        %dma_start3A_1522 = tpu.memref_squeeze %dma_start3A_1521 : memref<1x128xf32, #tpu.memory_space<vmem>> -> memref<128xf32, #tpu.memory_space<vmem>>
        %dma_start3A_1523 = arith.constant 0 : i32
        %dma_start3A_1524 = tpu.memref_slice %arg12[%dma_start3A_1519, %dma_start3A_1523] : memref<18x128xi32, #tpu.memory_space<vmem>> -> memref<1x128xi32, #tpu.memory_space<vmem>>
        %dma_start3A_1525 = tpu.memref_squeeze %dma_start3A_1524 : memref<1x128xi32, #tpu.memory_space<vmem>> -> memref<128xi32, #tpu.memory_space<vmem>>
        %dma_start3A_1526 = arith.constant 0 : i32
        %dma_start3A_1527 = tpu.memref_slice %arg16[%dma_start3A_1526] : memref<200192xf32, #tpu.memory_space<vmem_shared>> -> memref<200192xf32, #tpu.memory_space<vmem_shared>>
        tpu.enqueue_indirect_dma source(%dma_start3A_1522 : memref<128xf32, #tpu.memory_space<vmem>>) target(%dma_start3A_1527 : memref<200192xf32, #tpu.memory_space<vmem_shared>>) offsets(%dma_start3A_1525 : memref<128xi32, #tpu.memory_space<vmem>>) semaphore(%arg20 : memref<!tpu.dma_semaphore, #tpu.memory_space<semaphore_mem>>) {add = true}
        %dma_start3A_1528 = arith.constant 15 : i32
        %dma_start3A_1529 = arith.constant 15 : i32
        %dma_start3A_1530 = arith.constant 0 : i32
        %dma_start3A_1531 = tpu.memref_slice %arg13[%dma_start3A_1528, %dma_start3A_1530] : memref<18x128xf32, #tpu.memory_space<vmem>> -> memref<1x128xf32, #tpu.memory_space<vmem>>
        %dma_start3A_1532 = tpu.memref_squeeze %dma_start3A_1531 : memref<1x128xf32, #tpu.memory_space<vmem>> -> memref<128xf32, #tpu.memory_space<vmem>>
        %dma_start3A_1533 = arith.constant 0 : i32
        %dma_start3A_1534 = tpu.memref_slice %arg12[%dma_start3A_1529, %dma_start3A_1533] : memref<18x128xi32, #tpu.memory_space<vmem>> -> memref<1x128xi32, #tpu.memory_space<vmem>>
        %dma_start3A_1535 = tpu.memref_squeeze %dma_start3A_1534 : memref<1x128xi32, #tpu.memory_space<vmem>> -> memref<128xi32, #tpu.memory_space<vmem>>
        %dma_start3A_1536 = arith.constant 0 : i32
        %dma_start3A_1537 = tpu.memref_slice %arg16[%dma_start3A_1536] : memref<200192xf32, #tpu.memory_space<vmem_shared>> -> memref<200192xf32, #tpu.memory_space<vmem_shared>>
        tpu.enqueue_indirect_dma source(%dma_start3A_1532 : memref<128xf32, #tpu.memory_space<vmem>>) target(%dma_start3A_1537 : memref<200192xf32, #tpu.memory_space<vmem_shared>>) offsets(%dma_start3A_1535 : memref<128xi32, #tpu.memory_space<vmem>>) semaphore(%arg20 : memref<!tpu.dma_semaphore, #tpu.memory_space<semaphore_mem>>) {add = true}
        %dma_start3A_1538 = arith.constant 16 : i32
        %dma_start3A_1539 = arith.constant 16 : i32
        %dma_start3A_1540 = arith.constant 0 : i32
        %dma_start3A_1541 = tpu.memref_slice %arg13[%dma_start3A_1538, %dma_start3A_1540] : memref<18x128xf32, #tpu.memory_space<vmem>> -> memref<1x128xf32, #tpu.memory_space<vmem>>
        %dma_start3A_1542 = tpu.memref_squeeze %dma_start3A_1541 : memref<1x128xf32, #tpu.memory_space<vmem>> -> memref<128xf32, #tpu.memory_space<vmem>>
        %dma_start3A_1543 = arith.constant 0 : i32
        %dma_start3A_1544 = tpu.memref_slice %arg12[%dma_start3A_1539, %dma_start3A_1543] : memref<18x128xi32, #tpu.memory_space<vmem>> -> memref<1x128xi32, #tpu.memory_space<vmem>>
        %dma_start3A_1545 = tpu.memref_squeeze %dma_start3A_1544 : memref<1x128xi32, #tpu.memory_space<vmem>> -> memref<128xi32, #tpu.memory_space<vmem>>
        %dma_start3A_1546 = arith.constant 0 : i32
        %dma_start3A_1547 = tpu.memref_slice %arg16[%dma_start3A_1546] : memref<200192xf32, #tpu.memory_space<vmem_shared>> -> memref<200192xf32, #tpu.memory_space<vmem_shared>>
        tpu.enqueue_indirect_dma source(%dma_start3A_1542 : memref<128xf32, #tpu.memory_space<vmem>>) target(%dma_start3A_1547 : memref<200192xf32, #tpu.memory_space<vmem_shared>>) offsets(%dma_start3A_1545 : memref<128xi32, #tpu.memory_space<vmem>>) semaphore(%arg20 : memref<!tpu.dma_semaphore, #tpu.memory_space<semaphore_mem>>) {add = true}
        %dma_start3A_1548 = arith.constant 17 : i32
        %dma_start3A_1549 = arith.constant 17 : i32
        %dma_start3A_1550 = arith.constant 0 : i32
        %dma_start3A_1551 = tpu.memref_slice %arg13[%dma_start3A_1548, %dma_start3A_1550] : memref<18x128xf32, #tpu.memory_space<vmem>> -> memref<1x128xf32, #tpu.memory_space<vmem>>
        %dma_start3A_1552 = tpu.memref_squeeze %dma_start3A_1551 : memref<1x128xf32, #tpu.memory_space<vmem>> -> memref<128xf32, #tpu.memory_space<vmem>>
        %dma_start3A_1553 = arith.constant 0 : i32
        %dma_start3A_1554 = tpu.memref_slice %arg12[%dma_start3A_1549, %dma_start3A_1553] : memref<18x128xi32, #tpu.memory_space<vmem>> -> memref<1x128xi32, #tpu.memory_space<vmem>>
        %dma_start3A_1555 = tpu.memref_squeeze %dma_start3A_1554 : memref<1x128xi32, #tpu.memory_space<vmem>> -> memref<128xi32, #tpu.memory_space<vmem>>
        %dma_start3A_1556 = arith.constant 0 : i32
        %dma_start3A_1557 = tpu.memref_slice %arg16[%dma_start3A_1556] : memref<200192xf32, #tpu.memory_space<vmem_shared>> -> memref<200192xf32, #tpu.memory_space<vmem_shared>>
        tpu.enqueue_indirect_dma source(%dma_start3A_1552 : memref<128xf32, #tpu.memory_space<vmem>>) target(%dma_start3A_1557 : memref<200192xf32, #tpu.memory_space<vmem_shared>>) offsets(%dma_start3A_1555 : memref<128xi32, #tpu.memory_space<vmem>>) semaphore(%arg20 : memref<!tpu.dma_semaphore, #tpu.memory_space<semaphore_mem>>) {add = true}
        %add3A_1558 = arith.constant 2 : i32
        %add3A_1559 = arith.addi %add3A_1135, %add3A_1558 : i32
        %lt3A_1560 = arith.constant 260 : i32
        %lt3A_1561 = arith.cmpi slt, %add3A_1559, %lt3A_1560 : i32
        %convert_element_type3A_1562 = arith.extui %lt3A_1561 : i1 to i32
        %cond3A_1563 = arith.constant 0 : i32
        %cond3A_1564 = arith.cmpi ne, %convert_element_type3A_1562, %cond3A_1563 : i32
        scf.if %cond3A_1564 {
          %add3A_1572 = arith.constant 2 : i32
          %add3A_1573 = arith.addi %add3A_1135, %add3A_1572 : i32
          %mul3A_1574 = arith.constant 768 : i32
          %mul3A_1575 = arith.muli %add3A_1573, %mul3A_1574 : i32
          %add3A_1576 = arith.addi %mul3A_22, %mul3A_1575 : i32
          %add3A_1577 = arith.constant 0 : i32
          %add3A_1578 = arith.addi %add3A_1577, %add3A_1576 : i32
          %multiple_of3A_1579 = tpu.assume_multiple %add3A_1578, 8 : i32
          %add3A_1580 = arith.constant 0 : i32
          %add3A_1581 = arith.addi %add3A_1580, %add3A_1576 : i32
          %multiple_of3A_1582 = tpu.assume_multiple %add3A_1581, 8 : i32
          %add3A_1583 = arith.constant 1600000 : i32
          %add3A_1584 = arith.addi %add3A_1583, %add3A_1576 : i32
          %multiple_of3A_1585 = tpu.assume_multiple %add3A_1584, 8 : i32
          %add3A_1586 = arith.constant 1600000 : i32
          %add3A_1587 = arith.addi %add3A_1586, %add3A_1576 : i32
          %multiple_of3A_1588 = tpu.assume_multiple %add3A_1587, 8 : i32
          %add3A_1589 = arith.constant 3200000 : i32
          %add3A_1590 = arith.addi %add3A_1589, %add3A_1576 : i32
          %multiple_of3A_1591 = tpu.assume_multiple %add3A_1590, 8 : i32
          %add3A_1592 = arith.constant 3200000 : i32
          %add3A_1593 = arith.addi %add3A_1592, %add3A_1576 : i32
          %multiple_of3A_1594 = tpu.assume_multiple %add3A_1593, 8 : i32
          %dma_start3A_1595 = arith.constant 0 : i32
          %dma_start3A_1596 = tpu.memref_slice %arg9[%dma_start3A_1595] : memref<2304xi32, #tpu.memory_space<vmem>> -> memref<768xi32, #tpu.memory_space<vmem>>
          %dma_start3A_1597 = tpu.memref_slice %arg2[%multiple_of3A_1579] : memref<4800000xi32, #tpu.memory_space<hbm>> -> memref<768xi32, #tpu.memory_space<hbm>>
          %dma_start3A_1598 = arith.constant 0 : i32
          %dma_start3A_1599 = tpu.memref_slice %arg9[%dma_start3A_1598] : memref<2304xi32, #tpu.memory_space<vmem>> -> memref<768xi32, #tpu.memory_space<vmem>>
          %dma_start3A_1600 = tpu.memref_slice %arg2[%multiple_of3A_1579] : memref<4800000xi32, #tpu.memory_space<hbm>> -> memref<768xi32, #tpu.memory_space<hbm>>
          tpu.enqueue_dma source(%dma_start3A_1600 : memref<768xi32, #tpu.memory_space<hbm>>) target(%dma_start3A_1599 : memref<768xi32, #tpu.memory_space<vmem>>) target_semaphore(%arg19 : memref<!tpu.dma_semaphore, #tpu.memory_space<semaphore_mem>>)
          %dma_start3A_1601 = arith.constant 0 : i32
          %dma_start3A_1602 = tpu.memref_slice %arg11[%dma_start3A_1601] : memref<2304xf32, #tpu.memory_space<vmem>> -> memref<768xf32, #tpu.memory_space<vmem>>
          %dma_start3A_1603 = tpu.memref_slice %arg3[%multiple_of3A_1582] : memref<4800000xf32, #tpu.memory_space<hbm>> -> memref<768xf32, #tpu.memory_space<hbm>>
          %dma_start3A_1604 = arith.constant 0 : i32
          %dma_start3A_1605 = tpu.memref_slice %arg11[%dma_start3A_1604] : memref<2304xf32, #tpu.memory_space<vmem>> -> memref<768xf32, #tpu.memory_space<vmem>>
          %dma_start3A_1606 = tpu.memref_slice %arg3[%multiple_of3A_1582] : memref<4800000xf32, #tpu.memory_space<hbm>> -> memref<768xf32, #tpu.memory_space<hbm>>
          tpu.enqueue_dma source(%dma_start3A_1606 : memref<768xf32, #tpu.memory_space<hbm>>) target(%dma_start3A_1605 : memref<768xf32, #tpu.memory_space<vmem>>) target_semaphore(%arg19 : memref<!tpu.dma_semaphore, #tpu.memory_space<semaphore_mem>>)
          %dma_start3A_1607 = arith.constant 768 : i32
          %dma_start3A_1608 = tpu.memref_slice %arg9[%dma_start3A_1607] : memref<2304xi32, #tpu.memory_space<vmem>> -> memref<768xi32, #tpu.memory_space<vmem>>
          %dma_start3A_1609 = tpu.memref_slice %arg2[%multiple_of3A_1585] : memref<4800000xi32, #tpu.memory_space<hbm>> -> memref<768xi32, #tpu.memory_space<hbm>>
          %dma_start3A_1610 = arith.constant 768 : i32
          %dma_start3A_1611 = tpu.memref_slice %arg9[%dma_start3A_1610] : memref<2304xi32, #tpu.memory_space<vmem>> -> memref<768xi32, #tpu.memory_space<vmem>>
          %dma_start3A_1612 = tpu.memref_slice %arg2[%multiple_of3A_1585] : memref<4800000xi32, #tpu.memory_space<hbm>> -> memref<768xi32, #tpu.memory_space<hbm>>
          tpu.enqueue_dma source(%dma_start3A_1612 : memref<768xi32, #tpu.memory_space<hbm>>) target(%dma_start3A_1611 : memref<768xi32, #tpu.memory_space<vmem>>) target_semaphore(%arg19 : memref<!tpu.dma_semaphore, #tpu.memory_space<semaphore_mem>>)
          %dma_start3A_1613 = arith.constant 768 : i32
          %dma_start3A_1614 = tpu.memref_slice %arg11[%dma_start3A_1613] : memref<2304xf32, #tpu.memory_space<vmem>> -> memref<768xf32, #tpu.memory_space<vmem>>
          %dma_start3A_1615 = tpu.memref_slice %arg3[%multiple_of3A_1588] : memref<4800000xf32, #tpu.memory_space<hbm>> -> memref<768xf32, #tpu.memory_space<hbm>>
          %dma_start3A_1616 = arith.constant 768 : i32
          %dma_start3A_1617 = tpu.memref_slice %arg11[%dma_start3A_1616] : memref<2304xf32, #tpu.memory_space<vmem>> -> memref<768xf32, #tpu.memory_space<vmem>>
          %dma_start3A_1618 = tpu.memref_slice %arg3[%multiple_of3A_1588] : memref<4800000xf32, #tpu.memory_space<hbm>> -> memref<768xf32, #tpu.memory_space<hbm>>
          tpu.enqueue_dma source(%dma_start3A_1618 : memref<768xf32, #tpu.memory_space<hbm>>) target(%dma_start3A_1617 : memref<768xf32, #tpu.memory_space<vmem>>) target_semaphore(%arg19 : memref<!tpu.dma_semaphore, #tpu.memory_space<semaphore_mem>>)
          %dma_start3A_1619 = arith.constant 1536 : i32
          %dma_start3A_1620 = tpu.memref_slice %arg9[%dma_start3A_1619] : memref<2304xi32, #tpu.memory_space<vmem>> -> memref<768xi32, #tpu.memory_space<vmem>>
          %dma_start3A_1621 = tpu.memref_slice %arg2[%multiple_of3A_1591] : memref<4800000xi32, #tpu.memory_space<hbm>> -> memref<768xi32, #tpu.memory_space<hbm>>
          %dma_start3A_1622 = arith.constant 1536 : i32
          %dma_start3A_1623 = tpu.memref_slice %arg9[%dma_start3A_1622] : memref<2304xi32, #tpu.memory_space<vmem>> -> memref<768xi32, #tpu.memory_space<vmem>>
          %dma_start3A_1624 = tpu.memref_slice %arg2[%multiple_of3A_1591] : memref<4800000xi32, #tpu.memory_space<hbm>> -> memref<768xi32, #tpu.memory_space<hbm>>
          tpu.enqueue_dma source(%dma_start3A_1624 : memref<768xi32, #tpu.memory_space<hbm>>) target(%dma_start3A_1623 : memref<768xi32, #tpu.memory_space<vmem>>) target_semaphore(%arg19 : memref<!tpu.dma_semaphore, #tpu.memory_space<semaphore_mem>>)
          %dma_start3A_1625 = arith.constant 1536 : i32
          %dma_start3A_1626 = tpu.memref_slice %arg11[%dma_start3A_1625] : memref<2304xf32, #tpu.memory_space<vmem>> -> memref<768xf32, #tpu.memory_space<vmem>>
          %dma_start3A_1627 = tpu.memref_slice %arg3[%multiple_of3A_1594] : memref<4800000xf32, #tpu.memory_space<hbm>> -> memref<768xf32, #tpu.memory_space<hbm>>
          %dma_start3A_1628 = arith.constant 1536 : i32
          %dma_start3A_1629 = tpu.memref_slice %arg11[%dma_start3A_1628] : memref<2304xf32, #tpu.memory_space<vmem>> -> memref<768xf32, #tpu.memory_space<vmem>>
          %dma_start3A_1630 = tpu.memref_slice %arg3[%multiple_of3A_1594] : memref<4800000xf32, #tpu.memory_space<hbm>> -> memref<768xf32, #tpu.memory_space<hbm>>
          tpu.enqueue_dma source(%dma_start3A_1630 : memref<768xf32, #tpu.memory_space<hbm>>) target(%dma_start3A_1629 : memref<768xf32, #tpu.memory_space<vmem>>) target_semaphore(%arg19 : memref<!tpu.dma_semaphore, #tpu.memory_space<semaphore_mem>>)
        } else {
        }
        %add3A_1565 = arith.constant 2 : i32
        %add3A_1566 = arith.addi %add3A_1135, %add3A_1565 : i32
        %eq3A_1567 = arith.constant 260 : i32
        %eq3A_1568 = arith.cmpi eq, %add3A_1566, %eq3A_1567 : i32
        %convert_element_type3A_1569 = arith.extui %eq3A_1568 : i1 to i32
        %cond3A_1570 = arith.constant 0 : i32
        %cond3A_1571 = arith.cmpi ne, %convert_element_type3A_1569, %cond3A_1570 : i32
        scf.if %cond3A_1571 {
          %add3A_1572 = arith.constant 199680 : i32
          %add3A_1573 = arith.addi %mul3A_22, %add3A_1572 : i32
          %add3A_1574 = arith.constant 0 : i32
          %add3A_1575 = arith.addi %add3A_1574, %add3A_1573 : i32
          %multiple_of3A_1576 = tpu.assume_multiple %add3A_1575, 8 : i32
          %add3A_1577 = arith.constant 0 : i32
          %add3A_1578 = arith.addi %add3A_1577, %add3A_1573 : i32
          %multiple_of3A_1579 = tpu.assume_multiple %add3A_1578, 8 : i32
          %add3A_1580 = arith.constant 1600000 : i32
          %add3A_1581 = arith.addi %add3A_1580, %add3A_1573 : i32
          %multiple_of3A_1582 = tpu.assume_multiple %add3A_1581, 8 : i32
          %add3A_1583 = arith.constant 1600000 : i32
          %add3A_1584 = arith.addi %add3A_1583, %add3A_1573 : i32
          %multiple_of3A_1585 = tpu.assume_multiple %add3A_1584, 8 : i32
          %add3A_1586 = arith.constant 3200000 : i32
          %add3A_1587 = arith.addi %add3A_1586, %add3A_1573 : i32
          %multiple_of3A_1588 = tpu.assume_multiple %add3A_1587, 8 : i32
          %add3A_1589 = arith.constant 3200000 : i32
          %add3A_1590 = arith.addi %add3A_1589, %add3A_1573 : i32
          %multiple_of3A_1591 = tpu.assume_multiple %add3A_1590, 8 : i32
          %dma_start3A_1592 = arith.constant 0 : i32
          %dma_start3A_1593 = tpu.memref_slice %arg9[%dma_start3A_1592] : memref<2304xi32, #tpu.memory_space<vmem>> -> memref<320xi32, #tpu.memory_space<vmem>>
          %dma_start3A_1594 = tpu.memref_slice %arg2[%multiple_of3A_1576] : memref<4800000xi32, #tpu.memory_space<hbm>> -> memref<320xi32, #tpu.memory_space<hbm>>
          %dma_start3A_1595 = arith.constant 0 : i32
          %dma_start3A_1596 = tpu.memref_slice %arg9[%dma_start3A_1595] : memref<2304xi32, #tpu.memory_space<vmem>> -> memref<320xi32, #tpu.memory_space<vmem>>
          %dma_start3A_1597 = tpu.memref_slice %arg2[%multiple_of3A_1576] : memref<4800000xi32, #tpu.memory_space<hbm>> -> memref<320xi32, #tpu.memory_space<hbm>>
          tpu.enqueue_dma source(%dma_start3A_1597 : memref<320xi32, #tpu.memory_space<hbm>>) target(%dma_start3A_1596 : memref<320xi32, #tpu.memory_space<vmem>>) target_semaphore(%arg19 : memref<!tpu.dma_semaphore, #tpu.memory_space<semaphore_mem>>)
          %dma_start3A_1598 = arith.constant 0 : i32
          %dma_start3A_1599 = tpu.memref_slice %arg11[%dma_start3A_1598] : memref<2304xf32, #tpu.memory_space<vmem>> -> memref<320xf32, #tpu.memory_space<vmem>>
          %dma_start3A_1600 = tpu.memref_slice %arg3[%multiple_of3A_1579] : memref<4800000xf32, #tpu.memory_space<hbm>> -> memref<320xf32, #tpu.memory_space<hbm>>
          %dma_start3A_1601 = arith.constant 0 : i32
          %dma_start3A_1602 = tpu.memref_slice %arg11[%dma_start3A_1601] : memref<2304xf32, #tpu.memory_space<vmem>> -> memref<320xf32, #tpu.memory_space<vmem>>
          %dma_start3A_1603 = tpu.memref_slice %arg3[%multiple_of3A_1579] : memref<4800000xf32, #tpu.memory_space<hbm>> -> memref<320xf32, #tpu.memory_space<hbm>>
          tpu.enqueue_dma source(%dma_start3A_1603 : memref<320xf32, #tpu.memory_space<hbm>>) target(%dma_start3A_1602 : memref<320xf32, #tpu.memory_space<vmem>>) target_semaphore(%arg19 : memref<!tpu.dma_semaphore, #tpu.memory_space<semaphore_mem>>)
          %dma_start3A_1604 = arith.constant 320 : i32
          %dma_start3A_1605 = tpu.memref_slice %arg9[%dma_start3A_1604] : memref<2304xi32, #tpu.memory_space<vmem>> -> memref<320xi32, #tpu.memory_space<vmem>>
          %dma_start3A_1606 = tpu.memref_slice %arg2[%multiple_of3A_1582] : memref<4800000xi32, #tpu.memory_space<hbm>> -> memref<320xi32, #tpu.memory_space<hbm>>
          %dma_start3A_1607 = arith.constant 320 : i32
          %dma_start3A_1608 = tpu.memref_slice %arg9[%dma_start3A_1607] : memref<2304xi32, #tpu.memory_space<vmem>> -> memref<320xi32, #tpu.memory_space<vmem>>
          %dma_start3A_1609 = tpu.memref_slice %arg2[%multiple_of3A_1582] : memref<4800000xi32, #tpu.memory_space<hbm>> -> memref<320xi32, #tpu.memory_space<hbm>>
          tpu.enqueue_dma source(%dma_start3A_1609 : memref<320xi32, #tpu.memory_space<hbm>>) target(%dma_start3A_1608 : memref<320xi32, #tpu.memory_space<vmem>>) target_semaphore(%arg19 : memref<!tpu.dma_semaphore, #tpu.memory_space<semaphore_mem>>)
          %dma_start3A_1610 = arith.constant 320 : i32
          %dma_start3A_1611 = tpu.memref_slice %arg11[%dma_start3A_1610] : memref<2304xf32, #tpu.memory_space<vmem>> -> memref<320xf32, #tpu.memory_space<vmem>>
          %dma_start3A_1612 = tpu.memref_slice %arg3[%multiple_of3A_1585] : memref<4800000xf32, #tpu.memory_space<hbm>> -> memref<320xf32, #tpu.memory_space<hbm>>
          %dma_start3A_1613 = arith.constant 320 : i32
          %dma_start3A_1614 = tpu.memref_slice %arg11[%dma_start3A_1613] : memref<2304xf32, #tpu.memory_space<vmem>> -> memref<320xf32, #tpu.memory_space<vmem>>
          %dma_start3A_1615 = tpu.memref_slice %arg3[%multiple_of3A_1585] : memref<4800000xf32, #tpu.memory_space<hbm>> -> memref<320xf32, #tpu.memory_space<hbm>>
          tpu.enqueue_dma source(%dma_start3A_1615 : memref<320xf32, #tpu.memory_space<hbm>>) target(%dma_start3A_1614 : memref<320xf32, #tpu.memory_space<vmem>>) target_semaphore(%arg19 : memref<!tpu.dma_semaphore, #tpu.memory_space<semaphore_mem>>)
          %dma_start3A_1616 = arith.constant 640 : i32
          %dma_start3A_1617 = tpu.memref_slice %arg9[%dma_start3A_1616] : memref<2304xi32, #tpu.memory_space<vmem>> -> memref<320xi32, #tpu.memory_space<vmem>>
          %dma_start3A_1618 = tpu.memref_slice %arg2[%multiple_of3A_1588] : memref<4800000xi32, #tpu.memory_space<hbm>> -> memref<320xi32, #tpu.memory_space<hbm>>
          %dma_start3A_1619 = arith.constant 640 : i32
          %dma_start3A_1620 = tpu.memref_slice %arg9[%dma_start3A_1619] : memref<2304xi32, #tpu.memory_space<vmem>> -> memref<320xi32, #tpu.memory_space<vmem>>
          %dma_start3A_1621 = tpu.memref_slice %arg2[%multiple_of3A_1588] : memref<4800000xi32, #tpu.memory_space<hbm>> -> memref<320xi32, #tpu.memory_space<hbm>>
          tpu.enqueue_dma source(%dma_start3A_1621 : memref<320xi32, #tpu.memory_space<hbm>>) target(%dma_start3A_1620 : memref<320xi32, #tpu.memory_space<vmem>>) target_semaphore(%arg19 : memref<!tpu.dma_semaphore, #tpu.memory_space<semaphore_mem>>)
          %dma_start3A_1622 = arith.constant 640 : i32
          %dma_start3A_1623 = tpu.memref_slice %arg11[%dma_start3A_1622] : memref<2304xf32, #tpu.memory_space<vmem>> -> memref<320xf32, #tpu.memory_space<vmem>>
          %dma_start3A_1624 = tpu.memref_slice %arg3[%multiple_of3A_1591] : memref<4800000xf32, #tpu.memory_space<hbm>> -> memref<320xf32, #tpu.memory_space<hbm>>
          %dma_start3A_1625 = arith.constant 640 : i32
          %dma_start3A_1626 = tpu.memref_slice %arg11[%dma_start3A_1625] : memref<2304xf32, #tpu.memory_space<vmem>> -> memref<320xf32, #tpu.memory_space<vmem>>
          %dma_start3A_1627 = tpu.memref_slice %arg3[%multiple_of3A_1591] : memref<4800000xf32, #tpu.memory_space<hbm>> -> memref<320xf32, #tpu.memory_space<hbm>>
          tpu.enqueue_dma source(%dma_start3A_1627 : memref<320xf32, #tpu.memory_space<hbm>>) target(%dma_start3A_1626 : memref<320xf32, #tpu.memory_space<vmem>>) target_semaphore(%arg19 : memref<!tpu.dma_semaphore, #tpu.memory_space<semaphore_mem>>)
        } else {
        }
      }
      %scan3A_325 = arith.constant 130 : i32
      %add3A_326 = arith.constant 199680 : i32
      %add3A_327 = arith.addi %mul3A_22, %add3A_326 : i32
      %add3A_328 = arith.constant 0 : i32
      %add3A_329 = arith.addi %add3A_328, %add3A_327 : i32
      %multiple_of3A_330 = tpu.assume_multiple %add3A_329, 8 : i32
      %add3A_331 = arith.constant 0 : i32
      %add3A_332 = arith.addi %add3A_331, %add3A_327 : i32
      %multiple_of3A_333 = tpu.assume_multiple %add3A_332, 8 : i32
      %add3A_334 = arith.constant 1600000 : i32
      %add3A_335 = arith.addi %add3A_334, %add3A_327 : i32
      %multiple_of3A_336 = tpu.assume_multiple %add3A_335, 8 : i32
      %add3A_337 = arith.constant 1600000 : i32
      %add3A_338 = arith.addi %add3A_337, %add3A_327 : i32
      %multiple_of3A_339 = tpu.assume_multiple %add3A_338, 8 : i32
      %add3A_340 = arith.constant 3200000 : i32
      %add3A_341 = arith.addi %add3A_340, %add3A_327 : i32
      %multiple_of3A_342 = tpu.assume_multiple %add3A_341, 8 : i32
      %add3A_343 = arith.constant 3200000 : i32
      %add3A_344 = arith.addi %add3A_343, %add3A_327 : i32
      %multiple_of3A_345 = tpu.assume_multiple %add3A_344, 8 : i32
      %dma_wait3A_346 = arith.constant 0 : i32
      %dma_wait3A_347 = tpu.memref_slice %arg8[%dma_wait3A_346] : memref<2304xi32, #tpu.memory_space<vmem>> -> memref<320xi32, #tpu.memory_space<vmem>>
      %dma_wait3A_348 = tpu.memref_slice %arg2[%multiple_of3A_330] : memref<4800000xi32, #tpu.memory_space<hbm>> -> memref<320xi32, #tpu.memory_space<hbm>>
      %dma_wait3A_349 = arith.constant 0 : i32
      %dma_wait3A_350 = tpu.memref_slice %arg8[%dma_wait3A_349] : memref<2304xi32, #tpu.memory_space<vmem>> -> memref<320xi32, #tpu.memory_space<vmem>>
      %dma_wait3A_351 = tpu.memref_slice %arg2[%multiple_of3A_330] : memref<4800000xi32, #tpu.memory_space<hbm>> -> memref<320xi32, #tpu.memory_space<hbm>>
      tpu.wait_dma2 semaphore(%arg18 : memref<!tpu.dma_semaphore, #tpu.memory_space<semaphore_mem>>) src(%dma_wait3A_351 : memref<320xi32, #tpu.memory_space<hbm>>) dst(%dma_wait3A_350 : memref<320xi32, #tpu.memory_space<vmem>>)
      %dma_wait3A_352 = arith.constant 0 : i32
      %dma_wait3A_353 = tpu.memref_slice %arg10[%dma_wait3A_352] : memref<2304xf32, #tpu.memory_space<vmem>> -> memref<320xf32, #tpu.memory_space<vmem>>
      %dma_wait3A_354 = tpu.memref_slice %arg3[%multiple_of3A_333] : memref<4800000xf32, #tpu.memory_space<hbm>> -> memref<320xf32, #tpu.memory_space<hbm>>
      %dma_wait3A_355 = arith.constant 0 : i32
      %dma_wait3A_356 = tpu.memref_slice %arg10[%dma_wait3A_355] : memref<2304xf32, #tpu.memory_space<vmem>> -> memref<320xf32, #tpu.memory_space<vmem>>
      %dma_wait3A_357 = tpu.memref_slice %arg3[%multiple_of3A_333] : memref<4800000xf32, #tpu.memory_space<hbm>> -> memref<320xf32, #tpu.memory_space<hbm>>
      tpu.wait_dma2 semaphore(%arg18 : memref<!tpu.dma_semaphore, #tpu.memory_space<semaphore_mem>>) src(%dma_wait3A_357 : memref<320xf32, #tpu.memory_space<hbm>>) dst(%dma_wait3A_356 : memref<320xf32, #tpu.memory_space<vmem>>)
      %dma_wait3A_358 = arith.constant 320 : i32
      %dma_wait3A_359 = tpu.memref_slice %arg8[%dma_wait3A_358] : memref<2304xi32, #tpu.memory_space<vmem>> -> memref<320xi32, #tpu.memory_space<vmem>>
      %dma_wait3A_360 = tpu.memref_slice %arg2[%multiple_of3A_336] : memref<4800000xi32, #tpu.memory_space<hbm>> -> memref<320xi32, #tpu.memory_space<hbm>>
      %dma_wait3A_361 = arith.constant 320 : i32
      %dma_wait3A_362 = tpu.memref_slice %arg8[%dma_wait3A_361] : memref<2304xi32, #tpu.memory_space<vmem>> -> memref<320xi32, #tpu.memory_space<vmem>>
      %dma_wait3A_363 = tpu.memref_slice %arg2[%multiple_of3A_336] : memref<4800000xi32, #tpu.memory_space<hbm>> -> memref<320xi32, #tpu.memory_space<hbm>>
      tpu.wait_dma2 semaphore(%arg18 : memref<!tpu.dma_semaphore, #tpu.memory_space<semaphore_mem>>) src(%dma_wait3A_363 : memref<320xi32, #tpu.memory_space<hbm>>) dst(%dma_wait3A_362 : memref<320xi32, #tpu.memory_space<vmem>>)
      %dma_wait3A_364 = arith.constant 320 : i32
      %dma_wait3A_365 = tpu.memref_slice %arg10[%dma_wait3A_364] : memref<2304xf32, #tpu.memory_space<vmem>> -> memref<320xf32, #tpu.memory_space<vmem>>
      %dma_wait3A_366 = tpu.memref_slice %arg3[%multiple_of3A_339] : memref<4800000xf32, #tpu.memory_space<hbm>> -> memref<320xf32, #tpu.memory_space<hbm>>
      %dma_wait3A_367 = arith.constant 320 : i32
      %dma_wait3A_368 = tpu.memref_slice %arg10[%dma_wait3A_367] : memref<2304xf32, #tpu.memory_space<vmem>> -> memref<320xf32, #tpu.memory_space<vmem>>
      %dma_wait3A_369 = tpu.memref_slice %arg3[%multiple_of3A_339] : memref<4800000xf32, #tpu.memory_space<hbm>> -> memref<320xf32, #tpu.memory_space<hbm>>
      tpu.wait_dma2 semaphore(%arg18 : memref<!tpu.dma_semaphore, #tpu.memory_space<semaphore_mem>>) src(%dma_wait3A_369 : memref<320xf32, #tpu.memory_space<hbm>>) dst(%dma_wait3A_368 : memref<320xf32, #tpu.memory_space<vmem>>)
      %dma_wait3A_370 = arith.constant 640 : i32
      %dma_wait3A_371 = tpu.memref_slice %arg8[%dma_wait3A_370] : memref<2304xi32, #tpu.memory_space<vmem>> -> memref<320xi32, #tpu.memory_space<vmem>>
      %dma_wait3A_372 = tpu.memref_slice %arg2[%multiple_of3A_342] : memref<4800000xi32, #tpu.memory_space<hbm>> -> memref<320xi32, #tpu.memory_space<hbm>>
      %dma_wait3A_373 = arith.constant 640 : i32
      %dma_wait3A_374 = tpu.memref_slice %arg8[%dma_wait3A_373] : memref<2304xi32, #tpu.memory_space<vmem>> -> memref<320xi32, #tpu.memory_space<vmem>>
      %dma_wait3A_375 = tpu.memref_slice %arg2[%multiple_of3A_342] : memref<4800000xi32, #tpu.memory_space<hbm>> -> memref<320xi32, #tpu.memory_space<hbm>>
      tpu.wait_dma2 semaphore(%arg18 : memref<!tpu.dma_semaphore, #tpu.memory_space<semaphore_mem>>) src(%dma_wait3A_375 : memref<320xi32, #tpu.memory_space<hbm>>) dst(%dma_wait3A_374 : memref<320xi32, #tpu.memory_space<vmem>>)
      %dma_wait3A_376 = arith.constant 640 : i32
      %dma_wait3A_377 = tpu.memref_slice %arg10[%dma_wait3A_376] : memref<2304xf32, #tpu.memory_space<vmem>> -> memref<320xf32, #tpu.memory_space<vmem>>
      %dma_wait3A_378 = tpu.memref_slice %arg3[%multiple_of3A_345] : memref<4800000xf32, #tpu.memory_space<hbm>> -> memref<320xf32, #tpu.memory_space<hbm>>
      %dma_wait3A_379 = arith.constant 640 : i32
      %dma_wait3A_380 = tpu.memref_slice %arg10[%dma_wait3A_379] : memref<2304xf32, #tpu.memory_space<vmem>> -> memref<320xf32, #tpu.memory_space<vmem>>
      %dma_wait3A_381 = tpu.memref_slice %arg3[%multiple_of3A_345] : memref<4800000xf32, #tpu.memory_space<hbm>> -> memref<320xf32, #tpu.memory_space<hbm>>
      tpu.wait_dma2 semaphore(%arg18 : memref<!tpu.dma_semaphore, #tpu.memory_space<semaphore_mem>>) src(%dma_wait3A_381 : memref<320xf32, #tpu.memory_space<hbm>>) dst(%dma_wait3A_380 : memref<320xf32, #tpu.memory_space<vmem>>)
      %dma_wait3A_382 = arith.constant 0 : i32
      %dma_wait3A_383 = arith.constant 0 : i32
      %dma_wait3A_384 = arith.constant 0 : i32
      %dma_wait3A_385 = tpu.memref_slice %arg13[%dma_wait3A_382, %dma_wait3A_384] : memref<18x128xf32, #tpu.memory_space<vmem>> -> memref<1x128xf32, #tpu.memory_space<vmem>>
      %dma_wait3A_386 = tpu.memref_squeeze %dma_wait3A_385 : memref<1x128xf32, #tpu.memory_space<vmem>> -> memref<128xf32, #tpu.memory_space<vmem>>
      %dma_wait3A_387 = arith.constant 0 : i32
      %dma_wait3A_388 = tpu.memref_slice %arg12[%dma_wait3A_383, %dma_wait3A_387] : memref<18x128xi32, #tpu.memory_space<vmem>> -> memref<1x128xi32, #tpu.memory_space<vmem>>
      %dma_wait3A_389 = tpu.memref_squeeze %dma_wait3A_388 : memref<1x128xi32, #tpu.memory_space<vmem>> -> memref<128xi32, #tpu.memory_space<vmem>>
      %dma_wait3A_390 = arith.constant 0 : i32
      %dma_wait3A_391 = tpu.memref_slice %arg16[%dma_wait3A_390] : memref<200192xf32, #tpu.memory_space<vmem_shared>> -> memref<200192xf32, #tpu.memory_space<vmem_shared>>
      tpu.wait_indirect_dma semaphore(%arg20 : memref<!tpu.dma_semaphore, #tpu.memory_space<semaphore_mem>>) src(%dma_wait3A_386 : memref<128xf32, #tpu.memory_space<vmem>>) dst(%dma_wait3A_391 : memref<200192xf32, #tpu.memory_space<vmem_shared>>)
      %dma_wait3A_392 = arith.constant 1 : i32
      %dma_wait3A_393 = arith.constant 1 : i32
      %dma_wait3A_394 = arith.constant 0 : i32
      %dma_wait3A_395 = tpu.memref_slice %arg13[%dma_wait3A_392, %dma_wait3A_394] : memref<18x128xf32, #tpu.memory_space<vmem>> -> memref<1x128xf32, #tpu.memory_space<vmem>>
      %dma_wait3A_396 = tpu.memref_squeeze %dma_wait3A_395 : memref<1x128xf32, #tpu.memory_space<vmem>> -> memref<128xf32, #tpu.memory_space<vmem>>
      %dma_wait3A_397 = arith.constant 0 : i32
      %dma_wait3A_398 = tpu.memref_slice %arg12[%dma_wait3A_393, %dma_wait3A_397] : memref<18x128xi32, #tpu.memory_space<vmem>> -> memref<1x128xi32, #tpu.memory_space<vmem>>
      %dma_wait3A_399 = tpu.memref_squeeze %dma_wait3A_398 : memref<1x128xi32, #tpu.memory_space<vmem>> -> memref<128xi32, #tpu.memory_space<vmem>>
      %dma_wait3A_400 = arith.constant 0 : i32
      %dma_wait3A_401 = tpu.memref_slice %arg16[%dma_wait3A_400] : memref<200192xf32, #tpu.memory_space<vmem_shared>> -> memref<200192xf32, #tpu.memory_space<vmem_shared>>
      tpu.wait_indirect_dma semaphore(%arg20 : memref<!tpu.dma_semaphore, #tpu.memory_space<semaphore_mem>>) src(%dma_wait3A_396 : memref<128xf32, #tpu.memory_space<vmem>>) dst(%dma_wait3A_401 : memref<200192xf32, #tpu.memory_space<vmem_shared>>)
      %dma_wait3A_402 = arith.constant 2 : i32
      %dma_wait3A_403 = arith.constant 2 : i32
      %dma_wait3A_404 = arith.constant 0 : i32
      %dma_wait3A_405 = tpu.memref_slice %arg13[%dma_wait3A_402, %dma_wait3A_404] : memref<18x128xf32, #tpu.memory_space<vmem>> -> memref<1x128xf32, #tpu.memory_space<vmem>>
      %dma_wait3A_406 = tpu.memref_squeeze %dma_wait3A_405 : memref<1x128xf32, #tpu.memory_space<vmem>> -> memref<128xf32, #tpu.memory_space<vmem>>
      %dma_wait3A_407 = arith.constant 0 : i32
      %dma_wait3A_408 = tpu.memref_slice %arg12[%dma_wait3A_403, %dma_wait3A_407] : memref<18x128xi32, #tpu.memory_space<vmem>> -> memref<1x128xi32, #tpu.memory_space<vmem>>
      %dma_wait3A_409 = tpu.memref_squeeze %dma_wait3A_408 : memref<1x128xi32, #tpu.memory_space<vmem>> -> memref<128xi32, #tpu.memory_space<vmem>>
      %dma_wait3A_410 = arith.constant 0 : i32
      %dma_wait3A_411 = tpu.memref_slice %arg16[%dma_wait3A_410] : memref<200192xf32, #tpu.memory_space<vmem_shared>> -> memref<200192xf32, #tpu.memory_space<vmem_shared>>
      tpu.wait_indirect_dma semaphore(%arg20 : memref<!tpu.dma_semaphore, #tpu.memory_space<semaphore_mem>>) src(%dma_wait3A_406 : memref<128xf32, #tpu.memory_space<vmem>>) dst(%dma_wait3A_411 : memref<200192xf32, #tpu.memory_space<vmem_shared>>)
      %dma_wait3A_412 = arith.constant 3 : i32
      %dma_wait3A_413 = arith.constant 3 : i32
      %dma_wait3A_414 = arith.constant 0 : i32
      %dma_wait3A_415 = tpu.memref_slice %arg13[%dma_wait3A_412, %dma_wait3A_414] : memref<18x128xf32, #tpu.memory_space<vmem>> -> memref<1x128xf32, #tpu.memory_space<vmem>>
      %dma_wait3A_416 = tpu.memref_squeeze %dma_wait3A_415 : memref<1x128xf32, #tpu.memory_space<vmem>> -> memref<128xf32, #tpu.memory_space<vmem>>
      %dma_wait3A_417 = arith.constant 0 : i32
      %dma_wait3A_418 = tpu.memref_slice %arg12[%dma_wait3A_413, %dma_wait3A_417] : memref<18x128xi32, #tpu.memory_space<vmem>> -> memref<1x128xi32, #tpu.memory_space<vmem>>
      %dma_wait3A_419 = tpu.memref_squeeze %dma_wait3A_418 : memref<1x128xi32, #tpu.memory_space<vmem>> -> memref<128xi32, #tpu.memory_space<vmem>>
      %dma_wait3A_420 = arith.constant 0 : i32
      %dma_wait3A_421 = tpu.memref_slice %arg16[%dma_wait3A_420] : memref<200192xf32, #tpu.memory_space<vmem_shared>> -> memref<200192xf32, #tpu.memory_space<vmem_shared>>
      tpu.wait_indirect_dma semaphore(%arg20 : memref<!tpu.dma_semaphore, #tpu.memory_space<semaphore_mem>>) src(%dma_wait3A_416 : memref<128xf32, #tpu.memory_space<vmem>>) dst(%dma_wait3A_421 : memref<200192xf32, #tpu.memory_space<vmem_shared>>)
      %dma_wait3A_422 = arith.constant 4 : i32
      %dma_wait3A_423 = arith.constant 4 : i32
      %dma_wait3A_424 = arith.constant 0 : i32
      %dma_wait3A_425 = tpu.memref_slice %arg13[%dma_wait3A_422, %dma_wait3A_424] : memref<18x128xf32, #tpu.memory_space<vmem>> -> memref<1x128xf32, #tpu.memory_space<vmem>>
      %dma_wait3A_426 = tpu.memref_squeeze %dma_wait3A_425 : memref<1x128xf32, #tpu.memory_space<vmem>> -> memref<128xf32, #tpu.memory_space<vmem>>
      %dma_wait3A_427 = arith.constant 0 : i32
      %dma_wait3A_428 = tpu.memref_slice %arg12[%dma_wait3A_423, %dma_wait3A_427] : memref<18x128xi32, #tpu.memory_space<vmem>> -> memref<1x128xi32, #tpu.memory_space<vmem>>
      %dma_wait3A_429 = tpu.memref_squeeze %dma_wait3A_428 : memref<1x128xi32, #tpu.memory_space<vmem>> -> memref<128xi32, #tpu.memory_space<vmem>>
      %dma_wait3A_430 = arith.constant 0 : i32
      %dma_wait3A_431 = tpu.memref_slice %arg16[%dma_wait3A_430] : memref<200192xf32, #tpu.memory_space<vmem_shared>> -> memref<200192xf32, #tpu.memory_space<vmem_shared>>
      tpu.wait_indirect_dma semaphore(%arg20 : memref<!tpu.dma_semaphore, #tpu.memory_space<semaphore_mem>>) src(%dma_wait3A_426 : memref<128xf32, #tpu.memory_space<vmem>>) dst(%dma_wait3A_431 : memref<200192xf32, #tpu.memory_space<vmem_shared>>)
      %dma_wait3A_432 = arith.constant 5 : i32
      %dma_wait3A_433 = arith.constant 5 : i32
      %dma_wait3A_434 = arith.constant 0 : i32
      %dma_wait3A_435 = tpu.memref_slice %arg13[%dma_wait3A_432, %dma_wait3A_434] : memref<18x128xf32, #tpu.memory_space<vmem>> -> memref<1x128xf32, #tpu.memory_space<vmem>>
      %dma_wait3A_436 = tpu.memref_squeeze %dma_wait3A_435 : memref<1x128xf32, #tpu.memory_space<vmem>> -> memref<128xf32, #tpu.memory_space<vmem>>
      %dma_wait3A_437 = arith.constant 0 : i32
      %dma_wait3A_438 = tpu.memref_slice %arg12[%dma_wait3A_433, %dma_wait3A_437] : memref<18x128xi32, #tpu.memory_space<vmem>> -> memref<1x128xi32, #tpu.memory_space<vmem>>
      %dma_wait3A_439 = tpu.memref_squeeze %dma_wait3A_438 : memref<1x128xi32, #tpu.memory_space<vmem>> -> memref<128xi32, #tpu.memory_space<vmem>>
      %dma_wait3A_440 = arith.constant 0 : i32
      %dma_wait3A_441 = tpu.memref_slice %arg16[%dma_wait3A_440] : memref<200192xf32, #tpu.memory_space<vmem_shared>> -> memref<200192xf32, #tpu.memory_space<vmem_shared>>
      tpu.wait_indirect_dma semaphore(%arg20 : memref<!tpu.dma_semaphore, #tpu.memory_space<semaphore_mem>>) src(%dma_wait3A_436 : memref<128xf32, #tpu.memory_space<vmem>>) dst(%dma_wait3A_441 : memref<200192xf32, #tpu.memory_space<vmem_shared>>)
      %dma_wait3A_442 = arith.constant 6 : i32
      %dma_wait3A_443 = arith.constant 6 : i32
      %dma_wait3A_444 = arith.constant 0 : i32
      %dma_wait3A_445 = tpu.memref_slice %arg13[%dma_wait3A_442, %dma_wait3A_444] : memref<18x128xf32, #tpu.memory_space<vmem>> -> memref<1x128xf32, #tpu.memory_space<vmem>>
      %dma_wait3A_446 = tpu.memref_squeeze %dma_wait3A_445 : memref<1x128xf32, #tpu.memory_space<vmem>> -> memref<128xf32, #tpu.memory_space<vmem>>
      %dma_wait3A_447 = arith.constant 0 : i32
      %dma_wait3A_448 = tpu.memref_slice %arg12[%dma_wait3A_443, %dma_wait3A_447] : memref<18x128xi32, #tpu.memory_space<vmem>> -> memref<1x128xi32, #tpu.memory_space<vmem>>
      %dma_wait3A_449 = tpu.memref_squeeze %dma_wait3A_448 : memref<1x128xi32, #tpu.memory_space<vmem>> -> memref<128xi32, #tpu.memory_space<vmem>>
      %dma_wait3A_450 = arith.constant 0 : i32
      %dma_wait3A_451 = tpu.memref_slice %arg16[%dma_wait3A_450] : memref<200192xf32, #tpu.memory_space<vmem_shared>> -> memref<200192xf32, #tpu.memory_space<vmem_shared>>
      tpu.wait_indirect_dma semaphore(%arg20 : memref<!tpu.dma_semaphore, #tpu.memory_space<semaphore_mem>>) src(%dma_wait3A_446 : memref<128xf32, #tpu.memory_space<vmem>>) dst(%dma_wait3A_451 : memref<200192xf32, #tpu.memory_space<vmem_shared>>)
      %dma_wait3A_452 = arith.constant 7 : i32
      %dma_wait3A_453 = arith.constant 7 : i32
      %dma_wait3A_454 = arith.constant 0 : i32
      %dma_wait3A_455 = tpu.memref_slice %arg13[%dma_wait3A_452, %dma_wait3A_454] : memref<18x128xf32, #tpu.memory_space<vmem>> -> memref<1x128xf32, #tpu.memory_space<vmem>>
      %dma_wait3A_456 = tpu.memref_squeeze %dma_wait3A_455 : memref<1x128xf32, #tpu.memory_space<vmem>> -> memref<128xf32, #tpu.memory_space<vmem>>
      %dma_wait3A_457 = arith.constant 0 : i32
      %dma_wait3A_458 = tpu.memref_slice %arg12[%dma_wait3A_453, %dma_wait3A_457] : memref<18x128xi32, #tpu.memory_space<vmem>> -> memref<1x128xi32, #tpu.memory_space<vmem>>
      %dma_wait3A_459 = tpu.memref_squeeze %dma_wait3A_458 : memref<1x128xi32, #tpu.memory_space<vmem>> -> memref<128xi32, #tpu.memory_space<vmem>>
      %dma_wait3A_460 = arith.constant 0 : i32
      %dma_wait3A_461 = tpu.memref_slice %arg16[%dma_wait3A_460] : memref<200192xf32, #tpu.memory_space<vmem_shared>> -> memref<200192xf32, #tpu.memory_space<vmem_shared>>
      tpu.wait_indirect_dma semaphore(%arg20 : memref<!tpu.dma_semaphore, #tpu.memory_space<semaphore_mem>>) src(%dma_wait3A_456 : memref<128xf32, #tpu.memory_space<vmem>>) dst(%dma_wait3A_461 : memref<200192xf32, #tpu.memory_space<vmem_shared>>)
      %dma_wait3A_462 = arith.constant 8 : i32
      %dma_wait3A_463 = arith.constant 8 : i32
      %dma_wait3A_464 = arith.constant 0 : i32
      %dma_wait3A_465 = tpu.memref_slice %arg13[%dma_wait3A_462, %dma_wait3A_464] : memref<18x128xf32, #tpu.memory_space<vmem>> -> memref<1x128xf32, #tpu.memory_space<vmem>>
      %dma_wait3A_466 = tpu.memref_squeeze %dma_wait3A_465 : memref<1x128xf32, #tpu.memory_space<vmem>> -> memref<128xf32, #tpu.memory_space<vmem>>
      %dma_wait3A_467 = arith.constant 0 : i32
      %dma_wait3A_468 = tpu.memref_slice %arg12[%dma_wait3A_463, %dma_wait3A_467] : memref<18x128xi32, #tpu.memory_space<vmem>> -> memref<1x128xi32, #tpu.memory_space<vmem>>
      %dma_wait3A_469 = tpu.memref_squeeze %dma_wait3A_468 : memref<1x128xi32, #tpu.memory_space<vmem>> -> memref<128xi32, #tpu.memory_space<vmem>>
      %dma_wait3A_470 = arith.constant 0 : i32
      %dma_wait3A_471 = tpu.memref_slice %arg16[%dma_wait3A_470] : memref<200192xf32, #tpu.memory_space<vmem_shared>> -> memref<200192xf32, #tpu.memory_space<vmem_shared>>
      tpu.wait_indirect_dma semaphore(%arg20 : memref<!tpu.dma_semaphore, #tpu.memory_space<semaphore_mem>>) src(%dma_wait3A_466 : memref<128xf32, #tpu.memory_space<vmem>>) dst(%dma_wait3A_471 : memref<200192xf32, #tpu.memory_space<vmem_shared>>)
      %dma_wait3A_472 = arith.constant 9 : i32
      %dma_wait3A_473 = arith.constant 9 : i32
      %dma_wait3A_474 = arith.constant 0 : i32
      %dma_wait3A_475 = tpu.memref_slice %arg13[%dma_wait3A_472, %dma_wait3A_474] : memref<18x128xf32, #tpu.memory_space<vmem>> -> memref<1x128xf32, #tpu.memory_space<vmem>>
      %dma_wait3A_476 = tpu.memref_squeeze %dma_wait3A_475 : memref<1x128xf32, #tpu.memory_space<vmem>> -> memref<128xf32, #tpu.memory_space<vmem>>
      %dma_wait3A_477 = arith.constant 0 : i32
      %dma_wait3A_478 = tpu.memref_slice %arg12[%dma_wait3A_473, %dma_wait3A_477] : memref<18x128xi32, #tpu.memory_space<vmem>> -> memref<1x128xi32, #tpu.memory_space<vmem>>
      %dma_wait3A_479 = tpu.memref_squeeze %dma_wait3A_478 : memref<1x128xi32, #tpu.memory_space<vmem>> -> memref<128xi32, #tpu.memory_space<vmem>>
      %dma_wait3A_480 = arith.constant 0 : i32
      %dma_wait3A_481 = tpu.memref_slice %arg16[%dma_wait3A_480] : memref<200192xf32, #tpu.memory_space<vmem_shared>> -> memref<200192xf32, #tpu.memory_space<vmem_shared>>
      tpu.wait_indirect_dma semaphore(%arg20 : memref<!tpu.dma_semaphore, #tpu.memory_space<semaphore_mem>>) src(%dma_wait3A_476 : memref<128xf32, #tpu.memory_space<vmem>>) dst(%dma_wait3A_481 : memref<200192xf32, #tpu.memory_space<vmem_shared>>)
      %dma_wait3A_482 = arith.constant 10 : i32
      %dma_wait3A_483 = arith.constant 10 : i32
      %dma_wait3A_484 = arith.constant 0 : i32
      %dma_wait3A_485 = tpu.memref_slice %arg13[%dma_wait3A_482, %dma_wait3A_484] : memref<18x128xf32, #tpu.memory_space<vmem>> -> memref<1x128xf32, #tpu.memory_space<vmem>>
      %dma_wait3A_486 = tpu.memref_squeeze %dma_wait3A_485 : memref<1x128xf32, #tpu.memory_space<vmem>> -> memref<128xf32, #tpu.memory_space<vmem>>
      %dma_wait3A_487 = arith.constant 0 : i32
      %dma_wait3A_488 = tpu.memref_slice %arg12[%dma_wait3A_483, %dma_wait3A_487] : memref<18x128xi32, #tpu.memory_space<vmem>> -> memref<1x128xi32, #tpu.memory_space<vmem>>
      %dma_wait3A_489 = tpu.memref_squeeze %dma_wait3A_488 : memref<1x128xi32, #tpu.memory_space<vmem>> -> memref<128xi32, #tpu.memory_space<vmem>>
      %dma_wait3A_490 = arith.constant 0 : i32
      %dma_wait3A_491 = tpu.memref_slice %arg16[%dma_wait3A_490] : memref<200192xf32, #tpu.memory_space<vmem_shared>> -> memref<200192xf32, #tpu.memory_space<vmem_shared>>
      tpu.wait_indirect_dma semaphore(%arg20 : memref<!tpu.dma_semaphore, #tpu.memory_space<semaphore_mem>>) src(%dma_wait3A_486 : memref<128xf32, #tpu.memory_space<vmem>>) dst(%dma_wait3A_491 : memref<200192xf32, #tpu.memory_space<vmem_shared>>)
      %dma_wait3A_492 = arith.constant 11 : i32
      %dma_wait3A_493 = arith.constant 11 : i32
      %dma_wait3A_494 = arith.constant 0 : i32
      %dma_wait3A_495 = tpu.memref_slice %arg13[%dma_wait3A_492, %dma_wait3A_494] : memref<18x128xf32, #tpu.memory_space<vmem>> -> memref<1x128xf32, #tpu.memory_space<vmem>>
      %dma_wait3A_496 = tpu.memref_squeeze %dma_wait3A_495 : memref<1x128xf32, #tpu.memory_space<vmem>> -> memref<128xf32, #tpu.memory_space<vmem>>
      %dma_wait3A_497 = arith.constant 0 : i32
      %dma_wait3A_498 = tpu.memref_slice %arg12[%dma_wait3A_493, %dma_wait3A_497] : memref<18x128xi32, #tpu.memory_space<vmem>> -> memref<1x128xi32, #tpu.memory_space<vmem>>
      %dma_wait3A_499 = tpu.memref_squeeze %dma_wait3A_498 : memref<1x128xi32, #tpu.memory_space<vmem>> -> memref<128xi32, #tpu.memory_space<vmem>>
      %dma_wait3A_500 = arith.constant 0 : i32
      %dma_wait3A_501 = tpu.memref_slice %arg16[%dma_wait3A_500] : memref<200192xf32, #tpu.memory_space<vmem_shared>> -> memref<200192xf32, #tpu.memory_space<vmem_shared>>
      tpu.wait_indirect_dma semaphore(%arg20 : memref<!tpu.dma_semaphore, #tpu.memory_space<semaphore_mem>>) src(%dma_wait3A_496 : memref<128xf32, #tpu.memory_space<vmem>>) dst(%dma_wait3A_501 : memref<200192xf32, #tpu.memory_space<vmem_shared>>)
      %dma_wait3A_502 = arith.constant 12 : i32
      %dma_wait3A_503 = arith.constant 12 : i32
      %dma_wait3A_504 = arith.constant 0 : i32
      %dma_wait3A_505 = tpu.memref_slice %arg13[%dma_wait3A_502, %dma_wait3A_504] : memref<18x128xf32, #tpu.memory_space<vmem>> -> memref<1x128xf32, #tpu.memory_space<vmem>>
      %dma_wait3A_506 = tpu.memref_squeeze %dma_wait3A_505 : memref<1x128xf32, #tpu.memory_space<vmem>> -> memref<128xf32, #tpu.memory_space<vmem>>
      %dma_wait3A_507 = arith.constant 0 : i32
      %dma_wait3A_508 = tpu.memref_slice %arg12[%dma_wait3A_503, %dma_wait3A_507] : memref<18x128xi32, #tpu.memory_space<vmem>> -> memref<1x128xi32, #tpu.memory_space<vmem>>
      %dma_wait3A_509 = tpu.memref_squeeze %dma_wait3A_508 : memref<1x128xi32, #tpu.memory_space<vmem>> -> memref<128xi32, #tpu.memory_space<vmem>>
      %dma_wait3A_510 = arith.constant 0 : i32
      %dma_wait3A_511 = tpu.memref_slice %arg16[%dma_wait3A_510] : memref<200192xf32, #tpu.memory_space<vmem_shared>> -> memref<200192xf32, #tpu.memory_space<vmem_shared>>
      tpu.wait_indirect_dma semaphore(%arg20 : memref<!tpu.dma_semaphore, #tpu.memory_space<semaphore_mem>>) src(%dma_wait3A_506 : memref<128xf32, #tpu.memory_space<vmem>>) dst(%dma_wait3A_511 : memref<200192xf32, #tpu.memory_space<vmem_shared>>)
      %dma_wait3A_512 = arith.constant 13 : i32
      %dma_wait3A_513 = arith.constant 13 : i32
      %dma_wait3A_514 = arith.constant 0 : i32
      %dma_wait3A_515 = tpu.memref_slice %arg13[%dma_wait3A_512, %dma_wait3A_514] : memref<18x128xf32, #tpu.memory_space<vmem>> -> memref<1x128xf32, #tpu.memory_space<vmem>>
      %dma_wait3A_516 = tpu.memref_squeeze %dma_wait3A_515 : memref<1x128xf32, #tpu.memory_space<vmem>> -> memref<128xf32, #tpu.memory_space<vmem>>
      %dma_wait3A_517 = arith.constant 0 : i32
      %dma_wait3A_518 = tpu.memref_slice %arg12[%dma_wait3A_513, %dma_wait3A_517] : memref<18x128xi32, #tpu.memory_space<vmem>> -> memref<1x128xi32, #tpu.memory_space<vmem>>
      %dma_wait3A_519 = tpu.memref_squeeze %dma_wait3A_518 : memref<1x128xi32, #tpu.memory_space<vmem>> -> memref<128xi32, #tpu.memory_space<vmem>>
      %dma_wait3A_520 = arith.constant 0 : i32
      %dma_wait3A_521 = tpu.memref_slice %arg16[%dma_wait3A_520] : memref<200192xf32, #tpu.memory_space<vmem_shared>> -> memref<200192xf32, #tpu.memory_space<vmem_shared>>
      tpu.wait_indirect_dma semaphore(%arg20 : memref<!tpu.dma_semaphore, #tpu.memory_space<semaphore_mem>>) src(%dma_wait3A_516 : memref<128xf32, #tpu.memory_space<vmem>>) dst(%dma_wait3A_521 : memref<200192xf32, #tpu.memory_space<vmem_shared>>)
      %dma_wait3A_522 = arith.constant 14 : i32
      %dma_wait3A_523 = arith.constant 14 : i32
      %dma_wait3A_524 = arith.constant 0 : i32
      %dma_wait3A_525 = tpu.memref_slice %arg13[%dma_wait3A_522, %dma_wait3A_524] : memref<18x128xf32, #tpu.memory_space<vmem>> -> memref<1x128xf32, #tpu.memory_space<vmem>>
      %dma_wait3A_526 = tpu.memref_squeeze %dma_wait3A_525 : memref<1x128xf32, #tpu.memory_space<vmem>> -> memref<128xf32, #tpu.memory_space<vmem>>
      %dma_wait3A_527 = arith.constant 0 : i32
      %dma_wait3A_528 = tpu.memref_slice %arg12[%dma_wait3A_523, %dma_wait3A_527] : memref<18x128xi32, #tpu.memory_space<vmem>> -> memref<1x128xi32, #tpu.memory_space<vmem>>
      %dma_wait3A_529 = tpu.memref_squeeze %dma_wait3A_528 : memref<1x128xi32, #tpu.memory_space<vmem>> -> memref<128xi32, #tpu.memory_space<vmem>>
      %dma_wait3A_530 = arith.constant 0 : i32
      %dma_wait3A_531 = tpu.memref_slice %arg16[%dma_wait3A_530] : memref<200192xf32, #tpu.memory_space<vmem_shared>> -> memref<200192xf32, #tpu.memory_space<vmem_shared>>
      tpu.wait_indirect_dma semaphore(%arg20 : memref<!tpu.dma_semaphore, #tpu.memory_space<semaphore_mem>>) src(%dma_wait3A_526 : memref<128xf32, #tpu.memory_space<vmem>>) dst(%dma_wait3A_531 : memref<200192xf32, #tpu.memory_space<vmem_shared>>)
      %dma_wait3A_532 = arith.constant 15 : i32
      %dma_wait3A_533 = arith.constant 15 : i32
      %dma_wait3A_534 = arith.constant 0 : i32
      %dma_wait3A_535 = tpu.memref_slice %arg13[%dma_wait3A_532, %dma_wait3A_534] : memref<18x128xf32, #tpu.memory_space<vmem>> -> memref<1x128xf32, #tpu.memory_space<vmem>>
      %dma_wait3A_536 = tpu.memref_squeeze %dma_wait3A_535 : memref<1x128xf32, #tpu.memory_space<vmem>> -> memref<128xf32, #tpu.memory_space<vmem>>
      %dma_wait3A_537 = arith.constant 0 : i32
      %dma_wait3A_538 = tpu.memref_slice %arg12[%dma_wait3A_533, %dma_wait3A_537] : memref<18x128xi32, #tpu.memory_space<vmem>> -> memref<1x128xi32, #tpu.memory_space<vmem>>
      %dma_wait3A_539 = tpu.memref_squeeze %dma_wait3A_538 : memref<1x128xi32, #tpu.memory_space<vmem>> -> memref<128xi32, #tpu.memory_space<vmem>>
      %dma_wait3A_540 = arith.constant 0 : i32
      %dma_wait3A_541 = tpu.memref_slice %arg16[%dma_wait3A_540] : memref<200192xf32, #tpu.memory_space<vmem_shared>> -> memref<200192xf32, #tpu.memory_space<vmem_shared>>
      tpu.wait_indirect_dma semaphore(%arg20 : memref<!tpu.dma_semaphore, #tpu.memory_space<semaphore_mem>>) src(%dma_wait3A_536 : memref<128xf32, #tpu.memory_space<vmem>>) dst(%dma_wait3A_541 : memref<200192xf32, #tpu.memory_space<vmem_shared>>)
      %dma_wait3A_542 = arith.constant 16 : i32
      %dma_wait3A_543 = arith.constant 16 : i32
      %dma_wait3A_544 = arith.constant 0 : i32
      %dma_wait3A_545 = tpu.memref_slice %arg13[%dma_wait3A_542, %dma_wait3A_544] : memref<18x128xf32, #tpu.memory_space<vmem>> -> memref<1x128xf32, #tpu.memory_space<vmem>>
      %dma_wait3A_546 = tpu.memref_squeeze %dma_wait3A_545 : memref<1x128xf32, #tpu.memory_space<vmem>> -> memref<128xf32, #tpu.memory_space<vmem>>
      %dma_wait3A_547 = arith.constant 0 : i32
      %dma_wait3A_548 = tpu.memref_slice %arg12[%dma_wait3A_543, %dma_wait3A_547] : memref<18x128xi32, #tpu.memory_space<vmem>> -> memref<1x128xi32, #tpu.memory_space<vmem>>
      %dma_wait3A_549 = tpu.memref_squeeze %dma_wait3A_548 : memref<1x128xi32, #tpu.memory_space<vmem>> -> memref<128xi32, #tpu.memory_space<vmem>>
      %dma_wait3A_550 = arith.constant 0 : i32
      %dma_wait3A_551 = tpu.memref_slice %arg16[%dma_wait3A_550] : memref<200192xf32, #tpu.memory_space<vmem_shared>> -> memref<200192xf32, #tpu.memory_space<vmem_shared>>
      tpu.wait_indirect_dma semaphore(%arg20 : memref<!tpu.dma_semaphore, #tpu.memory_space<semaphore_mem>>) src(%dma_wait3A_546 : memref<128xf32, #tpu.memory_space<vmem>>) dst(%dma_wait3A_551 : memref<200192xf32, #tpu.memory_space<vmem_shared>>)
      %dma_wait3A_552 = arith.constant 17 : i32
      %dma_wait3A_553 = arith.constant 17 : i32
      %dma_wait3A_554 = arith.constant 0 : i32
      %dma_wait3A_555 = tpu.memref_slice %arg13[%dma_wait3A_552, %dma_wait3A_554] : memref<18x128xf32, #tpu.memory_space<vmem>> -> memref<1x128xf32, #tpu.memory_space<vmem>>
      %dma_wait3A_556 = tpu.memref_squeeze %dma_wait3A_555 : memref<1x128xf32, #tpu.memory_space<vmem>> -> memref<128xf32, #tpu.memory_space<vmem>>
      %dma_wait3A_557 = arith.constant 0 : i32
      %dma_wait3A_558 = tpu.memref_slice %arg12[%dma_wait3A_553, %dma_wait3A_557] : memref<18x128xi32, #tpu.memory_space<vmem>> -> memref<1x128xi32, #tpu.memory_space<vmem>>
      %dma_wait3A_559 = tpu.memref_squeeze %dma_wait3A_558 : memref<1x128xi32, #tpu.memory_space<vmem>> -> memref<128xi32, #tpu.memory_space<vmem>>
      %dma_wait3A_560 = arith.constant 0 : i32
      %dma_wait3A_561 = tpu.memref_slice %arg16[%dma_wait3A_560] : memref<200192xf32, #tpu.memory_space<vmem_shared>> -> memref<200192xf32, #tpu.memory_space<vmem_shared>>
      tpu.wait_indirect_dma semaphore(%arg20 : memref<!tpu.dma_semaphore, #tpu.memory_space<semaphore_mem>>) src(%dma_wait3A_556 : memref<128xf32, #tpu.memory_space<vmem>>) dst(%dma_wait3A_561 : memref<200192xf32, #tpu.memory_space<vmem_shared>>)
      %scan3A_562 = arith.constant 0 : i32
      %scan3A_563 = arith.constant 20 : i32
      %scan3A_564 = arith.addi %scan3A_562, %scan3A_563 : i32
      %scan3A_565 = arith.constant 1 : i32
      scf.for %scan3A_870 = %scan3A_562 to %scan3A_564 step %scan3A_565  : i32 {
        %mul3A_871 = arith.constant 1 : i32
        %mul3A_872 = arith.muli %scan3A_870, %mul3A_871 : i32
        %add3A_873 = arith.constant 0 : i32
        %add3A_874 = arith.addi %add3A_873, %mul3A_872 : i32
        %mul3A_875 = arith.constant 16 : i32
        %mul3A_876 = arith.muli %add3A_874, %mul3A_875 : i32
        %add3A_877 = arith.constant 0 : i32
        %add3A_878 = arith.addi %add3A_877, %mul3A_876 : i32
        %get3A = arith.index_cast %add3A_878 : i32 to index
        %get3A_879 = tpu.vector_load %arg8[%get3A] {strides = array<i32>} : memref<2304xi32, #tpu.memory_space<vmem>>, vector<16xi32>,
        %shift_right_logical3A = arith.constant 1 : i32
        %shift_right_logical3A_880 = vector.broadcast %shift_right_logical3A : i32 to vector<16xi32>
        %shift_right_logical3A_881 = arith.shrui %get3A_879, %shift_right_logical3A_880 : vector<16xi32>
        %gather3A_882 = tpu.vector_load_idx %arg7[%shift_right_logical3A_881] : memref<100000xf32, #tpu.memory_space<vmem>>[vector<16xi32>], vector<16xf32>,
        %rem3A_883 = arith.constant 2 : i32
        %rem3A_884 = vector.broadcast %rem3A_883 : i32 to vector<16xi32>
        %rem3A_885 = arith.remsi %get3A_879, %rem3A_884 : vector<16xi32>
        %eq3A_886 = arith.constant 0 : i32
        %eq3A_887 = vector.broadcast %eq3A_886 : i32 to vector<16xi32>
        %eq3A_888 = arith.cmpi eq, %rem3A_885, %eq3A_887 : vector<16xi32>
        %sub3A_889 = arith.constant 1.000000e+00 : f32
        %sub3A_890 = vector.broadcast %sub3A_889 : f32 to vector<16xf32>
        %sub3A_891 = arith.subf %sub3A_890, %gather3A_882 : vector<16xf32>
        %select_n3A_892 = arith.select %eq3A_888, %gather3A_882, %sub3A_891 : vector<16xi1>, vector<16xf32>
        %mul3A_893 = arith.constant 16 : i32
        %mul3A_894 = arith.muli %add3A_874, %mul3A_893 : i32
        %add3A_895 = arith.constant 320 : i32
        %add3A_896 = arith.addi %add3A_895, %mul3A_894 : i32
        %get3A_897 = arith.index_cast %add3A_896 : i32 to index
        %get3A_898 = tpu.vector_load %arg8[%get3A_897] {strides = array<i32>} : memref<2304xi32, #tpu.memory_space<vmem>>, vector<16xi32>,
        %shift_right_logical3A_899 = arith.constant 1 : i32
        %shift_right_logical3A_900 = vector.broadcast %shift_right_logical3A_899 : i32 to vector<16xi32>
        %shift_right_logical3A_901 = arith.shrui %get3A_898, %shift_right_logical3A_900 : vector<16xi32>
        %gather3A_902 = tpu.vector_load_idx %arg7[%shift_right_logical3A_901] : memref<100000xf32, #tpu.memory_space<vmem>>[vector<16xi32>], vector<16xf32>,
        %rem3A_903 = arith.constant 2 : i32
        %rem3A_904 = vector.broadcast %rem3A_903 : i32 to vector<16xi32>
        %rem3A_905 = arith.remsi %get3A_898, %rem3A_904 : vector<16xi32>
        %eq3A_906 = arith.constant 0 : i32
        %eq3A_907 = vector.broadcast %eq3A_906 : i32 to vector<16xi32>
        %eq3A_908 = arith.cmpi eq, %rem3A_905, %eq3A_907 : vector<16xi32>
        %sub3A_909 = arith.constant 1.000000e+00 : f32
        %sub3A_910 = vector.broadcast %sub3A_909 : f32 to vector<16xf32>
        %sub3A_911 = arith.subf %sub3A_910, %gather3A_902 : vector<16xf32>
        %select_n3A_912 = arith.select %eq3A_908, %gather3A_902, %sub3A_911 : vector<16xi1>, vector<16xf32>
        %mul3A_913 = arith.constant 16 : i32
        %mul3A_914 = arith.muli %add3A_874, %mul3A_913 : i32
        %add3A_915 = arith.constant 640 : i32
        %add3A_916 = arith.addi %add3A_915, %mul3A_914 : i32
        %get3A_917 = arith.index_cast %add3A_916 : i32 to index
        %get3A_918 = tpu.vector_load %arg8[%get3A_917] {strides = array<i32>} : memref<2304xi32, #tpu.memory_space<vmem>>, vector<16xi32>,
        %shift_right_logical3A_919 = arith.constant 1 : i32
        %shift_right_logical3A_920 = vector.broadcast %shift_right_logical3A_919 : i32 to vector<16xi32>
        %shift_right_logical3A_921 = arith.shrui %get3A_918, %shift_right_logical3A_920 : vector<16xi32>
        %gather3A_922 = tpu.vector_load_idx %arg7[%shift_right_logical3A_921] : memref<100000xf32, #tpu.memory_space<vmem>>[vector<16xi32>], vector<16xf32>,
        %rem3A_923 = arith.constant 2 : i32
        %rem3A_924 = vector.broadcast %rem3A_923 : i32 to vector<16xi32>
        %rem3A_925 = arith.remsi %get3A_918, %rem3A_924 : vector<16xi32>
        %eq3A_926 = arith.constant 0 : i32
        %eq3A_927 = vector.broadcast %eq3A_926 : i32 to vector<16xi32>
        %eq3A_928 = arith.cmpi eq, %rem3A_925, %eq3A_927 : vector<16xi32>
        %sub3A_929 = arith.constant 1.000000e+00 : f32
        %sub3A_930 = vector.broadcast %sub3A_929 : f32 to vector<16xf32>
        %sub3A_931 = arith.subf %sub3A_930, %gather3A_922 : vector<16xf32>
        %select_n3A_932 = arith.select %eq3A_928, %gather3A_922, %sub3A_931 : vector<16xi1>, vector<16xf32>
        %max3A = arith.maximumf %select_n3A_892, %select_n3A_912 : vector<16xf32>
        %max3A_933 = arith.maximumf %max3A, %select_n3A_932 : vector<16xf32>
        %sub3A_934 = arith.constant 1.000000e+00 : f32
        %sub3A_935 = vector.broadcast %sub3A_934 : f32 to vector<16xf32>
        %sub3A_936 = arith.subf %sub3A_935, %max3A_933 : vector<16xf32>
        %mul3A_937 = arith.constant 16 : i32
        %mul3A_938 = arith.muli %add3A_874, %mul3A_937 : i32
        %add3A_939 = arith.constant 0 : i32
        %add3A_940 = arith.addi %add3A_939, %mul3A_938 : i32
        %get3A_941 = arith.index_cast %add3A_940 : i32 to index
        %get3A_942 = tpu.vector_load %arg10[%get3A_941] {strides = array<i32>} : memref<2304xf32, #tpu.memory_space<vmem>>, vector<16xf32>,
        %mul3A_943 = arith.constant 16 : i32
        %mul3A_944 = arith.muli %add3A_874, %mul3A_943 : i32
        %add3A_945 = arith.constant 0 : i32
        %add3A_946 = arith.addi %add3A_945, %mul3A_944 : i32
        %shift_right_logical3A_947 = arith.constant 7 : i32
        %shift_right_logical3A_948 = arith.shrui %add3A_946, %shift_right_logical3A_947 : i32
        %rem3A_949 = arith.constant 128 : i32
        %rem3A_950 = arith.remsi %add3A_946, %rem3A_949 : i32
        %mul3A_951 = arith.mulf %sub3A_936, %get3A_942 : vector<16xf32>
        %swap3A_952 = arith.index_cast %shift_right_logical3A_948 : i32 to index
        %swap3A_953 = arith.index_cast %rem3A_950 : i32 to index
        %swap3A_954 = tpu.vector_load %arg13[%swap3A_952, %swap3A_953] {strides = array<i32>} : memref<18x128xf32, #tpu.memory_space<vmem>>, vector<16xf32>,
        tpu.vector_store %arg13[%swap3A_952, %swap3A_953], %mul3A_951 {strides = array<i32>} : memref<18x128xf32, #tpu.memory_space<vmem>>, vector<16xf32>,
        %add3A_955 = vector.broadcast %mul3A_20 : i32 to vector<16xi32>
        %add3A_956 = arith.addi %shift_right_logical3A_881, %add3A_955 : vector<16xi32>
        %swap3A_957 = arith.index_cast %shift_right_logical3A_948 : i32 to index
        %swap3A_958 = arith.index_cast %rem3A_950 : i32 to index
        %swap3A_959 = tpu.vector_load %arg12[%swap3A_957, %swap3A_958] {strides = array<i32>} : memref<18x128xi32, #tpu.memory_space<vmem>>, vector<16xi32>,
        tpu.vector_store %arg12[%swap3A_957, %swap3A_958], %add3A_956 {strides = array<i32>} : memref<18x128xi32, #tpu.memory_space<vmem>>, vector<16xi32>,
        %mul3A_960 = arith.constant 16 : i32
        %mul3A_961 = arith.muli %add3A_874, %mul3A_960 : i32
        %add3A_962 = arith.constant 320 : i32
        %add3A_963 = arith.addi %add3A_962, %mul3A_961 : i32
        %get3A_964 = arith.index_cast %add3A_963 : i32 to index
        %get3A_965 = tpu.vector_load %arg10[%get3A_964] {strides = array<i32>} : memref<2304xf32, #tpu.memory_space<vmem>>, vector<16xf32>,
        %mul3A_966 = arith.constant 16 : i32
        %mul3A_967 = arith.muli %add3A_874, %mul3A_966 : i32
        %add3A_968 = arith.constant 320 : i32
        %add3A_969 = arith.addi %add3A_968, %mul3A_967 : i32
        %shift_right_logical3A_970 = arith.constant 7 : i32
        %shift_right_logical3A_971 = arith.shrui %add3A_969, %shift_right_logical3A_970 : i32
        %rem3A_972 = arith.constant 128 : i32
        %rem3A_973 = arith.remsi %add3A_969, %rem3A_972 : i32
        %mul3A_974 = arith.mulf %sub3A_936, %get3A_965 : vector<16xf32>
        %swap3A_975 = arith.index_cast %shift_right_logical3A_971 : i32 to index
        %swap3A_976 = arith.index_cast %rem3A_973 : i32 to index
        %swap3A_977 = tpu.vector_load %arg13[%swap3A_975, %swap3A_976] {strides = array<i32>} : memref<18x128xf32, #tpu.memory_space<vmem>>, vector<16xf32>,
        tpu.vector_store %arg13[%swap3A_975, %swap3A_976], %mul3A_974 {strides = array<i32>} : memref<18x128xf32, #tpu.memory_space<vmem>>, vector<16xf32>,
        %add3A_978 = vector.broadcast %mul3A_20 : i32 to vector<16xi32>
        %add3A_979 = arith.addi %shift_right_logical3A_901, %add3A_978 : vector<16xi32>
        %swap3A_980 = arith.index_cast %shift_right_logical3A_971 : i32 to index
        %swap3A_981 = arith.index_cast %rem3A_973 : i32 to index
        %swap3A_982 = tpu.vector_load %arg12[%swap3A_980, %swap3A_981] {strides = array<i32>} : memref<18x128xi32, #tpu.memory_space<vmem>>, vector<16xi32>,
        tpu.vector_store %arg12[%swap3A_980, %swap3A_981], %add3A_979 {strides = array<i32>} : memref<18x128xi32, #tpu.memory_space<vmem>>, vector<16xi32>,
        %mul3A_983 = arith.constant 16 : i32
        %mul3A_984 = arith.muli %add3A_874, %mul3A_983 : i32
        %add3A_985 = arith.constant 640 : i32
        %add3A_986 = arith.addi %add3A_985, %mul3A_984 : i32
        %get3A_987 = arith.index_cast %add3A_986 : i32 to index
        %get3A_988 = tpu.vector_load %arg10[%get3A_987] {strides = array<i32>} : memref<2304xf32, #tpu.memory_space<vmem>>, vector<16xf32>,
        %mul3A_989 = arith.constant 16 : i32
        %mul3A_990 = arith.muli %add3A_874, %mul3A_989 : i32
        %add3A_991 = arith.constant 640 : i32
        %add3A_992 = arith.addi %add3A_991, %mul3A_990 : i32
        %shift_right_logical3A_993 = arith.constant 7 : i32
        %shift_right_logical3A_994 = arith.shrui %add3A_992, %shift_right_logical3A_993 : i32
        %rem3A_995 = arith.constant 128 : i32
        %rem3A_996 = arith.remsi %add3A_992, %rem3A_995 : i32
        %mul3A_997 = arith.mulf %sub3A_936, %get3A_988 : vector<16xf32>
        %swap3A_998 = arith.index_cast %shift_right_logical3A_994 : i32 to index
        %swap3A_999 = arith.index_cast %rem3A_996 : i32 to index
        %swap3A_1000 = tpu.vector_load %arg13[%swap3A_998, %swap3A_999] {strides = array<i32>} : memref<18x128xf32, #tpu.memory_space<vmem>>, vector<16xf32>,
        tpu.vector_store %arg13[%swap3A_998, %swap3A_999], %mul3A_997 {strides = array<i32>} : memref<18x128xf32, #tpu.memory_space<vmem>>, vector<16xf32>,
        %add3A_1001 = vector.broadcast %mul3A_20 : i32 to vector<16xi32>
        %add3A_1002 = arith.addi %shift_right_logical3A_921, %add3A_1001 : vector<16xi32>
        %swap3A_1003 = arith.index_cast %shift_right_logical3A_994 : i32 to index
        %swap3A_1004 = arith.index_cast %rem3A_996 : i32 to index
        %swap3A_1005 = tpu.vector_load %arg12[%swap3A_1003, %swap3A_1004] {strides = array<i32>} : memref<18x128xi32, #tpu.memory_space<vmem>>, vector<16xi32>,
        tpu.vector_store %arg12[%swap3A_1003, %swap3A_1004], %add3A_1002 {strides = array<i32>} : memref<18x128xi32, #tpu.memory_space<vmem>>, vector<16xi32>,
      }
      %scan3A_566 = arith.constant 20 : i32
      %swap3A_567 = arith.constant 7 : i32
      %swap3A_568 = arith.index_cast %swap3A_567 : i32 to index
      %swap3A_569 = arith.constant 64 : index
      %swap3A_570 = tpu.vector_load %arg13[%swap3A_568, %swap3A_569] {strides = array<i32>} : memref<18x128xf32, #tpu.memory_space<vmem>>, vector<16xf32>,
      tpu.vector_store %arg13[%swap3A_568, %swap3A_569], %broadcast_in_dim3A_25 {strides = array<i32>} : memref<18x128xf32, #tpu.memory_space<vmem>>, vector<16xf32>,
      %add3A_571 = arith.constant 200000 : i32
      %add3A_572 = vector.broadcast %add3A_571 : i32 to vector<16xi32>
      %add3A_573 = arith.addi %add3A_572, %iota3A : vector<16xi32>
      %swap3A_574 = arith.constant 7 : i32
      %swap3A_575 = arith.index_cast %swap3A_574 : i32 to index
      %swap3A_576 = arith.constant 64 : index
      %swap3A_577 = tpu.vector_load %arg12[%swap3A_575, %swap3A_576] {strides = array<i32>} : memref<18x128xi32, #tpu.memory_space<vmem>>, vector<16xi32>,
      tpu.vector_store %arg12[%swap3A_575, %swap3A_576], %add3A_573 {strides = array<i32>} : memref<18x128xi32, #tpu.memory_space<vmem>>, vector<16xi32>,
      %swap3A_578 = arith.constant 7 : i32
      %swap3A_579 = arith.index_cast %swap3A_578 : i32 to index
      %swap3A_580 = arith.constant 80 : index
      %swap3A_581 = tpu.vector_load %arg13[%swap3A_579, %swap3A_580] {strides = array<i32>} : memref<18x128xf32, #tpu.memory_space<vmem>>, vector<16xf32>,
      tpu.vector_store %arg13[%swap3A_579, %swap3A_580], %broadcast_in_dim3A_25 {strides = array<i32>} : memref<18x128xf32, #tpu.memory_space<vmem>>, vector<16xf32>,
      %add3A_582 = arith.constant 200016 : i32
      %add3A_583 = vector.broadcast %add3A_582 : i32 to vector<16xi32>
      %add3A_584 = arith.addi %add3A_583, %iota3A : vector<16xi32>
      %swap3A_585 = arith.constant 7 : i32
      %swap3A_586 = arith.index_cast %swap3A_585 : i32 to index
      %swap3A_587 = arith.constant 80 : index
      %swap3A_588 = tpu.vector_load %arg12[%swap3A_586, %swap3A_587] {strides = array<i32>} : memref<18x128xi32, #tpu.memory_space<vmem>>, vector<16xi32>,
      tpu.vector_store %arg12[%swap3A_586, %swap3A_587], %add3A_584 {strides = array<i32>} : memref<18x128xi32, #tpu.memory_space<vmem>>, vector<16xi32>,
      %swap3A_589 = arith.constant 7 : i32
      %swap3A_590 = arith.index_cast %swap3A_589 : i32 to index
      %swap3A_591 = arith.constant 96 : index
      %swap3A_592 = tpu.vector_load %arg13[%swap3A_590, %swap3A_591] {strides = array<i32>} : memref<18x128xf32, #tpu.memory_space<vmem>>, vector<16xf32>,
      tpu.vector_store %arg13[%swap3A_590, %swap3A_591], %broadcast_in_dim3A_25 {strides = array<i32>} : memref<18x128xf32, #tpu.memory_space<vmem>>, vector<16xf32>,
      %add3A_593 = arith.constant 200032 : i32
      %add3A_594 = vector.broadcast %add3A_593 : i32 to vector<16xi32>
      %add3A_595 = arith.addi %add3A_594, %iota3A : vector<16xi32>
      %swap3A_596 = arith.constant 7 : i32
      %swap3A_597 = arith.index_cast %swap3A_596 : i32 to index
      %swap3A_598 = arith.constant 96 : index
      %swap3A_599 = tpu.vector_load %arg12[%swap3A_597, %swap3A_598] {strides = array<i32>} : memref<18x128xi32, #tpu.memory_space<vmem>>, vector<16xi32>,
      tpu.vector_store %arg12[%swap3A_597, %swap3A_598], %add3A_595 {strides = array<i32>} : memref<18x128xi32, #tpu.memory_space<vmem>>, vector<16xi32>,
      %swap3A_600 = arith.constant 7 : i32
      %swap3A_601 = arith.index_cast %swap3A_600 : i32 to index
      %swap3A_602 = arith.constant 112 : index
      %swap3A_603 = tpu.vector_load %arg13[%swap3A_601, %swap3A_602] {strides = array<i32>} : memref<18x128xf32, #tpu.memory_space<vmem>>, vector<16xf32>,
      tpu.vector_store %arg13[%swap3A_601, %swap3A_602], %broadcast_in_dim3A_25 {strides = array<i32>} : memref<18x128xf32, #tpu.memory_space<vmem>>, vector<16xf32>,
      %add3A_604 = arith.constant 200048 : i32
      %add3A_605 = vector.broadcast %add3A_604 : i32 to vector<16xi32>
      %add3A_606 = arith.addi %add3A_605, %iota3A : vector<16xi32>
      %swap3A_607 = arith.constant 7 : i32
      %swap3A_608 = arith.index_cast %swap3A_607 : i32 to index
      %swap3A_609 = arith.constant 112 : index
      %swap3A_610 = tpu.vector_load %arg12[%swap3A_608, %swap3A_609] {strides = array<i32>} : memref<18x128xi32, #tpu.memory_space<vmem>>, vector<16xi32>,
      tpu.vector_store %arg12[%swap3A_608, %swap3A_609], %add3A_606 {strides = array<i32>} : memref<18x128xi32, #tpu.memory_space<vmem>>, vector<16xi32>,
      %dma_start3A_611 = arith.constant 0 : i32
      %dma_start3A_612 = arith.constant 0 : i32
      %dma_start3A_613 = arith.constant 0 : i32
      %dma_start3A_614 = tpu.memref_slice %arg13[%dma_start3A_611, %dma_start3A_613] : memref<18x128xf32, #tpu.memory_space<vmem>> -> memref<1x128xf32, #tpu.memory_space<vmem>>
      %dma_start3A_615 = tpu.memref_squeeze %dma_start3A_614 : memref<1x128xf32, #tpu.memory_space<vmem>> -> memref<128xf32, #tpu.memory_space<vmem>>
      %dma_start3A_616 = arith.constant 0 : i32
      %dma_start3A_617 = tpu.memref_slice %arg12[%dma_start3A_612, %dma_start3A_616] : memref<18x128xi32, #tpu.memory_space<vmem>> -> memref<1x128xi32, #tpu.memory_space<vmem>>
      %dma_start3A_618 = tpu.memref_squeeze %dma_start3A_617 : memref<1x128xi32, #tpu.memory_space<vmem>> -> memref<128xi32, #tpu.memory_space<vmem>>
      %dma_start3A_619 = arith.constant 0 : i32
      %dma_start3A_620 = tpu.memref_slice %arg16[%dma_start3A_619] : memref<200192xf32, #tpu.memory_space<vmem_shared>> -> memref<200192xf32, #tpu.memory_space<vmem_shared>>
      tpu.enqueue_indirect_dma source(%dma_start3A_615 : memref<128xf32, #tpu.memory_space<vmem>>) target(%dma_start3A_620 : memref<200192xf32, #tpu.memory_space<vmem_shared>>) offsets(%dma_start3A_618 : memref<128xi32, #tpu.memory_space<vmem>>) semaphore(%arg20 : memref<!tpu.dma_semaphore, #tpu.memory_space<semaphore_mem>>) {add = true}
      %dma_start3A_621 = arith.constant 1 : i32
      %dma_start3A_622 = arith.constant 1 : i32
      %dma_start3A_623 = arith.constant 0 : i32
      %dma_start3A_624 = tpu.memref_slice %arg13[%dma_start3A_621, %dma_start3A_623] : memref<18x128xf32, #tpu.memory_space<vmem>> -> memref<1x128xf32, #tpu.memory_space<vmem>>
      %dma_start3A_625 = tpu.memref_squeeze %dma_start3A_624 : memref<1x128xf32, #tpu.memory_space<vmem>> -> memref<128xf32, #tpu.memory_space<vmem>>
      %dma_start3A_626 = arith.constant 0 : i32
      %dma_start3A_627 = tpu.memref_slice %arg12[%dma_start3A_622, %dma_start3A_626] : memref<18x128xi32, #tpu.memory_space<vmem>> -> memref<1x128xi32, #tpu.memory_space<vmem>>
      %dma_start3A_628 = tpu.memref_squeeze %dma_start3A_627 : memref<1x128xi32, #tpu.memory_space<vmem>> -> memref<128xi32, #tpu.memory_space<vmem>>
      %dma_start3A_629 = arith.constant 0 : i32
      %dma_start3A_630 = tpu.memref_slice %arg16[%dma_start3A_629] : memref<200192xf32, #tpu.memory_space<vmem_shared>> -> memref<200192xf32, #tpu.memory_space<vmem_shared>>
      tpu.enqueue_indirect_dma source(%dma_start3A_625 : memref<128xf32, #tpu.memory_space<vmem>>) target(%dma_start3A_630 : memref<200192xf32, #tpu.memory_space<vmem_shared>>) offsets(%dma_start3A_628 : memref<128xi32, #tpu.memory_space<vmem>>) semaphore(%arg20 : memref<!tpu.dma_semaphore, #tpu.memory_space<semaphore_mem>>) {add = true}
      %dma_start3A_631 = arith.constant 2 : i32
      %dma_start3A_632 = arith.constant 2 : i32
      %dma_start3A_633 = arith.constant 0 : i32
      %dma_start3A_634 = tpu.memref_slice %arg13[%dma_start3A_631, %dma_start3A_633] : memref<18x128xf32, #tpu.memory_space<vmem>> -> memref<1x128xf32, #tpu.memory_space<vmem>>
      %dma_start3A_635 = tpu.memref_squeeze %dma_start3A_634 : memref<1x128xf32, #tpu.memory_space<vmem>> -> memref<128xf32, #tpu.memory_space<vmem>>
      %dma_start3A_636 = arith.constant 0 : i32
      %dma_start3A_637 = tpu.memref_slice %arg12[%dma_start3A_632, %dma_start3A_636] : memref<18x128xi32, #tpu.memory_space<vmem>> -> memref<1x128xi32, #tpu.memory_space<vmem>>
      %dma_start3A_638 = tpu.memref_squeeze %dma_start3A_637 : memref<1x128xi32, #tpu.memory_space<vmem>> -> memref<128xi32, #tpu.memory_space<vmem>>
      %dma_start3A_639 = arith.constant 0 : i32
      %dma_start3A_640 = tpu.memref_slice %arg16[%dma_start3A_639] : memref<200192xf32, #tpu.memory_space<vmem_shared>> -> memref<200192xf32, #tpu.memory_space<vmem_shared>>
      tpu.enqueue_indirect_dma source(%dma_start3A_635 : memref<128xf32, #tpu.memory_space<vmem>>) target(%dma_start3A_640 : memref<200192xf32, #tpu.memory_space<vmem_shared>>) offsets(%dma_start3A_638 : memref<128xi32, #tpu.memory_space<vmem>>) semaphore(%arg20 : memref<!tpu.dma_semaphore, #tpu.memory_space<semaphore_mem>>) {add = true}
      %dma_start3A_641 = arith.constant 3 : i32
      %dma_start3A_642 = arith.constant 3 : i32
      %dma_start3A_643 = arith.constant 0 : i32
      %dma_start3A_644 = tpu.memref_slice %arg13[%dma_start3A_641, %dma_start3A_643] : memref<18x128xf32, #tpu.memory_space<vmem>> -> memref<1x128xf32, #tpu.memory_space<vmem>>
      %dma_start3A_645 = tpu.memref_squeeze %dma_start3A_644 : memref<1x128xf32, #tpu.memory_space<vmem>> -> memref<128xf32, #tpu.memory_space<vmem>>
      %dma_start3A_646 = arith.constant 0 : i32
      %dma_start3A_647 = tpu.memref_slice %arg12[%dma_start3A_642, %dma_start3A_646] : memref<18x128xi32, #tpu.memory_space<vmem>> -> memref<1x128xi32, #tpu.memory_space<vmem>>
      %dma_start3A_648 = tpu.memref_squeeze %dma_start3A_647 : memref<1x128xi32, #tpu.memory_space<vmem>> -> memref<128xi32, #tpu.memory_space<vmem>>
      %dma_start3A_649 = arith.constant 0 : i32
      %dma_start3A_650 = tpu.memref_slice %arg16[%dma_start3A_649] : memref<200192xf32, #tpu.memory_space<vmem_shared>> -> memref<200192xf32, #tpu.memory_space<vmem_shared>>
      tpu.enqueue_indirect_dma source(%dma_start3A_645 : memref<128xf32, #tpu.memory_space<vmem>>) target(%dma_start3A_650 : memref<200192xf32, #tpu.memory_space<vmem_shared>>) offsets(%dma_start3A_648 : memref<128xi32, #tpu.memory_space<vmem>>) semaphore(%arg20 : memref<!tpu.dma_semaphore, #tpu.memory_space<semaphore_mem>>) {add = true}
      %dma_start3A_651 = arith.constant 4 : i32
      %dma_start3A_652 = arith.constant 4 : i32
      %dma_start3A_653 = arith.constant 0 : i32
      %dma_start3A_654 = tpu.memref_slice %arg13[%dma_start3A_651, %dma_start3A_653] : memref<18x128xf32, #tpu.memory_space<vmem>> -> memref<1x128xf32, #tpu.memory_space<vmem>>
      %dma_start3A_655 = tpu.memref_squeeze %dma_start3A_654 : memref<1x128xf32, #tpu.memory_space<vmem>> -> memref<128xf32, #tpu.memory_space<vmem>>
      %dma_start3A_656 = arith.constant 0 : i32
      %dma_start3A_657 = tpu.memref_slice %arg12[%dma_start3A_652, %dma_start3A_656] : memref<18x128xi32, #tpu.memory_space<vmem>> -> memref<1x128xi32, #tpu.memory_space<vmem>>
      %dma_start3A_658 = tpu.memref_squeeze %dma_start3A_657 : memref<1x128xi32, #tpu.memory_space<vmem>> -> memref<128xi32, #tpu.memory_space<vmem>>
      %dma_start3A_659 = arith.constant 0 : i32
      %dma_start3A_660 = tpu.memref_slice %arg16[%dma_start3A_659] : memref<200192xf32, #tpu.memory_space<vmem_shared>> -> memref<200192xf32, #tpu.memory_space<vmem_shared>>
      tpu.enqueue_indirect_dma source(%dma_start3A_655 : memref<128xf32, #tpu.memory_space<vmem>>) target(%dma_start3A_660 : memref<200192xf32, #tpu.memory_space<vmem_shared>>) offsets(%dma_start3A_658 : memref<128xi32, #tpu.memory_space<vmem>>) semaphore(%arg20 : memref<!tpu.dma_semaphore, #tpu.memory_space<semaphore_mem>>) {add = true}
      %dma_start3A_661 = arith.constant 5 : i32
      %dma_start3A_662 = arith.constant 5 : i32
      %dma_start3A_663 = arith.constant 0 : i32
      %dma_start3A_664 = tpu.memref_slice %arg13[%dma_start3A_661, %dma_start3A_663] : memref<18x128xf32, #tpu.memory_space<vmem>> -> memref<1x128xf32, #tpu.memory_space<vmem>>
      %dma_start3A_665 = tpu.memref_squeeze %dma_start3A_664 : memref<1x128xf32, #tpu.memory_space<vmem>> -> memref<128xf32, #tpu.memory_space<vmem>>
      %dma_start3A_666 = arith.constant 0 : i32
      %dma_start3A_667 = tpu.memref_slice %arg12[%dma_start3A_662, %dma_start3A_666] : memref<18x128xi32, #tpu.memory_space<vmem>> -> memref<1x128xi32, #tpu.memory_space<vmem>>
      %dma_start3A_668 = tpu.memref_squeeze %dma_start3A_667 : memref<1x128xi32, #tpu.memory_space<vmem>> -> memref<128xi32, #tpu.memory_space<vmem>>
      %dma_start3A_669 = arith.constant 0 : i32
      %dma_start3A_670 = tpu.memref_slice %arg16[%dma_start3A_669] : memref<200192xf32, #tpu.memory_space<vmem_shared>> -> memref<200192xf32, #tpu.memory_space<vmem_shared>>
      tpu.enqueue_indirect_dma source(%dma_start3A_665 : memref<128xf32, #tpu.memory_space<vmem>>) target(%dma_start3A_670 : memref<200192xf32, #tpu.memory_space<vmem_shared>>) offsets(%dma_start3A_668 : memref<128xi32, #tpu.memory_space<vmem>>) semaphore(%arg20 : memref<!tpu.dma_semaphore, #tpu.memory_space<semaphore_mem>>) {add = true}
      %dma_start3A_671 = arith.constant 6 : i32
      %dma_start3A_672 = arith.constant 6 : i32
      %dma_start3A_673 = arith.constant 0 : i32
      %dma_start3A_674 = tpu.memref_slice %arg13[%dma_start3A_671, %dma_start3A_673] : memref<18x128xf32, #tpu.memory_space<vmem>> -> memref<1x128xf32, #tpu.memory_space<vmem>>
      %dma_start3A_675 = tpu.memref_squeeze %dma_start3A_674 : memref<1x128xf32, #tpu.memory_space<vmem>> -> memref<128xf32, #tpu.memory_space<vmem>>
      %dma_start3A_676 = arith.constant 0 : i32
      %dma_start3A_677 = tpu.memref_slice %arg12[%dma_start3A_672, %dma_start3A_676] : memref<18x128xi32, #tpu.memory_space<vmem>> -> memref<1x128xi32, #tpu.memory_space<vmem>>
      %dma_start3A_678 = tpu.memref_squeeze %dma_start3A_677 : memref<1x128xi32, #tpu.memory_space<vmem>> -> memref<128xi32, #tpu.memory_space<vmem>>
      %dma_start3A_679 = arith.constant 0 : i32
      %dma_start3A_680 = tpu.memref_slice %arg16[%dma_start3A_679] : memref<200192xf32, #tpu.memory_space<vmem_shared>> -> memref<200192xf32, #tpu.memory_space<vmem_shared>>
      tpu.enqueue_indirect_dma source(%dma_start3A_675 : memref<128xf32, #tpu.memory_space<vmem>>) target(%dma_start3A_680 : memref<200192xf32, #tpu.memory_space<vmem_shared>>) offsets(%dma_start3A_678 : memref<128xi32, #tpu.memory_space<vmem>>) semaphore(%arg20 : memref<!tpu.dma_semaphore, #tpu.memory_space<semaphore_mem>>) {add = true}
      %dma_start3A_681 = arith.constant 7 : i32
      %dma_start3A_682 = arith.constant 7 : i32
      %dma_start3A_683 = arith.constant 0 : i32
      %dma_start3A_684 = tpu.memref_slice %arg13[%dma_start3A_681, %dma_start3A_683] : memref<18x128xf32, #tpu.memory_space<vmem>> -> memref<1x128xf32, #tpu.memory_space<vmem>>
      %dma_start3A_685 = tpu.memref_squeeze %dma_start3A_684 : memref<1x128xf32, #tpu.memory_space<vmem>> -> memref<128xf32, #tpu.memory_space<vmem>>
      %dma_start3A_686 = arith.constant 0 : i32
      %dma_start3A_687 = tpu.memref_slice %arg12[%dma_start3A_682, %dma_start3A_686] : memref<18x128xi32, #tpu.memory_space<vmem>> -> memref<1x128xi32, #tpu.memory_space<vmem>>
      %dma_start3A_688 = tpu.memref_squeeze %dma_start3A_687 : memref<1x128xi32, #tpu.memory_space<vmem>> -> memref<128xi32, #tpu.memory_space<vmem>>
      %dma_start3A_689 = arith.constant 0 : i32
      %dma_start3A_690 = tpu.memref_slice %arg16[%dma_start3A_689] : memref<200192xf32, #tpu.memory_space<vmem_shared>> -> memref<200192xf32, #tpu.memory_space<vmem_shared>>
      tpu.enqueue_indirect_dma source(%dma_start3A_685 : memref<128xf32, #tpu.memory_space<vmem>>) target(%dma_start3A_690 : memref<200192xf32, #tpu.memory_space<vmem_shared>>) offsets(%dma_start3A_688 : memref<128xi32, #tpu.memory_space<vmem>>) semaphore(%arg20 : memref<!tpu.dma_semaphore, #tpu.memory_space<semaphore_mem>>) {add = true}
      %dma_wait3A_691 = arith.constant 0 : i32
      %dma_wait3A_692 = arith.constant 0 : i32
      %dma_wait3A_693 = arith.constant 0 : i32
      %dma_wait3A_694 = tpu.memref_slice %arg13[%dma_wait3A_691, %dma_wait3A_693] : memref<18x128xf32, #tpu.memory_space<vmem>> -> memref<1x128xf32, #tpu.memory_space<vmem>>
      %dma_wait3A_695 = tpu.memref_squeeze %dma_wait3A_694 : memref<1x128xf32, #tpu.memory_space<vmem>> -> memref<128xf32, #tpu.memory_space<vmem>>
      %dma_wait3A_696 = arith.constant 0 : i32
      %dma_wait3A_697 = tpu.memref_slice %arg12[%dma_wait3A_692, %dma_wait3A_696] : memref<18x128xi32, #tpu.memory_space<vmem>> -> memref<1x128xi32, #tpu.memory_space<vmem>>
      %dma_wait3A_698 = tpu.memref_squeeze %dma_wait3A_697 : memref<1x128xi32, #tpu.memory_space<vmem>> -> memref<128xi32, #tpu.memory_space<vmem>>
      %dma_wait3A_699 = arith.constant 0 : i32
      %dma_wait3A_700 = tpu.memref_slice %arg16[%dma_wait3A_699] : memref<200192xf32, #tpu.memory_space<vmem_shared>> -> memref<200192xf32, #tpu.memory_space<vmem_shared>>
      tpu.wait_indirect_dma semaphore(%arg20 : memref<!tpu.dma_semaphore, #tpu.memory_space<semaphore_mem>>) src(%dma_wait3A_695 : memref<128xf32, #tpu.memory_space<vmem>>) dst(%dma_wait3A_700 : memref<200192xf32, #tpu.memory_space<vmem_shared>>)
      %dma_wait3A_701 = arith.constant 1 : i32
      %dma_wait3A_702 = arith.constant 1 : i32
      %dma_wait3A_703 = arith.constant 0 : i32
      %dma_wait3A_704 = tpu.memref_slice %arg13[%dma_wait3A_701, %dma_wait3A_703] : memref<18x128xf32, #tpu.memory_space<vmem>> -> memref<1x128xf32, #tpu.memory_space<vmem>>
      %dma_wait3A_705 = tpu.memref_squeeze %dma_wait3A_704 : memref<1x128xf32, #tpu.memory_space<vmem>> -> memref<128xf32, #tpu.memory_space<vmem>>
      %dma_wait3A_706 = arith.constant 0 : i32
      %dma_wait3A_707 = tpu.memref_slice %arg12[%dma_wait3A_702, %dma_wait3A_706] : memref<18x128xi32, #tpu.memory_space<vmem>> -> memref<1x128xi32, #tpu.memory_space<vmem>>
      %dma_wait3A_708 = tpu.memref_squeeze %dma_wait3A_707 : memref<1x128xi32, #tpu.memory_space<vmem>> -> memref<128xi32, #tpu.memory_space<vmem>>
      %dma_wait3A_709 = arith.constant 0 : i32
      %dma_wait3A_710 = tpu.memref_slice %arg16[%dma_wait3A_709] : memref<200192xf32, #tpu.memory_space<vmem_shared>> -> memref<200192xf32, #tpu.memory_space<vmem_shared>>
      tpu.wait_indirect_dma semaphore(%arg20 : memref<!tpu.dma_semaphore, #tpu.memory_space<semaphore_mem>>) src(%dma_wait3A_705 : memref<128xf32, #tpu.memory_space<vmem>>) dst(%dma_wait3A_710 : memref<200192xf32, #tpu.memory_space<vmem_shared>>)
      %dma_wait3A_711 = arith.constant 2 : i32
      %dma_wait3A_712 = arith.constant 2 : i32
      %dma_wait3A_713 = arith.constant 0 : i32
      %dma_wait3A_714 = tpu.memref_slice %arg13[%dma_wait3A_711, %dma_wait3A_713] : memref<18x128xf32, #tpu.memory_space<vmem>> -> memref<1x128xf32, #tpu.memory_space<vmem>>
      %dma_wait3A_715 = tpu.memref_squeeze %dma_wait3A_714 : memref<1x128xf32, #tpu.memory_space<vmem>> -> memref<128xf32, #tpu.memory_space<vmem>>
      %dma_wait3A_716 = arith.constant 0 : i32
      %dma_wait3A_717 = tpu.memref_slice %arg12[%dma_wait3A_712, %dma_wait3A_716] : memref<18x128xi32, #tpu.memory_space<vmem>> -> memref<1x128xi32, #tpu.memory_space<vmem>>
      %dma_wait3A_718 = tpu.memref_squeeze %dma_wait3A_717 : memref<1x128xi32, #tpu.memory_space<vmem>> -> memref<128xi32, #tpu.memory_space<vmem>>
      %dma_wait3A_719 = arith.constant 0 : i32
      %dma_wait3A_720 = tpu.memref_slice %arg16[%dma_wait3A_719] : memref<200192xf32, #tpu.memory_space<vmem_shared>> -> memref<200192xf32, #tpu.memory_space<vmem_shared>>
      tpu.wait_indirect_dma semaphore(%arg20 : memref<!tpu.dma_semaphore, #tpu.memory_space<semaphore_mem>>) src(%dma_wait3A_715 : memref<128xf32, #tpu.memory_space<vmem>>) dst(%dma_wait3A_720 : memref<200192xf32, #tpu.memory_space<vmem_shared>>)
      %dma_wait3A_721 = arith.constant 3 : i32
      %dma_wait3A_722 = arith.constant 3 : i32
      %dma_wait3A_723 = arith.constant 0 : i32
      %dma_wait3A_724 = tpu.memref_slice %arg13[%dma_wait3A_721, %dma_wait3A_723] : memref<18x128xf32, #tpu.memory_space<vmem>> -> memref<1x128xf32, #tpu.memory_space<vmem>>
      %dma_wait3A_725 = tpu.memref_squeeze %dma_wait3A_724 : memref<1x128xf32, #tpu.memory_space<vmem>> -> memref<128xf32, #tpu.memory_space<vmem>>
      %dma_wait3A_726 = arith.constant 0 : i32
      %dma_wait3A_727 = tpu.memref_slice %arg12[%dma_wait3A_722, %dma_wait3A_726] : memref<18x128xi32, #tpu.memory_space<vmem>> -> memref<1x128xi32, #tpu.memory_space<vmem>>
      %dma_wait3A_728 = tpu.memref_squeeze %dma_wait3A_727 : memref<1x128xi32, #tpu.memory_space<vmem>> -> memref<128xi32, #tpu.memory_space<vmem>>
      %dma_wait3A_729 = arith.constant 0 : i32
      %dma_wait3A_730 = tpu.memref_slice %arg16[%dma_wait3A_729] : memref<200192xf32, #tpu.memory_space<vmem_shared>> -> memref<200192xf32, #tpu.memory_space<vmem_shared>>
      tpu.wait_indirect_dma semaphore(%arg20 : memref<!tpu.dma_semaphore, #tpu.memory_space<semaphore_mem>>) src(%dma_wait3A_725 : memref<128xf32, #tpu.memory_space<vmem>>) dst(%dma_wait3A_730 : memref<200192xf32, #tpu.memory_space<vmem_shared>>)
      %dma_wait3A_731 = arith.constant 4 : i32
      %dma_wait3A_732 = arith.constant 4 : i32
      %dma_wait3A_733 = arith.constant 0 : i32
      %dma_wait3A_734 = tpu.memref_slice %arg13[%dma_wait3A_731, %dma_wait3A_733] : memref<18x128xf32, #tpu.memory_space<vmem>> -> memref<1x128xf32, #tpu.memory_space<vmem>>
      %dma_wait3A_735 = tpu.memref_squeeze %dma_wait3A_734 : memref<1x128xf32, #tpu.memory_space<vmem>> -> memref<128xf32, #tpu.memory_space<vmem>>
      %dma_wait3A_736 = arith.constant 0 : i32
      %dma_wait3A_737 = tpu.memref_slice %arg12[%dma_wait3A_732, %dma_wait3A_736] : memref<18x128xi32, #tpu.memory_space<vmem>> -> memref<1x128xi32, #tpu.memory_space<vmem>>
      %dma_wait3A_738 = tpu.memref_squeeze %dma_wait3A_737 : memref<1x128xi32, #tpu.memory_space<vmem>> -> memref<128xi32, #tpu.memory_space<vmem>>
      %dma_wait3A_739 = arith.constant 0 : i32
      %dma_wait3A_740 = tpu.memref_slice %arg16[%dma_wait3A_739] : memref<200192xf32, #tpu.memory_space<vmem_shared>> -> memref<200192xf32, #tpu.memory_space<vmem_shared>>
      tpu.wait_indirect_dma semaphore(%arg20 : memref<!tpu.dma_semaphore, #tpu.memory_space<semaphore_mem>>) src(%dma_wait3A_735 : memref<128xf32, #tpu.memory_space<vmem>>) dst(%dma_wait3A_740 : memref<200192xf32, #tpu.memory_space<vmem_shared>>)
      %dma_wait3A_741 = arith.constant 5 : i32
      %dma_wait3A_742 = arith.constant 5 : i32
      %dma_wait3A_743 = arith.constant 0 : i32
      %dma_wait3A_744 = tpu.memref_slice %arg13[%dma_wait3A_741, %dma_wait3A_743] : memref<18x128xf32, #tpu.memory_space<vmem>> -> memref<1x128xf32, #tpu.memory_space<vmem>>
      %dma_wait3A_745 = tpu.memref_squeeze %dma_wait3A_744 : memref<1x128xf32, #tpu.memory_space<vmem>> -> memref<128xf32, #tpu.memory_space<vmem>>
      %dma_wait3A_746 = arith.constant 0 : i32
      %dma_wait3A_747 = tpu.memref_slice %arg12[%dma_wait3A_742, %dma_wait3A_746] : memref<18x128xi32, #tpu.memory_space<vmem>> -> memref<1x128xi32, #tpu.memory_space<vmem>>
      %dma_wait3A_748 = tpu.memref_squeeze %dma_wait3A_747 : memref<1x128xi32, #tpu.memory_space<vmem>> -> memref<128xi32, #tpu.memory_space<vmem>>
      %dma_wait3A_749 = arith.constant 0 : i32
      %dma_wait3A_750 = tpu.memref_slice %arg16[%dma_wait3A_749] : memref<200192xf32, #tpu.memory_space<vmem_shared>> -> memref<200192xf32, #tpu.memory_space<vmem_shared>>
      tpu.wait_indirect_dma semaphore(%arg20 : memref<!tpu.dma_semaphore, #tpu.memory_space<semaphore_mem>>) src(%dma_wait3A_745 : memref<128xf32, #tpu.memory_space<vmem>>) dst(%dma_wait3A_750 : memref<200192xf32, #tpu.memory_space<vmem_shared>>)
      %dma_wait3A_751 = arith.constant 6 : i32
      %dma_wait3A_752 = arith.constant 6 : i32
      %dma_wait3A_753 = arith.constant 0 : i32
      %dma_wait3A_754 = tpu.memref_slice %arg13[%dma_wait3A_751, %dma_wait3A_753] : memref<18x128xf32, #tpu.memory_space<vmem>> -> memref<1x128xf32, #tpu.memory_space<vmem>>
      %dma_wait3A_755 = tpu.memref_squeeze %dma_wait3A_754 : memref<1x128xf32, #tpu.memory_space<vmem>> -> memref<128xf32, #tpu.memory_space<vmem>>
      %dma_wait3A_756 = arith.constant 0 : i32
      %dma_wait3A_757 = tpu.memref_slice %arg12[%dma_wait3A_752, %dma_wait3A_756] : memref<18x128xi32, #tpu.memory_space<vmem>> -> memref<1x128xi32, #tpu.memory_space<vmem>>
      %dma_wait3A_758 = tpu.memref_squeeze %dma_wait3A_757 : memref<1x128xi32, #tpu.memory_space<vmem>> -> memref<128xi32, #tpu.memory_space<vmem>>
      %dma_wait3A_759 = arith.constant 0 : i32
      %dma_wait3A_760 = tpu.memref_slice %arg16[%dma_wait3A_759] : memref<200192xf32, #tpu.memory_space<vmem_shared>> -> memref<200192xf32, #tpu.memory_space<vmem_shared>>
      tpu.wait_indirect_dma semaphore(%arg20 : memref<!tpu.dma_semaphore, #tpu.memory_space<semaphore_mem>>) src(%dma_wait3A_755 : memref<128xf32, #tpu.memory_space<vmem>>) dst(%dma_wait3A_760 : memref<200192xf32, #tpu.memory_space<vmem_shared>>)
      %dma_wait3A_761 = arith.constant 7 : i32
      %dma_wait3A_762 = arith.constant 7 : i32
      %dma_wait3A_763 = arith.constant 0 : i32
      %dma_wait3A_764 = tpu.memref_slice %arg13[%dma_wait3A_761, %dma_wait3A_763] : memref<18x128xf32, #tpu.memory_space<vmem>> -> memref<1x128xf32, #tpu.memory_space<vmem>>
      %dma_wait3A_765 = tpu.memref_squeeze %dma_wait3A_764 : memref<1x128xf32, #tpu.memory_space<vmem>> -> memref<128xf32, #tpu.memory_space<vmem>>
      %dma_wait3A_766 = arith.constant 0 : i32
      %dma_wait3A_767 = tpu.memref_slice %arg12[%dma_wait3A_762, %dma_wait3A_766] : memref<18x128xi32, #tpu.memory_space<vmem>> -> memref<1x128xi32, #tpu.memory_space<vmem>>
      %dma_wait3A_768 = tpu.memref_squeeze %dma_wait3A_767 : memref<1x128xi32, #tpu.memory_space<vmem>> -> memref<128xi32, #tpu.memory_space<vmem>>
      %dma_wait3A_769 = arith.constant 0 : i32
      %dma_wait3A_770 = tpu.memref_slice %arg16[%dma_wait3A_769] : memref<200192xf32, #tpu.memory_space<vmem_shared>> -> memref<200192xf32, #tpu.memory_space<vmem_shared>>
      tpu.wait_indirect_dma semaphore(%arg20 : memref<!tpu.dma_semaphore, #tpu.memory_space<semaphore_mem>>) src(%dma_wait3A_765 : memref<128xf32, #tpu.memory_space<vmem>>) dst(%dma_wait3A_770 : memref<200192xf32, #tpu.memory_space<vmem_shared>>)
      "tpu.trace_stop"() : () -> ()
      %barrier3A_771 = arith.constant 0 : index
      tpu.barrier barrier_id(%barrier3A_771)
      "tpu.trace_start"() <{level = 10 : i32, message = "upd_pass"}> : () -> ()
      %add3A_772 = arith.constant 0 : i32
      %add3A_773 = arith.addi %mul3A_20, %add3A_772 : i32
      %multiple_of3A_774 = tpu.assume_multiple %add3A_773, 8 : i32
      %dma_start3A_775 = arith.constant 0 : i32
      %dma_start3A_776 = tpu.memref_slice %arg10[%dma_start3A_775] : memref<2304xf32, #tpu.memory_space<vmem>> -> memref<2304xf32, #tpu.memory_space<vmem>>
      %dma_start3A_777 = tpu.memref_slice %arg16[%multiple_of3A_774] : memref<200192xf32, #tpu.memory_space<vmem_shared>> -> memref<2304xf32, #tpu.memory_space<vmem_shared>>
      %dma_start3A_778 = arith.constant 0 : i32
      %dma_start3A_779 = tpu.memref_slice %arg10[%dma_start3A_778] : memref<2304xf32, #tpu.memory_space<vmem>> -> memref<2304xf32, #tpu.memory_space<vmem>>
      %dma_start3A_780 = tpu.memref_slice %arg16[%multiple_of3A_774] : memref<200192xf32, #tpu.memory_space<vmem_shared>> -> memref<2304xf32, #tpu.memory_space<vmem_shared>>
      tpu.enqueue_dma source(%dma_start3A_780 : memref<2304xf32, #tpu.memory_space<vmem_shared>>) target(%dma_start3A_779 : memref<2304xf32, #tpu.memory_space<vmem>>) target_semaphore(%arg18 : memref<!tpu.dma_semaphore, #tpu.memory_space<semaphore_mem>>)
      %add3A_781 = arith.constant 2304 : i32
      %add3A_782 = arith.addi %mul3A_20, %add3A_781 : i32
      %multiple_of3A_783 = tpu.assume_multiple %add3A_782, 8 : i32
      %dma_start3A_784 = arith.constant 0 : i32
      %dma_start3A_785 = tpu.memref_slice %arg11[%dma_start3A_784] : memref<2304xf32, #tpu.memory_space<vmem>> -> memref<2304xf32, #tpu.memory_space<vmem>>
      %dma_start3A_786 = tpu.memref_slice %arg16[%multiple_of3A_783] : memref<200192xf32, #tpu.memory_space<vmem_shared>> -> memref<2304xf32, #tpu.memory_space<vmem_shared>>
      %dma_start3A_787 = arith.constant 0 : i32
      %dma_start3A_788 = tpu.memref_slice %arg11[%dma_start3A_787] : memref<2304xf32, #tpu.memory_space<vmem>> -> memref<2304xf32, #tpu.memory_space<vmem>>
      %dma_start3A_789 = tpu.memref_slice %arg16[%multiple_of3A_783] : memref<200192xf32, #tpu.memory_space<vmem_shared>> -> memref<2304xf32, #tpu.memory_space<vmem_shared>>
      tpu.enqueue_dma source(%dma_start3A_789 : memref<2304xf32, #tpu.memory_space<vmem_shared>>) target(%dma_start3A_788 : memref<2304xf32, #tpu.memory_space<vmem>>) target_semaphore(%arg19 : memref<!tpu.dma_semaphore, #tpu.memory_space<semaphore_mem>>)
      %scan3A_790 = arith.constant 0 : i32
      %scan3A_791 = arith.constant 20 : i32
      %scan3A_792 = arith.addi %scan3A_790, %scan3A_791 : i32
      %scan3A_793 = arith.constant 1 : i32
      scf.for %scan3A_870 = %scan3A_790 to %scan3A_792 step %scan3A_793  : i32 {
        %mul3A_871 = arith.constant 2 : i32
        %mul3A_872 = arith.muli %scan3A_870, %mul3A_871 : i32
        %add3A_873 = arith.constant 0 : i32
        %add3A_874 = arith.addi %add3A_873, %mul3A_872 : i32
        %add3A_875 = arith.constant 2 : i32
        %add3A_876 = arith.addi %add3A_874, %add3A_875 : i32
        %mul3A_877 = arith.constant 2304 : i32
        %mul3A_878 = arith.muli %add3A_874, %mul3A_877 : i32
        %add3A_879 = arith.addi %mul3A_20, %mul3A_878 : i32
        %multiple_of3A_880 = tpu.assume_multiple %add3A_879, 8 : i32
        %dma_wait3A_881 = arith.constant 0 : i32
        %dma_wait3A_882 = tpu.memref_slice %arg10[%dma_wait3A_881] : memref<2304xf32, #tpu.memory_space<vmem>> -> memref<2304xf32, #tpu.memory_space<vmem>>
        %dma_wait3A_883 = tpu.memref_slice %arg16[%multiple_of3A_880] : memref<200192xf32, #tpu.memory_space<vmem_shared>> -> memref<2304xf32, #tpu.memory_space<vmem_shared>>
        %dma_wait3A_884 = arith.constant 0 : i32
        %dma_wait3A_885 = tpu.memref_slice %arg10[%dma_wait3A_884] : memref<2304xf32, #tpu.memory_space<vmem>> -> memref<2304xf32, #tpu.memory_space<vmem>>
        %dma_wait3A_886 = tpu.memref_slice %arg16[%multiple_of3A_880] : memref<200192xf32, #tpu.memory_space<vmem_shared>> -> memref<2304xf32, #tpu.memory_space<vmem_shared>>
        tpu.wait_dma2 semaphore(%arg18 : memref<!tpu.dma_semaphore, #tpu.memory_space<semaphore_mem>>) src(%dma_wait3A_886 : memref<2304xf32, #tpu.memory_space<vmem_shared>>) dst(%dma_wait3A_885 : memref<2304xf32, #tpu.memory_space<vmem>>)
        %mul3A_887 = arith.constant 2304 : i32
        %mul3A_888 = arith.muli %add3A_874, %mul3A_887 : i32
        %scan3A_889 = arith.constant 0 : i32
        %scan3A_890 = arith.constant 144 : i32
        %scan3A_891 = arith.addi %scan3A_889, %scan3A_890 : i32
        %scan3A_892 = arith.constant 1 : i32
        scf.for %scan3A_935 = %scan3A_889 to %scan3A_891 step %scan3A_892  : i32 {
          %mul3A_936 = arith.constant 1 : i32
          %mul3A_937 = arith.muli %scan3A_935, %mul3A_936 : i32
          %add3A_938 = arith.constant 0 : i32
          %add3A_939 = arith.addi %add3A_938, %mul3A_937 : i32
          %mul3A_940 = arith.constant 16 : i32
          %mul3A_941 = arith.muli %add3A_939, %mul3A_940 : i32
          %add3A_942 = arith.addi %mul3A_888, %mul3A_941 : i32
          %get3A = arith.index_cast %add3A_942 : i32 to index
          %get3A_943 = tpu.vector_load %arg7[%get3A] {strides = array<i32>} : memref<100000xf32, #tpu.memory_space<vmem>>, vector<16xf32>,
          %mul3A_944 = arith.constant 16 : i32
          %mul3A_945 = arith.muli %add3A_939, %mul3A_944 : i32
          %get3A_946 = arith.index_cast %mul3A_945 : i32 to index
          %get3A_947 = tpu.vector_load %arg10[%get3A_946] {strides = array<i32>} : memref<2304xf32, #tpu.memory_space<vmem>>, vector<16xf32>,
          %add3A_948 = arith.addf %get3A_943, %get3A_947 : vector<16xf32>
          %jit3A_949 = arith.constant 0.000000e+00 : f32
          %jit3A_950 = arith.constant 1.000000e+00 : f32
          %max3A = vector.broadcast %jit3A_949 : f32 to vector<16xf32>
          %max3A_951 = arith.maximumf %max3A, %add3A_948 : vector<16xf32>
          %min3A = vector.broadcast %jit3A_950 : f32 to vector<16xf32>
          %min3A_952 = arith.minimumf %min3A, %max3A_951 : vector<16xf32>
          %mul3A_953 = arith.constant 16 : i32
          %mul3A_954 = arith.muli %add3A_939, %mul3A_953 : i32
          %add3A_955 = arith.addi %mul3A_888, %mul3A_954 : i32
          %swap3A_956 = arith.index_cast %add3A_955 : i32 to index
          %swap3A_957 = tpu.vector_load %arg7[%swap3A_956] {strides = array<i32>} : memref<100000xf32, #tpu.memory_space<vmem>>, vector<16xf32>,
          tpu.vector_store %arg7[%swap3A_956], %min3A_952 {strides = array<i32>} : memref<100000xf32, #tpu.memory_space<vmem>>, vector<16xf32>,
        }
        %scan3A_893 = arith.constant 144 : i32
        %mul3A_894 = arith.constant 2304 : i32
        %mul3A_895 = arith.muli %add3A_876, %mul3A_894 : i32
        %add3A_896 = arith.addi %mul3A_20, %mul3A_895 : i32
        %multiple_of3A_897 = tpu.assume_multiple %add3A_896, 8 : i32
        %dma_start3A_898 = arith.constant 0 : i32
        %dma_start3A_899 = tpu.memref_slice %arg10[%dma_start3A_898] : memref<2304xf32, #tpu.memory_space<vmem>> -> memref<2304xf32, #tpu.memory_space<vmem>>
        %dma_start3A_900 = tpu.memref_slice %arg16[%multiple_of3A_897] : memref<200192xf32, #tpu.memory_space<vmem_shared>> -> memref<2304xf32, #tpu.memory_space<vmem_shared>>
        %dma_start3A_901 = arith.constant 0 : i32
        %dma_start3A_902 = tpu.memref_slice %arg10[%dma_start3A_901] : memref<2304xf32, #tpu.memory_space<vmem>> -> memref<2304xf32, #tpu.memory_space<vmem>>
        %dma_start3A_903 = tpu.memref_slice %arg16[%multiple_of3A_897] : memref<200192xf32, #tpu.memory_space<vmem_shared>> -> memref<2304xf32, #tpu.memory_space<vmem_shared>>
        tpu.enqueue_dma source(%dma_start3A_903 : memref<2304xf32, #tpu.memory_space<vmem_shared>>) target(%dma_start3A_902 : memref<2304xf32, #tpu.memory_space<vmem>>) target_semaphore(%arg18 : memref<!tpu.dma_semaphore, #tpu.memory_space<semaphore_mem>>)
        %add3A_904 = arith.constant 1 : i32
        %add3A_905 = arith.addi %add3A_874, %add3A_904 : i32
        %add3A_906 = arith.constant 3 : i32
        %add3A_907 = arith.addi %add3A_874, %add3A_906 : i32
        %mul3A_908 = arith.constant 2304 : i32
        %mul3A_909 = arith.muli %add3A_905, %mul3A_908 : i32
        %add3A_910 = arith.addi %mul3A_20, %mul3A_909 : i32
        %multiple_of3A_911 = tpu.assume_multiple %add3A_910, 8 : i32
        %dma_wait3A_912 = arith.constant 0 : i32
        %dma_wait3A_913 = tpu.memref_slice %arg11[%dma_wait3A_912] : memref<2304xf32, #tpu.memory_space<vmem>> -> memref<2304xf32, #tpu.memory_space<vmem>>
        %dma_wait3A_914 = tpu.memref_slice %arg16[%multiple_of3A_911] : memref<200192xf32, #tpu.memory_space<vmem_shared>> -> memref<2304xf32, #tpu.memory_space<vmem_shared>>
        %dma_wait3A_915 = arith.constant 0 : i32
        %dma_wait3A_916 = tpu.memref_slice %arg11[%dma_wait3A_915] : memref<2304xf32, #tpu.memory_space<vmem>> -> memref<2304xf32, #tpu.memory_space<vmem>>
        %dma_wait3A_917 = tpu.memref_slice %arg16[%multiple_of3A_911] : memref<200192xf32, #tpu.memory_space<vmem_shared>> -> memref<2304xf32, #tpu.memory_space<vmem_shared>>
        tpu.wait_dma2 semaphore(%arg19 : memref<!tpu.dma_semaphore, #tpu.memory_space<semaphore_mem>>) src(%dma_wait3A_917 : memref<2304xf32, #tpu.memory_space<vmem_shared>>) dst(%dma_wait3A_916 : memref<2304xf32, #tpu.memory_space<vmem>>)
        %mul3A_918 = arith.constant 2304 : i32
        %mul3A_919 = arith.muli %add3A_905, %mul3A_918 : i32
        %scan3A_920 = arith.constant 0 : i32
        %scan3A_921 = arith.constant 144 : i32
        %scan3A_922 = arith.addi %scan3A_920, %scan3A_921 : i32
        %scan3A_923 = arith.constant 1 : i32
        scf.for %scan3A_935 = %scan3A_920 to %scan3A_922 step %scan3A_923  : i32 {
          %mul3A_936 = arith.constant 1 : i32
          %mul3A_937 = arith.muli %scan3A_935, %mul3A_936 : i32
          %add3A_938 = arith.constant 0 : i32
          %add3A_939 = arith.addi %add3A_938, %mul3A_937 : i32
          %mul3A_940 = arith.constant 16 : i32
          %mul3A_941 = arith.muli %add3A_939, %mul3A_940 : i32
          %add3A_942 = arith.addi %mul3A_919, %mul3A_941 : i32
          %get3A = arith.index_cast %add3A_942 : i32 to index
          %get3A_943 = tpu.vector_load %arg7[%get3A] {strides = array<i32>} : memref<100000xf32, #tpu.memory_space<vmem>>, vector<16xf32>,
          %mul3A_944 = arith.constant 16 : i32
          %mul3A_945 = arith.muli %add3A_939, %mul3A_944 : i32
          %get3A_946 = arith.index_cast %mul3A_945 : i32 to index
          %get3A_947 = tpu.vector_load %arg11[%get3A_946] {strides = array<i32>} : memref<2304xf32, #tpu.memory_space<vmem>>, vector<16xf32>,
          %add3A_948 = arith.addf %get3A_943, %get3A_947 : vector<16xf32>
          %jit3A_949 = arith.constant 0.000000e+00 : f32
          %jit3A_950 = arith.constant 1.000000e+00 : f32
          %max3A = vector.broadcast %jit3A_949 : f32 to vector<16xf32>
          %max3A_951 = arith.maximumf %max3A, %add3A_948 : vector<16xf32>
          %min3A = vector.broadcast %jit3A_950 : f32 to vector<16xf32>
          %min3A_952 = arith.minimumf %min3A, %max3A_951 : vector<16xf32>
          %mul3A_953 = arith.constant 16 : i32
          %mul3A_954 = arith.muli %add3A_939, %mul3A_953 : i32
          %add3A_955 = arith.addi %mul3A_919, %mul3A_954 : i32
          %swap3A_956 = arith.index_cast %add3A_955 : i32 to index
          %swap3A_957 = tpu.vector_load %arg7[%swap3A_956] {strides = array<i32>} : memref<100000xf32, #tpu.memory_space<vmem>>, vector<16xf32>,
          tpu.vector_store %arg7[%swap3A_956], %min3A_952 {strides = array<i32>} : memref<100000xf32, #tpu.memory_space<vmem>>, vector<16xf32>,
        }
        %scan3A_924 = arith.constant 144 : i32
        %mul3A_925 = arith.constant 2304 : i32
        %mul3A_926 = arith.muli %add3A_907, %mul3A_925 : i32
        %add3A_927 = arith.addi %mul3A_20, %mul3A_926 : i32
        %multiple_of3A_928 = tpu.assume_multiple %add3A_927, 8 : i32
        %dma_start3A_929 = arith.constant 0 : i32
        %dma_start3A_930 = tpu.memref_slice %arg11[%dma_start3A_929] : memref<2304xf32, #tpu.memory_space<vmem>> -> memref<2304xf32, #tpu.memory_space<vmem>>
        %dma_start3A_931 = tpu.memref_slice %arg16[%multiple_of3A_928] : memref<200192xf32, #tpu.memory_space<vmem_shared>> -> memref<2304xf32, #tpu.memory_space<vmem_shared>>
        %dma_start3A_932 = arith.constant 0 : i32
        %dma_start3A_933 = tpu.memref_slice %arg11[%dma_start3A_932] : memref<2304xf32, #tpu.memory_space<vmem>> -> memref<2304xf32, #tpu.memory_space<vmem>>
        %dma_start3A_934 = tpu.memref_slice %arg16[%multiple_of3A_928] : memref<200192xf32, #tpu.memory_space<vmem_shared>> -> memref<2304xf32, #tpu.memory_space<vmem_shared>>
        tpu.enqueue_dma source(%dma_start3A_934 : memref<2304xf32, #tpu.memory_space<vmem_shared>>) target(%dma_start3A_933 : memref<2304xf32, #tpu.memory_space<vmem>>) target_semaphore(%arg19 : memref<!tpu.dma_semaphore, #tpu.memory_space<semaphore_mem>>)
      }
      %scan3A_794 = arith.constant 20 : i32
      %add3A_795 = arith.constant 92160 : i32
      %add3A_796 = arith.addi %mul3A_20, %add3A_795 : i32
      %multiple_of3A_797 = tpu.assume_multiple %add3A_796, 8 : i32
      %dma_wait3A_798 = arith.constant 0 : i32
      %dma_wait3A_799 = tpu.memref_slice %arg10[%dma_wait3A_798] : memref<2304xf32, #tpu.memory_space<vmem>> -> memref<2304xf32, #tpu.memory_space<vmem>>
      %dma_wait3A_800 = tpu.memref_slice %arg16[%multiple_of3A_797] : memref<200192xf32, #tpu.memory_space<vmem_shared>> -> memref<2304xf32, #tpu.memory_space<vmem_shared>>
      %dma_wait3A_801 = arith.constant 0 : i32
      %dma_wait3A_802 = tpu.memref_slice %arg10[%dma_wait3A_801] : memref<2304xf32, #tpu.memory_space<vmem>> -> memref<2304xf32, #tpu.memory_space<vmem>>
      %dma_wait3A_803 = tpu.memref_slice %arg16[%multiple_of3A_797] : memref<200192xf32, #tpu.memory_space<vmem_shared>> -> memref<2304xf32, #tpu.memory_space<vmem_shared>>
      tpu.wait_dma2 semaphore(%arg18 : memref<!tpu.dma_semaphore, #tpu.memory_space<semaphore_mem>>) src(%dma_wait3A_803 : memref<2304xf32, #tpu.memory_space<vmem_shared>>) dst(%dma_wait3A_802 : memref<2304xf32, #tpu.memory_space<vmem>>)
      %scan3A_804 = arith.constant 0 : i32
      %scan3A_805 = arith.constant 144 : i32
      %scan3A_806 = arith.addi %scan3A_804, %scan3A_805 : i32
      %scan3A_807 = arith.constant 1 : i32
      scf.for %scan3A_870 = %scan3A_804 to %scan3A_806 step %scan3A_807  : i32 {
        %mul3A_871 = arith.constant 1 : i32
        %mul3A_872 = arith.muli %scan3A_870, %mul3A_871 : i32
        %add3A_873 = arith.constant 0 : i32
        %add3A_874 = arith.addi %add3A_873, %mul3A_872 : i32
        %mul3A_875 = arith.constant 16 : i32
        %mul3A_876 = arith.muli %add3A_874, %mul3A_875 : i32
        %add3A_877 = arith.constant 92160 : i32
        %add3A_878 = arith.addi %add3A_877, %mul3A_876 : i32
        %get3A = arith.index_cast %add3A_878 : i32 to index
        %get3A_879 = tpu.vector_load %arg7[%get3A] {strides = array<i32>} : memref<100000xf32, #tpu.memory_space<vmem>>, vector<16xf32>,
        %mul3A_880 = arith.constant 16 : i32
        %mul3A_881 = arith.muli %add3A_874, %mul3A_880 : i32
        %get3A_882 = arith.index_cast %mul3A_881 : i32 to index
        %get3A_883 = tpu.vector_load %arg10[%get3A_882] {strides = array<i32>} : memref<2304xf32, #tpu.memory_space<vmem>>, vector<16xf32>,
        %add3A_884 = arith.addf %get3A_879, %get3A_883 : vector<16xf32>
        %jit3A_885 = arith.constant 0.000000e+00 : f32
        %jit3A_886 = arith.constant 1.000000e+00 : f32
        %max3A = vector.broadcast %jit3A_885 : f32 to vector<16xf32>
        %max3A_887 = arith.maximumf %max3A, %add3A_884 : vector<16xf32>
        %min3A = vector.broadcast %jit3A_886 : f32 to vector<16xf32>
        %min3A_888 = arith.minimumf %min3A, %max3A_887 : vector<16xf32>
        %mul3A_889 = arith.constant 16 : i32
        %mul3A_890 = arith.muli %add3A_874, %mul3A_889 : i32
        %add3A_891 = arith.constant 92160 : i32
        %add3A_892 = arith.addi %add3A_891, %mul3A_890 : i32
        %swap3A_893 = arith.index_cast %add3A_892 : i32 to index
        %swap3A_894 = tpu.vector_load %arg7[%swap3A_893] {strides = array<i32>} : memref<100000xf32, #tpu.memory_space<vmem>>, vector<16xf32>,
        tpu.vector_store %arg7[%swap3A_893], %min3A_888 {strides = array<i32>} : memref<100000xf32, #tpu.memory_space<vmem>>, vector<16xf32>,
      }
      %scan3A_808 = arith.constant 144 : i32
      %add3A_809 = arith.constant 96768 : i32
      %add3A_810 = arith.addi %mul3A_20, %add3A_809 : i32
      %multiple_of3A_811 = tpu.assume_multiple %add3A_810, 8 : i32
      %dma_start3A_812 = arith.constant 0 : i32
      %dma_start3A_813 = tpu.memref_slice %arg10[%dma_start3A_812] : memref<2304xf32, #tpu.memory_space<vmem>> -> memref<2304xf32, #tpu.memory_space<vmem>>
      %dma_start3A_814 = tpu.memref_slice %arg16[%multiple_of3A_811] : memref<200192xf32, #tpu.memory_space<vmem_shared>> -> memref<2304xf32, #tpu.memory_space<vmem_shared>>
      %dma_start3A_815 = arith.constant 0 : i32
      %dma_start3A_816 = tpu.memref_slice %arg10[%dma_start3A_815] : memref<2304xf32, #tpu.memory_space<vmem>> -> memref<2304xf32, #tpu.memory_space<vmem>>
      %dma_start3A_817 = tpu.memref_slice %arg16[%multiple_of3A_811] : memref<200192xf32, #tpu.memory_space<vmem_shared>> -> memref<2304xf32, #tpu.memory_space<vmem_shared>>
      tpu.enqueue_dma source(%dma_start3A_817 : memref<2304xf32, #tpu.memory_space<vmem_shared>>) target(%dma_start3A_816 : memref<2304xf32, #tpu.memory_space<vmem>>) target_semaphore(%arg18 : memref<!tpu.dma_semaphore, #tpu.memory_space<semaphore_mem>>)
      %add3A_818 = arith.constant 94464 : i32
      %add3A_819 = arith.addi %mul3A_20, %add3A_818 : i32
      %multiple_of3A_820 = tpu.assume_multiple %add3A_819, 8 : i32
      %dma_wait3A_821 = arith.constant 0 : i32
      %dma_wait3A_822 = tpu.memref_slice %arg11[%dma_wait3A_821] : memref<2304xf32, #tpu.memory_space<vmem>> -> memref<2304xf32, #tpu.memory_space<vmem>>
      %dma_wait3A_823 = tpu.memref_slice %arg16[%multiple_of3A_820] : memref<200192xf32, #tpu.memory_space<vmem_shared>> -> memref<2304xf32, #tpu.memory_space<vmem_shared>>
      %dma_wait3A_824 = arith.constant 0 : i32
      %dma_wait3A_825 = tpu.memref_slice %arg11[%dma_wait3A_824] : memref<2304xf32, #tpu.memory_space<vmem>> -> memref<2304xf32, #tpu.memory_space<vmem>>
      %dma_wait3A_826 = tpu.memref_slice %arg16[%multiple_of3A_820] : memref<200192xf32, #tpu.memory_space<vmem_shared>> -> memref<2304xf32, #tpu.memory_space<vmem_shared>>
      tpu.wait_dma2 semaphore(%arg19 : memref<!tpu.dma_semaphore, #tpu.memory_space<semaphore_mem>>) src(%dma_wait3A_826 : memref<2304xf32, #tpu.memory_space<vmem_shared>>) dst(%dma_wait3A_825 : memref<2304xf32, #tpu.memory_space<vmem>>)
      %scan3A_827 = arith.constant 0 : i32
      %scan3A_828 = arith.constant 144 : i32
      %scan3A_829 = arith.addi %scan3A_827, %scan3A_828 : i32
      %scan3A_830 = arith.constant 1 : i32
      scf.for %scan3A_870 = %scan3A_827 to %scan3A_829 step %scan3A_830  : i32 {
        %mul3A_871 = arith.constant 1 : i32
        %mul3A_872 = arith.muli %scan3A_870, %mul3A_871 : i32
        %add3A_873 = arith.constant 0 : i32
        %add3A_874 = arith.addi %add3A_873, %mul3A_872 : i32
        %mul3A_875 = arith.constant 16 : i32
        %mul3A_876 = arith.muli %add3A_874, %mul3A_875 : i32
        %add3A_877 = arith.constant 94464 : i32
        %add3A_878 = arith.addi %add3A_877, %mul3A_876 : i32
        %get3A = arith.index_cast %add3A_878 : i32 to index
        %get3A_879 = tpu.vector_load %arg7[%get3A] {strides = array<i32>} : memref<100000xf32, #tpu.memory_space<vmem>>, vector<16xf32>,
        %mul3A_880 = arith.constant 16 : i32
        %mul3A_881 = arith.muli %add3A_874, %mul3A_880 : i32
        %get3A_882 = arith.index_cast %mul3A_881 : i32 to index
        %get3A_883 = tpu.vector_load %arg11[%get3A_882] {strides = array<i32>} : memref<2304xf32, #tpu.memory_space<vmem>>, vector<16xf32>,
        %add3A_884 = arith.addf %get3A_879, %get3A_883 : vector<16xf32>
        %jit3A_885 = arith.constant 0.000000e+00 : f32
        %jit3A_886 = arith.constant 1.000000e+00 : f32
        %max3A = vector.broadcast %jit3A_885 : f32 to vector<16xf32>
        %max3A_887 = arith.maximumf %max3A, %add3A_884 : vector<16xf32>
        %min3A = vector.broadcast %jit3A_886 : f32 to vector<16xf32>
        %min3A_888 = arith.minimumf %min3A, %max3A_887 : vector<16xf32>
        %mul3A_889 = arith.constant 16 : i32
        %mul3A_890 = arith.muli %add3A_874, %mul3A_889 : i32
        %add3A_891 = arith.constant 94464 : i32
        %add3A_892 = arith.addi %add3A_891, %mul3A_890 : i32
        %swap3A_893 = arith.index_cast %add3A_892 : i32 to index
        %swap3A_894 = tpu.vector_load %arg7[%swap3A_893] {strides = array<i32>} : memref<100000xf32, #tpu.memory_space<vmem>>, vector<16xf32>,
        tpu.vector_store %arg7[%swap3A_893], %min3A_888 {strides = array<i32>} : memref<100000xf32, #tpu.memory_space<vmem>>, vector<16xf32>,
      }
      %scan3A_831 = arith.constant 144 : i32
      %add3A_832 = arith.constant 99072 : i32
      %add3A_833 = arith.addi %mul3A_20, %add3A_832 : i32
      %multiple_of3A_834 = tpu.assume_multiple %add3A_833, 8 : i32
      %dma_start3A_835 = arith.constant 0 : i32
      %dma_start3A_836 = tpu.memref_slice %arg11[%dma_start3A_835] : memref<2304xf32, #tpu.memory_space<vmem>> -> memref<928xf32, #tpu.memory_space<vmem>>
      %dma_start3A_837 = tpu.memref_slice %arg16[%multiple_of3A_834] : memref<200192xf32, #tpu.memory_space<vmem_shared>> -> memref<928xf32, #tpu.memory_space<vmem_shared>>
      %dma_start3A_838 = arith.constant 0 : i32
      %dma_start3A_839 = tpu.memref_slice %arg11[%dma_start3A_838] : memref<2304xf32, #tpu.memory_space<vmem>> -> memref<928xf32, #tpu.memory_space<vmem>>
      %dma_start3A_840 = tpu.memref_slice %arg16[%multiple_of3A_834] : memref<200192xf32, #tpu.memory_space<vmem_shared>> -> memref<928xf32, #tpu.memory_space<vmem_shared>>
      tpu.enqueue_dma source(%dma_start3A_840 : memref<928xf32, #tpu.memory_space<vmem_shared>>) target(%dma_start3A_839 : memref<928xf32, #tpu.memory_space<vmem>>) target_semaphore(%arg19 : memref<!tpu.dma_semaphore, #tpu.memory_space<semaphore_mem>>)
      %add3A_841 = arith.constant 96768 : i32
      %add3A_842 = arith.addi %mul3A_20, %add3A_841 : i32
      %multiple_of3A_843 = tpu.assume_multiple %add3A_842, 8 : i32
      %dma_wait3A_844 = arith.constant 0 : i32
      %dma_wait3A_845 = tpu.memref_slice %arg10[%dma_wait3A_844] : memref<2304xf32, #tpu.memory_space<vmem>> -> memref<2304xf32, #tpu.memory_space<vmem>>
      %dma_wait3A_846 = tpu.memref_slice %arg16[%multiple_of3A_843] : memref<200192xf32, #tpu.memory_space<vmem_shared>> -> memref<2304xf32, #tpu.memory_space<vmem_shared>>
      %dma_wait3A_847 = arith.constant 0 : i32
      %dma_wait3A_848 = tpu.memref_slice %arg10[%dma_wait3A_847] : memref<2304xf32, #tpu.memory_space<vmem>> -> memref<2304xf32, #tpu.memory_space<vmem>>
      %dma_wait3A_849 = tpu.memref_slice %arg16[%multiple_of3A_843] : memref<200192xf32, #tpu.memory_space<vmem_shared>> -> memref<2304xf32, #tpu.memory_space<vmem_shared>>
      tpu.wait_dma2 semaphore(%arg18 : memref<!tpu.dma_semaphore, #tpu.memory_space<semaphore_mem>>) src(%dma_wait3A_849 : memref<2304xf32, #tpu.memory_space<vmem_shared>>) dst(%dma_wait3A_848 : memref<2304xf32, #tpu.memory_space<vmem>>)
      %scan3A_850 = arith.constant 0 : i32
      %scan3A_851 = arith.constant 144 : i32
      %scan3A_852 = arith.addi %scan3A_850, %scan3A_851 : i32
      %scan3A_853 = arith.constant 1 : i32
      scf.for %scan3A_870 = %scan3A_850 to %scan3A_852 step %scan3A_853  : i32 {
        %mul3A_871 = arith.constant 1 : i32
        %mul3A_872 = arith.muli %scan3A_870, %mul3A_871 : i32
        %add3A_873 = arith.constant 0 : i32
        %add3A_874 = arith.addi %add3A_873, %mul3A_872 : i32
        %mul3A_875 = arith.constant 16 : i32
        %mul3A_876 = arith.muli %add3A_874, %mul3A_875 : i32
        %add3A_877 = arith.constant 96768 : i32
        %add3A_878 = arith.addi %add3A_877, %mul3A_876 : i32
        %get3A = arith.index_cast %add3A_878 : i32 to index
        %get3A_879 = tpu.vector_load %arg7[%get3A] {strides = array<i32>} : memref<100000xf32, #tpu.memory_space<vmem>>, vector<16xf32>,
        %mul3A_880 = arith.constant 16 : i32
        %mul3A_881 = arith.muli %add3A_874, %mul3A_880 : i32
        %get3A_882 = arith.index_cast %mul3A_881 : i32 to index
        %get3A_883 = tpu.vector_load %arg10[%get3A_882] {strides = array<i32>} : memref<2304xf32, #tpu.memory_space<vmem>>, vector<16xf32>,
        %add3A_884 = arith.addf %get3A_879, %get3A_883 : vector<16xf32>
        %jit3A_885 = arith.constant 0.000000e+00 : f32
        %jit3A_886 = arith.constant 1.000000e+00 : f32
        %max3A = vector.broadcast %jit3A_885 : f32 to vector<16xf32>
        %max3A_887 = arith.maximumf %max3A, %add3A_884 : vector<16xf32>
        %min3A = vector.broadcast %jit3A_886 : f32 to vector<16xf32>
        %min3A_888 = arith.minimumf %min3A, %max3A_887 : vector<16xf32>
        %mul3A_889 = arith.constant 16 : i32
        %mul3A_890 = arith.muli %add3A_874, %mul3A_889 : i32
        %add3A_891 = arith.constant 96768 : i32
        %add3A_892 = arith.addi %add3A_891, %mul3A_890 : i32
        %swap3A_893 = arith.index_cast %add3A_892 : i32 to index
        %swap3A_894 = tpu.vector_load %arg7[%swap3A_893] {strides = array<i32>} : memref<100000xf32, #tpu.memory_space<vmem>>, vector<16xf32>,
        tpu.vector_store %arg7[%swap3A_893], %min3A_888 {strides = array<i32>} : memref<100000xf32, #tpu.memory_space<vmem>>, vector<16xf32>,
      }
      %scan3A_854 = arith.constant 144 : i32
      %add3A_855 = arith.constant 99072 : i32
      %add3A_856 = arith.addi %mul3A_20, %add3A_855 : i32
      %multiple_of3A_857 = tpu.assume_multiple %add3A_856, 8 : i32
      %dma_wait3A_858 = arith.constant 0 : i32
      %dma_wait3A_859 = tpu.memref_slice %arg11[%dma_wait3A_858] : memref<2304xf32, #tpu.memory_space<vmem>> -> memref<928xf32, #tpu.memory_space<vmem>>
      %dma_wait3A_860 = tpu.memref_slice %arg16[%multiple_of3A_857] : memref<200192xf32, #tpu.memory_space<vmem_shared>> -> memref<928xf32, #tpu.memory_space<vmem_shared>>
      %dma_wait3A_861 = arith.constant 0 : i32
      %dma_wait3A_862 = tpu.memref_slice %arg11[%dma_wait3A_861] : memref<2304xf32, #tpu.memory_space<vmem>> -> memref<928xf32, #tpu.memory_space<vmem>>
      %dma_wait3A_863 = tpu.memref_slice %arg16[%multiple_of3A_857] : memref<200192xf32, #tpu.memory_space<vmem_shared>> -> memref<928xf32, #tpu.memory_space<vmem_shared>>
      tpu.wait_dma2 semaphore(%arg19 : memref<!tpu.dma_semaphore, #tpu.memory_space<semaphore_mem>>) src(%dma_wait3A_863 : memref<928xf32, #tpu.memory_space<vmem_shared>>) dst(%dma_wait3A_862 : memref<928xf32, #tpu.memory_space<vmem>>)
      %scan3A_864 = arith.constant 0 : i32
      %scan3A_865 = arith.constant 58 : i32
      %scan3A_866 = arith.addi %scan3A_864, %scan3A_865 : i32
      %scan3A_867 = arith.constant 1 : i32
      scf.for %scan3A_870 = %scan3A_864 to %scan3A_866 step %scan3A_867  : i32 {
        %mul3A_871 = arith.constant 1 : i32
        %mul3A_872 = arith.muli %scan3A_870, %mul3A_871 : i32
        %add3A_873 = arith.constant 0 : i32
        %add3A_874 = arith.addi %add3A_873, %mul3A_872 : i32
        %mul3A_875 = arith.constant 16 : i32
        %mul3A_876 = arith.muli %add3A_874, %mul3A_875 : i32
        %add3A_877 = arith.constant 99072 : i32
        %add3A_878 = arith.addi %add3A_877, %mul3A_876 : i32
        %get3A = arith.index_cast %add3A_878 : i32 to index
        %get3A_879 = tpu.vector_load %arg7[%get3A] {strides = array<i32>} : memref<100000xf32, #tpu.memory_space<vmem>>, vector<16xf32>,
        %mul3A_880 = arith.constant 16 : i32
        %mul3A_881 = arith.muli %add3A_874, %mul3A_880 : i32
        %get3A_882 = arith.index_cast %mul3A_881 : i32 to index
        %get3A_883 = tpu.vector_load %arg11[%get3A_882] {strides = array<i32>} : memref<2304xf32, #tpu.memory_space<vmem>>, vector<16xf32>,
        %add3A_884 = arith.addf %get3A_879, %get3A_883 : vector<16xf32>
        %jit3A_885 = arith.constant 0.000000e+00 : f32
        %jit3A_886 = arith.constant 1.000000e+00 : f32
        %max3A = vector.broadcast %jit3A_885 : f32 to vector<16xf32>
        %max3A_887 = arith.maximumf %max3A, %add3A_884 : vector<16xf32>
        %min3A = vector.broadcast %jit3A_886 : f32 to vector<16xf32>
        %min3A_888 = arith.minimumf %min3A, %max3A_887 : vector<16xf32>
        %mul3A_889 = arith.constant 16 : i32
        %mul3A_890 = arith.muli %add3A_874, %mul3A_889 : i32
        %add3A_891 = arith.constant 99072 : i32
        %add3A_892 = arith.addi %add3A_891, %mul3A_890 : i32
        %swap3A_893 = arith.index_cast %add3A_892 : i32 to index
        %swap3A_894 = tpu.vector_load %arg7[%swap3A_893] {strides = array<i32>} : memref<100000xf32, #tpu.memory_space<vmem>>, vector<16xf32>,
        tpu.vector_store %arg7[%swap3A_893], %min3A_888 {strides = array<i32>} : memref<100000xf32, #tpu.memory_space<vmem>>, vector<16xf32>,
      }
      %scan3A_868 = arith.constant 58 : i32
      "tpu.trace_stop"() : () -> ()
      %barrier3A_869 = arith.constant 0 : index
      tpu.barrier barrier_id(%barrier3A_869)
    }
    %scan3A_31 = arith.constant 4 : i32
    %rem3A_32 = arith.constant 2 : i32
    %rem3A_33 = arith.remsi %rem3A_17, %rem3A_32 : i32
    %eq3A = arith.constant 0 : i32
    %eq3A_34 = arith.cmpi eq, %rem3A_33, %eq3A : i32
    %convert_element_type3A = arith.extui %eq3A_34 : i1 to i32
    %cond3A = arith.constant 0 : i32
    %cond3A_35 = arith.cmpi ne, %convert_element_type3A, %cond3A : i32
    scf.if %cond3A_35 {
      %mul3A_178 = arith.constant 12500 : i32
      %mul3A_179 = arith.muli %rem3A_17, %mul3A_178 : i32
      %multiple_of3A_180 = tpu.assume_multiple %mul3A_179, 8 : i32
      %mul3A_181 = arith.constant 100000 : i32
      %mul3A_182 = arith.muli %add3A, %mul3A_181 : i32
      %mul3A_183 = arith.constant 12500 : i32
      %mul3A_184 = arith.muli %rem3A_17, %mul3A_183 : i32
      %add3A_185 = arith.addi %mul3A_182, %mul3A_184 : i32
      %multiple_of3A_186 = tpu.assume_multiple %add3A_185, 8 : i32
      "tpu.region"() ({
        %run_scoped3A = tpu.sem_alloc : memref<!tpu.dma_semaphore, #tpu.memory_space<semaphore_mem>>
        %dma_start3A_187 = tpu.memref_slice %arg7[%multiple_of3A_180] : memref<100000xf32, #tpu.memory_space<vmem>> -> memref<25000xf32, #tpu.memory_space<vmem>>
        %dma_start3A_188 = tpu.memref_slice %arg5[%multiple_of3A_186] : memref<400000xf32, #tpu.memory_space<hbm>> -> memref<25000xf32, #tpu.memory_space<hbm>>
        %dma_start3A_189 = tpu.memref_slice %arg5[%multiple_of3A_186] : memref<400000xf32, #tpu.memory_space<hbm>> -> memref<25000xf32, #tpu.memory_space<hbm>>
        %dma_start3A_190 = tpu.memref_slice %arg7[%multiple_of3A_180] : memref<100000xf32, #tpu.memory_space<vmem>> -> memref<25000xf32, #tpu.memory_space<vmem>>
        tpu.enqueue_dma source(%dma_start3A_190 : memref<25000xf32, #tpu.memory_space<vmem>>) target(%dma_start3A_189 : memref<25000xf32, #tpu.memory_space<hbm>>) target_semaphore(%run_scoped3A : memref<!tpu.dma_semaphore, #tpu.memory_space<semaphore_mem>>)
        %dma_wait3A_191 = tpu.memref_slice %arg7[%multiple_of3A_180] : memref<100000xf32, #tpu.memory_space<vmem>> -> memref<25000xf32, #tpu.memory_space<vmem>>
        %dma_wait3A_192 = tpu.memref_slice %arg5[%multiple_of3A_186] : memref<400000xf32, #tpu.memory_space<hbm>> -> memref<25000xf32, #tpu.memory_space<hbm>>
        %dma_wait3A_193 = tpu.memref_slice %arg5[%multiple_of3A_186] : memref<400000xf32, #tpu.memory_space<hbm>> -> memref<25000xf32, #tpu.memory_space<hbm>>
        %dma_wait3A_194 = tpu.memref_slice %arg7[%multiple_of3A_180] : memref<100000xf32, #tpu.memory_space<vmem>> -> memref<25000xf32, #tpu.memory_space<vmem>>
        tpu.wait_dma2 semaphore(%run_scoped3A : memref<!tpu.dma_semaphore, #tpu.memory_space<semaphore_mem>>) src(%dma_wait3A_194 : memref<25000xf32, #tpu.memory_space<vmem>>) dst(%dma_wait3A_193 : memref<25000xf32, #tpu.memory_space<hbm>>)
        tpu.yield
      }) : () -> ()
    } else {
    }
    "tpu.trace_start"() <{level = 10 : i32, message = "sat_pass"}> : () -> ()
    %add3A_36 = arith.constant 0 : i32
    %add3A_37 = arith.addi %mul3A_22, %add3A_36 : i32
    %add3A_38 = arith.constant 0 : i32
    %add3A_39 = arith.addi %add3A_38, %add3A_37 : i32
    %multiple_of3A_40 = tpu.assume_multiple %add3A_39, 8 : i32
    %add3A_41 = arith.constant 1600000 : i32
    %add3A_42 = arith.addi %add3A_41, %add3A_37 : i32
    %multiple_of3A_43 = tpu.assume_multiple %add3A_42, 8 : i32
    %add3A_44 = arith.constant 3200000 : i32
    %add3A_45 = arith.addi %add3A_44, %add3A_37 : i32
    %multiple_of3A_46 = tpu.assume_multiple %add3A_45, 8 : i32
    %dma_start3A = arith.constant 0 : i32
    %dma_start3A_47 = tpu.memref_slice %arg8[%dma_start3A] : memref<2304xi32, #tpu.memory_space<vmem>> -> memref<768xi32, #tpu.memory_space<vmem>>
    %dma_start3A_48 = tpu.memref_slice %arg2[%multiple_of3A_40] : memref<4800000xi32, #tpu.memory_space<hbm>> -> memref<768xi32, #tpu.memory_space<hbm>>
    %dma_start3A_49 = arith.constant 0 : i32
    %dma_start3A_50 = tpu.memref_slice %arg8[%dma_start3A_49] : memref<2304xi32, #tpu.memory_space<vmem>> -> memref<768xi32, #tpu.memory_space<vmem>>
    %dma_start3A_51 = tpu.memref_slice %arg2[%multiple_of3A_40] : memref<4800000xi32, #tpu.memory_space<hbm>> -> memref<768xi32, #tpu.memory_space<hbm>>
    tpu.enqueue_dma source(%dma_start3A_51 : memref<768xi32, #tpu.memory_space<hbm>>) target(%dma_start3A_50 : memref<768xi32, #tpu.memory_space<vmem>>) target_semaphore(%arg18 : memref<!tpu.dma_semaphore, #tpu.memory_space<semaphore_mem>>)
    %dma_start3A_52 = arith.constant 768 : i32
    %dma_start3A_53 = tpu.memref_slice %arg8[%dma_start3A_52] : memref<2304xi32, #tpu.memory_space<vmem>> -> memref<768xi32, #tpu.memory_space<vmem>>
    %dma_start3A_54 = tpu.memref_slice %arg2[%multiple_of3A_43] : memref<4800000xi32, #tpu.memory_space<hbm>> -> memref<768xi32, #tpu.memory_space<hbm>>
    %dma_start3A_55 = arith.constant 768 : i32
    %dma_start3A_56 = tpu.memref_slice %arg8[%dma_start3A_55] : memref<2304xi32, #tpu.memory_space<vmem>> -> memref<768xi32, #tpu.memory_space<vmem>>
    %dma_start3A_57 = tpu.memref_slice %arg2[%multiple_of3A_43] : memref<4800000xi32, #tpu.memory_space<hbm>> -> memref<768xi32, #tpu.memory_space<hbm>>
    tpu.enqueue_dma source(%dma_start3A_57 : memref<768xi32, #tpu.memory_space<hbm>>) target(%dma_start3A_56 : memref<768xi32, #tpu.memory_space<vmem>>) target_semaphore(%arg18 : memref<!tpu.dma_semaphore, #tpu.memory_space<semaphore_mem>>)
    %dma_start3A_58 = arith.constant 1536 : i32
    %dma_start3A_59 = tpu.memref_slice %arg8[%dma_start3A_58] : memref<2304xi32, #tpu.memory_space<vmem>> -> memref<768xi32, #tpu.memory_space<vmem>>
    %dma_start3A_60 = tpu.memref_slice %arg2[%multiple_of3A_46] : memref<4800000xi32, #tpu.memory_space<hbm>> -> memref<768xi32, #tpu.memory_space<hbm>>
    %dma_start3A_61 = arith.constant 1536 : i32
    %dma_start3A_62 = tpu.memref_slice %arg8[%dma_start3A_61] : memref<2304xi32, #tpu.memory_space<vmem>> -> memref<768xi32, #tpu.memory_space<vmem>>
    %dma_start3A_63 = tpu.memref_slice %arg2[%multiple_of3A_46] : memref<4800000xi32, #tpu.memory_space<hbm>> -> memref<768xi32, #tpu.memory_space<hbm>>
    tpu.enqueue_dma source(%dma_start3A_63 : memref<768xi32, #tpu.memory_space<hbm>>) target(%dma_start3A_62 : memref<768xi32, #tpu.memory_space<vmem>>) target_semaphore(%arg18 : memref<!tpu.dma_semaphore, #tpu.memory_space<semaphore_mem>>)
    %add3A_64 = arith.constant 768 : i32
    %add3A_65 = arith.addi %mul3A_22, %add3A_64 : i32
    %add3A_66 = arith.constant 0 : i32
    %add3A_67 = arith.addi %add3A_66, %add3A_65 : i32
    %multiple_of3A_68 = tpu.assume_multiple %add3A_67, 8 : i32
    %add3A_69 = arith.constant 1600000 : i32
    %add3A_70 = arith.addi %add3A_69, %add3A_65 : i32
    %multiple_of3A_71 = tpu.assume_multiple %add3A_70, 8 : i32
    %add3A_72 = arith.constant 3200000 : i32
    %add3A_73 = arith.addi %add3A_72, %add3A_65 : i32
    %multiple_of3A_74 = tpu.assume_multiple %add3A_73, 8 : i32
    %dma_start3A_75 = arith.constant 0 : i32
    %dma_start3A_76 = tpu.memref_slice %arg9[%dma_start3A_75] : memref<2304xi32, #tpu.memory_space<vmem>> -> memref<768xi32, #tpu.memory_space<vmem>>
    %dma_start3A_77 = tpu.memref_slice %arg2[%multiple_of3A_68] : memref<4800000xi32, #tpu.memory_space<hbm>> -> memref<768xi32, #tpu.memory_space<hbm>>
    %dma_start3A_78 = arith.constant 0 : i32
    %dma_start3A_79 = tpu.memref_slice %arg9[%dma_start3A_78] : memref<2304xi32, #tpu.memory_space<vmem>> -> memref<768xi32, #tpu.memory_space<vmem>>
    %dma_start3A_80 = tpu.memref_slice %arg2[%multiple_of3A_68] : memref<4800000xi32, #tpu.memory_space<hbm>> -> memref<768xi32, #tpu.memory_space<hbm>>
    tpu.enqueue_dma source(%dma_start3A_80 : memref<768xi32, #tpu.memory_space<hbm>>) target(%dma_start3A_79 : memref<768xi32, #tpu.memory_space<vmem>>) target_semaphore(%arg19 : memref<!tpu.dma_semaphore, #tpu.memory_space<semaphore_mem>>)
    %dma_start3A_81 = arith.constant 768 : i32
    %dma_start3A_82 = tpu.memref_slice %arg9[%dma_start3A_81] : memref<2304xi32, #tpu.memory_space<vmem>> -> memref<768xi32, #tpu.memory_space<vmem>>
    %dma_start3A_83 = tpu.memref_slice %arg2[%multiple_of3A_71] : memref<4800000xi32, #tpu.memory_space<hbm>> -> memref<768xi32, #tpu.memory_space<hbm>>
    %dma_start3A_84 = arith.constant 768 : i32
    %dma_start3A_85 = tpu.memref_slice %arg9[%dma_start3A_84] : memref<2304xi32, #tpu.memory_space<vmem>> -> memref<768xi32, #tpu.memory_space<vmem>>
    %dma_start3A_86 = tpu.memref_slice %arg2[%multiple_of3A_71] : memref<4800000xi32, #tpu.memory_space<hbm>> -> memref<768xi32, #tpu.memory_space<hbm>>
    tpu.enqueue_dma source(%dma_start3A_86 : memref<768xi32, #tpu.memory_space<hbm>>) target(%dma_start3A_85 : memref<768xi32, #tpu.memory_space<vmem>>) target_semaphore(%arg19 : memref<!tpu.dma_semaphore, #tpu.memory_space<semaphore_mem>>)
    %dma_start3A_87 = arith.constant 1536 : i32
    %dma_start3A_88 = tpu.memref_slice %arg9[%dma_start3A_87] : memref<2304xi32, #tpu.memory_space<vmem>> -> memref<768xi32, #tpu.memory_space<vmem>>
    %dma_start3A_89 = tpu.memref_slice %arg2[%multiple_of3A_74] : memref<4800000xi32, #tpu.memory_space<hbm>> -> memref<768xi32, #tpu.memory_space<hbm>>
    %dma_start3A_90 = arith.constant 1536 : i32
    %dma_start3A_91 = tpu.memref_slice %arg9[%dma_start3A_90] : memref<2304xi32, #tpu.memory_space<vmem>> -> memref<768xi32, #tpu.memory_space<vmem>>
    %dma_start3A_92 = tpu.memref_slice %arg2[%multiple_of3A_74] : memref<4800000xi32, #tpu.memory_space<hbm>> -> memref<768xi32, #tpu.memory_space<hbm>>
    tpu.enqueue_dma source(%dma_start3A_92 : memref<768xi32, #tpu.memory_space<hbm>>) target(%dma_start3A_91 : memref<768xi32, #tpu.memory_space<vmem>>) target_semaphore(%arg19 : memref<!tpu.dma_semaphore, #tpu.memory_space<semaphore_mem>>)
    %scan3A_93 = arith.constant 0 : i32
    %scan3A_94 = arith.constant 130 : i32
    %scan3A_95 = arith.addi %scan3A_93, %scan3A_94 : i32
    %scan3A_96 = arith.constant 1 : i32
    %scan3A_97 = scf.for %scan3A_178 = %scan3A_93 to %scan3A_95 step %scan3A_96 iter_args(%scan3A_179 = %broadcast_in_dim3A_27) -> (vector<16xf32>)  : i32 {
      %mul3A_180 = arith.constant 2 : i32
      %mul3A_181 = arith.muli %scan3A_178, %mul3A_180 : i32
      %add3A_182 = arith.constant 0 : i32
      %add3A_183 = arith.addi %add3A_182, %mul3A_181 : i32
      %mul3A_184 = arith.constant 768 : i32
      %mul3A_185 = arith.muli %add3A_183, %mul3A_184 : i32
      %add3A_186 = arith.addi %mul3A_22, %mul3A_185 : i32
      %add3A_187 = arith.constant 0 : i32
      %add3A_188 = arith.addi %add3A_187, %add3A_186 : i32
      %multiple_of3A_189 = tpu.assume_multiple %add3A_188, 8 : i32
      %add3A_190 = arith.constant 1600000 : i32
      %add3A_191 = arith.addi %add3A_190, %add3A_186 : i32
      %multiple_of3A_192 = tpu.assume_multiple %add3A_191, 8 : i32
      %add3A_193 = arith.constant 3200000 : i32
      %add3A_194 = arith.addi %add3A_193, %add3A_186 : i32
      %multiple_of3A_195 = tpu.assume_multiple %add3A_194, 8 : i32
      %dma_wait3A_196 = arith.constant 0 : i32
      %dma_wait3A_197 = tpu.memref_slice %arg8[%dma_wait3A_196] : memref<2304xi32, #tpu.memory_space<vmem>> -> memref<768xi32, #tpu.memory_space<vmem>>
      %dma_wait3A_198 = tpu.memref_slice %arg2[%multiple_of3A_189] : memref<4800000xi32, #tpu.memory_space<hbm>> -> memref<768xi32, #tpu.memory_space<hbm>>
      %dma_wait3A_199 = arith.constant 0 : i32
      %dma_wait3A_200 = tpu.memref_slice %arg8[%dma_wait3A_199] : memref<2304xi32, #tpu.memory_space<vmem>> -> memref<768xi32, #tpu.memory_space<vmem>>
      %dma_wait3A_201 = tpu.memref_slice %arg2[%multiple_of3A_189] : memref<4800000xi32, #tpu.memory_space<hbm>> -> memref<768xi32, #tpu.memory_space<hbm>>
      tpu.wait_dma2 semaphore(%arg18 : memref<!tpu.dma_semaphore, #tpu.memory_space<semaphore_mem>>) src(%dma_wait3A_201 : memref<768xi32, #tpu.memory_space<hbm>>) dst(%dma_wait3A_200 : memref<768xi32, #tpu.memory_space<vmem>>)
      %dma_wait3A_202 = arith.constant 768 : i32
      %dma_wait3A_203 = tpu.memref_slice %arg8[%dma_wait3A_202] : memref<2304xi32, #tpu.memory_space<vmem>> -> memref<768xi32, #tpu.memory_space<vmem>>
      %dma_wait3A_204 = tpu.memref_slice %arg2[%multiple_of3A_192] : memref<4800000xi32, #tpu.memory_space<hbm>> -> memref<768xi32, #tpu.memory_space<hbm>>
      %dma_wait3A_205 = arith.constant 768 : i32
      %dma_wait3A_206 = tpu.memref_slice %arg8[%dma_wait3A_205] : memref<2304xi32, #tpu.memory_space<vmem>> -> memref<768xi32, #tpu.memory_space<vmem>>
      %dma_wait3A_207 = tpu.memref_slice %arg2[%multiple_of3A_192] : memref<4800000xi32, #tpu.memory_space<hbm>> -> memref<768xi32, #tpu.memory_space<hbm>>
      tpu.wait_dma2 semaphore(%arg18 : memref<!tpu.dma_semaphore, #tpu.memory_space<semaphore_mem>>) src(%dma_wait3A_207 : memref<768xi32, #tpu.memory_space<hbm>>) dst(%dma_wait3A_206 : memref<768xi32, #tpu.memory_space<vmem>>)
      %dma_wait3A_208 = arith.constant 1536 : i32
      %dma_wait3A_209 = tpu.memref_slice %arg8[%dma_wait3A_208] : memref<2304xi32, #tpu.memory_space<vmem>> -> memref<768xi32, #tpu.memory_space<vmem>>
      %dma_wait3A_210 = tpu.memref_slice %arg2[%multiple_of3A_195] : memref<4800000xi32, #tpu.memory_space<hbm>> -> memref<768xi32, #tpu.memory_space<hbm>>
      %dma_wait3A_211 = arith.constant 1536 : i32
      %dma_wait3A_212 = tpu.memref_slice %arg8[%dma_wait3A_211] : memref<2304xi32, #tpu.memory_space<vmem>> -> memref<768xi32, #tpu.memory_space<vmem>>
      %dma_wait3A_213 = tpu.memref_slice %arg2[%multiple_of3A_195] : memref<4800000xi32, #tpu.memory_space<hbm>> -> memref<768xi32, #tpu.memory_space<hbm>>
      tpu.wait_dma2 semaphore(%arg18 : memref<!tpu.dma_semaphore, #tpu.memory_space<semaphore_mem>>) src(%dma_wait3A_213 : memref<768xi32, #tpu.memory_space<hbm>>) dst(%dma_wait3A_212 : memref<768xi32, #tpu.memory_space<vmem>>)
      %scan3A_214 = arith.constant 0 : i32
      %scan3A_215 = arith.constant 48 : i32
      %scan3A_216 = arith.addi %scan3A_214, %scan3A_215 : i32
      %scan3A_217 = arith.constant 1 : i32
      %scan3A_218 = scf.for %scan3A_285 = %scan3A_214 to %scan3A_216 step %scan3A_217 iter_args(%scan3A_286 = %scan3A_179) -> (vector<16xf32>)  : i32 {
        %mul3A_287 = arith.constant 1 : i32
        %mul3A_288 = arith.muli %scan3A_285, %mul3A_287 : i32
        %add3A_289 = arith.constant 0 : i32
        %add3A_290 = arith.addi %add3A_289, %mul3A_288 : i32
        %mul3A_291 = arith.constant 16 : i32
        %mul3A_292 = arith.muli %add3A_290, %mul3A_291 : i32
        %add3A_293 = arith.constant 0 : i32
        %add3A_294 = arith.addi %add3A_293, %mul3A_292 : i32
        %get3A = arith.index_cast %add3A_294 : i32 to index
        %get3A_295 = tpu.vector_load %arg8[%get3A] {strides = array<i32>} : memref<2304xi32, #tpu.memory_space<vmem>>, vector<16xi32>,
        %shift_right_logical3A = arith.constant 1 : i32
        %shift_right_logical3A_296 = vector.broadcast %shift_right_logical3A : i32 to vector<16xi32>
        %shift_right_logical3A_297 = arith.shrui %get3A_295, %shift_right_logical3A_296 : vector<16xi32>
        %gather3A_298 = tpu.vector_load_idx %arg7[%shift_right_logical3A_297] : memref<100000xf32, #tpu.memory_space<vmem>>[vector<16xi32>], vector<16xf32>,
        %rem3A_299 = arith.constant 2 : i32
        %rem3A_300 = vector.broadcast %rem3A_299 : i32 to vector<16xi32>
        %rem3A_301 = arith.remsi %get3A_295, %rem3A_300 : vector<16xi32>
        %eq3A_302 = arith.constant 0 : i32
        %eq3A_303 = vector.broadcast %eq3A_302 : i32 to vector<16xi32>
        %eq3A_304 = arith.cmpi eq, %rem3A_301, %eq3A_303 : vector<16xi32>
        %sub3A_305 = arith.constant 1.000000e+00 : f32
        %sub3A_306 = vector.broadcast %sub3A_305 : f32 to vector<16xf32>
        %sub3A_307 = arith.subf %sub3A_306, %gather3A_298 : vector<16xf32>
        %select_n3A_308 = arith.select %eq3A_304, %gather3A_298, %sub3A_307 : vector<16xi1>, vector<16xf32>
        %mul3A_309 = arith.constant 16 : i32
        %mul3A_310 = arith.muli %add3A_290, %mul3A_309 : i32
        %add3A_311 = arith.constant 768 : i32
        %add3A_312 = arith.addi %add3A_311, %mul3A_310 : i32
        %get3A_313 = arith.index_cast %add3A_312 : i32 to index
        %get3A_314 = tpu.vector_load %arg8[%get3A_313] {strides = array<i32>} : memref<2304xi32, #tpu.memory_space<vmem>>, vector<16xi32>,
        %shift_right_logical3A_315 = arith.constant 1 : i32
        %shift_right_logical3A_316 = vector.broadcast %shift_right_logical3A_315 : i32 to vector<16xi32>
        %shift_right_logical3A_317 = arith.shrui %get3A_314, %shift_right_logical3A_316 : vector<16xi32>
        %gather3A_318 = tpu.vector_load_idx %arg7[%shift_right_logical3A_317] : memref<100000xf32, #tpu.memory_space<vmem>>[vector<16xi32>], vector<16xf32>,
        %rem3A_319 = arith.constant 2 : i32
        %rem3A_320 = vector.broadcast %rem3A_319 : i32 to vector<16xi32>
        %rem3A_321 = arith.remsi %get3A_314, %rem3A_320 : vector<16xi32>
        %eq3A_322 = arith.constant 0 : i32
        %eq3A_323 = vector.broadcast %eq3A_322 : i32 to vector<16xi32>
        %eq3A_324 = arith.cmpi eq, %rem3A_321, %eq3A_323 : vector<16xi32>
        %sub3A_325 = arith.constant 1.000000e+00 : f32
        %sub3A_326 = vector.broadcast %sub3A_325 : f32 to vector<16xf32>
        %sub3A_327 = arith.subf %sub3A_326, %gather3A_318 : vector<16xf32>
        %select_n3A_328 = arith.select %eq3A_324, %gather3A_318, %sub3A_327 : vector<16xi1>, vector<16xf32>
        %mul3A_329 = arith.constant 16 : i32
        %mul3A_330 = arith.muli %add3A_290, %mul3A_329 : i32
        %add3A_331 = arith.constant 1536 : i32
        %add3A_332 = arith.addi %add3A_331, %mul3A_330 : i32
        %get3A_333 = arith.index_cast %add3A_332 : i32 to index
        %get3A_334 = tpu.vector_load %arg8[%get3A_333] {strides = array<i32>} : memref<2304xi32, #tpu.memory_space<vmem>>, vector<16xi32>,
        %shift_right_logical3A_335 = arith.constant 1 : i32
        %shift_right_logical3A_336 = vector.broadcast %shift_right_logical3A_335 : i32 to vector<16xi32>
        %shift_right_logical3A_337 = arith.shrui %get3A_334, %shift_right_logical3A_336 : vector<16xi32>
        %gather3A_338 = tpu.vector_load_idx %arg7[%shift_right_logical3A_337] : memref<100000xf32, #tpu.memory_space<vmem>>[vector<16xi32>], vector<16xf32>,
        %rem3A_339 = arith.constant 2 : i32
        %rem3A_340 = vector.broadcast %rem3A_339 : i32 to vector<16xi32>
        %rem3A_341 = arith.remsi %get3A_334, %rem3A_340 : vector<16xi32>
        %eq3A_342 = arith.constant 0 : i32
        %eq3A_343 = vector.broadcast %eq3A_342 : i32 to vector<16xi32>
        %eq3A_344 = arith.cmpi eq, %rem3A_341, %eq3A_343 : vector<16xi32>
        %sub3A_345 = arith.constant 1.000000e+00 : f32
        %sub3A_346 = vector.broadcast %sub3A_345 : f32 to vector<16xf32>
        %sub3A_347 = arith.subf %sub3A_346, %gather3A_338 : vector<16xf32>
        %select_n3A_348 = arith.select %eq3A_344, %gather3A_338, %sub3A_347 : vector<16xi1>, vector<16xf32>
        %max3A = arith.maximumf %select_n3A_308, %select_n3A_328 : vector<16xf32>
        %max3A_349 = arith.maximumf %max3A, %select_n3A_348 : vector<16xf32>
        %mul3A_350 = arith.mulf %scan3A_286, %max3A_349 : vector<16xf32>
        scf.yield %mul3A_350 : vector<16xf32>
      }
      %scan3A_219 = arith.constant 48 : i32
      %add3A_220 = arith.constant 2 : i32
      %add3A_221 = arith.addi %add3A_183, %add3A_220 : i32
      %lt3A = arith.constant 260 : i32
      %lt3A_222 = arith.cmpi slt, %add3A_221, %lt3A : i32
      %convert_element_type3A_223 = arith.extui %lt3A_222 : i1 to i32
      %cond3A_224 = arith.constant 0 : i32
      %cond3A_225 = arith.cmpi ne, %convert_element_type3A_223, %cond3A_224 : i32
      scf.if %cond3A_225 {
        %add3A_285 = arith.constant 2 : i32
        %add3A_286 = arith.addi %add3A_183, %add3A_285 : i32
        %mul3A_287 = arith.constant 768 : i32
        %mul3A_288 = arith.muli %add3A_286, %mul3A_287 : i32
        %add3A_289 = arith.addi %mul3A_22, %mul3A_288 : i32
        %add3A_290 = arith.constant 0 : i32
        %add3A_291 = arith.addi %add3A_290, %add3A_289 : i32
        %multiple_of3A_292 = tpu.assume_multiple %add3A_291, 8 : i32
        %add3A_293 = arith.constant 1600000 : i32
        %add3A_294 = arith.addi %add3A_293, %add3A_289 : i32
        %multiple_of3A_295 = tpu.assume_multiple %add3A_294, 8 : i32
        %add3A_296 = arith.constant 3200000 : i32
        %add3A_297 = arith.addi %add3A_296, %add3A_289 : i32
        %multiple_of3A_298 = tpu.assume_multiple %add3A_297, 8 : i32
        %dma_start3A_299 = arith.constant 0 : i32
        %dma_start3A_300 = tpu.memref_slice %arg8[%dma_start3A_299] : memref<2304xi32, #tpu.memory_space<vmem>> -> memref<768xi32, #tpu.memory_space<vmem>>
        %dma_start3A_301 = tpu.memref_slice %arg2[%multiple_of3A_292] : memref<4800000xi32, #tpu.memory_space<hbm>> -> memref<768xi32, #tpu.memory_space<hbm>>
        %dma_start3A_302 = arith.constant 0 : i32
        %dma_start3A_303 = tpu.memref_slice %arg8[%dma_start3A_302] : memref<2304xi32, #tpu.memory_space<vmem>> -> memref<768xi32, #tpu.memory_space<vmem>>
        %dma_start3A_304 = tpu.memref_slice %arg2[%multiple_of3A_292] : memref<4800000xi32, #tpu.memory_space<hbm>> -> memref<768xi32, #tpu.memory_space<hbm>>
        tpu.enqueue_dma source(%dma_start3A_304 : memref<768xi32, #tpu.memory_space<hbm>>) target(%dma_start3A_303 : memref<768xi32, #tpu.memory_space<vmem>>) target_semaphore(%arg18 : memref<!tpu.dma_semaphore, #tpu.memory_space<semaphore_mem>>)
        %dma_start3A_305 = arith.constant 768 : i32
        %dma_start3A_306 = tpu.memref_slice %arg8[%dma_start3A_305] : memref<2304xi32, #tpu.memory_space<vmem>> -> memref<768xi32, #tpu.memory_space<vmem>>
        %dma_start3A_307 = tpu.memref_slice %arg2[%multiple_of3A_295] : memref<4800000xi32, #tpu.memory_space<hbm>> -> memref<768xi32, #tpu.memory_space<hbm>>
        %dma_start3A_308 = arith.constant 768 : i32
        %dma_start3A_309 = tpu.memref_slice %arg8[%dma_start3A_308] : memref<2304xi32, #tpu.memory_space<vmem>> -> memref<768xi32, #tpu.memory_space<vmem>>
        %dma_start3A_310 = tpu.memref_slice %arg2[%multiple_of3A_295] : memref<4800000xi32, #tpu.memory_space<hbm>> -> memref<768xi32, #tpu.memory_space<hbm>>
        tpu.enqueue_dma source(%dma_start3A_310 : memref<768xi32, #tpu.memory_space<hbm>>) target(%dma_start3A_309 : memref<768xi32, #tpu.memory_space<vmem>>) target_semaphore(%arg18 : memref<!tpu.dma_semaphore, #tpu.memory_space<semaphore_mem>>)
        %dma_start3A_311 = arith.constant 1536 : i32
        %dma_start3A_312 = tpu.memref_slice %arg8[%dma_start3A_311] : memref<2304xi32, #tpu.memory_space<vmem>> -> memref<768xi32, #tpu.memory_space<vmem>>
        %dma_start3A_313 = tpu.memref_slice %arg2[%multiple_of3A_298] : memref<4800000xi32, #tpu.memory_space<hbm>> -> memref<768xi32, #tpu.memory_space<hbm>>
        %dma_start3A_314 = arith.constant 1536 : i32
        %dma_start3A_315 = tpu.memref_slice %arg8[%dma_start3A_314] : memref<2304xi32, #tpu.memory_space<vmem>> -> memref<768xi32, #tpu.memory_space<vmem>>
        %dma_start3A_316 = tpu.memref_slice %arg2[%multiple_of3A_298] : memref<4800000xi32, #tpu.memory_space<hbm>> -> memref<768xi32, #tpu.memory_space<hbm>>
        tpu.enqueue_dma source(%dma_start3A_316 : memref<768xi32, #tpu.memory_space<hbm>>) target(%dma_start3A_315 : memref<768xi32, #tpu.memory_space<vmem>>) target_semaphore(%arg18 : memref<!tpu.dma_semaphore, #tpu.memory_space<semaphore_mem>>)
      } else {
      }
      %add3A_226 = arith.constant 2 : i32
      %add3A_227 = arith.addi %add3A_183, %add3A_226 : i32
      %eq3A_228 = arith.constant 260 : i32
      %eq3A_229 = arith.cmpi eq, %add3A_227, %eq3A_228 : i32
      %convert_element_type3A_230 = arith.extui %eq3A_229 : i1 to i32
      %cond3A_231 = arith.constant 0 : i32
      %cond3A_232 = arith.cmpi ne, %convert_element_type3A_230, %cond3A_231 : i32
      scf.if %cond3A_232 {
        %add3A_285 = arith.constant 199680 : i32
        %add3A_286 = arith.addi %mul3A_22, %add3A_285 : i32
        %add3A_287 = arith.constant 0 : i32
        %add3A_288 = arith.addi %add3A_287, %add3A_286 : i32
        %multiple_of3A_289 = tpu.assume_multiple %add3A_288, 8 : i32
        %add3A_290 = arith.constant 1600000 : i32
        %add3A_291 = arith.addi %add3A_290, %add3A_286 : i32
        %multiple_of3A_292 = tpu.assume_multiple %add3A_291, 8 : i32
        %add3A_293 = arith.constant 3200000 : i32
        %add3A_294 = arith.addi %add3A_293, %add3A_286 : i32
        %multiple_of3A_295 = tpu.assume_multiple %add3A_294, 8 : i32
        %dma_start3A_296 = arith.constant 0 : i32
        %dma_start3A_297 = tpu.memref_slice %arg8[%dma_start3A_296] : memref<2304xi32, #tpu.memory_space<vmem>> -> memref<320xi32, #tpu.memory_space<vmem>>
        %dma_start3A_298 = tpu.memref_slice %arg2[%multiple_of3A_289] : memref<4800000xi32, #tpu.memory_space<hbm>> -> memref<320xi32, #tpu.memory_space<hbm>>
        %dma_start3A_299 = arith.constant 0 : i32
        %dma_start3A_300 = tpu.memref_slice %arg8[%dma_start3A_299] : memref<2304xi32, #tpu.memory_space<vmem>> -> memref<320xi32, #tpu.memory_space<vmem>>
        %dma_start3A_301 = tpu.memref_slice %arg2[%multiple_of3A_289] : memref<4800000xi32, #tpu.memory_space<hbm>> -> memref<320xi32, #tpu.memory_space<hbm>>
        tpu.enqueue_dma source(%dma_start3A_301 : memref<320xi32, #tpu.memory_space<hbm>>) target(%dma_start3A_300 : memref<320xi32, #tpu.memory_space<vmem>>) target_semaphore(%arg18 : memref<!tpu.dma_semaphore, #tpu.memory_space<semaphore_mem>>)
        %dma_start3A_302 = arith.constant 320 : i32
        %dma_start3A_303 = tpu.memref_slice %arg8[%dma_start3A_302] : memref<2304xi32, #tpu.memory_space<vmem>> -> memref<320xi32, #tpu.memory_space<vmem>>
        %dma_start3A_304 = tpu.memref_slice %arg2[%multiple_of3A_292] : memref<4800000xi32, #tpu.memory_space<hbm>> -> memref<320xi32, #tpu.memory_space<hbm>>
        %dma_start3A_305 = arith.constant 320 : i32
        %dma_start3A_306 = tpu.memref_slice %arg8[%dma_start3A_305] : memref<2304xi32, #tpu.memory_space<vmem>> -> memref<320xi32, #tpu.memory_space<vmem>>
        %dma_start3A_307 = tpu.memref_slice %arg2[%multiple_of3A_292] : memref<4800000xi32, #tpu.memory_space<hbm>> -> memref<320xi32, #tpu.memory_space<hbm>>
        tpu.enqueue_dma source(%dma_start3A_307 : memref<320xi32, #tpu.memory_space<hbm>>) target(%dma_start3A_306 : memref<320xi32, #tpu.memory_space<vmem>>) target_semaphore(%arg18 : memref<!tpu.dma_semaphore, #tpu.memory_space<semaphore_mem>>)
        %dma_start3A_308 = arith.constant 640 : i32
        %dma_start3A_309 = tpu.memref_slice %arg8[%dma_start3A_308] : memref<2304xi32, #tpu.memory_space<vmem>> -> memref<320xi32, #tpu.memory_space<vmem>>
        %dma_start3A_310 = tpu.memref_slice %arg2[%multiple_of3A_295] : memref<4800000xi32, #tpu.memory_space<hbm>> -> memref<320xi32, #tpu.memory_space<hbm>>
        %dma_start3A_311 = arith.constant 640 : i32
        %dma_start3A_312 = tpu.memref_slice %arg8[%dma_start3A_311] : memref<2304xi32, #tpu.memory_space<vmem>> -> memref<320xi32, #tpu.memory_space<vmem>>
        %dma_start3A_313 = tpu.memref_slice %arg2[%multiple_of3A_295] : memref<4800000xi32, #tpu.memory_space<hbm>> -> memref<320xi32, #tpu.memory_space<hbm>>
        tpu.enqueue_dma source(%dma_start3A_313 : memref<320xi32, #tpu.memory_space<hbm>>) target(%dma_start3A_312 : memref<320xi32, #tpu.memory_space<vmem>>) target_semaphore(%arg18 : memref<!tpu.dma_semaphore, #tpu.memory_space<semaphore_mem>>)
      } else {
      }
      %add3A_233 = arith.constant 1 : i32
      %add3A_234 = arith.addi %add3A_183, %add3A_233 : i32
      %mul3A_235 = arith.constant 768 : i32
      %mul3A_236 = arith.muli %add3A_234, %mul3A_235 : i32
      %add3A_237 = arith.addi %mul3A_22, %mul3A_236 : i32
      %add3A_238 = arith.constant 0 : i32
      %add3A_239 = arith.addi %add3A_238, %add3A_237 : i32
      %multiple_of3A_240 = tpu.assume_multiple %add3A_239, 8 : i32
      %add3A_241 = arith.constant 1600000 : i32
      %add3A_242 = arith.addi %add3A_241, %add3A_237 : i32
      %multiple_of3A_243 = tpu.assume_multiple %add3A_242, 8 : i32
      %add3A_244 = arith.constant 3200000 : i32
      %add3A_245 = arith.addi %add3A_244, %add3A_237 : i32
      %multiple_of3A_246 = tpu.assume_multiple %add3A_245, 8 : i32
      %dma_wait3A_247 = arith.constant 0 : i32
      %dma_wait3A_248 = tpu.memref_slice %arg9[%dma_wait3A_247] : memref<2304xi32, #tpu.memory_space<vmem>> -> memref<768xi32, #tpu.memory_space<vmem>>
      %dma_wait3A_249 = tpu.memref_slice %arg2[%multiple_of3A_240] : memref<4800000xi32, #tpu.memory_space<hbm>> -> memref<768xi32, #tpu.memory_space<hbm>>
      %dma_wait3A_250 = arith.constant 0 : i32
      %dma_wait3A_251 = tpu.memref_slice %arg9[%dma_wait3A_250] : memref<2304xi32, #tpu.memory_space<vmem>> -> memref<768xi32, #tpu.memory_space<vmem>>
      %dma_wait3A_252 = tpu.memref_slice %arg2[%multiple_of3A_240] : memref<4800000xi32, #tpu.memory_space<hbm>> -> memref<768xi32, #tpu.memory_space<hbm>>
      tpu.wait_dma2 semaphore(%arg19 : memref<!tpu.dma_semaphore, #tpu.memory_space<semaphore_mem>>) src(%dma_wait3A_252 : memref<768xi32, #tpu.memory_space<hbm>>) dst(%dma_wait3A_251 : memref<768xi32, #tpu.memory_space<vmem>>)
      %dma_wait3A_253 = arith.constant 768 : i32
      %dma_wait3A_254 = tpu.memref_slice %arg9[%dma_wait3A_253] : memref<2304xi32, #tpu.memory_space<vmem>> -> memref<768xi32, #tpu.memory_space<vmem>>
      %dma_wait3A_255 = tpu.memref_slice %arg2[%multiple_of3A_243] : memref<4800000xi32, #tpu.memory_space<hbm>> -> memref<768xi32, #tpu.memory_space<hbm>>
      %dma_wait3A_256 = arith.constant 768 : i32
      %dma_wait3A_257 = tpu.memref_slice %arg9[%dma_wait3A_256] : memref<2304xi32, #tpu.memory_space<vmem>> -> memref<768xi32, #tpu.memory_space<vmem>>
      %dma_wait3A_258 = tpu.memref_slice %arg2[%multiple_of3A_243] : memref<4800000xi32, #tpu.memory_space<hbm>> -> memref<768xi32, #tpu.memory_space<hbm>>
      tpu.wait_dma2 semaphore(%arg19 : memref<!tpu.dma_semaphore, #tpu.memory_space<semaphore_mem>>) src(%dma_wait3A_258 : memref<768xi32, #tpu.memory_space<hbm>>) dst(%dma_wait3A_257 : memref<768xi32, #tpu.memory_space<vmem>>)
      %dma_wait3A_259 = arith.constant 1536 : i32
      %dma_wait3A_260 = tpu.memref_slice %arg9[%dma_wait3A_259] : memref<2304xi32, #tpu.memory_space<vmem>> -> memref<768xi32, #tpu.memory_space<vmem>>
      %dma_wait3A_261 = tpu.memref_slice %arg2[%multiple_of3A_246] : memref<4800000xi32, #tpu.memory_space<hbm>> -> memref<768xi32, #tpu.memory_space<hbm>>
      %dma_wait3A_262 = arith.constant 1536 : i32
      %dma_wait3A_263 = tpu.memref_slice %arg9[%dma_wait3A_262] : memref<2304xi32, #tpu.memory_space<vmem>> -> memref<768xi32, #tpu.memory_space<vmem>>
      %dma_wait3A_264 = tpu.memref_slice %arg2[%multiple_of3A_246] : memref<4800000xi32, #tpu.memory_space<hbm>> -> memref<768xi32, #tpu.memory_space<hbm>>
      tpu.wait_dma2 semaphore(%arg19 : memref<!tpu.dma_semaphore, #tpu.memory_space<semaphore_mem>>) src(%dma_wait3A_264 : memref<768xi32, #tpu.memory_space<hbm>>) dst(%dma_wait3A_263 : memref<768xi32, #tpu.memory_space<vmem>>)
      %scan3A_265 = arith.constant 0 : i32
      %scan3A_266 = arith.constant 48 : i32
      %scan3A_267 = arith.addi %scan3A_265, %scan3A_266 : i32
      %scan3A_268 = arith.constant 1 : i32
      %scan3A_269 = scf.for %scan3A_285 = %scan3A_265 to %scan3A_267 step %scan3A_268 iter_args(%scan3A_286 = %scan3A_218) -> (vector<16xf32>)  : i32 {
        %mul3A_287 = arith.constant 1 : i32
        %mul3A_288 = arith.muli %scan3A_285, %mul3A_287 : i32
        %add3A_289 = arith.constant 0 : i32
        %add3A_290 = arith.addi %add3A_289, %mul3A_288 : i32
        %mul3A_291 = arith.constant 16 : i32
        %mul3A_292 = arith.muli %add3A_290, %mul3A_291 : i32
        %add3A_293 = arith.constant 0 : i32
        %add3A_294 = arith.addi %add3A_293, %mul3A_292 : i32
        %get3A = arith.index_cast %add3A_294 : i32 to index
        %get3A_295 = tpu.vector_load %arg9[%get3A] {strides = array<i32>} : memref<2304xi32, #tpu.memory_space<vmem>>, vector<16xi32>,
        %shift_right_logical3A = arith.constant 1 : i32
        %shift_right_logical3A_296 = vector.broadcast %shift_right_logical3A : i32 to vector<16xi32>
        %shift_right_logical3A_297 = arith.shrui %get3A_295, %shift_right_logical3A_296 : vector<16xi32>
        %gather3A_298 = tpu.vector_load_idx %arg7[%shift_right_logical3A_297] : memref<100000xf32, #tpu.memory_space<vmem>>[vector<16xi32>], vector<16xf32>,
        %rem3A_299 = arith.constant 2 : i32
        %rem3A_300 = vector.broadcast %rem3A_299 : i32 to vector<16xi32>
        %rem3A_301 = arith.remsi %get3A_295, %rem3A_300 : vector<16xi32>
        %eq3A_302 = arith.constant 0 : i32
        %eq3A_303 = vector.broadcast %eq3A_302 : i32 to vector<16xi32>
        %eq3A_304 = arith.cmpi eq, %rem3A_301, %eq3A_303 : vector<16xi32>
        %sub3A_305 = arith.constant 1.000000e+00 : f32
        %sub3A_306 = vector.broadcast %sub3A_305 : f32 to vector<16xf32>
        %sub3A_307 = arith.subf %sub3A_306, %gather3A_298 : vector<16xf32>
        %select_n3A_308 = arith.select %eq3A_304, %gather3A_298, %sub3A_307 : vector<16xi1>, vector<16xf32>
        %mul3A_309 = arith.constant 16 : i32
        %mul3A_310 = arith.muli %add3A_290, %mul3A_309 : i32
        %add3A_311 = arith.constant 768 : i32
        %add3A_312 = arith.addi %add3A_311, %mul3A_310 : i32
        %get3A_313 = arith.index_cast %add3A_312 : i32 to index
        %get3A_314 = tpu.vector_load %arg9[%get3A_313] {strides = array<i32>} : memref<2304xi32, #tpu.memory_space<vmem>>, vector<16xi32>,
        %shift_right_logical3A_315 = arith.constant 1 : i32
        %shift_right_logical3A_316 = vector.broadcast %shift_right_logical3A_315 : i32 to vector<16xi32>
        %shift_right_logical3A_317 = arith.shrui %get3A_314, %shift_right_logical3A_316 : vector<16xi32>
        %gather3A_318 = tpu.vector_load_idx %arg7[%shift_right_logical3A_317] : memref<100000xf32, #tpu.memory_space<vmem>>[vector<16xi32>], vector<16xf32>,
        %rem3A_319 = arith.constant 2 : i32
        %rem3A_320 = vector.broadcast %rem3A_319 : i32 to vector<16xi32>
        %rem3A_321 = arith.remsi %get3A_314, %rem3A_320 : vector<16xi32>
        %eq3A_322 = arith.constant 0 : i32
        %eq3A_323 = vector.broadcast %eq3A_322 : i32 to vector<16xi32>
        %eq3A_324 = arith.cmpi eq, %rem3A_321, %eq3A_323 : vector<16xi32>
        %sub3A_325 = arith.constant 1.000000e+00 : f32
        %sub3A_326 = vector.broadcast %sub3A_325 : f32 to vector<16xf32>
        %sub3A_327 = arith.subf %sub3A_326, %gather3A_318 : vector<16xf32>
        %select_n3A_328 = arith.select %eq3A_324, %gather3A_318, %sub3A_327 : vector<16xi1>, vector<16xf32>
        %mul3A_329 = arith.constant 16 : i32
        %mul3A_330 = arith.muli %add3A_290, %mul3A_329 : i32
        %add3A_331 = arith.constant 1536 : i32
        %add3A_332 = arith.addi %add3A_331, %mul3A_330 : i32
        %get3A_333 = arith.index_cast %add3A_332 : i32 to index
        %get3A_334 = tpu.vector_load %arg9[%get3A_333] {strides = array<i32>} : memref<2304xi32, #tpu.memory_space<vmem>>, vector<16xi32>,
        %shift_right_logical3A_335 = arith.constant 1 : i32
        %shift_right_logical3A_336 = vector.broadcast %shift_right_logical3A_335 : i32 to vector<16xi32>
        %shift_right_logical3A_337 = arith.shrui %get3A_334, %shift_right_logical3A_336 : vector<16xi32>
        %gather3A_338 = tpu.vector_load_idx %arg7[%shift_right_logical3A_337] : memref<100000xf32, #tpu.memory_space<vmem>>[vector<16xi32>], vector<16xf32>,
        %rem3A_339 = arith.constant 2 : i32
        %rem3A_340 = vector.broadcast %rem3A_339 : i32 to vector<16xi32>
        %rem3A_341 = arith.remsi %get3A_334, %rem3A_340 : vector<16xi32>
        %eq3A_342 = arith.constant 0 : i32
        %eq3A_343 = vector.broadcast %eq3A_342 : i32 to vector<16xi32>
        %eq3A_344 = arith.cmpi eq, %rem3A_341, %eq3A_343 : vector<16xi32>
        %sub3A_345 = arith.constant 1.000000e+00 : f32
        %sub3A_346 = vector.broadcast %sub3A_345 : f32 to vector<16xf32>
        %sub3A_347 = arith.subf %sub3A_346, %gather3A_338 : vector<16xf32>
        %select_n3A_348 = arith.select %eq3A_344, %gather3A_338, %sub3A_347 : vector<16xi1>, vector<16xf32>
        %max3A = arith.maximumf %select_n3A_308, %select_n3A_328 : vector<16xf32>
        %max3A_349 = arith.maximumf %max3A, %select_n3A_348 : vector<16xf32>
        %mul3A_350 = arith.mulf %scan3A_286, %max3A_349 : vector<16xf32>
        scf.yield %mul3A_350 : vector<16xf32>
      }
      %scan3A_270 = arith.constant 48 : i32
      %add3A_271 = arith.constant 2 : i32
      %add3A_272 = arith.addi %add3A_234, %add3A_271 : i32
      %lt3A_273 = arith.constant 260 : i32
      %lt3A_274 = arith.cmpi slt, %add3A_272, %lt3A_273 : i32
      %convert_element_type3A_275 = arith.extui %lt3A_274 : i1 to i32
      %cond3A_276 = arith.constant 0 : i32
      %cond3A_277 = arith.cmpi ne, %convert_element_type3A_275, %cond3A_276 : i32
      scf.if %cond3A_277 {
        %add3A_285 = arith.constant 2 : i32
        %add3A_286 = arith.addi %add3A_234, %add3A_285 : i32
        %mul3A_287 = arith.constant 768 : i32
        %mul3A_288 = arith.muli %add3A_286, %mul3A_287 : i32
        %add3A_289 = arith.addi %mul3A_22, %mul3A_288 : i32
        %add3A_290 = arith.constant 0 : i32
        %add3A_291 = arith.addi %add3A_290, %add3A_289 : i32
        %multiple_of3A_292 = tpu.assume_multiple %add3A_291, 8 : i32
        %add3A_293 = arith.constant 1600000 : i32
        %add3A_294 = arith.addi %add3A_293, %add3A_289 : i32
        %multiple_of3A_295 = tpu.assume_multiple %add3A_294, 8 : i32
        %add3A_296 = arith.constant 3200000 : i32
        %add3A_297 = arith.addi %add3A_296, %add3A_289 : i32
        %multiple_of3A_298 = tpu.assume_multiple %add3A_297, 8 : i32
        %dma_start3A_299 = arith.constant 0 : i32
        %dma_start3A_300 = tpu.memref_slice %arg9[%dma_start3A_299] : memref<2304xi32, #tpu.memory_space<vmem>> -> memref<768xi32, #tpu.memory_space<vmem>>
        %dma_start3A_301 = tpu.memref_slice %arg2[%multiple_of3A_292] : memref<4800000xi32, #tpu.memory_space<hbm>> -> memref<768xi32, #tpu.memory_space<hbm>>
        %dma_start3A_302 = arith.constant 0 : i32
        %dma_start3A_303 = tpu.memref_slice %arg9[%dma_start3A_302] : memref<2304xi32, #tpu.memory_space<vmem>> -> memref<768xi32, #tpu.memory_space<vmem>>
        %dma_start3A_304 = tpu.memref_slice %arg2[%multiple_of3A_292] : memref<4800000xi32, #tpu.memory_space<hbm>> -> memref<768xi32, #tpu.memory_space<hbm>>
        tpu.enqueue_dma source(%dma_start3A_304 : memref<768xi32, #tpu.memory_space<hbm>>) target(%dma_start3A_303 : memref<768xi32, #tpu.memory_space<vmem>>) target_semaphore(%arg19 : memref<!tpu.dma_semaphore, #tpu.memory_space<semaphore_mem>>)
        %dma_start3A_305 = arith.constant 768 : i32
        %dma_start3A_306 = tpu.memref_slice %arg9[%dma_start3A_305] : memref<2304xi32, #tpu.memory_space<vmem>> -> memref<768xi32, #tpu.memory_space<vmem>>
        %dma_start3A_307 = tpu.memref_slice %arg2[%multiple_of3A_295] : memref<4800000xi32, #tpu.memory_space<hbm>> -> memref<768xi32, #tpu.memory_space<hbm>>
        %dma_start3A_308 = arith.constant 768 : i32
        %dma_start3A_309 = tpu.memref_slice %arg9[%dma_start3A_308] : memref<2304xi32, #tpu.memory_space<vmem>> -> memref<768xi32, #tpu.memory_space<vmem>>
        %dma_start3A_310 = tpu.memref_slice %arg2[%multiple_of3A_295] : memref<4800000xi32, #tpu.memory_space<hbm>> -> memref<768xi32, #tpu.memory_space<hbm>>
        tpu.enqueue_dma source(%dma_start3A_310 : memref<768xi32, #tpu.memory_space<hbm>>) target(%dma_start3A_309 : memref<768xi32, #tpu.memory_space<vmem>>) target_semaphore(%arg19 : memref<!tpu.dma_semaphore, #tpu.memory_space<semaphore_mem>>)
        %dma_start3A_311 = arith.constant 1536 : i32
        %dma_start3A_312 = tpu.memref_slice %arg9[%dma_start3A_311] : memref<2304xi32, #tpu.memory_space<vmem>> -> memref<768xi32, #tpu.memory_space<vmem>>
        %dma_start3A_313 = tpu.memref_slice %arg2[%multiple_of3A_298] : memref<4800000xi32, #tpu.memory_space<hbm>> -> memref<768xi32, #tpu.memory_space<hbm>>
        %dma_start3A_314 = arith.constant 1536 : i32
        %dma_start3A_315 = tpu.memref_slice %arg9[%dma_start3A_314] : memref<2304xi32, #tpu.memory_space<vmem>> -> memref<768xi32, #tpu.memory_space<vmem>>
        %dma_start3A_316 = tpu.memref_slice %arg2[%multiple_of3A_298] : memref<4800000xi32, #tpu.memory_space<hbm>> -> memref<768xi32, #tpu.memory_space<hbm>>
        tpu.enqueue_dma source(%dma_start3A_316 : memref<768xi32, #tpu.memory_space<hbm>>) target(%dma_start3A_315 : memref<768xi32, #tpu.memory_space<vmem>>) target_semaphore(%arg19 : memref<!tpu.dma_semaphore, #tpu.memory_space<semaphore_mem>>)
      } else {
      }
      %add3A_278 = arith.constant 2 : i32
      %add3A_279 = arith.addi %add3A_234, %add3A_278 : i32
      %eq3A_280 = arith.constant 260 : i32
      %eq3A_281 = arith.cmpi eq, %add3A_279, %eq3A_280 : i32
      %convert_element_type3A_282 = arith.extui %eq3A_281 : i1 to i32
      %cond3A_283 = arith.constant 0 : i32
      %cond3A_284 = arith.cmpi ne, %convert_element_type3A_282, %cond3A_283 : i32
      scf.if %cond3A_284 {
        %add3A_285 = arith.constant 199680 : i32
        %add3A_286 = arith.addi %mul3A_22, %add3A_285 : i32
        %add3A_287 = arith.constant 0 : i32
        %add3A_288 = arith.addi %add3A_287, %add3A_286 : i32
        %multiple_of3A_289 = tpu.assume_multiple %add3A_288, 8 : i32
        %add3A_290 = arith.constant 1600000 : i32
        %add3A_291 = arith.addi %add3A_290, %add3A_286 : i32
        %multiple_of3A_292 = tpu.assume_multiple %add3A_291, 8 : i32
        %add3A_293 = arith.constant 3200000 : i32
        %add3A_294 = arith.addi %add3A_293, %add3A_286 : i32
        %multiple_of3A_295 = tpu.assume_multiple %add3A_294, 8 : i32
        %dma_start3A_296 = arith.constant 0 : i32
        %dma_start3A_297 = tpu.memref_slice %arg9[%dma_start3A_296] : memref<2304xi32, #tpu.memory_space<vmem>> -> memref<320xi32, #tpu.memory_space<vmem>>
        %dma_start3A_298 = tpu.memref_slice %arg2[%multiple_of3A_289] : memref<4800000xi32, #tpu.memory_space<hbm>> -> memref<320xi32, #tpu.memory_space<hbm>>
        %dma_start3A_299 = arith.constant 0 : i32
        %dma_start3A_300 = tpu.memref_slice %arg9[%dma_start3A_299] : memref<2304xi32, #tpu.memory_space<vmem>> -> memref<320xi32, #tpu.memory_space<vmem>>
        %dma_start3A_301 = tpu.memref_slice %arg2[%multiple_of3A_289] : memref<4800000xi32, #tpu.memory_space<hbm>> -> memref<320xi32, #tpu.memory_space<hbm>>
        tpu.enqueue_dma source(%dma_start3A_301 : memref<320xi32, #tpu.memory_space<hbm>>) target(%dma_start3A_300 : memref<320xi32, #tpu.memory_space<vmem>>) target_semaphore(%arg19 : memref<!tpu.dma_semaphore, #tpu.memory_space<semaphore_mem>>)
        %dma_start3A_302 = arith.constant 320 : i32
        %dma_start3A_303 = tpu.memref_slice %arg9[%dma_start3A_302] : memref<2304xi32, #tpu.memory_space<vmem>> -> memref<320xi32, #tpu.memory_space<vmem>>
        %dma_start3A_304 = tpu.memref_slice %arg2[%multiple_of3A_292] : memref<4800000xi32, #tpu.memory_space<hbm>> -> memref<320xi32, #tpu.memory_space<hbm>>
        %dma_start3A_305 = arith.constant 320 : i32
        %dma_start3A_306 = tpu.memref_slice %arg9[%dma_start3A_305] : memref<2304xi32, #tpu.memory_space<vmem>> -> memref<320xi32, #tpu.memory_space<vmem>>
        %dma_start3A_307 = tpu.memref_slice %arg2[%multiple_of3A_292] : memref<4800000xi32, #tpu.memory_space<hbm>> -> memref<320xi32, #tpu.memory_space<hbm>>
        tpu.enqueue_dma source(%dma_start3A_307 : memref<320xi32, #tpu.memory_space<hbm>>) target(%dma_start3A_306 : memref<320xi32, #tpu.memory_space<vmem>>) target_semaphore(%arg19 : memref<!tpu.dma_semaphore, #tpu.memory_space<semaphore_mem>>)
        %dma_start3A_308 = arith.constant 640 : i32
        %dma_start3A_309 = tpu.memref_slice %arg9[%dma_start3A_308] : memref<2304xi32, #tpu.memory_space<vmem>> -> memref<320xi32, #tpu.memory_space<vmem>>
        %dma_start3A_310 = tpu.memref_slice %arg2[%multiple_of3A_295] : memref<4800000xi32, #tpu.memory_space<hbm>> -> memref<320xi32, #tpu.memory_space<hbm>>
        %dma_start3A_311 = arith.constant 640 : i32
        %dma_start3A_312 = tpu.memref_slice %arg9[%dma_start3A_311] : memref<2304xi32, #tpu.memory_space<vmem>> -> memref<320xi32, #tpu.memory_space<vmem>>
        %dma_start3A_313 = tpu.memref_slice %arg2[%multiple_of3A_295] : memref<4800000xi32, #tpu.memory_space<hbm>> -> memref<320xi32, #tpu.memory_space<hbm>>
        tpu.enqueue_dma source(%dma_start3A_313 : memref<320xi32, #tpu.memory_space<hbm>>) target(%dma_start3A_312 : memref<320xi32, #tpu.memory_space<vmem>>) target_semaphore(%arg19 : memref<!tpu.dma_semaphore, #tpu.memory_space<semaphore_mem>>)
      } else {
      }
      scf.yield %scan3A_269 : vector<16xf32>
    }
    %scan3A_98 = arith.constant 130 : i32
    %add3A_99 = arith.constant 199680 : i32
    %add3A_100 = arith.addi %mul3A_22, %add3A_99 : i32
    %add3A_101 = arith.constant 0 : i32
    %add3A_102 = arith.addi %add3A_101, %add3A_100 : i32
    %multiple_of3A_103 = tpu.assume_multiple %add3A_102, 8 : i32
    %add3A_104 = arith.constant 1600000 : i32
    %add3A_105 = arith.addi %add3A_104, %add3A_100 : i32
    %multiple_of3A_106 = tpu.assume_multiple %add3A_105, 8 : i32
    %add3A_107 = arith.constant 3200000 : i32
    %add3A_108 = arith.addi %add3A_107, %add3A_100 : i32
    %multiple_of3A_109 = tpu.assume_multiple %add3A_108, 8 : i32
    %dma_wait3A = arith.constant 0 : i32
    %dma_wait3A_110 = tpu.memref_slice %arg8[%dma_wait3A] : memref<2304xi32, #tpu.memory_space<vmem>> -> memref<320xi32, #tpu.memory_space<vmem>>
    %dma_wait3A_111 = tpu.memref_slice %arg2[%multiple_of3A_103] : memref<4800000xi32, #tpu.memory_space<hbm>> -> memref<320xi32, #tpu.memory_space<hbm>>
    %dma_wait3A_112 = arith.constant 0 : i32
    %dma_wait3A_113 = tpu.memref_slice %arg8[%dma_wait3A_112] : memref<2304xi32, #tpu.memory_space<vmem>> -> memref<320xi32, #tpu.memory_space<vmem>>
    %dma_wait3A_114 = tpu.memref_slice %arg2[%multiple_of3A_103] : memref<4800000xi32, #tpu.memory_space<hbm>> -> memref<320xi32, #tpu.memory_space<hbm>>
    tpu.wait_dma2 semaphore(%arg18 : memref<!tpu.dma_semaphore, #tpu.memory_space<semaphore_mem>>) src(%dma_wait3A_114 : memref<320xi32, #tpu.memory_space<hbm>>) dst(%dma_wait3A_113 : memref<320xi32, #tpu.memory_space<vmem>>)
    %dma_wait3A_115 = arith.constant 320 : i32
    %dma_wait3A_116 = tpu.memref_slice %arg8[%dma_wait3A_115] : memref<2304xi32, #tpu.memory_space<vmem>> -> memref<320xi32, #tpu.memory_space<vmem>>
    %dma_wait3A_117 = tpu.memref_slice %arg2[%multiple_of3A_106] : memref<4800000xi32, #tpu.memory_space<hbm>> -> memref<320xi32, #tpu.memory_space<hbm>>
    %dma_wait3A_118 = arith.constant 320 : i32
    %dma_wait3A_119 = tpu.memref_slice %arg8[%dma_wait3A_118] : memref<2304xi32, #tpu.memory_space<vmem>> -> memref<320xi32, #tpu.memory_space<vmem>>
    %dma_wait3A_120 = tpu.memref_slice %arg2[%multiple_of3A_106] : memref<4800000xi32, #tpu.memory_space<hbm>> -> memref<320xi32, #tpu.memory_space<hbm>>
    tpu.wait_dma2 semaphore(%arg18 : memref<!tpu.dma_semaphore, #tpu.memory_space<semaphore_mem>>) src(%dma_wait3A_120 : memref<320xi32, #tpu.memory_space<hbm>>) dst(%dma_wait3A_119 : memref<320xi32, #tpu.memory_space<vmem>>)
    %dma_wait3A_121 = arith.constant 640 : i32
    %dma_wait3A_122 = tpu.memref_slice %arg8[%dma_wait3A_121] : memref<2304xi32, #tpu.memory_space<vmem>> -> memref<320xi32, #tpu.memory_space<vmem>>
    %dma_wait3A_123 = tpu.memref_slice %arg2[%multiple_of3A_109] : memref<4800000xi32, #tpu.memory_space<hbm>> -> memref<320xi32, #tpu.memory_space<hbm>>
    %dma_wait3A_124 = arith.constant 640 : i32
    %dma_wait3A_125 = tpu.memref_slice %arg8[%dma_wait3A_124] : memref<2304xi32, #tpu.memory_space<vmem>> -> memref<320xi32, #tpu.memory_space<vmem>>
    %dma_wait3A_126 = tpu.memref_slice %arg2[%multiple_of3A_109] : memref<4800000xi32, #tpu.memory_space<hbm>> -> memref<320xi32, #tpu.memory_space<hbm>>
    tpu.wait_dma2 semaphore(%arg18 : memref<!tpu.dma_semaphore, #tpu.memory_space<semaphore_mem>>) src(%dma_wait3A_126 : memref<320xi32, #tpu.memory_space<hbm>>) dst(%dma_wait3A_125 : memref<320xi32, #tpu.memory_space<vmem>>)
    %scan3A_127 = arith.constant 0 : i32
    %scan3A_128 = arith.constant 20 : i32
    %scan3A_129 = arith.addi %scan3A_127, %scan3A_128 : i32
    %scan3A_130 = arith.constant 1 : i32
    %scan3A_131 = scf.for %scan3A_178 = %scan3A_127 to %scan3A_129 step %scan3A_130 iter_args(%scan3A_179 = %scan3A_97) -> (vector<16xf32>)  : i32 {
      %mul3A_180 = arith.constant 1 : i32
      %mul3A_181 = arith.muli %scan3A_178, %mul3A_180 : i32
      %add3A_182 = arith.constant 0 : i32
      %add3A_183 = arith.addi %add3A_182, %mul3A_181 : i32
      %mul3A_184 = arith.constant 16 : i32
      %mul3A_185 = arith.muli %add3A_183, %mul3A_184 : i32
      %add3A_186 = arith.constant 0 : i32
      %add3A_187 = arith.addi %add3A_186, %mul3A_185 : i32
      %get3A = arith.index_cast %add3A_187 : i32 to index
      %get3A_188 = tpu.vector_load %arg8[%get3A] {strides = array<i32>} : memref<2304xi32, #tpu.memory_space<vmem>>, vector<16xi32>,
      %shift_right_logical3A = arith.constant 1 : i32
      %shift_right_logical3A_189 = vector.broadcast %shift_right_logical3A : i32 to vector<16xi32>
      %shift_right_logical3A_190 = arith.shrui %get3A_188, %shift_right_logical3A_189 : vector<16xi32>
      %gather3A_191 = tpu.vector_load_idx %arg7[%shift_right_logical3A_190] : memref<100000xf32, #tpu.memory_space<vmem>>[vector<16xi32>], vector<16xf32>,
      %rem3A_192 = arith.constant 2 : i32
      %rem3A_193 = vector.broadcast %rem3A_192 : i32 to vector<16xi32>
      %rem3A_194 = arith.remsi %get3A_188, %rem3A_193 : vector<16xi32>
      %eq3A_195 = arith.constant 0 : i32
      %eq3A_196 = vector.broadcast %eq3A_195 : i32 to vector<16xi32>
      %eq3A_197 = arith.cmpi eq, %rem3A_194, %eq3A_196 : vector<16xi32>
      %sub3A_198 = arith.constant 1.000000e+00 : f32
      %sub3A_199 = vector.broadcast %sub3A_198 : f32 to vector<16xf32>
      %sub3A_200 = arith.subf %sub3A_199, %gather3A_191 : vector<16xf32>
      %select_n3A_201 = arith.select %eq3A_197, %gather3A_191, %sub3A_200 : vector<16xi1>, vector<16xf32>
      %mul3A_202 = arith.constant 16 : i32
      %mul3A_203 = arith.muli %add3A_183, %mul3A_202 : i32
      %add3A_204 = arith.constant 320 : i32
      %add3A_205 = arith.addi %add3A_204, %mul3A_203 : i32
      %get3A_206 = arith.index_cast %add3A_205 : i32 to index
      %get3A_207 = tpu.vector_load %arg8[%get3A_206] {strides = array<i32>} : memref<2304xi32, #tpu.memory_space<vmem>>, vector<16xi32>,
      %shift_right_logical3A_208 = arith.constant 1 : i32
      %shift_right_logical3A_209 = vector.broadcast %shift_right_logical3A_208 : i32 to vector<16xi32>
      %shift_right_logical3A_210 = arith.shrui %get3A_207, %shift_right_logical3A_209 : vector<16xi32>
      %gather3A_211 = tpu.vector_load_idx %arg7[%shift_right_logical3A_210] : memref<100000xf32, #tpu.memory_space<vmem>>[vector<16xi32>], vector<16xf32>,
      %rem3A_212 = arith.constant 2 : i32
      %rem3A_213 = vector.broadcast %rem3A_212 : i32 to vector<16xi32>
      %rem3A_214 = arith.remsi %get3A_207, %rem3A_213 : vector<16xi32>
      %eq3A_215 = arith.constant 0 : i32
      %eq3A_216 = vector.broadcast %eq3A_215 : i32 to vector<16xi32>
      %eq3A_217 = arith.cmpi eq, %rem3A_214, %eq3A_216 : vector<16xi32>
      %sub3A_218 = arith.constant 1.000000e+00 : f32
      %sub3A_219 = vector.broadcast %sub3A_218 : f32 to vector<16xf32>
      %sub3A_220 = arith.subf %sub3A_219, %gather3A_211 : vector<16xf32>
      %select_n3A_221 = arith.select %eq3A_217, %gather3A_211, %sub3A_220 : vector<16xi1>, vector<16xf32>
      %mul3A_222 = arith.constant 16 : i32
      %mul3A_223 = arith.muli %add3A_183, %mul3A_222 : i32
      %add3A_224 = arith.constant 640 : i32
      %add3A_225 = arith.addi %add3A_224, %mul3A_223 : i32
      %get3A_226 = arith.index_cast %add3A_225 : i32 to index
      %get3A_227 = tpu.vector_load %arg8[%get3A_226] {strides = array<i32>} : memref<2304xi32, #tpu.memory_space<vmem>>, vector<16xi32>,
      %shift_right_logical3A_228 = arith.constant 1 : i32
      %shift_right_logical3A_229 = vector.broadcast %shift_right_logical3A_228 : i32 to vector<16xi32>
      %shift_right_logical3A_230 = arith.shrui %get3A_227, %shift_right_logical3A_229 : vector<16xi32>
      %gather3A_231 = tpu.vector_load_idx %arg7[%shift_right_logical3A_230] : memref<100000xf32, #tpu.memory_space<vmem>>[vector<16xi32>], vector<16xf32>,
      %rem3A_232 = arith.constant 2 : i32
      %rem3A_233 = vector.broadcast %rem3A_232 : i32 to vector<16xi32>
      %rem3A_234 = arith.remsi %get3A_227, %rem3A_233 : vector<16xi32>
      %eq3A_235 = arith.constant 0 : i32
      %eq3A_236 = vector.broadcast %eq3A_235 : i32 to vector<16xi32>
      %eq3A_237 = arith.cmpi eq, %rem3A_234, %eq3A_236 : vector<16xi32>
      %sub3A_238 = arith.constant 1.000000e+00 : f32
      %sub3A_239 = vector.broadcast %sub3A_238 : f32 to vector<16xf32>
      %sub3A_240 = arith.subf %sub3A_239, %gather3A_231 : vector<16xf32>
      %select_n3A_241 = arith.select %eq3A_237, %gather3A_231, %sub3A_240 : vector<16xi1>, vector<16xf32>
      %max3A = arith.maximumf %select_n3A_201, %select_n3A_221 : vector<16xf32>
      %max3A_242 = arith.maximumf %max3A, %select_n3A_241 : vector<16xf32>
      %mul3A_243 = arith.mulf %scan3A_179, %max3A_242 : vector<16xf32>
      scf.yield %mul3A_243 : vector<16xf32>
    }
    %scan3A_132 = arith.constant 20 : i32
    "tpu.trace_stop"() : () -> ()
    %swap3A = arith.constant 0 : index
    %swap3A_133 = tpu.vector_load %arg14[%swap3A] {strides = array<i32>} : memref<16xf32, #tpu.memory_space<vmem>>, vector<16xf32>,
    tpu.vector_store %arg14[%swap3A], %scan3A_131 {strides = array<i32>} : memref<16xf32, #tpu.memory_space<vmem>>, vector<16xf32>,
    %add3A_134 = arith.constant 8 : i32
    %add3A_135 = vector.broadcast %add3A_134 : i32 to vector<16xi32>
    %add3A_136 = arith.addi %iota3A, %add3A_135 : vector<16xi32>
    %rem3A_137 = arith.constant 16 : i32
    %rem3A_138 = vector.broadcast %rem3A_137 : i32 to vector<16xi32>
    %rem3A_139 = arith.remsi %add3A_136, %rem3A_138 : vector<16xi32>
    %gather3A = tpu.vector_load_idx %arg14[%rem3A_139] : memref<16xf32, #tpu.memory_space<vmem>>[vector<16xi32>], vector<16xf32>,
    %mul3A_140 = arith.mulf %scan3A_131, %gather3A : vector<16xf32>
    %swap3A_141 = arith.constant 0 : index
    %swap3A_142 = tpu.vector_load %arg14[%swap3A_141] {strides = array<i32>} : memref<16xf32, #tpu.memory_space<vmem>>, vector<16xf32>,
    tpu.vector_store %arg14[%swap3A_141], %mul3A_140 {strides = array<i32>} : memref<16xf32, #tpu.memory_space<vmem>>, vector<16xf32>,
    %add3A_143 = arith.constant 4 : i32
    %add3A_144 = vector.broadcast %add3A_143 : i32 to vector<16xi32>
    %add3A_145 = arith.addi %iota3A, %add3A_144 : vector<16xi32>
    %rem3A_146 = arith.constant 16 : i32
    %rem3A_147 = vector.broadcast %rem3A_146 : i32 to vector<16xi32>
    %rem3A_148 = arith.remsi %add3A_145, %rem3A_147 : vector<16xi32>
    %gather3A_149 = tpu.vector_load_idx %arg14[%rem3A_148] : memref<16xf32, #tpu.memory_space<vmem>>[vector<16xi32>], vector<16xf32>,
    %mul3A_150 = arith.mulf %mul3A_140, %gather3A_149 : vector<16xf32>
    %swap3A_151 = arith.constant 0 : index
    %swap3A_152 = tpu.vector_load %arg14[%swap3A_151] {strides = array<i32>} : memref<16xf32, #tpu.memory_space<vmem>>, vector<16xf32>,
    tpu.vector_store %arg14[%swap3A_151], %mul3A_150 {strides = array<i32>} : memref<16xf32, #tpu.memory_space<vmem>>, vector<16xf32>,
    %add3A_153 = arith.constant 2 : i32
    %add3A_154 = vector.broadcast %add3A_153 : i32 to vector<16xi32>
    %add3A_155 = arith.addi %iota3A, %add3A_154 : vector<16xi32>
    %rem3A_156 = arith.constant 16 : i32
    %rem3A_157 = vector.broadcast %rem3A_156 : i32 to vector<16xi32>
    %rem3A_158 = arith.remsi %add3A_155, %rem3A_157 : vector<16xi32>
    %gather3A_159 = tpu.vector_load_idx %arg14[%rem3A_158] : memref<16xf32, #tpu.memory_space<vmem>>[vector<16xi32>], vector<16xf32>,
    %mul3A_160 = arith.mulf %mul3A_150, %gather3A_159 : vector<16xf32>
    %swap3A_161 = arith.constant 0 : index
    %swap3A_162 = tpu.vector_load %arg14[%swap3A_161] {strides = array<i32>} : memref<16xf32, #tpu.memory_space<vmem>>, vector<16xf32>,
    tpu.vector_store %arg14[%swap3A_161], %mul3A_160 {strides = array<i32>} : memref<16xf32, #tpu.memory_space<vmem>>, vector<16xf32>,
    %add3A_163 = arith.constant 1 : i32
    %add3A_164 = vector.broadcast %add3A_163 : i32 to vector<16xi32>
    %add3A_165 = arith.addi %iota3A, %add3A_164 : vector<16xi32>
    %rem3A_166 = arith.constant 16 : i32
    %rem3A_167 = vector.broadcast %rem3A_166 : i32 to vector<16xi32>
    %rem3A_168 = arith.remsi %add3A_165, %rem3A_167 : vector<16xi32>
    %gather3A_169 = tpu.vector_load_idx %arg14[%rem3A_168] : memref<16xf32, #tpu.memory_space<vmem>>[vector<16xi32>], vector<16xf32>,
    %mul3A_170 = arith.mulf %mul3A_160, %gather3A_169 : vector<16xf32>
    %swap3A_171 = arith.constant 0 : index
    %swap3A_172 = tpu.vector_load %arg14[%swap3A_171] {strides = array<i32>} : memref<16xf32, #tpu.memory_space<vmem>>, vector<16xf32>,
    tpu.vector_store %arg14[%swap3A_171], %mul3A_170 {strides = array<i32>} : memref<16xf32, #tpu.memory_space<vmem>>, vector<16xf32>,
    "tpu.region"() ({
      %run_scoped3A = tpu.sem_alloc : memref<!tpu.dma_semaphore, #tpu.memory_space<semaphore_mem>>
      %dma_start3A_178 = arith.constant 0 : i32
      %dma_start3A_179 = tpu.memref_slice %arg17[%arg1, %dma_start3A_178] : memref<16x16xf32, #tpu.memory_space<vmem_shared>> -> memref<1x16xf32, #tpu.memory_space<vmem_shared>>
      %dma_start3A_180 = tpu.memref_squeeze %dma_start3A_179 : memref<1x16xf32, #tpu.memory_space<vmem_shared>> -> memref<16xf32, #tpu.memory_space<vmem_shared>>
      %dma_start3A_181 = arith.constant 0 : i32
      %dma_start3A_182 = tpu.memref_slice %arg17[%arg1, %dma_start3A_181] : memref<16x16xf32, #tpu.memory_space<vmem_shared>> -> memref<1x16xf32, #tpu.memory_space<vmem_shared>>
      %dma_start3A_183 = tpu.memref_squeeze %dma_start3A_182 : memref<1x16xf32, #tpu.memory_space<vmem_shared>> -> memref<16xf32, #tpu.memory_space<vmem_shared>>
      tpu.enqueue_dma source(%arg14 : memref<16xf32, #tpu.memory_space<vmem>>) target(%dma_start3A_183 : memref<16xf32, #tpu.memory_space<vmem_shared>>) target_semaphore(%run_scoped3A : memref<!tpu.dma_semaphore, #tpu.memory_space<semaphore_mem>>)
      %dma_wait3A_184 = arith.constant 0 : i32
      %dma_wait3A_185 = tpu.memref_slice %arg17[%arg1, %dma_wait3A_184] : memref<16x16xf32, #tpu.memory_space<vmem_shared>> -> memref<1x16xf32, #tpu.memory_space<vmem_shared>>
      %dma_wait3A_186 = tpu.memref_squeeze %dma_wait3A_185 : memref<1x16xf32, #tpu.memory_space<vmem_shared>> -> memref<16xf32, #tpu.memory_space<vmem_shared>>
      %dma_wait3A_187 = arith.constant 0 : i32
      %dma_wait3A_188 = tpu.memref_slice %arg17[%arg1, %dma_wait3A_187] : memref<16x16xf32, #tpu.memory_space<vmem_shared>> -> memref<1x16xf32, #tpu.memory_space<vmem_shared>>
      %dma_wait3A_189 = tpu.memref_squeeze %dma_wait3A_188 : memref<1x16xf32, #tpu.memory_space<vmem_shared>> -> memref<16xf32, #tpu.memory_space<vmem_shared>>
      tpu.wait_dma2 semaphore(%run_scoped3A : memref<!tpu.dma_semaphore, #tpu.memory_space<semaphore_mem>>) src(%arg14 : memref<16xf32, #tpu.memory_space<vmem>>) dst(%dma_wait3A_189 : memref<16xf32, #tpu.memory_space<vmem_shared>>)
      tpu.yield
    }) : () -> ()
    %barrier3A = arith.constant 0 : index
    tpu.barrier barrier_id(%barrier3A)
    %eq3A_173 = arith.constant 0 : i32
    %eq3A_174 = arith.cmpi eq, %rem3A_17, %eq3A_173 : i32
    %convert_element_type3A_175 = arith.extui %eq3A_174 : i1 to i32
    %cond3A_176 = arith.constant 0 : i32
    %cond3A_177 = arith.cmpi ne, %convert_element_type3A_175, %cond3A_176 : i32
    scf.if %cond3A_177 {
      %mul3A_178 = arith.constant 8 : i32
      %mul3A_179 = arith.muli %select_n3A, %mul3A_178 : i32
      "tpu.region"() ({
        %run_scoped3A = tpu.sem_alloc : memref<!tpu.dma_semaphore, #tpu.memory_space<semaphore_mem>>
        %dma_start3A_221 = arith.constant 0 : i32
        %dma_start3A_222 = tpu.memref_slice %arg17[%mul3A_179, %dma_start3A_221] : memref<16x16xf32, #tpu.memory_space<vmem_shared>> -> memref<8x16xf32, #tpu.memory_space<vmem_shared>>
        %dma_start3A_223 = arith.constant 0 : i32
        %dma_start3A_224 = tpu.memref_slice %arg17[%mul3A_179, %dma_start3A_223] : memref<16x16xf32, #tpu.memory_space<vmem_shared>> -> memref<8x16xf32, #tpu.memory_space<vmem_shared>>
        tpu.enqueue_dma source(%dma_start3A_224 : memref<8x16xf32, #tpu.memory_space<vmem_shared>>) target(%arg15 : memref<8x16xf32, #tpu.memory_space<vmem>>) target_semaphore(%run_scoped3A : memref<!tpu.dma_semaphore, #tpu.memory_space<semaphore_mem>>)
        %dma_wait3A_225 = arith.constant 0 : i32
        %dma_wait3A_226 = tpu.memref_slice %arg17[%mul3A_179, %dma_wait3A_225] : memref<16x16xf32, #tpu.memory_space<vmem_shared>> -> memref<8x16xf32, #tpu.memory_space<vmem_shared>>
        %dma_wait3A_227 = arith.constant 0 : i32
        %dma_wait3A_228 = tpu.memref_slice %arg17[%mul3A_179, %dma_wait3A_227] : memref<16x16xf32, #tpu.memory_space<vmem_shared>> -> memref<8x16xf32, #tpu.memory_space<vmem_shared>>
        tpu.wait_dma2 semaphore(%run_scoped3A : memref<!tpu.dma_semaphore, #tpu.memory_space<semaphore_mem>>) src(%dma_wait3A_228 : memref<8x16xf32, #tpu.memory_space<vmem_shared>>) dst(%arg15 : memref<8x16xf32, #tpu.memory_space<vmem>>)
        tpu.yield
      }) : () -> ()
      %get3A = arith.constant 0 : i32
      %get3A_180 = arith.index_cast %get3A : i32 to index
      %get3A_181 = arith.constant 0 : index
      %get3A_182 = tpu.vector_load %arg15[%get3A_180, %get3A_181] {strides = array<i32>} : memref<8x16xf32, #tpu.memory_space<vmem>>, vector<16xf32>,
      %mul3A_183 = arith.mulf %broadcast_in_dim3A_27, %get3A_182 : vector<16xf32>
      %get3A_184 = arith.constant 1 : i32
      %get3A_185 = arith.index_cast %get3A_184 : i32 to index
      %get3A_186 = arith.constant 0 : index
      %get3A_187 = tpu.vector_load %arg15[%get3A_185, %get3A_186] {strides = array<i32>} : memref<8x16xf32, #tpu.memory_space<vmem>>, vector<16xf32>,
      %mul3A_188 = arith.mulf %mul3A_183, %get3A_187 : vector<16xf32>
      %get3A_189 = arith.constant 2 : i32
      %get3A_190 = arith.index_cast %get3A_189 : i32 to index
      %get3A_191 = arith.constant 0 : index
      %get3A_192 = tpu.vector_load %arg15[%get3A_190, %get3A_191] {strides = array<i32>} : memref<8x16xf32, #tpu.memory_space<vmem>>, vector<16xf32>,
      %mul3A_193 = arith.mulf %mul3A_188, %get3A_192 : vector<16xf32>
      %get3A_194 = arith.constant 3 : i32
      %get3A_195 = arith.index_cast %get3A_194 : i32 to index
      %get3A_196 = arith.constant 0 : index
      %get3A_197 = tpu.vector_load %arg15[%get3A_195, %get3A_196] {strides = array<i32>} : memref<8x16xf32, #tpu.memory_space<vmem>>, vector<16xf32>,
      %mul3A_198 = arith.mulf %mul3A_193, %get3A_197 : vector<16xf32>
      %get3A_199 = arith.constant 4 : i32
      %get3A_200 = arith.index_cast %get3A_199 : i32 to index
      %get3A_201 = arith.constant 0 : index
      %get3A_202 = tpu.vector_load %arg15[%get3A_200, %get3A_201] {strides = array<i32>} : memref<8x16xf32, #tpu.memory_space<vmem>>, vector<16xf32>,
      %mul3A_203 = arith.mulf %mul3A_198, %get3A_202 : vector<16xf32>
      %get3A_204 = arith.constant 5 : i32
      %get3A_205 = arith.index_cast %get3A_204 : i32 to index
      %get3A_206 = arith.constant 0 : index
      %get3A_207 = tpu.vector_load %arg15[%get3A_205, %get3A_206] {strides = array<i32>} : memref<8x16xf32, #tpu.memory_space<vmem>>, vector<16xf32>,
      %mul3A_208 = arith.mulf %mul3A_203, %get3A_207 : vector<16xf32>
      %get3A_209 = arith.constant 6 : i32
      %get3A_210 = arith.index_cast %get3A_209 : i32 to index
      %get3A_211 = arith.constant 0 : index
      %get3A_212 = tpu.vector_load %arg15[%get3A_210, %get3A_211] {strides = array<i32>} : memref<8x16xf32, #tpu.memory_space<vmem>>, vector<16xf32>,
      %mul3A_213 = arith.mulf %mul3A_208, %get3A_212 : vector<16xf32>
      %get3A_214 = arith.constant 7 : i32
      %get3A_215 = arith.index_cast %get3A_214 : i32 to index
      %get3A_216 = arith.constant 0 : index
      %get3A_217 = tpu.vector_load %arg15[%get3A_215, %get3A_216] {strides = array<i32>} : memref<8x16xf32, #tpu.memory_space<vmem>>, vector<16xf32>,
      %mul3A_218 = arith.mulf %mul3A_213, %get3A_217 : vector<16xf32>
      %swap3A_219 = arith.constant 0 : index
      %swap3A_220 = tpu.vector_load %arg14[%swap3A_219] {strides = array<i32>} : memref<16xf32, #tpu.memory_space<vmem>>, vector<16xf32>,
      tpu.vector_store %arg14[%swap3A_219], %mul3A_218 {strides = array<i32>} : memref<16xf32, #tpu.memory_space<vmem>>, vector<16xf32>,
      "tpu.region"() ({
        %run_scoped3A = tpu.sem_alloc : memref<!tpu.dma_semaphore, #tpu.memory_space<semaphore_mem>>
        %dma_start3A_221 = arith.constant 0 : i32
        %dma_start3A_222 = tpu.memref_slice %arg6[%add3A, %dma_start3A_221] : memref<4x16xf32, #tpu.memory_space<hbm>> -> memref<1x16xf32, #tpu.memory_space<hbm>>
        %dma_start3A_223 = tpu.memref_squeeze %dma_start3A_222 : memref<1x16xf32, #tpu.memory_space<hbm>> -> memref<16xf32, #tpu.memory_space<hbm>>
        %dma_start3A_224 = arith.constant 0 : i32
        %dma_start3A_225 = tpu.memref_slice %arg6[%add3A, %dma_start3A_224] : memref<4x16xf32, #tpu.memory_space<hbm>> -> memref<1x16xf32, #tpu.memory_space<hbm>>
        %dma_start3A_226 = tpu.memref_squeeze %dma_start3A_225 : memref<1x16xf32, #tpu.memory_space<hbm>> -> memref<16xf32, #tpu.memory_space<hbm>>
        tpu.enqueue_dma source(%arg14 : memref<16xf32, #tpu.memory_space<vmem>>) target(%dma_start3A_226 : memref<16xf32, #tpu.memory_space<hbm>>) target_semaphore(%run_scoped3A : memref<!tpu.dma_semaphore, #tpu.memory_space<semaphore_mem>>)
        %dma_wait3A_227 = arith.constant 0 : i32
        %dma_wait3A_228 = tpu.memref_slice %arg6[%add3A, %dma_wait3A_227] : memref<4x16xf32, #tpu.memory_space<hbm>> -> memref<1x16xf32, #tpu.memory_space<hbm>>
        %dma_wait3A_229 = tpu.memref_squeeze %dma_wait3A_228 : memref<1x16xf32, #tpu.memory_space<hbm>> -> memref<16xf32, #tpu.memory_space<hbm>>
        %dma_wait3A_230 = arith.constant 0 : i32
        %dma_wait3A_231 = tpu.memref_slice %arg6[%add3A, %dma_wait3A_230] : memref<4x16xf32, #tpu.memory_space<hbm>> -> memref<1x16xf32, #tpu.memory_space<hbm>>
        %dma_wait3A_232 = tpu.memref_squeeze %dma_wait3A_231 : memref<1x16xf32, #tpu.memory_space<hbm>> -> memref<16xf32, #tpu.memory_space<hbm>>
        tpu.wait_dma2 semaphore(%run_scoped3A : memref<!tpu.dma_semaphore, #tpu.memory_space<semaphore_mem>>) src(%arg14 : memref<16xf32, #tpu.memory_space<vmem>>) dst(%dma_wait3A_232 : memref<16xf32, #tpu.memory_space<hbm>>)
        tpu.yield
      }) : () -> ()
    } else {
    }
    return
  }
}

</mosaic_0001>

<sc_bundles>
// kernel: kernel.4.cloned.1.call-start
scs
__scs_entry_jumppad:
0x0: {  	(pc) =	sbr.rel $0x88, $3  }
0x1: {  	(tag) =	ssettag $0x0;
	lr =	simm.s32 $0x1  }
0x2: {  	[smem:$0x3F9E] =	sst lr;
	_ =	strace $0xD0000000  }
0x3: {  	_ = 	snop  }
0x4: {  	_ = 	snop  }
0x5: {  	_ = 	snop  }
0x6: {  	_ = 	snop  }
0x7: {  	_ = 	snop  }
__scs_overlays_trampoline_lowered:
0x8: {  	[smem:$0x3FAD] =	sst s0  }
0x9: {  	[smem:$0x3FAE] =	sst s1  }
0xa: {  	[smem:$0x3FAF] =	sst s2  }
0xb: {  	[smem:$0x3FB0] =	sst s3  }
0xc: {  	[smem:$0x3FB1] =	sst s4  }
0xd: {  	[smem:$0x3FB2] =	sst s5  }
0xe: {  	[smem:$0x3FB3] =	sst s6  }
0xf: {  	[smem:$0x3FB4] =	sst s7  }
0x10: {  	[smem:$0x3FB5] =	sst s8  }
0x11: {  	[smem:$0x3FB6] =	sst s9;
	s0 =	simm.s32 @!p0 $0x0  }
0x12: {  	s1 =	sld [smem:$0x3F9C];
	s0 =	simm.s32 @p0 $0x1  }
0x13: {  	[smem:$0x3FB7] =	sst s0;
	s0 =	simm.s32 @!p1 $0x0  }
0x14: {  	s2 =	sld [smem:$0x3F9B];
	s0 =	simm.s32 @p1 $0x1  }
0x15: {  	[smem:$0x3FB8] =	sst s0;
	s0 =	simm.s32 @!p2 $0x0  }
0x16: {  	s3 =	sld [smem:$0x3FDB];
	s0 =	simm.s32 @p2 $0x1  }
0x17: {  	s4 =	simm.s32 $0x1BF5;
	[smem:$0x3FBA] =	sst s0  }
0x18: {  	s0 =	sld [smem:$0x3F9D];
	_ =	swait.ge [sflag:s4], $0x0  }
0x19: {  	s7 =	sld [smem:$0x3F9E]  }
0x1a: {  	s8 =	sadd.s32 $0xFFFFE003, lr  }
0x1b: {  	s9 =	sadd.s32 $0xFFFFFEF7, lr;
	s5 =	simm.s32 $0xFFFFFFFF;
	p2 =	slt.u32 s8, $0xFFFFF086  }
0x1c: {  	p1 =	slt.u32 s9, $0xF7A;
	s5 =	simm.s32 @!p2 $0x0  }
0x1d: {  	s5 =	simm.s32 @p1 $0x1;
	p0 =	seq.s32 s7, s2  }
0x1e: {  	s7 =	smul.u32 @!p0 $0xF7A, s2;
	p2 =	seq.s32 @!p0 s5, $0x0  }
0x1f: {  	s9 =	smul.u32 $0xF7A, s1;
	s8 =	simm.s32 @!p0 $0x1BF5;
	p2 =	por !p2, p0  }
0x20: {  	[sflag:s8] =	ssyncset.s32 @!p0 $0xFFFFF086;
	s6 =	sadd.s32 @!p0 s3, s7;
	s7 =	simm.s32 @!p0 $0x108  }
0x21: {  	s3 =	sadd.s32 s3, s9;
	s6 =	sadd.s32 @!p0 $0x88, s6;
	s7 =	simm.s32 @p2 $0x1082  }
0x22: {  	[simem:s7], [sflag:s8] =	dma.local @!p0 [hbm:s6], $0xF7A  }
0x23: {  	s9 =	sor.u32 $0xD0000000, s2;
	s6 =	simm.s32 $0x108;
	_ =	swait.ge @!p0 [sflag:s8], $0x0  }
0x24: {  	s3 =	sadd.s32 $0x88, s3;
	s6 =	simm.s32 @!p1 $0x1082;
	[sflag:s4] =	ssyncset.s32 $0xFFFFF086  }
0x25: {  	[simem:s6], [sflag:s4] =	dma.local [hbm:s3], $0xF7A  }
0x26: {  	[smem:$0x3F9E] =	sst s1;
	(tag) =	ssettag s2;
	_ =	strace s9  }
0x27: {  	s1 =	sld [smem:$0x3FAE]  }
0x28: {  	s2 =	sld [smem:$0x3FAF]  }
0x29: {  	s4 =	sld [smem:$0x3FB1]  }
0x2a: {  	p0 =	seq.s32 s5, $0x0;
	s5 =	sld [smem:$0x3FB2]  }
0x2b: {  	s6 =	sld [smem:$0x3FB3]  }
0x2c: {  	s7 =	sld [smem:$0x3FB4]  }
0x2d: {  	s3 =	simm.s32 $0x108;
	s8 =	sld [smem:$0x3FB5]  }
0x2e: {  	s3 =	simm.s32 @!p0 $0x1082;
	s9 =	sld [smem:$0x3FB6]  }
0x2f: {  	lr =	sadd.s32 s0, s3;
	s0 =	sld [smem:$0x3FAD]  }
0x30: {  	s3 =	sld [smem:$0x3FB0]  }
0x31: {  	[smem:$0x3FB9] =	sst s10  }
0x32: {  	s10 =	sld [smem:$0x3FB7];
	_ =	sdelay $0x3  }
0x33: {  	p0 =	seq.s32 s10, $0x1;
	s10 =	sld [smem:$0x3FB9];
	_ =	sdelay $0x3  }
0x34: {  	[smem:$0x3FB9] =	sst s10  }
0x35: {  	s10 =	sld [smem:$0x3FB8];
	_ =	sdelay $0x3  }
0x36: {  	p1 =	seq.s32 s10, $0x1;
	s10 =	sld [smem:$0x3FB9];
	_ =	sdelay $0x3  }
0x37: {  	[smem:$0x3FB9] =	sst s10  }
0x38: {  	s10 =	sld [smem:$0x3FBA]  }
0x39: {  	_ = 	snop;
	(pc) =	sbr.ind lr, $3  }
0x3a: {  	_ = 	snop  }
0x3b: {  	_ = 	snop  }
0x3c: {  	p2 =	seq.s32 s10, $0x1;
	s10 =	sld [smem:$0x3FB9]  }
0x3d: {  	_ =	shalt  }
0x3e: {  	_ =	shalt  }
0x3f: {  	_ =	shalt  }
0x40: {  	_ =	shalt  }
0x41: {  	_ =	shalt  }
0x42: {  	_ =	shalt  }
0x43: {  	_ =	shalt  }
0x44: {  	_ =	shalt  }
0x45: {  	_ =	shalt  }
0x46: {  	_ =	shalt  }
0x47: {  	_ =	shalt  }
0x48: {  	_ =	shalt  }
0x49: {  	_ =	shalt  }
0x4a: {  	_ =	shalt  }
0x4b: {  	_ =	shalt  }
0x4c: {  	_ =	shalt  }
0x4d: {  	_ =	shalt  }
0x4e: {  	_ =	shalt  }
0x4f: {  	_ =	shalt  }
0x50: {  	_ =	shalt  }
0x51: {  	_ =	shalt  }
0x52: {  	_ =	shalt  }
0x53: {  	_ =	shalt  }
0x54: {  	_ =	shalt  }
0x55: {  	_ =	shalt  }
0x56: {  	_ =	shalt  }
0x57: {  	_ =	shalt  }
0x58: {  	_ =	shalt  }
0x59: {  	_ =	shalt  }
0x5a: {  	_ =	shalt  }
0x5b: {  	_ =	shalt  }
0x5c: {  	_ =	shalt  }
0x5d: {  	_ =	shalt  }
0x5e: {  	_ =	shalt  }
0x5f: {  	_ =	shalt  }
0x60: {  	_ =	shalt  }
0x61: {  	_ =	shalt  }
0x62: {  	_ =	shalt  }
0x63: {  	_ =	shalt  }
0x64: {  	_ =	shalt  }
0x65: {  	_ =	shalt  }
0x66: {  	_ =	shalt  }
0x67: {  	_ =	shalt  }
0x68: {  	_ =	shalt  }
0x69: {  	_ =	shalt  }
0x6a: {  	_ =	shalt  }
0x6b: {  	_ =	shalt  }
0x6c: {  	_ =	shalt  }
0x6d: {  	_ =	shalt  }
0x6e: {  	_ =	shalt  }
0x6f: {  	_ =	shalt  }
0x70: {  	_ =	shalt  }
0x71: {  	_ =	shalt  }
0x72: {  	_ =	shalt  }
0x73: {  	_ =	shalt  }
0x74: {  	_ =	shalt  }
0x75: {  	_ =	shalt  }
0x76: {  	_ =	shalt  }
0x77: {  	_ =	shalt  }
0x78: {  	_ =	shalt  }
0x79: {  	_ =	shalt  }
0x7a: {  	_ =	shalt  }
0x7b: {  	_ =	shalt  }
0x7c: {  	_ =	shalt  }
0x7d: {  	_ =	shalt  }
0x7e: {  	_ =	shalt  }
0x7f: {  	_ =	shalt  }
0x80: {  	_ =	shalt  }
0x81: {  	_ =	shalt  }
0x82: {  	_ =	shalt  }
0x83: {  	_ =	shalt  }
0x84: {  	_ =	shalt  }
0x85: {  	_ =	shalt  }
0x86: {  	_ =	shalt  }
0x87: {  	_ =	shalt  }
.Lfunc_end0:
.L_simem_size_0:
called_computation_lowered:
.L_overlay_start_0:
0x88: {  	s2 =	sld [smem:$0x3FD9]  }
0x89: {  	s3 =	sld [smem:$0x3FFE];
	_ =	sdelay $0x1  }
0x8a: {  	s1 =	srdreg.scid  }
0x8b: {  	s0 =	sand.u32 $0x1, s1  }
0x8c: {  	s17 =	sshll.u32 s0, $0xA;
	s2 =	sadd.s32 s3, s2  }
0x8d: {  	s2 =	sadd.s32 s2, s17  }
0x8e: {  	[smem:$0x3FC5] =	sst s2  }
0x8f: {  	_ = 	snop  }
0x90: {  	s2 =	sld [smem:$0x3FC7];
	(tm) =	ssettm $0x1  }
0x91: {  	s18 =	sld [smem:$0x3FFB];
	_ =	sdelay $0x3  }
0x92: {  	_ =	strace s18  }
0x93: {  	s3 =	sld [smem:$0x3FFC];
	_ =	sdelay $0x3  }
0x94: {  	_ =	strace s3  }
0x95: {  	s3 =	sld [smem:$0x3FFD];
	_ =	sdelay $0x3  }
0x96: {  	_ =	strace s3  }
0x97: {  	_ =	strace $0x8FFFFFFF  }
0x98: {  	s19 =	sld [smem:$0x3FDB];
	_ =	sdelay $0x1  }
0x99: {  	s4 =	simm.s32 $_scs_section_size  }
0x9a: {  	s5 =	simm.s32 $_size__tile_overlayer_lowered;
	s6 =	simm.s32 $_tile_overlayer_lowered  }
0x9b: {  	s22 =	simm.s32 $0x1BFF;
	s21 =	sshll.u32 s6, $0x1;
	s3 =	sadd.s32 s4, s19  }
0x9c: {  	s7 =	simm.s32 $0x0;
	s20 =	sshll.u32 s5, $0x1;
	s5 =	sadd.s32 s21, s3  }
0x9d: {  	[timem:s7], [sflag:s22] =	dma.local [hbm:s5], s20  }
0x9e: {  	_ =	swait.ge [sflag:s22], s20  }
0x9f: {  	s4 =	ssub.s32 $0x0, s20;
	[sflag:s22] =	ssyncset.done $0x0  }
0xa0: {  	[sflag:s22] =	ssyncadd.s32 s4;
	_ =	sdelay $0x1  }
0xa1: {  	s23 =	simm.s32 $0x1B8B  }
0xa2: {  	_ =	swait.ge [sflag:s23], $0x1  }
0xa3: {  	[sflag:s23] =	ssyncset.done $0x0  }
0xa4: {  	s25 =	simm.s32 $0x1B8E;
	s24 =	sld [smem:$0x3FFE];
	[sflag:s23] =	ssyncadd.s32 $0xFFFFFFFF  }
0xa5: {  	s26 =	simm.s32 $execute0_lowered;
	[smem:$0x3FD2] =	sst s25  }
0xa6: {  	s5 =	sshll.u32 s26, $0x1;
	_ =	strace $0x80000046;
	[dreg:$0x1] =	wrdreg $0xFFFFFFFF  }
0xa7: {  	s28 =	simm.s32 $_size_execute0_lowered;
	s3 =	sadd.s32 s3, s5;
	[dreg:$0x0] =	wrdreg $0x0  }
0xa8: {  	s5 =	sshll.u32 s28, $0x1;
	[dreg:$0x2] =	wrdreg s3  }
0xa9: {  	[dreg:$0x3] =	wrdreg s5  }
0xaa: {  	[dreg:$0x4] =	wrdreg $0xC0  }
0xab: {  	_ =	task [dreg:s7], $0x5FFFF  }
0xac: {  	[dreg:$0x1] =	wrdreg $0xFFFFFFFF  }
0xad: {  	[dreg:$0x0] =	wrdreg $0x60  }
0xae: {  	[dreg:$0x2] =	wrdreg s24  }
0xaf: {  	[dreg:$0x3] =	wrdreg s2  }
0xb0: {  	[dreg:$0x4] =	wrdreg $0x9  }
0xb1: {  	_ =	task.clear_ibuf [dreg:s7], $0x5FFFF;
	_ =	strace $0x90000046  }
0xb2: {  	s29 =	simm.s32 $0x9;
	_ =	strace $0x80000048  }
0xb3: {  	_ =	swait.ge [sflag:s29], $0x1  }
0xb4: {  	[sflag:s29] =	ssyncadd.s32 $0xFFFFFFFF  }
0xb5: {  	_ =	strace $0x90000048  }
0xb6: {  	_ =	sfence  }
0xb7: {  	s30 =	sld [smem:$0x0];
	_ =	sdelay $0x2  }
0xb8: {  	s31 =	sshll.u32 s1, $0xD;
	s1 =	sshrl.u32 s1, $0x2  }
0xb9: {  	s3 =	sand.u32 $0x4000, s31;
	s1 =	sadd.s32 s1, s30  }
0xba: {  	s0 =	sor.u32 s3, s0;
	s1 =	sshll.u32 s1, $0x11  }
0xbb: {  	s0 =	sor.u32 s1, s0  }
0xbc: {  	s0 =	sadd.s32 $0x8F2B, s0  }
0xbd: {  	[sflag:s0] =	ssyncadd.remote.s32 $0x1  }
0xbe: {  	_ =	sfence.sel $0xFFFF  }
0xbf: {  	[dreg:$0x0] =	wrdreg $0xFFFFFFFF;
	(pc) =	sbr.abs _section_cstart, $3  }
0xc0: {  	[dreg:$0x1] =	wrdreg $0xFFFFFFFF  }
0xc1: {  	_ =	task.clear_ibuf [dreg:s7], $0x2FFFF;
	_ =	strace $0x9FFFFFFF  }
0xc2: {  	(tm) =	ssettm $0x7FFFFFFF  }
0xc3: {  	_ =	shalt  }
tec
execute0_lowered:
.L_overlay_start_1:
0x0: {  	(tag) =	ssettag $0x1  }
0x1: {  	s5 =	rddreg [dreg:$0x0]  }
0x2: {  	s1 =	rddreg [dreg:$0x1]  }
0x3: {  	s0 =	rddreg [dreg:$0x2];
	s3 =	simm.s32 $0x0;
	s4 =	srdreg.scid  }
0x4: {  	s2 =	stileid.u32;
	s10 =	simm.s32 $0x18ED0;
	s11 =	simm.s32 $0x196A0  }
0x5: {  	s12 =	simm.s32 $0x19E80;
	s13 =	simm.s32 $0x1A650;
	s14 =	simm.s32 $0x1AE20  }
0x6: {  	s15 =	simm.s32 $0x0;
	[smem:$0x7FF] =	sst s3;
	s6 =	sand.u32 $0x1, s4  }
0x7: {  	s8 =	sshll.u32 s2, $0x1;
	s4 =	sadd.s32 $0x600, s5;
	s7 =	ssub.s32 $0x2, s6  }
0x8: {  	s5 =	sadd.s32 $0x92E00, s5;
	_ =	strace $0x80000047;
	s9 =	sshrl.u32 s7, $0x1  }
0x9: {  	s6 =	sor.u32 s6, s8;
	s8 =	simm.s32 $0x1;
	s7 =	ssub.s32 s7, s9  }
0xa: {  	v0 =	vimm.f32 $-1.000000010e-01;
	s6 =	smul.u32 $0xC350, s6;
	s9 =	simm.s32 $0x18700;
	s7 =	smax.u32 s7, $0x1  }
.LBB2_1:
0xb: {  	[tilespmem:s3], [sflag:$0x1] =	stream.linear.gather [hbm4b:s1+s3], $0x18700, $0x38;
	[tilespmem:$0x1B600] =	vst v63  }
0xc: {  	_ =	swait.ge [sflag:s8], $0x18700  }
0xd: {  	[sflag:s8] =	ssyncset.done $0x0  }
0xe: {  	s16 =	simm.s32 $0x0;
	[sflag:s8] =	ssyncadd.s32 $0xFFFE7900  }
.LBB2_2:
0xf: {  	s17 =	smul.u32 $0x7D0, s16;
	_ =	sdelay $0x1  }
0x10: {  	s17 =	sadd.s32 s6, s17  }
0x11: {  	s17 =	sshrl.u32 s17, $0x3  }
0x12: {  	s20 =	simm.s32 $0x0;
	s18 =	sadd.s32 s4, s17  }
0x13: {  	[tilespmem:s9], [sflag:$0x1] =	stream.linear.gather [hbm4b:s18+s20], $0x7D0, $0x38;
	[tilespmem:$0x1B600] =	vst v63  }
0x14: {  	_ =	swait.ge [sflag:s8], $0x7D0  }
0x15: {  	s18 =	sadd.s32 $0x30D40, s17;
	[sflag:s8] =	ssyncset.done $0x0  }
0x16: {  	s19 =	sadd.s32 s4, s18;
	[sflag:s8] =	ssyncadd.s32 $0xFFFFF830  }
0x17: {  	[tilespmem:s10], [sflag:$0x1] =	stream.linear.gather [hbm4b:s19+s20], $0x7D0, $0x38;
	[tilespmem:$0x1B600] =	vst v63  }
0x18: {  	_ =	swait.ge [sflag:s8], $0x7D0  }
0x19: {  	s19 =	sadd.s32 $0x61A80, s17;
	[sflag:s8] =	ssyncset.done $0x0  }
0x1a: {  	s21 =	sadd.s32 s4, s19;
	[sflag:s8] =	ssyncadd.s32 $0xFFFFF830  }
0x1b: {  	[tilespmem:s11], [sflag:$0x1] =	stream.linear.gather [hbm4b:s21+s20], $0x7D0, $0x38;
	[tilespmem:$0x1B600] =	vst v63  }
0x1c: {  	_ =	swait.ge [sflag:s8], $0x7D0  }
0x1d: {  	[sflag:s8] =	ssyncset.done $0x0  }
0x1e: {  	s20 =	simm.s32 $0x0;
	[sflag:s8] =	ssyncadd.s32 $0xFFFFF830  }
0x1f: {  	v1 =	vld [tilespmem:s20+$0x18700];
	_ =	sdelay $0x4  }
0x20: {  	v2 =	vshrl.u32 v1, $0x1;
	_ =	sdelay $0x3  }
0x21: {  	v3 =	vld [tilespmem:s20+$0x18ED0]  }
0x22: {  	v2 =	vld.idx.msk [tilespmem:v2+s3+$0x0], $0xffff;
	_ =	sdelay $0x1  }
0x23: {  	v1 =	vand.u32 $0x1, v1  }
0x24: {  	vm0 =	veq.s32 v1, $0x0  }
0x25: {  	v4 =	vshrl.u32 v3, $0x1;
	v1 =	vsel vm0, $0x3DCCCCCD, v0  }
0x26: {  	v1 =	vmul.f32 v1, v2;
	_ =	sdelay $0x1  }
0x27: {  	[tilespmem:s20+$0x19E80] =	vst v1;
	v1 =	vld [tilespmem:s20+$0x196A0];
	_ =	sdelay $0x1  }
0x28: {  	v4 =	vld.idx.msk [tilespmem:v4+s3+$0x0], $0xffff;
	_ =	sdelay $0x1  }
0x29: {  	v2 =	vand.u32 $0x1, v3  }
0x2a: {  	vm15 =	veq.s32 v2, $0x0;
	v2 =	vshrl.u32 v1, $0x1  }
0x2b: {  	v3 =	vsel vm15, $0x3DCCCCCD, v0  }
0x2c: {  	v3 =	vmul.f32 v3, v4  }
0x2d: {  	s22 =	simm.s32 $0x80;
	s21 =	simm.s32 $0x10  }
.LBB2_3:
0x2e: {  	p0 =	sne.s32 s22, $0x1F00;
	v4 =	vld [tilespmem:s21+$0x18700];
	[tilespmem:s20+$0x1A650] =	vst v3  }
0x2f: {  	v2 =	vld.idx.msk [tilespmem:v2+s3+$0x0], $0xffff;
	_ =	sdelay $0x2  }
0x30: {  	v1 =	vand.u32 $0x1, v1  }
0x31: {  	vm0 =	veq.s32 v1, $0x0;
	v3 =	vshrl.u32 v4, $0x1  }
0x32: {  	v1 =	vsel vm0, $0x3DCCCCCD, v0  }
0x33: {  	v1 =	vmul.f32 v1, v2;
	_ =	sdelay $0x1  }
0x34: {  	v2 =	vld [tilespmem:s21+$0x18ED0];
	[tilespmem:s20+$0x1AE20] =	vst v1;
	s20 =	smov.u32 s21  }
0x35: {  	v1 =	vld.idx.msk [tilespmem:v3+s3+$0x0], $0xffff;
	_ =	sdelay $0x2  }
0x36: {  	v3 =	vand.u32 $0x1, v4  }
0x37: {  	vm0 =	veq.s32 v3, $0x0;
	v3 =	vshrl.u32 v2, $0x1  }
0x38: {  	v4 =	vsel vm0, $0x3DCCCCCD, v0  }
0x39: {  	v1 =	vmul.f32 v4, v1;
	_ =	sdelay $0x1  }
0x3a: {  	[tilespmem:s20+$0x19E80] =	vst v1;
	v1 =	vld [tilespmem:s20+$0x196A0]  }
0x3b: {  	v3 =	vld.idx.msk [tilespmem:v3+s3+$0x0], $0xffff;
	_ =	sdelay $0x2  }
.Ltmp0:
0x3c: {  	v2 =	vand.u32 $0x1, v2;
	(pc) =	sbr.rel @p0 .LBB2_3-.Ltmp0, $4  }
0x3d: {  	vm0 =	veq.s32 v2, $0x0;
	v2 =	vshrl.u32 v1, $0x1  }
0x3e: {  	v4 =	vsel vm0, $0x3DCCCCCD, v0  }
0x3f: {  	v3 =	vmul.f32 v4, v3  }
0x40: {  	s21 =	sshra.s32 s22, $0x2;
	s22 =	sadd.s32 $0x40, s22  }
0x41: {  	_ =	sdelay $0x1  }
0x42: {  	v4 =	vld [tilespmem:s21+$0x18700]  }
0x43: {  	[tilespmem:s20+$0x1A650] =	vst v3  }
0x44: {  	v2 =	vld.idx.msk [tilespmem:v2+s3+$0x0], $0xffff;
	_ =	sdelay $0x1  }
0x45: {  	v1 =	vand.u32 $0x1, v1  }
0x46: {  	vm0 =	veq.s32 v1, $0x0;
	v3 =	vshrl.u32 v4, $0x1  }
0x47: {  	v1 =	vsel vm0, $0x3DCCCCCD, v0  }
0x48: {  	v1 =	vmul.f32 v1, v2;
	_ =	sdelay $0x1  }
0x49: {  	v2 =	vld [tilespmem:s21+$0x18ED0];
	[tilespmem:s20+$0x1AE20] =	vst v1  }
0x4a: {  	v1 =	vld.idx.msk [tilespmem:v3+s3+$0x0], $0xffff;
	_ =	sdelay $0x1  }
0x4b: {  	v3 =	vand.u32 $0x1, v4  }
0x4c: {  	vm13 =	veq.s32 v3, $0x0  }
0x4d: {  	v62 =	vshrl.u32 v2, $0x1;
	v3 =	vsel vm13, $0x3DCCCCCD, v0  }
0x4e: {  	v1 =	vmul.f32 v3, v1;
	_ =	sdelay $0x1  }
0x4f: {  	[tilespmem:s21+$0x19E80] =	vst v1;
	v1 =	vld [tilespmem:s21+$0x196A0];
	_ =	sdelay $0x1  }
0x50: {  	v3 =	vld.idx.msk [tilespmem:v62+s3+$0x0], $0xffff;
	_ =	sdelay $0x1  }
0x51: {  	v2 =	vand.u32 $0x1, v2  }
0x52: {  	vm14 =	veq.s32 v2, $0x0;
	v2 =	vshrl.u32 v1, $0x1  }
0x53: {  	v63 =	vsel vm14, $0x3DCCCCCD, v0  }
0x54: {  	v3 =	vmul.f32 v63, v3;
	_ =	sdelay $0x1  }
0x55: {  	[tilespmem:s21+$0x1A650] =	vst v3  }
0x56: {  	v2 =	vld.idx.msk [tilespmem:v2+s3+$0x0], $0xffff;
	_ =	sdelay $0x1  }
0x57: {  	v1 =	vand.u32 $0x1, v1  }
0x58: {  	vm15 =	veq.s32 v1, $0x0  }
0x59: {  	v1 =	vsel vm15, $0x3DCCCCCD, v0  }
0x5a: {  	v1 =	vmul.f32 v1, v2;
	_ =	sdelay $0x1  }
0x5b: {  	s17 =	sadd.s32 s5, s17;
	[tilespmem:s21+$0x1AE20] =	vst v1  }
0x5c: {  	[hbm4b:s17+s3] =	stream.linear.scatter [tilespmem:s12], [sflag:$0x1], $0x7D0, $0x38;
	[tilespmem:$0x1B600] =	vst v63  }
0x5d: {  	_ =	swait.ge [sflag:s8], $0x7D0  }
0x5e: {  	[sflag:s8] =	ssyncset.done $0x0  }
0x5f: {  	s30 =	sadd.s32 s5, s18;
	[sflag:s8] =	ssyncadd.s32 $0xFFFFF830  }
0x60: {  	[hbm4b:s30+s3] =	stream.linear.scatter [tilespmem:s13], [sflag:$0x1], $0x7D0, $0x38;
	[tilespmem:$0x1B600] =	vst v63  }
0x61: {  	s16 =	sadd.s32 $0x1, s16;
	_ =	swait.ge [sflag:s8], $0x7D0  }
0x62: {  	p0 =	sne.s32 s16, $0x19;
	[sflag:s8] =	ssyncset.done $0x0  }
.Ltmp1:
0x63: {  	s31 =	sadd.s32 s5, s19;
	[sflag:s8] =	ssyncadd.s32 $0xFFFFF830;
	(pc) =	sbr.rel @p0 .LBB2_2-.Ltmp1, $4  }
0x64: {  	[hbm4b:s31+s3] =	stream.linear.scatter [tilespmem:s14], [sflag:$0x1], $0x7D0, $0x38;
	[tilespmem:$0x1B600] =	vst v63  }
0x65: {  	_ =	swait.ge [sflag:s8], $0x7D0  }
0x66: {  	[sflag:s8] =	ssyncset.done $0x0  }
0x67: {  	[sflag:s8] =	ssyncadd.s32 $0xFFFFF830  }
0x68: {  	s15 =	sadd.s32 $0x1, s15  }
0x69: {  	p0 =	sne.s32 s15, s7  }
.Ltmp2:
0x6a: {  	_ = 	snop;
	(pc) =	sbr.rel @p0 .LBB2_1-.Ltmp2, $1  }
0x6b: {  	_ =	sdelay $0x3  }
0x6c: {  	_ =	sfence.sel $0x180000  }
0x6d: {  	[bflag:$0x0] =	sbarrier.arrive $0xFFFF  }
0x6e: {  	p0 =	sne.s32 s2, $0x0;
	_ =	strace $0x90000047  }
0x6f: {  	s0 =	sadd.s32 @!p0 $0x100000, s0;
	[bflag:$0x2] =	sbarrier.arrive $0xFFFF  }
0x70: {  	[sflag:s0] =	ssyncadd.tile.s32 @!p0 $0x1;
	_ =	shalt  }
.Lfunc_end2:
_tile_overlayer_lowered:
.L_overlay_start_2:
0x71: {  	(tag) =	ssettag $0x2  }
0x72: {  	s0 =	rddreg [dreg:$0x0];
	s2 =	stileid.u32  }
0x73: {  	s1 =	rddreg [dreg:$0x1];
	p0 =	sne.s32 s2, $0x0  }
0x74: {  	s3 =	rddreg [dreg:$0x2];
	[bflag:$0x3] =	sbarrier.arrive $0xFFFF;
	s2 =	simm.s32 @!p0 $0x1C01  }
0x75: {  	[timem:s3], [sflag:s2] =	dma.local @!p0 [hbm:s0], s1  }
0x76: {  	s0 =	simm.s32 @!p0 $0x1  }
0x77: {  	_ =	swait.ge @!p0 [sflag:s0], s1  }
0x78: {  	s1 =	ssub.s32 @!p0 $0x0, s1;
	[sflag:s0] =	ssyncset.done @!p0 $0x0  }
0x79: {  	[sflag:s0] =	ssyncadd.s32 @!p0 s1  }
0x7a: {  	[bflag:$0x3] =	sbarrier.arrive $0xFFFF  }
0x7b: {  	_ =	shalt  }

// kernel: kernel.7.cloned.1.call-start
scs
__scs_entry_jumppad:
0x0: {  	(pc) =	sbr.rel $0x88, $3  }
0x1: {  	(tag) =	ssettag $0x0;
	lr =	simm.s32 $0x1  }
0x2: {  	[smem:$0x3F9E] =	sst lr;
	_ =	strace $0xD0000000  }
0x3: {  	_ = 	snop  }
0x4: {  	_ = 	snop  }
0x5: {  	_ = 	snop  }
0x6: {  	_ = 	snop  }
0x7: {  	_ = 	snop  }
__scs_overlays_trampoline_lowered:
0x8: {  	[smem:$0x3FAD] =	sst s0  }
0x9: {  	[smem:$0x3FAE] =	sst s1  }
0xa: {  	[smem:$0x3FAF] =	sst s2  }
0xb: {  	[smem:$0x3FB0] =	sst s3  }
0xc: {  	[smem:$0x3FB1] =	sst s4  }
0xd: {  	[smem:$0x3FB2] =	sst s5  }
0xe: {  	[smem:$0x3FB3] =	sst s6  }
0xf: {  	[smem:$0x3FB4] =	sst s7  }
0x10: {  	[smem:$0x3FB5] =	sst s8  }
0x11: {  	[smem:$0x3FB6] =	sst s9;
	s0 =	simm.s32 @!p0 $0x0  }
0x12: {  	s1 =	sld [smem:$0x3F9C];
	s0 =	simm.s32 @p0 $0x1  }
0x13: {  	[smem:$0x3FB7] =	sst s0;
	s0 =	simm.s32 @!p1 $0x0  }
0x14: {  	s2 =	sld [smem:$0x3F9B];
	s0 =	simm.s32 @p1 $0x1  }
0x15: {  	[smem:$0x3FB8] =	sst s0;
	s0 =	simm.s32 @!p2 $0x0  }
0x16: {  	s3 =	sld [smem:$0x3FDB];
	s0 =	simm.s32 @p2 $0x1  }
0x17: {  	s4 =	simm.s32 $0x1BF5;
	[smem:$0x3FBA] =	sst s0  }
0x18: {  	s0 =	sld [smem:$0x3F9D];
	_ =	swait.ge [sflag:s4], $0x0  }
0x19: {  	s7 =	sld [smem:$0x3F9E]  }
0x1a: {  	s8 =	sadd.s32 $0xFFFFE003, lr  }
0x1b: {  	s9 =	sadd.s32 $0xFFFFFEF7, lr;
	s5 =	simm.s32 $0xFFFFFFFF;
	p2 =	slt.u32 s8, $0xFFFFF086  }
0x1c: {  	p1 =	slt.u32 s9, $0xF7A;
	s5 =	simm.s32 @!p2 $0x0  }
0x1d: {  	s5 =	simm.s32 @p1 $0x1;
	p0 =	seq.s32 s7, s2  }
0x1e: {  	s7 =	smul.u32 @!p0 $0xF7A, s2;
	p2 =	seq.s32 @!p0 s5, $0x0  }
0x1f: {  	s9 =	smul.u32 $0xF7A, s1;
	s8 =	simm.s32 @!p0 $0x1BF5;
	p2 =	por !p2, p0  }
0x20: {  	[sflag:s8] =	ssyncset.s32 @!p0 $0xFFFFF086;
	s6 =	sadd.s32 @!p0 s3, s7;
	s7 =	simm.s32 @!p0 $0x108  }
0x21: {  	s3 =	sadd.s32 s3, s9;
	s6 =	sadd.s32 @!p0 $0x88, s6;
	s7 =	simm.s32 @p2 $0x1082  }
0x22: {  	[simem:s7], [sflag:s8] =	dma.local @!p0 [hbm:s6], $0xF7A  }
0x23: {  	s9 =	sor.u32 $0xD0000000, s2;
	s6 =	simm.s32 $0x108;
	_ =	swait.ge @!p0 [sflag:s8], $0x0  }
0x24: {  	s3 =	sadd.s32 $0x88, s3;
	s6 =	simm.s32 @!p1 $0x1082;
	[sflag:s4] =	ssyncset.s32 $0xFFFFF086  }
0x25: {  	[simem:s6], [sflag:s4] =	dma.local [hbm:s3], $0xF7A  }
0x26: {  	[smem:$0x3F9E] =	sst s1;
	(tag) =	ssettag s2;
	_ =	strace s9  }
0x27: {  	s1 =	sld [smem:$0x3FAE]  }
0x28: {  	s2 =	sld [smem:$0x3FAF]  }
0x29: {  	s4 =	sld [smem:$0x3FB1]  }
0x2a: {  	p0 =	seq.s32 s5, $0x0;
	s5 =	sld [smem:$0x3FB2]  }
0x2b: {  	s6 =	sld [smem:$0x3FB3]  }
0x2c: {  	s7 =	sld [smem:$0x3FB4]  }
0x2d: {  	s3 =	simm.s32 $0x108;
	s8 =	sld [smem:$0x3FB5]  }
0x2e: {  	s3 =	simm.s32 @!p0 $0x1082;
	s9 =	sld [smem:$0x3FB6]  }
0x2f: {  	lr =	sadd.s32 s0, s3;
	s0 =	sld [smem:$0x3FAD]  }
0x30: {  	s3 =	sld [smem:$0x3FB0]  }
0x31: {  	[smem:$0x3FB9] =	sst s10  }
0x32: {  	s10 =	sld [smem:$0x3FB7];
	_ =	sdelay $0x3  }
0x33: {  	p0 =	seq.s32 s10, $0x1;
	s10 =	sld [smem:$0x3FB9];
	_ =	sdelay $0x3  }
0x34: {  	[smem:$0x3FB9] =	sst s10  }
0x35: {  	s10 =	sld [smem:$0x3FB8];
	_ =	sdelay $0x3  }
0x36: {  	p1 =	seq.s32 s10, $0x1;
	s10 =	sld [smem:$0x3FB9];
	_ =	sdelay $0x3  }
0x37: {  	[smem:$0x3FB9] =	sst s10  }
0x38: {  	s10 =	sld [smem:$0x3FBA]  }
0x39: {  	_ = 	snop;
	(pc) =	sbr.ind lr, $3  }
0x3a: {  	_ = 	snop  }
0x3b: {  	_ = 	snop  }
0x3c: {  	p2 =	seq.s32 s10, $0x1;
	s10 =	sld [smem:$0x3FB9]  }
0x3d: {  	_ =	shalt  }
0x3e: {  	_ =	shalt  }
0x3f: {  	_ =	shalt  }
0x40: {  	_ =	shalt  }
0x41: {  	_ =	shalt  }
0x42: {  	_ =	shalt  }
0x43: {  	_ =	shalt  }
0x44: {  	_ =	shalt  }
0x45: {  	_ =	shalt  }
0x46: {  	_ =	shalt  }
0x47: {  	_ =	shalt  }
0x48: {  	_ =	shalt  }
0x49: {  	_ =	shalt  }
0x4a: {  	_ =	shalt  }
0x4b: {  	_ =	shalt  }
0x4c: {  	_ =	shalt  }
0x4d: {  	_ =	shalt  }
0x4e: {  	_ =	shalt  }
0x4f: {  	_ =	shalt  }
0x50: {  	_ =	shalt  }
0x51: {  	_ =	shalt  }
0x52: {  	_ =	shalt  }
0x53: {  	_ =	shalt  }
0x54: {  	_ =	shalt  }
0x55: {  	_ =	shalt  }
0x56: {  	_ =	shalt  }
0x57: {  	_ =	shalt  }
0x58: {  	_ =	shalt  }
0x59: {  	_ =	shalt  }
0x5a: {  	_ =	shalt  }
0x5b: {  	_ =	shalt  }
0x5c: {  	_ =	shalt  }
0x5d: {  	_ =	shalt  }
0x5e: {  	_ =	shalt  }
0x5f: {  	_ =	shalt  }
0x60: {  	_ =	shalt  }
0x61: {  	_ =	shalt  }
0x62: {  	_ =	shalt  }
0x63: {  	_ =	shalt  }
0x64: {  	_ =	shalt  }
0x65: {  	_ =	shalt  }
0x66: {  	_ =	shalt  }
0x67: {  	_ =	shalt  }
0x68: {  	_ =	shalt  }
0x69: {  	_ =	shalt  }
0x6a: {  	_ =	shalt  }
0x6b: {  	_ =	shalt  }
0x6c: {  	_ =	shalt  }
0x6d: {  	_ =	shalt  }
0x6e: {  	_ =	shalt  }
0x6f: {  	_ =	shalt  }
0x70: {  	_ =	shalt  }
0x71: {  	_ =	shalt  }
0x72: {  	_ =	shalt  }
0x73: {  	_ =	shalt  }
0x74: {  	_ =	shalt  }
0x75: {  	_ =	shalt  }
0x76: {  	_ =	shalt  }
0x77: {  	_ =	shalt  }
0x78: {  	_ =	shalt  }
0x79: {  	_ =	shalt  }
0x7a: {  	_ =	shalt  }
0x7b: {  	_ =	shalt  }
0x7c: {  	_ =	shalt  }
0x7d: {  	_ =	shalt  }
0x7e: {  	_ =	shalt  }
0x7f: {  	_ =	shalt  }
0x80: {  	_ =	shalt  }
0x81: {  	_ =	shalt  }
0x82: {  	_ =	shalt  }
0x83: {  	_ =	shalt  }
0x84: {  	_ =	shalt  }
0x85: {  	_ =	shalt  }
0x86: {  	_ =	shalt  }
0x87: {  	_ =	shalt  }
.Lfunc_end0:
.L_simem_size_0:
called_computation.1_lowered:
.L_overlay_start_0:
0x88: {  	s2 =	sld [smem:$0x3FD9]  }
0x89: {  	s3 =	sld [smem:$0x3FFE];
	_ =	sdelay $0x1  }
0x8a: {  	s1 =	srdreg.scid  }
0x8b: {  	s0 =	sand.u32 $0x1, s1  }
0x8c: {  	s14 =	sshll.u32 s0, $0xA;
	s2 =	sadd.s32 s3, s2  }
0x8d: {  	s2 =	sadd.s32 s2, s14  }
0x8e: {  	[smem:$0x3FC5] =	sst s2  }
0x8f: {  	_ = 	snop  }
0x90: {  	s2 =	sld [smem:$0x3FD0];
	_ =	sdelay $0x2  }
0x91: {  	s15 =	simm.s32 $0xA;
	s4 =	simm.s32 $0x10  }
0x92: {  	[smem:s4], [sflag:s15] =	dma.local [hbm:s2], $0x1  }
0x93: {  	_ =	swait.eq [sflag:s15], $0x1  }
0x94: {  	[sflag:s15] =	ssyncset.done $0x0  }
0x95: {  	[sflag:s15] =	ssyncadd.s32 $0xFFFFFFFF  }
0x96: {  	s16 =	sld [smem:$0x10];
	(tm) =	ssettm $0x1  }
0x97: {  	s17 =	sld [smem:$0x3FFB];
	_ =	sdelay $0x3  }
0x98: {  	_ =	strace s17  }
0x99: {  	s3 =	sld [smem:$0x3FFC];
	_ =	sdelay $0x3  }
0x9a: {  	_ =	strace s3  }
0x9b: {  	s3 =	sld [smem:$0x3FFD];
	_ =	sdelay $0x3  }
0x9c: {  	_ =	strace s3  }
0x9d: {  	_ =	strace $0x8FFFFFFF  }
0x9e: {  	s18 =	sld [smem:$0x3FDB];
	_ =	sdelay $0x1  }
0x9f: {  	s19 =	simm.s32 $_scs_section_size  }
0xa0: {  	s5 =	simm.s32 $_size__tile_overlayer_lowered;
	s6 =	simm.s32 $_tile_overlayer_lowered  }
0xa1: {  	s22 =	simm.s32 $0x1BFF;
	s21 =	sshll.u32 s6, $0x1;
	s3 =	sadd.s32 s19, s18  }
0xa2: {  	s7 =	simm.s32 $0x0;
	s20 =	sshll.u32 s5, $0x1;
	s5 =	sadd.s32 s21, s3  }
0xa3: {  	[timem:s7], [sflag:s22] =	dma.local [hbm:s5], s20  }
0xa4: {  	_ =	swait.ge [sflag:s22], s20  }
0xa5: {  	s4 =	ssub.s32 $0x0, s20;
	[sflag:s22] =	ssyncset.done $0x0  }
0xa6: {  	[sflag:s22] =	ssyncadd.s32 s4;
	_ =	sdelay $0x1  }
0xa7: {  	s23 =	simm.s32 $0x1B8B  }
0xa8: {  	_ =	swait.ge [sflag:s23], $0x1  }
0xa9: {  	[sflag:s23] =	ssyncset.done $0x0  }
0xaa: {  	s25 =	simm.s32 $0x1B8E;
	s24 =	sld [smem:$0x3FFE];
	[sflag:s23] =	ssyncadd.s32 $0xFFFFFFFF  }
0xab: {  	s26 =	simm.s32 $execute0_lowered;
	[smem:$0x3FD2] =	sst s25  }
0xac: {  	s5 =	sshll.u32 s26, $0x1;
	_ =	strace $0x80000049;
	[dreg:$0x1] =	wrdreg $0xFFFFFFFF  }
0xad: {  	s28 =	simm.s32 $_size_execute0_lowered;
	s3 =	sadd.s32 s3, s5;
	[dreg:$0x0] =	wrdreg $0x0  }
0xae: {  	s5 =	sshll.u32 s28, $0x1;
	[dreg:$0x2] =	wrdreg s3  }
0xaf: {  	[dreg:$0x3] =	wrdreg s5  }
0xb0: {  	[dreg:$0x4] =	wrdreg $0xC0  }
0xb1: {  	_ =	task [dreg:s7], $0x5FFFF  }
0xb2: {  	[dreg:$0x1] =	wrdreg $0xFFFFFFFF  }
0xb3: {  	[dreg:$0x0] =	wrdreg $0x60  }
0xb4: {  	[dreg:$0x2] =	wrdreg s24  }
0xb5: {  	[dreg:$0x3] =	wrdreg s16  }
0xb6: {  	[dreg:$0x4] =	wrdreg $0x1F8600  }
0xb7: {  	[dreg:$0x5] =	wrdreg $0x1C7800  }
0xb8: {  	[dreg:$0x6] =	wrdreg $0x9  }
0xb9: {  	_ =	task.clear_ibuf [dreg:s7], $0x7FFFF;
	_ =	strace $0x90000049  }
0xba: {  	s29 =	simm.s32 $0x9;
	_ =	strace $0x8000004E  }
0xbb: {  	_ =	swait.ge [sflag:s29], $0x1  }
0xbc: {  	[sflag:s29] =	ssyncadd.s32 $0xFFFFFFFF  }
0xbd: {  	_ =	strace $0x9000004E  }
0xbe: {  	_ =	sfence  }
0xbf: {  	s30 =	sld [smem:$0x0];
	_ =	sdelay $0x2  }
0xc0: {  	s31 =	sshll.u32 s1, $0xD;
	s1 =	sshrl.u32 s1, $0x2  }
0xc1: {  	s3 =	sand.u32 $0x4000, s31;
	s1 =	sadd.s32 s1, s30  }
0xc2: {  	s0 =	sor.u32 s3, s0;
	s1 =	sshll.u32 s1, $0x11  }
0xc3: {  	s0 =	sor.u32 s1, s0  }
0xc4: {  	s0 =	sadd.s32 $0x8F2B, s0  }
0xc5: {  	[sflag:s0] =	ssyncadd.remote.s32 $0x1  }
0xc6: {  	_ =	sfence.sel $0xFFFF  }
0xc7: {  	[dreg:$0x0] =	wrdreg $0xFFFFFFFF;
	(pc) =	sbr.abs _section_cstart, $3  }
0xc8: {  	[dreg:$0x1] =	wrdreg $0xFFFFFFFF  }
0xc9: {  	_ =	task.clear_ibuf [dreg:s7], $0x2FFFF;
	_ =	strace $0x9FFFFFFF  }
0xca: {  	(tm) =	ssettm $0x7FFFFFFF  }
0xcb: {  	_ =	shalt  }
tec
execute0_lowered:
.L_overlay_start_1:
0x0: {  	(tag) =	ssettag $0x1  }
0x1: {  	s1 =	rddreg [dreg:$0x0]  }
0x2: {  	s0 =	srdreg.scid;
	s7 =	rddreg [dreg:$0x1]  }
0x3: {  	s16 =	stileid.u32;
	s9 =	rddreg [dreg:$0x2]  }
0x4: {  	s4 =	simm.s32 $0x0;
	s0 =	sand.u32 $0x1, s0;
	s3 =	sshrl.u32 s16, $0x3  }
0x5: {  	s10 =	sand.u32 $0x7, s16;
	[smem:$0x7FF] =	sst s4;
	s6 =	sadd.s32 $0x92E00, s1  }
0x6: {  	s13 =	smul.u32 $0xC380, s16;
	s26 =	sshll.u32 s16, $0x7;
	s31 =	sand.u32 $0x1, s16  }
0x7: {  	s2 =	sshll.u32 s0, $0x1;
	s5 =	smul.u32 $0x30D4, s10;
	s0 =	ssub.s32 $0x2, s0  }
0x8: {  	s17 =	smul.u32 $0x30D40, s10;
	p1 =	sne.s32 s10, $0x0;
	s8 =	sor.u32 s3, s2  }
0x9: {  	s2 =	rddreg [dreg:$0x3];
	s18 =	sshrl.u32 s0, $0x1;
	s13 =	sshrl.u32 s13, $0x2  }
0xa: {  	s11 =	smul.u32 $0x186A0, s8;
	[dreg:$0x5] =	wrdreg s5;
	s0 =	ssub.s32 s0, s18  }
0xb: {  	s14 =	sshrl.u32 s17, $0x3;
	s18 =	sadd.s32 s13, s2;
	s13 =	sadd.s32 s26, s9  }
0xc: {  	_ =	strace $0x8000004A;
	s15 =	sadd.s32 $0x30D40, s14;
	[dreg:$0xd] =	wrdreg s13  }
0xd: {  	s22 =	sadd.s32 $0x60, s14;
	s0 =	smax.u32 s0, $0x1;
	[dreg:$0x7] =	wrdreg s18  }
0xe: {  	s25 =	sadd.s32 $0x30DA0, s14;
	s20 =	sadd.s32 s6, s15;
	[dreg:$0x1e] =	wrdreg s0  }
0xf: {  	s5 =	sadd.s32 s5, s11;
	s13 =	sadd.s32 s6, s22;
	[dreg:$0x9] =	wrdreg s20  }
0x10: {  	s11 =	sshrl.u32 s11, $0x3;
	s16 =	sadd.s32 s6, s25;
	[dreg:$0xf] =	wrdreg s13  }
0x11: {  	s26 =	sadd.s32 $0x67C00, s14;
	s7 =	sadd.s32 s7, s11;
	[dreg:$0x11] =	wrdreg s16  }
0x12: {  	s12 =	sshrl.u32 s5, $0x3;
	s11 =	sadd.s32 s6, s26;
	[dreg:$0x6] =	wrdreg s7  }
0x13: {  	s5 =	sadd.s32 $0x600, s1;
	s16 =	sadd.s32 $0x1200, s18;
	[dreg:$0x1b] =	wrdreg s11  }
0x14: {  	s21 =	sadd.s32 $0x61A80, s14;
	s19 =	sadd.s32 s5, s15;
	[smem:$0x7F5] =	sst s16  }
0x15: {  	s8 =	sshll.u32 s8, $0x4;
	s23 =	sadd.s32 s5, s21;
	[dreg:$0x8] =	wrdreg s19  }
0x16: {  	s8 =	sadd.s32 s8, s1;
	s7 =	sadd.s32 s6, s21;
	[dreg:$0xa] =	wrdreg s23  }
0x17: {  	s12 =	sadd.s32 s12, s1;
	s24 =	sadd.s32 s5, s22;
	[dreg:$0xb] =	wrdreg s7  }
0x18: {  	s1 =	smul.u32 $0x186A0, s3;
	s15 =	sadd.s32 s5, s25;
	[dreg:$0xc] =	wrdreg s24  }
0x19: {  	s3 =	sshll.u32 s3, $0xA;
	s10 =	sadd.s32 s5, s26;
	[dreg:$0x10] =	wrdreg s15  }
0x1a: {  	s21 =	sadd.s32 $0x6180, s14;
	s3 =	sadd.s32 s3, s9;
	[dreg:$0x1a] =	wrdreg s10  }
0x1b: {  	s22 =	sadd.s32 s5, s21;
	[dreg:$0xe] =	wrdreg s3  }
0x1c: {  	s23 =	sadd.s32 s5, s14;
	[dreg:$0x14] =	wrdreg s22  }
0x1d: {  	s25 =	sadd.s32 $0x36EC0, s14;
	s24 =	sadd.s32 s6, s14;
	[dreg:$0x16] =	wrdreg s23  }
0x1e: {  	p0 =	sne.s32 s31, $0x0;
	s31 =	sadd.s32 s5, s25;
	[dreg:$0x17] =	wrdreg s24  }
0x1f: {  	s28 =	simm.s32 $0x19900;
	s13 =	sadd.s32 $0x125600, s12;
	[dreg:$0x18] =	wrdreg s31  }
0x20: {  	s19 =	sadd.s32 $0x61AE0, s14;
	s14 =	sadd.s32 $0x131A00, s8;
	[dreg:$0x1c] =	wrdreg s13  }
0x21: {  	s30 =	simm.s32 $0x1A200;
	s15 =	sadd.s32 $0x900, s18;
	[dreg:$0x1d] =	wrdreg s14  }
0x22: {  	v2 =	vimm.s32 $0x76543210;
	v3 =	vimm.s32 $0xFEDCBA98;
	v4 =	vimm.s32 $0x3210FEDC;
	s20 =	sadd.s32 s5, s19;
	[dreg:$0x1f] =	wrdreg s15  }
0x23: {  	v1 =	vimm.f32 $0.0e+00;
	v5 =	vimm.s32 $0xBA987654;
	v7 =	vimm.s32 $0x10FEDCBA;
	s29 =	simm.s32 $0x3;
	s3 =	sadd.s32 s6, s19;
	[dreg:$0x12] =	wrdreg s20  }
0x24: {  	v6 =	vlaneseq.u32;
	v9 =	vimm.s32 $0xFEDCBA9;
	v10 =	vimm.s32 $0x87654321;
	s0 =	simm.s32 $0x1;
	s19 =	sadd.s32 $0x1B00, s18;
	[dreg:$0x13] =	wrdreg s3  }
0x25: {  	v4 =	vunpack.c.l.s4.s8 v4;
	v8 =	vunpack.c.l.s4.s8 v2;
	v2 =	vunpack.c.l.s4.s8 v3;
	s11 =	simm.s32 $0x80;
	s23 =	sadd.s32 $0x2D00, s18;
	[smem:$0x7F6] =	sst s19  }
0x26: {  	v3 =	vimm.s32 $0x98765432;
	v5 =	vunpack.c.l.s4.s8 v5;
	v7 =	vunpack.c.l.s4.s8 v7;
	s7 =	simm.s32 $0x0;
	s24 =	sadd.s32 $0x900, s17;
	[smem:$0x7F8] =	sst s23  }
0x27: {  	v9 =	vunpack.c.l.s4.s8 v9;
	v10 =	vunpack.c.l.s4.s8 v10;
	v3 =	vunpack.c.l.s4.s8 v3;
	s15 =	simm.s32 $0x4;
	s3 =	sadd.s32 s6, s21;
	[smem:$0x7F9] =	sst s24  }
0x28: {  	v4 =	vunpack.c.0.s8.s32 v4;
	v5 =	vunpack.c.0.s8.s32 v5;
	v11 =	vunpack.c.0.s8.s32 v2;
	s22 =	simm.s32 $0x1BE80;
	s20 =	sadd.s32 $0x2400, s18;
	[dreg:$0x15] =	wrdreg s3  }
0x29: {  	v7 =	vunpack.c.0.s8.s32 v7;
	v2 =	vor.u32 $0x30D40, v6;
	v3 =	vunpack.c.0.s8.s32 v3;
	s14 =	simm.s32 $0x1B300;
	s21 =	sadd.s32 s1, s2;
	[smem:$0x7F7] =	sst s20  }
0x2a: {  	v12 =	vcombine.low v5, v4;
	v4 =	vunpack.c.0.s8.s32 v9;
	v5 =	vunpack.c.0.s8.s32 v10;
	s19 =	smov.u32 s17;
	s3 =	sadd.s32 s6, s25;
	[smem:$0x7FD] =	sst s21  }
0x2b: {  	v8 =	vunpack.c.0.s8.s32 v8;
	v9 =	vcombine.low v3, v7;
	v3 =	vor.u32 $0x30D50, v6;
	s23 =	simm.s32 $0x1BA80;
	s25 =	sadd.s32 $0x900, s21;
	[dreg:$0x19] =	wrdreg s3  }
0x2c: {  	v7 =	vand.u32 $0xF, v11;
	v10 =	vcombine.low v5, v4;
	v0 =	vmov s1;
	s1 =	simm.s32 $0x1BF00;
	s26 =	sadd.s32 $0x17A00, s21;
	[smem:$0x7FA] =	sst s25  }
0x2d: {  	v4 =	vor.u32 $0x30D60, v6;
	v5 =	vor.u32 $0x30D70, v6;
	v6 =	vcombine.low v7, v8;
	s18 =	simm.s32 $0x1BF80;
	s31 =	sadd.s32 $0x18300, s21;
	[smem:$0x7FB] =	sst s26  }
0x2e: {  	v7 =	vand.u32 $0xF, v12;
	v8 =	vand.u32 $0xF, v9;
	v9 =	vand.u32 $0xF, v10;
	s20 =	simm.s32 $0x2;
	[smem:$0x7FC] =	sst s31;
	s26 =	simm.s32 $0x1B380  }
.LBB2_1:
0x2f: {  	[smem:$0x7F4] =	sst s7  }
0x30: {  	s3 =	rddreg [dreg:$0x6]  }
0x31: {  	[tilespmem:s4], [sflag:$0x4] =	stream.linear.gather [hbm4b:s3+s4], $0x186A0, $0x38;
	[tilespmem:$0x1F870] =	vst v63  }
0x32: {  	_ =	swait.ge [sflag:s15], $0x186A0  }
0x33: {  	[sflag:s15] =	ssyncset.done $0x0  }
0x34: {  	s3 =	simm.s32 $0x0;
	[sflag:s15] =	ssyncadd.s32 $0xFFFE7960  }
.LBB2_2:
0x35: {  	[smem:$0x7F3] =	sst s3;
	s3 =	simm.s32 $0x40;
	s8 =	simm.s32 $0x0  }
.LBB2_3:
0x36: {  	p2 =	sne.s32 s3, $0x23C0;
	[tilespmem:s8+$0x19900] =	vst v1;
	s8 =	smov.u32 s3;
	s3 =	sadd.s32 $0x40, s3  }
.Ltmp0:
0x37: {  	(pc) =	sbr.rel @p2 .LBB2_3-.Ltmp0, $2  }
0x38: {  	_ =	sdelay $0x2  }
0x39: {  	s8 =	sshra.s32 s8, $0x2  }
0x3a: {  	[tilespmem:s8+$0x19900] =	vst v1;
	s3 =	rddreg [dreg:$0x7]  }
0x3b: {  	[spmem:s3] =	stream.linear.scatter [tilespmem:s28], [sflag:$0x4], $0x900, $0x38;
	[tilespmem:$0x1F870] =	vst v63  }
0x3c: {  	_ =	swait.ge [sflag:s15], $0x900  }
0x3d: {  	[sflag:s15] =	ssyncset.done $0x0  }
0x3e: {  	s8 =	rddreg [dreg:$0x1f];
	[sflag:s15] =	ssyncadd.s32 $0xFFFFF700  }
0x3f: {  	[spmem:s8] =	stream.linear.scatter [tilespmem:s28], [sflag:$0x4], $0x900, $0x38;
	[tilespmem:$0x1F870] =	vst v63  }
0x40: {  	_ =	swait.ge [sflag:s15], $0x900  }
0x41: {  	s9 =	sld [smem:$0x7F5]  }
0x42: {  	[sflag:s15] =	ssyncset.done $0x0  }
0x43: {  	[sflag:s15] =	ssyncadd.s32 $0xFFFFF700  }
0x44: {  	[spmem:s9] =	stream.linear.scatter [tilespmem:s28], [sflag:$0x4], $0x900, $0x38;
	[tilespmem:$0x1F870] =	vst v63  }
0x45: {  	_ =	swait.ge [sflag:s15], $0x900  }
0x46: {  	s10 =	sld [smem:$0x7F6]  }
0x47: {  	[sflag:s15] =	ssyncset.done $0x0  }
0x48: {  	[sflag:s15] =	ssyncadd.s32 $0xFFFFF700  }
0x49: {  	[spmem:s10] =	stream.linear.scatter [tilespmem:s28], [sflag:$0x4], $0x900, $0x38;
	[tilespmem:$0x1F870] =	vst v63  }
0x4a: {  	_ =	swait.ge [sflag:s15], $0x900  }
0x4b: {  	s12 =	sld [smem:$0x7F7]  }
0x4c: {  	[sflag:s15] =	ssyncset.done $0x0  }
0x4d: {  	[sflag:s15] =	ssyncadd.s32 $0xFFFFF700  }
0x4e: {  	[spmem:s12] =	stream.linear.scatter [tilespmem:s28], [sflag:$0x4], $0x900, $0x38;
	[tilespmem:$0x1F870] =	vst v63  }
0x4f: {  	_ =	swait.ge [sflag:s15], $0x900  }
0x50: {  	s13 =	sld [smem:$0x7F8]  }
0x51: {  	[sflag:s15] =	ssyncset.done $0x0  }
0x52: {  	[sflag:s15] =	ssyncadd.s32 $0xFFFFF700  }
0x53: {  	[spmem:s13] =	stream.linear.scatter [tilespmem:s28], [sflag:$0x4], $0x3E0, $0x38;
	[tilespmem:$0x1F870] =	vst v63  }
0x54: {  	_ =	swait.ge [sflag:s15], $0x3E0  }
0x55: {  	[sflag:s15] =	ssyncset.done $0x0  }
0x56: {  	[sflag:s15] =	ssyncadd.s32 $0xFFFFFC20  }
0x57: {  	[bflag:$0x0] =	sbarrier.arrive $0xFFFF  }
0x58: {  	_ =	strace $0x8000004B  }
0x59: {  	s16 =	simm.s32 $0x18700;
	s13 =	simm.s32 $0x0;
	s15 =	rddreg [dreg:$0x16]  }
0x5a: {  	[tilespmem:s16], [sflag:$0x1] =	stream.linear.gather [hbm4b:s15+s13], $0x300, $0x200038;
	[tilespmem:$0x1F870] =	vst v63  }
0x5b: {  	s17 =	rddreg [dreg:$0x17]  }
0x5c: {  	[tilespmem:s28], [sflag:$0x1] =	stream.linear.gather [hbm4b:s17+s13], $0x300, $0x200038;
	[tilespmem:$0x1F870] =	vst v63  }
0x5d: {  	s24 =	simm.s32 $0x18A00;
	s21 =	rddreg [dreg:$0x8]  }
0x5e: {  	[tilespmem:s24], [sflag:$0x1] =	stream.linear.gather [hbm4b:s21+s13], $0x300, $0x200038;
	[tilespmem:$0x1F870] =	vst v63  }
0x5f: {  	s25 =	rddreg [dreg:$0x9];
	s28 =	simm.s32 $0x19C00  }
0x60: {  	[tilespmem:s28], [sflag:$0x1] =	stream.linear.gather [hbm4b:s25+s13], $0x300, $0x200038;
	[tilespmem:$0x1F870] =	vst v63  }
0x61: {  	s7 =	simm.s32 $0x18D00;
	s31 =	rddreg [dreg:$0xa]  }
0x62: {  	[tilespmem:s7], [sflag:$0x1] =	stream.linear.gather [hbm4b:s31+s13], $0x300, $0x200038;
	[tilespmem:$0x1F870] =	vst v63  }
0x63: {  	s9 =	simm.s32 $0x19F00;
	s8 =	rddreg [dreg:$0xb]  }
0x64: {  	[tilespmem:s9], [sflag:$0x1] =	stream.linear.gather [hbm4b:s8+s13], $0x300, $0x200038;
	[tilespmem:$0x1F870] =	vst v63  }
0x65: {  	s12 =	simm.s32 $0x19000;
	s10 =	rddreg [dreg:$0xc]  }
0x66: {  	[tilespmem:s12], [sflag:$0x2] =	stream.linear.gather [hbm4b:s10+s13], $0x300, $0x200038;
	[tilespmem:$0x1F870] =	vst v63  }
0x67: {  	s15 =	rddreg [dreg:$0xf]  }
0x68: {  	[tilespmem:s30], [sflag:$0x2] =	stream.linear.gather [hbm4b:s15+s13], $0x300, $0x200038;
	[tilespmem:$0x1F870] =	vst v63  }
0x69: {  	s16 =	rddreg [dreg:$0x10];
	s17 =	simm.s32 $0x19300  }
0x6a: {  	[tilespmem:s17], [sflag:$0x2] =	stream.linear.gather [hbm4b:s16+s13], $0x300, $0x200038;
	[tilespmem:$0x1F870] =	vst v63  }
0x6b: {  	s21 =	rddreg [dreg:$0x11];
	s24 =	simm.s32 $0x1A500  }
0x6c: {  	[tilespmem:s24], [sflag:$0x2] =	stream.linear.gather [hbm4b:s21+s13], $0x300, $0x200038;
	[tilespmem:$0x1F870] =	vst v63  }
0x6d: {  	s25 =	rddreg [dreg:$0x12];
	s28 =	simm.s32 $0x19600;
	s7 =	simm.s32 $0x1A200  }
0x6e: {  	[tilespmem:s28], [sflag:$0x2] =	stream.linear.gather [hbm4b:s25+s13], $0x300, $0x200038;
	[tilespmem:$0x1F870] =	vst v63  }
0x6f: {  	s31 =	simm.s32 $0x1A800;
	s30 =	rddreg [dreg:$0x13];
	s24 =	simm.s32 $0x0  }
0x70: {  	[tilespmem:s31], [sflag:$0x2] =	stream.linear.gather [hbm4b:s30+s13], $0x300, $0x200038;
	[tilespmem:$0x1F870] =	vst v63  }
.LBB2_5:
0x71: {  	_ =	swait.ge [sflag:s0], $0x300  }
0x72: {  	[sflag:s0] =	ssyncset.done $0x0  }
0x73: {  	[sflag:s0] =	ssyncadd.s32 $0xFFFFFD00  }
0x74: {  	_ =	swait.ge [sflag:s0], $0x300  }
0x75: {  	[sflag:s0] =	ssyncset.done $0x0  }
0x76: {  	[sflag:s0] =	ssyncadd.s32 $0xFFFFFD00  }
0x77: {  	_ =	swait.ge [sflag:s0], $0x300  }
0x78: {  	[sflag:s0] =	ssyncset.done $0x0  }
0x79: {  	[sflag:s0] =	ssyncadd.s32 $0xFFFFFD00  }
0x7a: {  	_ =	swait.ge [sflag:s0], $0x300  }
0x7b: {  	[sflag:s0] =	ssyncset.done $0x0  }
0x7c: {  	[sflag:s0] =	ssyncadd.s32 $0xFFFFFD00  }
0x7d: {  	_ =	swait.ge [sflag:s0], $0x300  }
0x7e: {  	[sflag:s0] =	ssyncset.done $0x0  }
0x7f: {  	[sflag:s0] =	ssyncadd.s32 $0xFFFFFD00  }
0x80: {  	_ =	swait.ge [sflag:s0], $0x300  }
0x81: {  	p2 =	seq.s32 s24, $0x0;
	[sflag:s0] =	ssyncset.done $0x0  }
0x82: {  	s3 =	simm.s32 @!p2 $0x3;
	[sflag:s0] =	ssyncadd.s32 $0xFFFFFD00  }
0x83: {  	_ =	swait.ge @!p2 [sflag:s3], $0x80  }
0x84: {  	[sflag:s3] =	ssyncset.done @!p2 $0x0  }
0x85: {  	[sflag:s3] =	ssyncadd.s32 @!p2 $0xFFFFFF80  }
0x86: {  	_ =	swait.ge @!p2 [sflag:s3], $0x80  }
0x87: {  	[sflag:s3] =	ssyncset.done @!p2 $0x0  }
0x88: {  	[sflag:s3] =	ssyncadd.s32 @!p2 $0xFFFFFF80  }
0x89: {  	_ =	swait.ge @!p2 [sflag:s3], $0x80  }
0x8a: {  	[sflag:s3] =	ssyncset.done @!p2 $0x0  }
0x8b: {  	[sflag:s3] =	ssyncadd.s32 @!p2 $0xFFFFFF80  }
0x8c: {  	_ =	swait.ge @!p2 [sflag:s3], $0x80  }
0x8d: {  	[sflag:s3] =	ssyncset.done @!p2 $0x0  }
0x8e: {  	[sflag:s3] =	ssyncadd.s32 @!p2 $0xFFFFFF80  }
0x8f: {  	_ =	swait.ge @!p2 [sflag:s3], $0x80  }
0x90: {  	[sflag:s3] =	ssyncset.done @!p2 $0x0  }
0x91: {  	[sflag:s3] =	ssyncadd.s32 @!p2 $0xFFFFFF80  }
0x92: {  	_ =	swait.ge @!p2 [sflag:s3], $0x80  }
0x93: {  	[sflag:s3] =	ssyncset.done @!p2 $0x0  }
0x94: {  	[sflag:s3] =	ssyncadd.s32 @!p2 $0xFFFFFF80  }
0x95: {  	_ =	swait.ge @!p2 [sflag:s3], $0x80  }
0x96: {  	[sflag:s3] =	ssyncset.done @!p2 $0x0  }
0x97: {  	[sflag:s3] =	ssyncadd.s32 @!p2 $0xFFFFFF80  }
0x98: {  	_ =	swait.ge @!p2 [sflag:s3], $0x80  }
0x99: {  	[sflag:s3] =	ssyncset.done @!p2 $0x0  }
0x9a: {  	[sflag:s3] =	ssyncadd.s32 @!p2 $0xFFFFFF80  }
0x9b: {  	_ =	swait.ge @!p2 [sflag:s3], $0x80  }
0x9c: {  	[sflag:s3] =	ssyncset.done @!p2 $0x0  }
0x9d: {  	[sflag:s3] =	ssyncadd.s32 @!p2 $0xFFFFFF80  }
0x9e: {  	_ =	swait.ge @!p2 [sflag:s3], $0x80  }
0x9f: {  	[sflag:s3] =	ssyncset.done @!p2 $0x0  }
0xa0: {  	[sflag:s3] =	ssyncadd.s32 @!p2 $0xFFFFFF80  }
0xa1: {  	_ =	swait.ge @!p2 [sflag:s3], $0x80  }
0xa2: {  	[sflag:s3] =	ssyncset.done @!p2 $0x0  }
0xa3: {  	[sflag:s3] =	ssyncadd.s32 @!p2 $0xFFFFFF80  }
0xa4: {  	_ =	swait.ge @!p2 [sflag:s3], $0x80  }
0xa5: {  	[sflag:s3] =	ssyncset.done @!p2 $0x0  }
0xa6: {  	[sflag:s3] =	ssyncadd.s32 @!p2 $0xFFFFFF80  }
0xa7: {  	_ =	swait.ge @!p2 [sflag:s3], $0x80  }
0xa8: {  	[sflag:s3] =	ssyncset.done @!p2 $0x0  }
0xa9: {  	[sflag:s3] =	ssyncadd.s32 @!p2 $0xFFFFFF80  }
0xaa: {  	_ =	swait.ge @!p2 [sflag:s3], $0x80  }
0xab: {  	[sflag:s3] =	ssyncset.done @!p2 $0x0  }
0xac: {  	[sflag:s3] =	ssyncadd.s32 @!p2 $0xFFFFFF80  }
0xad: {  	_ =	swait.ge @!p2 [sflag:s3], $0x80  }
0xae: {  	[sflag:s3] =	ssyncset.done @!p2 $0x0  }
0xaf: {  	[sflag:s3] =	ssyncadd.s32 @!p2 $0xFFFFFF80  }
0xb0: {  	_ =	swait.ge @!p2 [sflag:s3], $0x80  }
0xb1: {  	[sflag:s3] =	ssyncset.done @!p2 $0x0  }
0xb2: {  	[sflag:s3] =	ssyncadd.s32 @!p2 $0xFFFFFF80  }
0xb3: {  	_ =	swait.ge @!p2 [sflag:s3], $0x80  }
0xb4: {  	[sflag:s3] =	ssyncset.done @!p2 $0x0  }
0xb5: {  	[sflag:s3] =	ssyncadd.s32 @!p2 $0xFFFFFF80  }
0xb6: {  	s25 =	simm.s32 $0x18700;
	_ =	swait.ge @!p2 [sflag:s3], $0x80  }
0xb7: {  	s8 =	simm.s32 $0x300;
	s9 =	sand.u32 $0x70, s13;
	[sflag:s3] =	ssyncset.done @!p2 $0x0  }
0xb8: {  	s10 =	simm.s32 $0x600;
	s8 =	sand.u32 $0x780, s8;
	[sflag:s3] =	ssyncadd.s32 @!p2 $0xFFFFFF80  }
0xb9: {  	s15 =	sand.u32 $0xF80, s10;
	s12 =	sor.u32 s9, s8;
	v10 =	vld [tilespmem:s25+$0x0]  }
0xba: {  	s17 =	sor.u32 s9, s15;
	v11 =	vld [tilespmem:s12+$0x18700]  }
0xbb: {  	v12 =	vld [tilespmem:s17+$0x18700];
	_ =	sdelay $0x2  }
0xbc: {  	v13 =	vshrl.u32 v10, $0x1  }
0xbd: {  	v14 =	vshrl.u32 v11, $0x1  }
0xbe: {  	v15 =	vshrl.u32 v12, $0x1;
	_ =	sdelay $0x2  }
0xbf: {  	v16 =	vld.idx.msk [tilespmem:v13+s4+$0x0], $0xffff  }
0xc0: {  	v17 =	vld.idx.msk [tilespmem:v14+s4+$0x0], $0xffff  }
0xc1: {  	v18 =	vld.idx.msk [tilespmem:v15+s4+$0x0], $0xffff;
	_ =	sdelay $0x2  }
0xc2: {  	v10 =	vand.u32 $0x1, v10;
	v11 =	vand.u32 $0x1, v11  }
0xc3: {  	v12 =	vand.u32 $0x1, v12;
	v19 =	vsub.f32 $1.000000000e+00, v16;
	v20 =	vsub.f32 $1.000000000e+00, v17  }
0xc4: {  	s16 =	simm.s32 $0x19900;
	vm0 =	veq.s32 v10, $0x0;
	vm1 =	veq.s32 v11, $0x0;
	v10 =	vsub.f32 $1.000000000e+00, v18  }
0xc5: {  	v61 =	vld [tilespmem:s16+$0x0];
	vm15 =	veq.s32 v12, $0x0;
	v11 =	vsel vm0, v16, v19;
	v60 =	vsel vm1, v17, v20  }
0xc6: {  	v10 =	vsel vm15, v18, v10;
	v11 =	vmax.f32 v11, v60  }
0xc7: {  	v10 =	vmax.f32 v11, v10  }
0xc8: {  	v10 =	vsub.f32 $1.000000000e+00, v10;
	_ =	sdelay $0x1  }
0xc9: {  	v11 =	vmul.f32 v10, v61  }
0xca: {  	s21 =	simm.s32 $0x1B700  }
0xcb: {  	s25 =	simm.s32 $0x1AB00;
	[tilespmem:s21+$0x0] =	vst v11;
	v11 =	vadd.s32 v0, v13  }
0xcc: {  	[tilespmem:s25+$0x0] =	vst v11  }
0xcd: {  	v11 =	vld [tilespmem:s12+$0x19900];
	_ =	sdelay $0x4  }
0xce: {  	v62 =	vadd.s32 v0, v14;
	v11 =	vmul.f32 v11, v10  }
0xcf: {  	[tilespmem:s12+$0x1AB00] =	vst v62  }
0xd0: {  	[tilespmem:s12+$0x1B700] =	vst v11  }
0xd1: {  	v11 =	vld [tilespmem:s17+$0x19900];
	_ =	sdelay $0x2  }
0xd2: {  	s28 =	sshll.u32 s24, $0x1;
	s30 =	simm.s32 $0x1B710;
	s9 =	simm.s32 $0x19910  }
0xd3: {  	s8 =	simm.s32 $0x310;
	s15 =	simm.s32 $0x1AB10;
	s3 =	simm.s32 $0x10;
	v63 =	vadd.s32 v0, v15  }
0xd4: {  	s31 =	sand.u32 $0x70, s3;
	s21 =	simm.s32 $0x18710;
	s25 =	simm.s32 $0x20;
	[tilespmem:s17+$0x1AB00] =	vst v63;
	v10 =	vmul.f32 v11, v10  }
.LBB2_6:
0xd5: {  	s16 =	sand.u32 $0x70, s25  }
0xd6: {  	s8 =	sand.u32 $0x780, s8;
	s12 =	sadd.s32 $0x600, s3;
	[tilespmem:s17+$0x1B700] =	vst v10;
	s3 =	smov.u32 s25  }
0xd7: {  	s10 =	sadd.s32 $0x10, s25;
	v10 =	vld [tilespmem:s21+$0x0];
	s8 =	sor.u32 s31, s8;
	s12 =	sand.u32 $0xF80, s12  }
0xd8: {  	p2 =	sne.s32 s25, $0x2F0;
	v11 =	vld [tilespmem:s8+$0x18700];
	s17 =	sor.u32 s31, s12;
	s31 =	smov.u32 s16  }
0xd9: {  	v12 =	vld [tilespmem:s17+$0x18700];
	_ =	sdelay $0x2  }
0xda: {  	v13 =	vshrl.u32 v10, $0x1;
	v10 =	vand.u32 $0x1, v10  }
0xdb: {  	v14 =	vshrl.u32 v11, $0x1;
	v11 =	vand.u32 $0x1, v11  }
0xdc: {  	v15 =	vshrl.u32 v12, $0x1;
	v12 =	vand.u32 $0x1, v12;
	_ =	sdelay $0x2  }
0xdd: {  	v16 =	vld.idx.msk [tilespmem:v13+s4+$0x0], $0xffff  }
0xde: {  	v17 =	vld.idx.msk [tilespmem:v14+s4+$0x0], $0xffff  }
0xdf: {  	v18 =	vld.idx.msk [tilespmem:v15+s4+$0x0], $0xffff;
	_ =	sdelay $0x4  }
0xe0: {  	v19 =	vsub.f32 $1.000000000e+00, v16;
	v20 =	vsub.f32 $1.000000000e+00, v17  }
0xe1: {  	vm0 =	veq.s32 v10, $0x0;
	vm1 =	veq.s32 v11, $0x0;
	v10 =	vsub.f32 $1.000000000e+00, v18  }
0xe2: {  	v11 =	vsel vm0, v16, v19;
	vm0 =	veq.s32 v12, $0x0;
	v16 =	vsel vm1, v17, v20;
	v12 =	vld [tilespmem:s9+$0x0]  }
0xe3: {  	v10 =	vsel vm0, v18, v10;
	v11 =	vmax.f32 v11, v16  }
0xe4: {  	v10 =	vmax.f32 v11, v10  }
0xe5: {  	v10 =	vsub.f32 $1.000000000e+00, v10;
	_ =	sdelay $0x1  }
0xe6: {  	v11 =	vmul.f32 v10, v12;
	_ =	sdelay $0x1  }
0xe7: {  	[tilespmem:s30+$0x0] =	vst v11;
	v11 =	vadd.s32 v0, v13  }
0xe8: {  	[tilespmem:s15+$0x0] =	vst v11;
	v11 =	vadd.s32 v0, v14  }
0xe9: {  	v12 =	vld [tilespmem:s8+$0x19900];
	[tilespmem:s8+$0x1AB00] =	vst v11;
	_ =	sdelay $0x4  }
0xea: {  	v11 =	vmul.f32 v12, v10;
	_ =	sdelay $0x1  }
0xeb: {  	[tilespmem:s8+$0x1B700] =	vst v11;
	v11 =	vadd.s32 v0, v15  }
0xec: {  	v12 =	vld [tilespmem:s17+$0x19900];
	[tilespmem:s17+$0x1AB00] =	vst v11;
	_ =	sdelay $0x1  }
.Ltmp1:
0xed: {  	(pc) =	sbr.rel @p2 .LBB2_6-.Ltmp1, $3  }
0xee: {  	_ =	sdelay $0x1  }
0xef: {  	s21 =	sadd.s32 $0x10, s21;
	s25 =	smov.u32 s10;
	s9 =	sadd.s32 $0x10, s9;
	v10 =	vmul.f32 v12, v10  }
0xf0: {  	s30 =	sadd.s32 $0x10, s30;
	s15 =	sadd.s32 $0x10, s15;
	s8 =	sadd.s32 $0x300, s3  }
0xf1: {  	s8 =	sand.u32 $0x780, s8;
	s3 =	sadd.s32 $0x600, s3;
	[tilespmem:s17+$0x1B700] =	vst v10  }
0xf2: {  	v10 =	vld [tilespmem:s21+$0x0];
	s8 =	sor.u32 s31, s8;
	s3 =	sand.u32 $0xF80, s3  }
0xf3: {  	v11 =	vld [tilespmem:s8+$0x18700];
	s3 =	sor.u32 s31, s3  }
0xf4: {  	v12 =	vld [tilespmem:s3+$0x18700];
	_ =	sdelay $0x2  }
0xf5: {  	v13 =	vshrl.u32 v10, $0x1  }
0xf6: {  	v14 =	vshrl.u32 v11, $0x1  }
0xf7: {  	v15 =	vshrl.u32 v12, $0x1;
	_ =	sdelay $0x2  }
0xf8: {  	v16 =	vld.idx.msk [tilespmem:v13+s4+$0x0], $0xffff  }
0xf9: {  	v17 =	vld.idx.msk [tilespmem:v14+s4+$0x0], $0xffff  }
0xfa: {  	v18 =	vld.idx.msk [tilespmem:v15+s4+$0x0], $0xffff;
	_ =	sdelay $0x2  }
0xfb: {  	v10 =	vand.u32 $0x1, v10;
	v11 =	vand.u32 $0x1, v11  }
0xfc: {  	vm0 =	veq.s32 v10, $0x0;
	v19 =	vsub.f32 $1.000000000e+00, v16;
	v20 =	vsub.f32 $1.000000000e+00, v17  }
0xfd: {  	v12 =	vand.u32 $0x1, v12;
	vm1 =	veq.s32 v11, $0x0;
	v10 =	vsub.f32 $1.000000000e+00, v18  }
0xfe: {  	v48 =	vld [tilespmem:s9+$0x0];
	vm12 =	veq.s32 v12, $0x0;
	v11 =	vsel vm0, v16, v19;
	v47 =	vsel vm1, v17, v20  }
0xff: {  	v10 =	vsel vm12, v18, v10;
	v11 =	vmax.f32 v11, v47  }
0x100: {  	v10 =	vmax.f32 v11, v10  }
0x101: {  	v10 =	vsub.f32 $1.000000000e+00, v10;
	_ =	sdelay $0x1  }
0x102: {  	v11 =	vmul.f32 v10, v48;
	_ =	sdelay $0x1  }
0x103: {  	[tilespmem:s30+$0x0] =	vst v11;
	v11 =	vadd.s32 v0, v13  }
0x104: {  	[tilespmem:s15+$0x0] =	vst v11  }
0x105: {  	v11 =	vld [tilespmem:s8+$0x19900];
	_ =	sdelay $0x4  }
0x106: {  	v49 =	vadd.s32 v0, v14;
	v11 =	vmul.f32 v11, v10  }
0x107: {  	[tilespmem:s8+$0x1AB00] =	vst v49  }
0x108: {  	[tilespmem:s8+$0x1B700] =	vst v11  }
0x109: {  	v11 =	vld [tilespmem:s3+$0x19900];
	_ =	sdelay $0x4  }
0x10a: {  	v50 =	vadd.s32 v0, v15;
	v10 =	vmul.f32 v11, v10  }
0x10b: {  	[tilespmem:s3+$0x1AB00] =	vst v50  }
0x10c: {  	s10 =	simm.s32 $0x1B700;
	s31 =	simm.s32 $0x1AB00;
	[tilespmem:s3+$0x1B700] =	vst v10  }
0x10d: {  	[spmem:s2] =	stream.indirect.scatter.add.f32 [tilespmem:s10], [sflag:$0x3], $0x1, s31, s11, $0x2000b8;
	[tilespmem:$0x1F870] =	vst v63  }
0x10e: {  	s12 =	simm.s32 $0x1AB80;
	s15 =	simm.s32 $0x1B780  }
0x10f: {  	[spmem:s2] =	stream.indirect.scatter.add.f32 [tilespmem:s15], [sflag:$0x3], $0x1, s12, s11, $0x2000b8;
	[tilespmem:$0x1F870] =	vst v63  }
0x110: {  	s16 =	simm.s32 $0x1AC00;
	s17 =	simm.s32 $0x1B800  }
0x111: {  	[spmem:s2] =	stream.indirect.scatter.add.f32 [tilespmem:s17], [sflag:$0x3], $0x1, s16, s11, $0x2000b8;
	[tilespmem:$0x1F870] =	vst v63  }
0x112: {  	s25 =	simm.s32 $0x1B880;
	s21 =	simm.s32 $0x1AC80  }
0x113: {  	[spmem:s2] =	stream.indirect.scatter.add.f32 [tilespmem:s25], [sflag:$0x3], $0x1, s21, s11, $0x2000b8;
	[tilespmem:$0x1F870] =	vst v63  }
0x114: {  	s9 =	simm.s32 $0x1B900;
	s8 =	simm.s32 $0x1AD00  }
0x115: {  	[spmem:s2] =	stream.indirect.scatter.add.f32 [tilespmem:s9], [sflag:$0x3], $0x1, s8, s11, $0x2000b8;
	[tilespmem:$0x1F870] =	vst v63  }
0x116: {  	s10 =	simm.s32 $0x1AD80;
	s12 =	simm.s32 $0x1B980  }
0x117: {  	[spmem:s2] =	stream.indirect.scatter.add.f32 [tilespmem:s12], [sflag:$0x3], $0x1, s10, s11, $0x2000b8;
	[tilespmem:$0x1F870] =	vst v63  }
0x118: {  	s15 =	simm.s32 $0x1AE00;
	s16 =	simm.s32 $0x1BA00  }
0x119: {  	[spmem:s2] =	stream.indirect.scatter.add.f32 [tilespmem:s16], [sflag:$0x3], $0x1, s15, s11, $0x2000b8;
	[tilespmem:$0x1F870] =	vst v63  }
0x11a: {  	s17 =	simm.s32 $0x1AE80  }
0x11b: {  	[spmem:s2] =	stream.indirect.scatter.add.f32 [tilespmem:s23], [sflag:$0x3], $0x1, s17, s11, $0x2000b8;
	[tilespmem:$0x1F870] =	vst v63  }
0x11c: {  	s21 =	simm.s32 $0x1AF00;
	s25 =	simm.s32 $0x1BB00  }
0x11d: {  	[spmem:s2] =	stream.indirect.scatter.add.f32 [tilespmem:s25], [sflag:$0x3], $0x1, s21, s11, $0x2000b8;
	[tilespmem:$0x1F870] =	vst v63  }
0x11e: {  	s9 =	simm.s32 $0x1AF80;
	s10 =	simm.s32 $0x1BB80  }
0x11f: {  	[spmem:s2] =	stream.indirect.scatter.add.f32 [tilespmem:s10], [sflag:$0x3], $0x1, s9, s11, $0x2000b8;
	[tilespmem:$0x1F870] =	vst v63  }
0x120: {  	s12 =	simm.s32 $0x1B000;
	s15 =	simm.s32 $0x1BC00  }
0x121: {  	[spmem:s2] =	stream.indirect.scatter.add.f32 [tilespmem:s15], [sflag:$0x3], $0x1, s12, s11, $0x2000b8;
	[tilespmem:$0x1F870] =	vst v63  }
0x122: {  	s16 =	simm.s32 $0x1B080;
	s17 =	simm.s32 $0x1BC80  }
0x123: {  	[spmem:s2] =	stream.indirect.scatter.add.f32 [tilespmem:s17], [sflag:$0x3], $0x1, s16, s11, $0x2000b8;
	[tilespmem:$0x1F870] =	vst v63  }
0x124: {  	s21 =	simm.s32 $0x1B100;
	s25 =	simm.s32 $0x1BD00  }
0x125: {  	[spmem:s2] =	stream.indirect.scatter.add.f32 [tilespmem:s25], [sflag:$0x3], $0x1, s21, s11, $0x2000b8;
	[tilespmem:$0x1F870] =	vst v63  }
0x126: {  	p2 =	seq.s32 s24, $0x81;
	s8 =	simm.s32 $0x1B180;
	s9 =	simm.s32 $0x1BD80  }
0x127: {  	[spmem:s2] =	stream.indirect.scatter.add.f32 [tilespmem:s9], [sflag:$0x3], $0x1, s8, s11, $0x2000b8;
	[tilespmem:$0x1F870] =	vst v63  }
0x128: {  	s3 =	sadd.s32 $0x2, s28;
	s10 =	simm.s32 $0x1B200;
	s12 =	simm.s32 $0x1BE00  }
0x129: {  	[spmem:s2] =	stream.indirect.scatter.add.f32 [tilespmem:s12], [sflag:$0x3], $0x1, s10, s11, $0x2000b8;
	[tilespmem:$0x1F870] =	vst v63  }
0x12a: {  	s15 =	simm.s32 $0x1B280;
	s8 =	smul.u32 @!p2 $0x300, s3  }
0x12b: {  	[spmem:s2] =	stream.indirect.scatter.add.f32 [tilespmem:s22], [sflag:$0x3], $0x1, s15, s11, $0x2000b8;
	[tilespmem:$0x1F870] =	vst v63  }
0x12c: {  	s8 =	sadd.s32 @!p2 s19, s8  }
0x12d: {  	[spmem:s2] =	stream.indirect.scatter.add.f32 [tilespmem:s1], [sflag:$0x3], $0x1, s14, s11, $0x2000b8;
	[tilespmem:$0x1F870] =	vst v63  }
0x12e: {  	s8 =	sshrl.u32 @!p2 s8, $0x3  }
0x12f: {  	[spmem:s2] =	stream.indirect.scatter.add.f32 [tilespmem:s18], [sflag:$0x3], $0x1, s26, s11, $0x2000b8;
	[tilespmem:$0x1F870] =	vst v63  }
0x130: {  	s10 =	simm.s32 @!p2 $0x0;
	s12 =	simm.s32 @!p2 $0x18700;
	s9 =	sadd.s32 @!p2 s5, s8  }
0x131: {  	[tilespmem:s12], [sflag:$0x1] =	stream.linear.gather @!p2 [hbm4b:s9+s10], $0x300, $0x200038;
	[tilespmem:$0x1F870] =	vst v63  }
0x132: {  	s9 =	sadd.s32 @!p2 s6, s8;
	s12 =	simm.s32 @!p2 $0x19900  }
0x133: {  	[tilespmem:s12], [sflag:$0x1] =	stream.linear.gather @!p2 [hbm4b:s9+s10], $0x300, $0x200038;
	[tilespmem:$0x1F870] =	vst v63  }
0x134: {  	s9 =	sadd.s32 @!p2 $0x30D40, s8  }
0x135: {  	s15 =	simm.s32 @!p2 $0x18A00;
	s12 =	sadd.s32 @!p2 s5, s9  }
0x136: {  	[tilespmem:s15], [sflag:$0x1] =	stream.linear.gather @!p2 [hbm4b:s12+s10], $0x300, $0x200038;
	[tilespmem:$0x1F870] =	vst v63  }
0x137: {  	s8 =	sadd.s32 @!p2 $0x61A80, s8;
	s9 =	sadd.s32 @!p2 s6, s9;
	s12 =	simm.s32 @!p2 $0x19C00  }
0x138: {  	[tilespmem:s12], [sflag:$0x1] =	stream.linear.gather @!p2 [hbm4b:s9+s10], $0x300, $0x200038;
	[tilespmem:$0x1F870] =	vst v63  }
0x139: {  	s9 =	sadd.s32 @!p2 s5, s8;
	s12 =	simm.s32 @!p2 $0x18D00  }
0x13a: {  	[tilespmem:s12], [sflag:$0x1] =	stream.linear.gather @!p2 [hbm4b:s9+s10], $0x300, $0x200038;
	[tilespmem:$0x1F870] =	vst v63  }
0x13b: {  	p3 =	sne.s32 s3, $0x104;
	s8 =	sadd.s32 @!p2 s6, s8;
	s9 =	simm.s32 @!p2 $0x19F00  }
0x13c: {  	[tilespmem:s9], [sflag:$0x1] =	stream.linear.gather @!p2 [hbm4b:s8+s10], $0x300, $0x200038;
	[tilespmem:$0x1F870] =	vst v63  }
0x13d: {  	s3 =	simm.s32 @!p3 $0x0;
	s8 =	simm.s32 @!p3 $0x18700;
	s9 =	rddreg [dreg:$0x14]  }
0x13e: {  	[tilespmem:s8], [sflag:$0x1] =	stream.linear.gather @!p3 [hbm4b:s9+s3], $0x140, $0x200038;
	[tilespmem:$0x1F870] =	vst v63  }
0x13f: {  	s8 =	simm.s32 @!p3 $0x19900;
	s9 =	rddreg [dreg:$0x15]  }
0x140: {  	[tilespmem:s8], [sflag:$0x1] =	stream.linear.gather @!p3 [hbm4b:s9+s3], $0x140, $0x200038;
	[tilespmem:$0x1F870] =	vst v63  }
0x141: {  	s8 =	simm.s32 @!p3 $0x18840;
	s9 =	rddreg [dreg:$0x18]  }
0x142: {  	[tilespmem:s8], [sflag:$0x1] =	stream.linear.gather @!p3 [hbm4b:s9+s3], $0x140, $0x200038;
	[tilespmem:$0x1F870] =	vst v63  }
0x143: {  	s8 =	simm.s32 @!p3 $0x19A40;
	s9 =	rddreg [dreg:$0x19]  }
0x144: {  	[tilespmem:s8], [sflag:$0x1] =	stream.linear.gather @!p3 [hbm4b:s9+s3], $0x140, $0x200038;
	[tilespmem:$0x1F870] =	vst v63  }
0x145: {  	s8 =	simm.s32 @!p3 $0x18980;
	s9 =	rddreg [dreg:$0x1a]  }
0x146: {  	[tilespmem:s8], [sflag:$0x1] =	stream.linear.gather @!p3 [hbm4b:s9+s3], $0x140, $0x200038;
	[tilespmem:$0x1F870] =	vst v63  }
0x147: {  	s8 =	simm.s32 @!p3 $0x19B80;
	s9 =	rddreg [dreg:$0x1b]  }
0x148: {  	[tilespmem:s8], [sflag:$0x1] =	stream.linear.gather @!p3 [hbm4b:s9+s3], $0x140, $0x200038;
	[tilespmem:$0x1F870] =	vst v63  }
0x149: {  	_ =	swait.ge [sflag:s20], $0x300  }
0x14a: {  	[sflag:s20] =	ssyncset.done $0x0  }
0x14b: {  	[sflag:s20] =	ssyncadd.s32 $0xFFFFFD00  }
0x14c: {  	_ =	swait.ge [sflag:s20], $0x300  }
0x14d: {  	[sflag:s20] =	ssyncset.done $0x0  }
0x14e: {  	[sflag:s20] =	ssyncadd.s32 $0xFFFFFD00  }
0x14f: {  	_ =	swait.ge [sflag:s20], $0x300  }
0x150: {  	[sflag:s20] =	ssyncset.done $0x0  }
0x151: {  	[sflag:s20] =	ssyncadd.s32 $0xFFFFFD00  }
0x152: {  	_ =	swait.ge [sflag:s20], $0x300  }
0x153: {  	[sflag:s20] =	ssyncset.done $0x0  }
0x154: {  	[sflag:s20] =	ssyncadd.s32 $0xFFFFFD00  }
0x155: {  	_ =	swait.ge [sflag:s20], $0x300  }
0x156: {  	[sflag:s20] =	ssyncset.done $0x0  }
0x157: {  	[sflag:s20] =	ssyncadd.s32 $0xFFFFFD00  }
0x158: {  	_ =	swait.ge [sflag:s20], $0x300  }
0x159: {  	[sflag:s20] =	ssyncset.done $0x0  }
0x15a: {  	[sflag:s20] =	ssyncadd.s32 $0xFFFFFD00  }
0x15b: {  	_ =	swait.ge [sflag:s29], $0x80  }
0x15c: {  	[sflag:s29] =	ssyncset.done $0x0  }
0x15d: {  	[sflag:s29] =	ssyncadd.s32 $0xFFFFFF80  }
0x15e: {  	_ =	swait.ge [sflag:s29], $0x80  }
0x15f: {  	[sflag:s29] =	ssyncset.done $0x0  }
0x160: {  	[sflag:s29] =	ssyncadd.s32 $0xFFFFFF80  }
0x161: {  	_ =	swait.ge [sflag:s29], $0x80  }
0x162: {  	[sflag:s29] =	ssyncset.done $0x0  }
0x163: {  	[sflag:s29] =	ssyncadd.s32 $0xFFFFFF80  }
0x164: {  	_ =	swait.ge [sflag:s29], $0x80  }
0x165: {  	[sflag:s29] =	ssyncset.done $0x0  }
0x166: {  	[sflag:s29] =	ssyncadd.s32 $0xFFFFFF80  }
0x167: {  	_ =	swait.ge [sflag:s29], $0x80  }
0x168: {  	[sflag:s29] =	ssyncset.done $0x0  }
0x169: {  	[sflag:s29] =	ssyncadd.s32 $0xFFFFFF80  }
0x16a: {  	_ =	swait.ge [sflag:s29], $0x80  }
0x16b: {  	[sflag:s29] =	ssyncset.done $0x0  }
0x16c: {  	[sflag:s29] =	ssyncadd.s32 $0xFFFFFF80  }
0x16d: {  	_ =	swait.ge [sflag:s29], $0x80  }
0x16e: {  	[sflag:s29] =	ssyncset.done $0x0  }
0x16f: {  	[sflag:s29] =	ssyncadd.s32 $0xFFFFFF80  }
0x170: {  	_ =	swait.ge [sflag:s29], $0x80  }
0x171: {  	[sflag:s29] =	ssyncset.done $0x0  }
0x172: {  	[sflag:s29] =	ssyncadd.s32 $0xFFFFFF80  }
0x173: {  	_ =	swait.ge [sflag:s29], $0x80  }
0x174: {  	[sflag:s29] =	ssyncset.done $0x0  }
0x175: {  	[sflag:s29] =	ssyncadd.s32 $0xFFFFFF80  }
0x176: {  	_ =	swait.ge [sflag:s29], $0x80  }
0x177: {  	[sflag:s29] =	ssyncset.done $0x0  }
0x178: {  	[sflag:s29] =	ssyncadd.s32 $0xFFFFFF80  }
0x179: {  	_ =	swait.ge [sflag:s29], $0x80  }
0x17a: {  	[sflag:s29] =	ssyncset.done $0x0  }
0x17b: {  	[sflag:s29] =	ssyncadd.s32 $0xFFFFFF80  }
0x17c: {  	_ =	swait.ge [sflag:s29], $0x80  }
0x17d: {  	[sflag:s29] =	ssyncset.done $0x0  }
0x17e: {  	[sflag:s29] =	ssyncadd.s32 $0xFFFFFF80  }
0x17f: {  	_ =	swait.ge [sflag:s29], $0x80  }
0x180: {  	[sflag:s29] =	ssyncset.done $0x0  }
0x181: {  	[sflag:s29] =	ssyncadd.s32 $0xFFFFFF80  }
0x182: {  	_ =	swait.ge [sflag:s29], $0x80  }
0x183: {  	[sflag:s29] =	ssyncset.done $0x0  }
0x184: {  	[sflag:s29] =	ssyncadd.s32 $0xFFFFFF80  }
0x185: {  	_ =	swait.ge [sflag:s29], $0x80  }
0x186: {  	[sflag:s29] =	ssyncset.done $0x0  }
0x187: {  	[sflag:s29] =	ssyncadd.s32 $0xFFFFFF80  }
0x188: {  	_ =	swait.ge [sflag:s29], $0x80  }
0x189: {  	[sflag:s29] =	ssyncset.done $0x0  }
0x18a: {  	[sflag:s29] =	ssyncadd.s32 $0xFFFFFF80  }
0x18b: {  	_ =	swait.ge [sflag:s29], $0x80  }
0x18c: {  	[sflag:s29] =	ssyncset.done $0x0  }
0x18d: {  	[sflag:s29] =	ssyncadd.s32 $0xFFFFFF80  }
0x18e: {  	s16 =	simm.s32 $0x0;
	s17 =	simm.s32 $0x19000;
	_ =	swait.ge [sflag:s29], $0x80  }
0x18f: {  	s21 =	simm.s32 $0x300;
	s25 =	simm.s32 $0x600;
	[sflag:s29] =	ssyncset.done $0x0  }
0x190: {  	s3 =	sand.u32 $0x70, s16;
	s9 =	sand.u32 $0x780, s21;
	[sflag:s29] =	ssyncadd.s32 $0xFFFFFF80  }
0x191: {  	s15 =	sand.u32 $0xF80, s25;
	s12 =	sor.u32 s3, s9;
	v10 =	vld [tilespmem:s17+$0x0]  }
0x192: {  	v11 =	vld [tilespmem:s12+$0x19000];
	s17 =	sor.u32 s3, s15  }
0x193: {  	v51 =	vld [tilespmem:s17+$0x19000];
	_ =	sdelay $0x2  }
0x194: {  	v52 =	vshrl.u32 v10, $0x1  }
0x195: {  	v53 =	vshrl.u32 v11, $0x1  }
0x196: {  	v54 =	vshrl.u32 v51, $0x1;
	_ =	sdelay $0x2  }
0x197: {  	v55 =	vld.idx.msk [tilespmem:v52+s4+$0x0], $0xffff  }
0x198: {  	v56 =	vld.idx.msk [tilespmem:v53+s4+$0x0], $0xffff  }
0x199: {  	v57 =	vld.idx.msk [tilespmem:v54+s4+$0x0], $0xffff;
	_ =	sdelay $0x2  }
0x19a: {  	v10 =	vand.u32 $0x1, v10;
	v11 =	vand.u32 $0x1, v11  }
0x19b: {  	v12 =	vand.u32 $0x1, v51;
	v58 =	vsub.f32 $1.000000000e+00, v55;
	v59 =	vsub.f32 $1.000000000e+00, v56  }
0x19c: {  	s16 =	simm.s32 $0x1A200;
	vm13 =	veq.s32 v10, $0x0;
	vm14 =	veq.s32 v11, $0x0;
	v10 =	vsub.f32 $1.000000000e+00, v57  }
0x19d: {  	v61 =	vld [tilespmem:s16+$0x0];
	vm15 =	veq.s32 v12, $0x0;
	v11 =	vsel vm13, v55, v58;
	v60 =	vsel vm14, v56, v59  }
0x19e: {  	v10 =	vsel vm15, v57, v10;
	v11 =	vmax.f32 v11, v60  }
0x19f: {  	v10 =	vmax.f32 v11, v10  }
0x1a0: {  	v10 =	vsub.f32 $1.000000000e+00, v10;
	_ =	sdelay $0x1  }
0x1a1: {  	v11 =	vmul.f32 v10, v61  }
0x1a2: {  	s21 =	simm.s32 $0x1B700  }
0x1a3: {  	s25 =	simm.s32 $0x1AB00;
	[tilespmem:s21+$0x0] =	vst v11;
	v11 =	vadd.s32 v0, v52  }
0x1a4: {  	[tilespmem:s25+$0x0] =	vst v11  }
0x1a5: {  	v11 =	vld [tilespmem:s12+$0x1A200];
	_ =	sdelay $0x4  }
0x1a6: {  	v62 =	vadd.s32 v0, v53;
	v11 =	vmul.f32 v11, v10  }
0x1a7: {  	[tilespmem:s12+$0x1AB00] =	vst v62  }
0x1a8: {  	[tilespmem:s12+$0x1B700] =	vst v11  }
0x1a9: {  	v11 =	vld [tilespmem:s17+$0x1A200];
	_ =	sdelay $0x2  }
0x1aa: {  	s28 =	simm.s32 $0x1B710;
	s10 =	simm.s32 $0x20  }
0x1ab: {  	s8 =	simm.s32 $0x310;
	s9 =	simm.s32 $0x1A210;
	s3 =	simm.s32 $0x10;
	v63 =	vadd.s32 v0, v54  }
0x1ac: {  	s15 =	simm.s32 $0x1AB10;
	s30 =	sand.u32 $0x70, s3;
	s21 =	simm.s32 $0x19010;
	[tilespmem:s17+$0x1AB00] =	vst v63;
	v10 =	vmul.f32 v11, v10  }
.LBB2_8:
0x1ad: {  	s12 =	sand.u32 $0x70, s10  }
0x1ae: {  	s8 =	sand.u32 $0x780, s8;
	s16 =	sadd.s32 $0x600, s3;
	[tilespmem:s17+$0x1B700] =	vst v10;
	s3 =	smov.u32 s10  }
0x1af: {  	s25 =	sadd.s32 $0x10, s10;
	v10 =	vld [tilespmem:s21+$0x0];
	s8 =	sor.u32 s30, s8;
	s16 =	sand.u32 $0xF80, s16  }
0x1b0: {  	p3 =	sne.s32 s10, $0x2F0;
	v11 =	vld [tilespmem:s8+$0x19000];
	s17 =	sor.u32 s30, s16;
	s30 =	smov.u32 s12  }
0x1b1: {  	v12 =	vld [tilespmem:s17+$0x19000];
	_ =	sdelay $0x2  }
0x1b2: {  	v13 =	vshrl.u32 v10, $0x1;
	v10 =	vand.u32 $0x1, v10  }
0x1b3: {  	v14 =	vshrl.u32 v11, $0x1;
	v11 =	vand.u32 $0x1, v11  }
0x1b4: {  	v15 =	vshrl.u32 v12, $0x1;
	v12 =	vand.u32 $0x1, v12;
	_ =	sdelay $0x2  }
0x1b5: {  	v16 =	vld.idx.msk [tilespmem:v13+s4+$0x0], $0xffff  }
0x1b6: {  	v17 =	vld.idx.msk [tilespmem:v14+s4+$0x0], $0xffff  }
0x1b7: {  	v18 =	vld.idx.msk [tilespmem:v15+s4+$0x0], $0xffff;
	_ =	sdelay $0x4  }
0x1b8: {  	v19 =	vsub.f32 $1.000000000e+00, v16;
	v20 =	vsub.f32 $1.000000000e+00, v17  }
0x1b9: {  	vm0 =	veq.s32 v10, $0x0;
	vm1 =	veq.s32 v11, $0x0;
	v10 =	vsub.f32 $1.000000000e+00, v18  }
0x1ba: {  	v11 =	vsel vm0, v16, v19;
	vm0 =	veq.s32 v12, $0x0;
	v16 =	vsel vm1, v17, v20;
	v12 =	vld [tilespmem:s9+$0x0]  }
0x1bb: {  	v10 =	vsel vm0, v18, v10;
	v11 =	vmax.f32 v11, v16  }
0x1bc: {  	v10 =	vmax.f32 v11, v10  }
0x1bd: {  	v10 =	vsub.f32 $1.000000000e+00, v10;
	_ =	sdelay $0x1  }
0x1be: {  	v11 =	vmul.f32 v10, v12;
	_ =	sdelay $0x1  }
0x1bf: {  	[tilespmem:s28+$0x0] =	vst v11;
	v11 =	vadd.s32 v0, v13  }
0x1c0: {  	[tilespmem:s15+$0x0] =	vst v11;
	v11 =	vadd.s32 v0, v14  }
0x1c1: {  	v12 =	vld [tilespmem:s8+$0x1A200];
	[tilespmem:s8+$0x1AB00] =	vst v11;
	_ =	sdelay $0x4  }
0x1c2: {  	v11 =	vmul.f32 v12, v10;
	_ =	sdelay $0x1  }
0x1c3: {  	[tilespmem:s8+$0x1B700] =	vst v11;
	v11 =	vadd.s32 v0, v15  }
0x1c4: {  	v12 =	vld [tilespmem:s17+$0x1A200];
	[tilespmem:s17+$0x1AB00] =	vst v11;
	_ =	sdelay $0x1  }
.Ltmp2:
0x1c5: {  	(pc) =	sbr.rel @p3 .LBB2_8-.Ltmp2, $3  }
0x1c6: {  	_ =	sdelay $0x1  }
0x1c7: {  	s21 =	sadd.s32 $0x10, s21;
	s10 =	smov.u32 s25;
	s9 =	sadd.s32 $0x10, s9;
	v10 =	vmul.f32 v12, v10  }
0x1c8: {  	s28 =	sadd.s32 $0x10, s28;
	s15 =	sadd.s32 $0x10, s15;
	s8 =	sadd.s32 $0x300, s3  }
0x1c9: {  	[tilespmem:s17+$0x1B700] =	vst v10;
	s8 =	sand.u32 $0x780, s8;
	s3 =	sadd.s32 $0x600, s3  }
0x1ca: {  	v10 =	vld [tilespmem:s21+$0x0];
	s8 =	sor.u32 s30, s8;
	s3 =	sand.u32 $0xF80, s3  }
0x1cb: {  	s3 =	sor.u32 s30, s3;
	v11 =	vld [tilespmem:s8+$0x19000]  }
0x1cc: {  	v12 =	vld [tilespmem:s3+$0x19000];
	_ =	sdelay $0x2  }
0x1cd: {  	v13 =	vshrl.u32 v10, $0x1  }
0x1ce: {  	v14 =	vshrl.u32 v11, $0x1  }
0x1cf: {  	v15 =	vshrl.u32 v12, $0x1;
	_ =	sdelay $0x2  }
0x1d0: {  	v16 =	vld.idx.msk [tilespmem:v13+s4+$0x0], $0xffff  }
0x1d1: {  	v17 =	vld.idx.msk [tilespmem:v14+s4+$0x0], $0xffff  }
0x1d2: {  	v18 =	vld.idx.msk [tilespmem:v15+s4+$0x0], $0xffff;
	_ =	sdelay $0x2  }
0x1d3: {  	v10 =	vand.u32 $0x1, v10;
	v11 =	vand.u32 $0x1, v11  }
0x1d4: {  	vm0 =	veq.s32 v10, $0x0;
	v19 =	vsub.f32 $1.000000000e+00, v16;
	v20 =	vsub.f32 $1.000000000e+00, v17  }
0x1d5: {  	v12 =	vand.u32 $0x1, v12;
	vm1 =	veq.s32 v11, $0x0;
	v10 =	vsub.f32 $1.000000000e+00, v18  }
0x1d6: {  	v11 =	vld [tilespmem:s9+$0x0];
	vm15 =	veq.s32 v12, $0x0;
	v16 =	vsel vm0, v16, v19;
	v17 =	vsel vm1, v17, v20  }
0x1d7: {  	v10 =	vsel vm15, v18, v10;
	v61 =	vmax.f32 v16, v17  }
0x1d8: {  	v10 =	vmax.f32 v61, v10  }
0x1d9: {  	v10 =	vsub.f32 $1.000000000e+00, v10;
	_ =	sdelay $0x1  }
0x1da: {  	v11 =	vmul.f32 v10, v11;
	_ =	sdelay $0x1  }
0x1db: {  	[tilespmem:s28+$0x0] =	vst v11;
	v11 =	vadd.s32 v0, v13  }
0x1dc: {  	[tilespmem:s15+$0x0] =	vst v11  }
0x1dd: {  	v11 =	vld [tilespmem:s8+$0x1A200];
	_ =	sdelay $0x4  }
0x1de: {  	v62 =	vadd.s32 v0, v14;
	v11 =	vmul.f32 v11, v10  }
0x1df: {  	[tilespmem:s8+$0x1AB00] =	vst v62  }
0x1e0: {  	[tilespmem:s8+$0x1B700] =	vst v11  }
0x1e1: {  	v11 =	vld [tilespmem:s3+$0x1A200];
	_ =	sdelay $0x4  }
0x1e2: {  	v63 =	vadd.s32 v0, v15;
	v10 =	vmul.f32 v11, v10  }
0x1e3: {  	[tilespmem:s3+$0x1AB00] =	vst v63  }
0x1e4: {  	s15 =	simm.s32 $0x1B700;
	[tilespmem:s3+$0x1B700] =	vst v10  }
0x1e5: {  	[spmem:s2] =	stream.indirect.scatter.add.f32 [tilespmem:s15], [sflag:$0x3], $0x1, s31, s11, $0x2000b8;
	[tilespmem:$0x1F870] =	vst v63  }
0x1e6: {  	s16 =	simm.s32 $0x1AB80;
	s17 =	simm.s32 $0x1B780  }
0x1e7: {  	[spmem:s2] =	stream.indirect.scatter.add.f32 [tilespmem:s17], [sflag:$0x3], $0x1, s16, s11, $0x2000b8;
	[tilespmem:$0x1F870] =	vst v63  }
0x1e8: {  	s25 =	simm.s32 $0x1B800;
	s21 =	simm.s32 $0x1AC00  }
0x1e9: {  	[spmem:s2] =	stream.indirect.scatter.add.f32 [tilespmem:s25], [sflag:$0x3], $0x1, s21, s11, $0x2000b8;
	[tilespmem:$0x1F870] =	vst v63  }
0x1ea: {  	s30 =	simm.s32 $0x1B880;
	s28 =	simm.s32 $0x1AC80  }
0x1eb: {  	[spmem:s2] =	stream.indirect.scatter.add.f32 [tilespmem:s30], [sflag:$0x3], $0x1, s28, s11, $0x2000b8;
	[tilespmem:$0x1F870] =	vst v63  }
0x1ec: {  	s9 =	simm.s32 $0x1B900;
	s8 =	simm.s32 $0x1AD00  }
0x1ed: {  	[spmem:s2] =	stream.indirect.scatter.add.f32 [tilespmem:s9], [sflag:$0x3], $0x1, s8, s11, $0x2000b8;
	[tilespmem:$0x1F870] =	vst v63  }
0x1ee: {  	s10 =	simm.s32 $0x1AD80;
	s12 =	simm.s32 $0x1B980  }
0x1ef: {  	[spmem:s2] =	stream.indirect.scatter.add.f32 [tilespmem:s12], [sflag:$0x3], $0x1, s10, s11, $0x2000b8;
	[tilespmem:$0x1F870] =	vst v63  }
0x1f0: {  	s15 =	simm.s32 $0x1AE00;
	s16 =	simm.s32 $0x1BA00  }
0x1f1: {  	[spmem:s2] =	stream.indirect.scatter.add.f32 [tilespmem:s16], [sflag:$0x3], $0x1, s15, s11, $0x2000b8;
	[tilespmem:$0x1F870] =	vst v63  }
0x1f2: {  	s17 =	simm.s32 $0x1AE80  }
0x1f3: {  	[spmem:s2] =	stream.indirect.scatter.add.f32 [tilespmem:s23], [sflag:$0x3], $0x1, s17, s11, $0x2000b8;
	[tilespmem:$0x1F870] =	vst v63  }
0x1f4: {  	s21 =	simm.s32 $0x1AF00;
	s25 =	simm.s32 $0x1BB00  }
0x1f5: {  	[spmem:s2] =	stream.indirect.scatter.add.f32 [tilespmem:s25], [sflag:$0x3], $0x1, s21, s11, $0x2000b8;
	[tilespmem:$0x1F870] =	vst v63  }
0x1f6: {  	s28 =	simm.s32 $0x1AF80;
	s30 =	simm.s32 $0x1BB80  }
0x1f7: {  	[spmem:s2] =	stream.indirect.scatter.add.f32 [tilespmem:s30], [sflag:$0x3], $0x1, s28, s11, $0x2000b8;
	[tilespmem:$0x1F870] =	vst v63  }
0x1f8: {  	s8 =	simm.s32 $0x1B000;
	s9 =	simm.s32 $0x1BC00  }
0x1f9: {  	[spmem:s2] =	stream.indirect.scatter.add.f32 [tilespmem:s9], [sflag:$0x3], $0x1, s8, s11, $0x2000b8;
	[tilespmem:$0x1F870] =	vst v63  }
0x1fa: {  	s10 =	simm.s32 $0x1B080;
	s12 =	simm.s32 $0x1BC80  }
0x1fb: {  	[spmem:s2] =	stream.indirect.scatter.add.f32 [tilespmem:s12], [sflag:$0x3], $0x1, s10, s11, $0x2000b8;
	[tilespmem:$0x1F870] =	vst v63  }
0x1fc: {  	s15 =	simm.s32 $0x1B100;
	s16 =	simm.s32 $0x1BD00  }
0x1fd: {  	[spmem:s2] =	stream.indirect.scatter.add.f32 [tilespmem:s16], [sflag:$0x3], $0x1, s15, s11, $0x2000b8;
	[tilespmem:$0x1F870] =	vst v63  }
0x1fe: {  	s17 =	simm.s32 $0x1B180;
	s21 =	simm.s32 $0x1BD80  }
0x1ff: {  	[spmem:s2] =	stream.indirect.scatter.add.f32 [tilespmem:s21], [sflag:$0x3], $0x1, s17, s11, $0x2000b8;
	[tilespmem:$0x1F870] =	vst v63  }
0x200: {  	s25 =	simm.s32 $0x1B200;
	s28 =	simm.s32 $0x1BE00  }
0x201: {  	[spmem:s2] =	stream.indirect.scatter.add.f32 [tilespmem:s28], [sflag:$0x3], $0x1, s25, s11, $0x2000b8;
	[tilespmem:$0x1F870] =	vst v63  }
0x202: {  	s30 =	simm.s32 $0x1B280  }
0x203: {  	[spmem:s2] =	stream.indirect.scatter.add.f32 [tilespmem:s22], [sflag:$0x3], $0x1, s30, s11, $0x2000b8;
	[tilespmem:$0x1F870] =	vst v63  }
.Ltmp3:
0x204: {  	_ = 	snop;
	(pc) =	sbr.rel @p2 .LBB2_11-.Ltmp3, $4  }
0x205: {  	_ = 	snop  }
0x206: {  	[spmem:s2] =	stream.indirect.scatter.add.f32 [tilespmem:s1], [sflag:$0x3], $0x1, s14, s11, $0x2000b8;
	[tilespmem:$0x1F870] =	vst v63  }
0x207: {  	_ = 	snop  }
0x208: {  	[spmem:s2] =	stream.indirect.scatter.add.f32 [tilespmem:s18], [sflag:$0x3], $0x1, s26, s11, $0x2000b8;
	[tilespmem:$0x1F870] =	vst v63  }
0x209: {  	s8 =	sld [smem:$0x7F9]  }
0x20a: {  	s3 =	smul.u32 $0x600, s24;
	_ =	sdelay $0x1  }
0x20b: {  	s3 =	sadd.s32 s3, s8  }
0x20c: {  	s3 =	sshrl.u32 s3, $0x3  }
0x20d: {  	s9 =	simm.s32 $0x19000;
	s15 =	sadd.s32 s5, s3  }
0x20e: {  	[tilespmem:s9], [sflag:$0x2] =	stream.linear.gather [hbm4b:s15+s4], $0x300, $0x200038;
	[tilespmem:$0x1F870] =	vst v63  }
0x20f: {  	s16 =	sadd.s32 s6, s3;
	s17 =	sadd.s32 $0x30D40, s3  }
0x210: {  	[tilespmem:s7], [sflag:$0x2] =	stream.linear.gather [hbm4b:s16+s4], $0x300, $0x200038;
	[tilespmem:$0x1F870] =	vst v63  }
0x211: {  	s10 =	simm.s32 $0x19300;
	s21 =	sadd.s32 s5, s17  }
0x212: {  	[tilespmem:s10], [sflag:$0x2] =	stream.linear.gather [hbm4b:s21+s4], $0x300, $0x200038;
	[tilespmem:$0x1F870] =	vst v63  }
0x213: {  	s25 =	simm.s32 $0x1A500;
	s8 =	sadd.s32 s6, s17  }
0x214: {  	[tilespmem:s25], [sflag:$0x2] =	stream.linear.gather [hbm4b:s8+s4], $0x300, $0x200038;
	[tilespmem:$0x1F870] =	vst v63  }
.Ltmp4:
0x215: {  	s3 =	sadd.s32 $0x61A80, s3;
	(pc) =	sbr.rel .LBB2_5-.Ltmp4, $4  }
0x216: {  	s30 =	simm.s32 $0x19600;
	s28 =	sadd.s32 s5, s3  }
0x217: {  	[tilespmem:s30], [sflag:$0x2] =	stream.linear.gather [hbm4b:s28+s4], $0x300, $0x200038;
	[tilespmem:$0x1F870] =	vst v63  }
0x218: {  	s31 =	simm.s32 $0x1A800;
	s24 =	sadd.s32 $0x1, s24;
	s3 =	sadd.s32 s6, s3  }
0x219: {  	[tilespmem:s31], [sflag:$0x2] =	stream.linear.gather [hbm4b:s3+s4], $0x300, $0x200038;
	[tilespmem:$0x1F870] =	vst v63  }
.LBB2_11:
0x21a: {  	_ =	swait.ge [sflag:s0], $0x140  }
0x21b: {  	[sflag:s0] =	ssyncset.done $0x0  }
0x21c: {  	[sflag:s0] =	ssyncadd.s32 $0xFFFFFEC0  }
0x21d: {  	_ =	swait.ge [sflag:s0], $0x140  }
0x21e: {  	[sflag:s0] =	ssyncset.done $0x0  }
0x21f: {  	[sflag:s0] =	ssyncadd.s32 $0xFFFFFEC0  }
0x220: {  	_ =	swait.ge [sflag:s0], $0x140  }
0x221: {  	[sflag:s0] =	ssyncset.done $0x0  }
0x222: {  	[sflag:s0] =	ssyncadd.s32 $0xFFFFFEC0  }
0x223: {  	_ =	swait.ge [sflag:s0], $0x140  }
0x224: {  	[sflag:s0] =	ssyncset.done $0x0  }
0x225: {  	[sflag:s0] =	ssyncadd.s32 $0xFFFFFEC0  }
0x226: {  	_ =	swait.ge [sflag:s0], $0x140  }
0x227: {  	[sflag:s0] =	ssyncset.done $0x0  }
0x228: {  	[sflag:s0] =	ssyncadd.s32 $0xFFFFFEC0  }
0x229: {  	_ =	swait.ge [sflag:s0], $0x140  }
0x22a: {  	[sflag:s0] =	ssyncset.done $0x0  }
0x22b: {  	[sflag:s0] =	ssyncadd.s32 $0xFFFFFEC0  }
0x22c: {  	_ =	swait.ge [sflag:s29], $0x80  }
0x22d: {  	[sflag:s29] =	ssyncset.done $0x0  }
0x22e: {  	[sflag:s29] =	ssyncadd.s32 $0xFFFFFF80  }
0x22f: {  	_ =	swait.ge [sflag:s29], $0x80  }
0x230: {  	[sflag:s29] =	ssyncset.done $0x0  }
0x231: {  	[sflag:s29] =	ssyncadd.s32 $0xFFFFFF80  }
0x232: {  	_ =	swait.ge [sflag:s29], $0x80  }
0x233: {  	[sflag:s29] =	ssyncset.done $0x0  }
0x234: {  	[sflag:s29] =	ssyncadd.s32 $0xFFFFFF80  }
0x235: {  	_ =	swait.ge [sflag:s29], $0x80  }
0x236: {  	[sflag:s29] =	ssyncset.done $0x0  }
0x237: {  	[sflag:s29] =	ssyncadd.s32 $0xFFFFFF80  }
0x238: {  	_ =	swait.ge [sflag:s29], $0x80  }
0x239: {  	[sflag:s29] =	ssyncset.done $0x0  }
0x23a: {  	[sflag:s29] =	ssyncadd.s32 $0xFFFFFF80  }
0x23b: {  	_ =	swait.ge [sflag:s29], $0x80  }
0x23c: {  	[sflag:s29] =	ssyncset.done $0x0  }
0x23d: {  	[sflag:s29] =	ssyncadd.s32 $0xFFFFFF80  }
0x23e: {  	_ =	swait.ge [sflag:s29], $0x80  }
0x23f: {  	[sflag:s29] =	ssyncset.done $0x0  }
0x240: {  	[sflag:s29] =	ssyncadd.s32 $0xFFFFFF80  }
0x241: {  	_ =	swait.ge [sflag:s29], $0x80  }
0x242: {  	[sflag:s29] =	ssyncset.done $0x0  }
0x243: {  	[sflag:s29] =	ssyncadd.s32 $0xFFFFFF80  }
0x244: {  	_ =	swait.ge [sflag:s29], $0x80  }
0x245: {  	[sflag:s29] =	ssyncset.done $0x0  }
0x246: {  	[sflag:s29] =	ssyncadd.s32 $0xFFFFFF80  }
0x247: {  	_ =	swait.ge [sflag:s29], $0x80  }
0x248: {  	[sflag:s29] =	ssyncset.done $0x0  }
0x249: {  	[sflag:s29] =	ssyncadd.s32 $0xFFFFFF80  }
0x24a: {  	_ =	swait.ge [sflag:s29], $0x80  }
0x24b: {  	[sflag:s29] =	ssyncset.done $0x0  }
0x24c: {  	[sflag:s29] =	ssyncadd.s32 $0xFFFFFF80  }
0x24d: {  	_ =	swait.ge [sflag:s29], $0x80  }
0x24e: {  	[sflag:s29] =	ssyncset.done $0x0  }
0x24f: {  	[sflag:s29] =	ssyncadd.s32 $0xFFFFFF80  }
0x250: {  	_ =	swait.ge [sflag:s29], $0x80  }
0x251: {  	[sflag:s29] =	ssyncset.done $0x0  }
0x252: {  	[sflag:s29] =	ssyncadd.s32 $0xFFFFFF80  }
0x253: {  	_ =	swait.ge [sflag:s29], $0x80  }
0x254: {  	[sflag:s29] =	ssyncset.done $0x0  }
0x255: {  	[sflag:s29] =	ssyncadd.s32 $0xFFFFFF80  }
0x256: {  	_ =	swait.ge [sflag:s29], $0x80  }
0x257: {  	[sflag:s29] =	ssyncset.done $0x0  }
0x258: {  	[sflag:s29] =	ssyncadd.s32 $0xFFFFFF80  }
0x259: {  	_ =	swait.ge [sflag:s29], $0x80  }
0x25a: {  	[sflag:s29] =	ssyncset.done $0x0  }
0x25b: {  	[sflag:s29] =	ssyncadd.s32 $0xFFFFFF80  }
0x25c: {  	_ =	swait.ge [sflag:s29], $0x80  }
0x25d: {  	[sflag:s29] =	ssyncset.done $0x0  }
0x25e: {  	[sflag:s29] =	ssyncadd.s32 $0xFFFFFF80  }
0x25f: {  	_ =	swait.ge [sflag:s29], $0x80  }
0x260: {  	s3 =	simm.s32 $0x0;
	[sflag:s29] =	ssyncset.done $0x0  }
0x261: {  	s8 =	simm.s32 $0x18700;
	s9 =	simm.s32 $0x280;
	[sflag:s29] =	ssyncadd.s32 $0xFFFFFF80  }
0x262: {  	s9 =	sand.u32 $0x780, s9;
	s3 =	sand.u32 $0x70, s3;
	v10 =	vld [tilespmem:s8+$0x0]  }
0x263: {  	s9 =	sor.u32 s3, s9;
	v11 =	vld [tilespmem:s8+$0x140]  }
0x264: {  	v12 =	vld [tilespmem:s9+$0x18700];
	_ =	sdelay $0x2  }
0x265: {  	v13 =	vshrl.u32 v10, $0x1  }
0x266: {  	v14 =	vshrl.u32 v11, $0x1  }
0x267: {  	v15 =	vshrl.u32 v12, $0x1;
	_ =	sdelay $0x2  }
0x268: {  	v16 =	vld.idx.msk [tilespmem:v13+s4+$0x0], $0xffff  }
0x269: {  	v17 =	vld.idx.msk [tilespmem:v14+s4+$0x0], $0xffff  }
0x26a: {  	v18 =	vld.idx.msk [tilespmem:v15+s4+$0x0], $0xffff;
	_ =	sdelay $0x1  }
0x26b: {  	v10 =	vand.u32 $0x1, v10  }
0x26c: {  	vm0 =	veq.s32 v10, $0x0  }
0x26d: {  	v10 =	vand.u32 $0x1, v11;
	v19 =	vsub.f32 $1.000000000e+00, v16;
	v11 =	vsub.f32 $1.000000000e+00, v17  }
0x26e: {  	s25 =	simm.s32 $0x19900;
	v12 =	vand.u32 $0x1, v12;
	vm1 =	veq.s32 v10, $0x0;
	v10 =	vsub.f32 $1.000000000e+00, v18  }
0x26f: {  	v62 =	vld [tilespmem:s25+$0x0];
	vm15 =	veq.s32 v12, $0x0;
	v16 =	vsel vm0, v16, v19;
	v11 =	vsel vm1, v17, v11  }
0x270: {  	v10 =	vsel vm15, v18, v10;
	v11 =	vmax.f32 v16, v11  }
0x271: {  	v10 =	vmax.f32 v11, v10  }
0x272: {  	v10 =	vsub.f32 $1.000000000e+00, v10;
	_ =	sdelay $0x1  }
0x273: {  	v11 =	vmul.f32 v10, v62  }
0x274: {  	s28 =	simm.s32 $0x1B840  }
0x275: {  	s13 =	simm.s32 $0x1AC40;
	[tilespmem:s28+$0xFFFFFEC0] =	vst v11;
	v11 =	vadd.s32 v0, v13  }
0x276: {  	[tilespmem:s13+$0xFFFFFEC0] =	vst v11  }
0x277: {  	v11 =	vld [tilespmem:s25+$0x140];
	_ =	sdelay $0x4  }
0x278: {  	v11 =	vmul.f32 v11, v10;
	_ =	sdelay $0x1  }
0x279: {  	[tilespmem:s28+$0x0] =	vst v11;
	v11 =	vadd.s32 v0, v14  }
0x27a: {  	[tilespmem:s13+$0x0] =	vst v11  }
0x27b: {  	v11 =	vld [tilespmem:s9+$0x19900];
	_ =	sdelay $0x2  }
0x27c: {  	s21 =	simm.s32 $0x18710  }
0x27d: {  	s15 =	simm.s32 $0x19910;
	s17 =	simm.s32 $0x1B850;
	s30 =	simm.s32 $0x1A200;
	v63 =	vadd.s32 v0, v15  }
0x27e: {  	s3 =	simm.s32 $0x10;
	s16 =	sld [smem:$0x7FD];
	s8 =	simm.s32 $0x20;
	[tilespmem:s9+$0x1AB00] =	vst v63;
	v10 =	vmul.f32 v11, v10  }
.LBB2_12:
0x27f: {  	s10 =	sadd.s32 $0x280, s3  }
0x280: {  	[tilespmem:s9+$0x1B700] =	vst v10;
	s13 =	sadd.s32 $0x10, s13;
	s12 =	smov.u32 s8;
	s24 =	sadd.s32 $0x10, s8  }
0x281: {  	p2 =	sne.s32 s8, $0x130;
	s3 =	sand.u32 $0x70, s3;
	v10 =	vld [tilespmem:s21+$0x0];
	s8 =	sand.u32 $0x780, s10  }
0x282: {  	v11 =	vld [tilespmem:s21+$0x140];
	s9 =	sor.u32 s3, s8;
	s3 =	smov.u32 s12  }
0x283: {  	v12 =	vld [tilespmem:s9+$0x18700];
	_ =	sdelay $0x2  }
0x284: {  	v13 =	vshrl.u32 v10, $0x1;
	v10 =	vand.u32 $0x1, v10  }
0x285: {  	v14 =	vshrl.u32 v11, $0x1  }
0x286: {  	v15 =	vshrl.u32 v12, $0x1;
	v12 =	vand.u32 $0x1, v12;
	_ =	sdelay $0x2  }
0x287: {  	v16 =	vld.idx.msk [tilespmem:v13+s4+$0x0], $0xffff  }
0x288: {  	v17 =	vld.idx.msk [tilespmem:v14+s4+$0x0], $0xffff  }
0x289: {  	v18 =	vld.idx.msk [tilespmem:v15+s4+$0x0], $0xffff;
	_ =	sdelay $0x3  }
0x28a: {  	v19 =	vsub.f32 $1.000000000e+00, v16  }
0x28b: {  	vm0 =	veq.s32 v10, $0x0;
	v10 =	vand.u32 $0x1, v11;
	v11 =	vsub.f32 $1.000000000e+00, v17  }
0x28c: {  	v16 =	vsel vm0, v16, v19;
	vm0 =	veq.s32 v10, $0x0;
	v10 =	vsub.f32 $1.000000000e+00, v18  }
0x28d: {  	v11 =	vsel vm0, v17, v11;
	vm0 =	veq.s32 v12, $0x0;
	v12 =	vld [tilespmem:s15+$0x0]  }
0x28e: {  	v10 =	vsel vm0, v18, v10;
	v11 =	vmax.f32 v16, v11  }
0x28f: {  	v10 =	vmax.f32 v11, v10  }
0x290: {  	v10 =	vsub.f32 $1.000000000e+00, v10;
	_ =	sdelay $0x1  }
0x291: {  	v11 =	vmul.f32 v10, v12;
	_ =	sdelay $0x1  }
0x292: {  	[tilespmem:s17+$0xFFFFFEC0] =	vst v11;
	v11 =	vadd.s32 v0, v13  }
0x293: {  	[tilespmem:s13+$0xFFFFFEC0] =	vst v11  }
0x294: {  	v11 =	vld [tilespmem:s15+$0x140];
	_ =	sdelay $0x4  }
0x295: {  	v11 =	vmul.f32 v11, v10;
	_ =	sdelay $0x1  }
0x296: {  	[tilespmem:s17+$0x0] =	vst v11;
	v11 =	vadd.s32 v0, v14  }
0x297: {  	[tilespmem:s13+$0x0] =	vst v11;
	v11 =	vadd.s32 v0, v15  }
0x298: {  	v12 =	vld [tilespmem:s9+$0x19900];
	[tilespmem:s9+$0x1AB00] =	vst v11;
	_ =	sdelay $0x1  }
.Ltmp5:
0x299: {  	(pc) =	sbr.rel @p2 .LBB2_12-.Ltmp5, $3  }
0x29a: {  	_ =	sdelay $0x1  }
0x29b: {  	s21 =	sadd.s32 $0x10, s21;
	v10 =	vmul.f32 v12, v10  }
0x29c: {  	s8 =	smov.u32 s24;
	s15 =	sadd.s32 $0x10, s15;
	s17 =	sadd.s32 $0x10, s17  }
0x29d: {  	[tilespmem:s9+$0x1B700] =	vst v10;
	s8 =	sadd.s32 $0x280, s3  }
0x29e: {  	s12 =	sand.u32 $0x70, s3;
	v10 =	vld [tilespmem:s21+$0x0];
	s8 =	sand.u32 $0x780, s8  }
0x29f: {  	v11 =	vld [tilespmem:s21+$0x140];
	s3 =	sor.u32 s12, s8  }
0x2a0: {  	v12 =	vld [tilespmem:s3+$0x18700];
	_ =	sdelay $0x2  }
0x2a1: {  	v13 =	vshrl.u32 v10, $0x1  }
0x2a2: {  	v14 =	vshrl.u32 v11, $0x1  }
0x2a3: {  	v15 =	vshrl.u32 v12, $0x1;
	_ =	sdelay $0x2  }
0x2a4: {  	v16 =	vld.idx.msk [tilespmem:v13+s4+$0x0], $0xffff  }
0x2a5: {  	v17 =	vld.idx.msk [tilespmem:v14+s4+$0x0], $0xffff  }
0x2a6: {  	v18 =	vld.idx.msk [tilespmem:v15+s4+$0x0], $0xffff;
	_ =	sdelay $0x1  }
0x2a7: {  	v10 =	vand.u32 $0x1, v10  }
0x2a8: {  	vm0 =	veq.s32 v10, $0x0  }
0x2a9: {  	v10 =	vand.u32 $0x1, v11;
	v19 =	vsub.f32 $1.000000000e+00, v16;
	v11 =	vsub.f32 $1.000000000e+00, v17  }
0x2aa: {  	v12 =	vand.u32 $0x1, v12;
	vm1 =	veq.s32 v10, $0x0;
	v10 =	vsub.f32 $1.000000000e+00, v18  }
0x2ab: {  	v62 =	vld [tilespmem:s15+$0x0];
	vm15 =	veq.s32 v12, $0x0;
	v16 =	vsel vm0, v16, v19;
	v11 =	vsel vm1, v17, v11  }
0x2ac: {  	v11 =	vmax.f32 v16, v11;
	v10 =	vsel vm15, v18, v10  }
0x2ad: {  	v10 =	vmax.f32 v11, v10  }
0x2ae: {  	v10 =	vsub.f32 $1.000000000e+00, v10;
	_ =	sdelay $0x1  }
0x2af: {  	v11 =	vmul.f32 v10, v62;
	_ =	sdelay $0x1  }
0x2b0: {  	s24 =	sadd.s32 $0x10, s13;
	[tilespmem:s17+$0xFFFFFEC0] =	vst v11;
	v11 =	vadd.s32 v0, v13  }
0x2b1: {  	[tilespmem:s24+$0xFFFFFEC0] =	vst v11  }
0x2b2: {  	v11 =	vld [tilespmem:s15+$0x140];
	_ =	sdelay $0x4  }
0x2b3: {  	v11 =	vmul.f32 v11, v10;
	_ =	sdelay $0x1  }
0x2b4: {  	[tilespmem:s17+$0x0] =	vst v11;
	v11 =	vadd.s32 v0, v14  }
0x2b5: {  	[tilespmem:s24+$0x0] =	vst v11  }
0x2b6: {  	v11 =	vld [tilespmem:s3+$0x19900];
	_ =	sdelay $0x4  }
0x2b7: {  	v63 =	vadd.s32 v0, v15;
	v10 =	vmul.f32 v11, v10  }
0x2b8: {  	[tilespmem:s3+$0x1AB00] =	vst v63  }
0x2b9: {  	[tilespmem:s3+$0x1B700] =	vst v10  }
0x2ba: {  	[tilespmem:$0x1BAC0] =	vst v1  }
0x2bb: {  	[tilespmem:$0x1AEC0] =	vst v2  }
0x2bc: {  	[tilespmem:$0x1BAD0] =	vst v1  }
0x2bd: {  	[tilespmem:$0x1AED0] =	vst v3  }
0x2be: {  	[tilespmem:$0x1BAE0] =	vst v1  }
0x2bf: {  	[tilespmem:$0x1AEE0] =	vst v4  }
0x2c0: {  	[tilespmem:$0x1BAF0] =	vst v1  }
0x2c1: {  	s25 =	simm.s32 $0x1B700;
	[tilespmem:$0x1AEF0] =	vst v5  }
0x2c2: {  	[spmem:s2] =	stream.indirect.scatter.add.f32 [tilespmem:s25], [sflag:$0x3], $0x1, s31, s11, $0x2000b8;
	[tilespmem:$0x1F870] =	vst v63  }
0x2c3: {  	s7 =	simm.s32 $0x1B780;
	s31 =	simm.s32 $0x1AB80  }
0x2c4: {  	[spmem:s2] =	stream.indirect.scatter.add.f32 [tilespmem:s7], [sflag:$0x3], $0x1, s31, s11, $0x2000b8;
	[tilespmem:$0x1F870] =	vst v63  }
0x2c5: {  	s8 =	simm.s32 $0x1B800;
	s7 =	simm.s32 $0x1AC00  }
0x2c6: {  	[spmem:s2] =	stream.indirect.scatter.add.f32 [tilespmem:s8], [sflag:$0x3], $0x1, s7, s11, $0x2000b8;
	[tilespmem:$0x1F870] =	vst v63  }
0x2c7: {  	s9 =	simm.s32 $0x1AC80;
	s10 =	simm.s32 $0x1B880  }
0x2c8: {  	[spmem:s2] =	stream.indirect.scatter.add.f32 [tilespmem:s10], [sflag:$0x3], $0x1, s9, s11, $0x2000b8;
	[tilespmem:$0x1F870] =	vst v63  }
0x2c9: {  	s13 =	simm.s32 $0x1B900;
	s12 =	simm.s32 $0x1AD00  }
0x2ca: {  	[spmem:s2] =	stream.indirect.scatter.add.f32 [tilespmem:s13], [sflag:$0x3], $0x1, s12, s11, $0x2000b8;
	[tilespmem:$0x1F870] =	vst v63  }
0x2cb: {  	s15 =	simm.s32 $0x1AD80;
	s17 =	simm.s32 $0x1B980  }
0x2cc: {  	[spmem:s2] =	stream.indirect.scatter.add.f32 [tilespmem:s17], [sflag:$0x3], $0x1, s15, s11, $0x2000b8;
	[tilespmem:$0x1F870] =	vst v63  }
0x2cd: {  	s21 =	simm.s32 $0x1AE00;
	s24 =	simm.s32 $0x1BA00  }
0x2ce: {  	[spmem:s2] =	stream.indirect.scatter.add.f32 [tilespmem:s24], [sflag:$0x3], $0x1, s21, s11, $0x2000b8;
	[tilespmem:$0x1F870] =	vst v63  }
0x2cf: {  	s25 =	simm.s32 $0x1AE80  }
0x2d0: {  	[spmem:s2] =	stream.indirect.scatter.add.f32 [tilespmem:s23], [sflag:$0x3], $0x1, s25, s11, $0x2000b8;
	[tilespmem:$0x1F870] =	vst v63  }
0x2d1: {  	_ =	swait.ge [sflag:s29], $0x80  }
0x2d2: {  	[sflag:s29] =	ssyncset.done $0x0  }
0x2d3: {  	[sflag:s29] =	ssyncadd.s32 $0xFFFFFF80  }
0x2d4: {  	_ =	swait.ge [sflag:s29], $0x80  }
0x2d5: {  	[sflag:s29] =	ssyncset.done $0x0  }
0x2d6: {  	[sflag:s29] =	ssyncadd.s32 $0xFFFFFF80  }
0x2d7: {  	_ =	swait.ge [sflag:s29], $0x80  }
0x2d8: {  	[sflag:s29] =	ssyncset.done $0x0  }
0x2d9: {  	[sflag:s29] =	ssyncadd.s32 $0xFFFFFF80  }
0x2da: {  	_ =	swait.ge [sflag:s29], $0x80  }
0x2db: {  	[sflag:s29] =	ssyncset.done $0x0  }
0x2dc: {  	[sflag:s29] =	ssyncadd.s32 $0xFFFFFF80  }
0x2dd: {  	_ =	swait.ge [sflag:s29], $0x80  }
0x2de: {  	[sflag:s29] =	ssyncset.done $0x0  }
0x2df: {  	[sflag:s29] =	ssyncadd.s32 $0xFFFFFF80  }
0x2e0: {  	_ =	swait.ge [sflag:s29], $0x80  }
0x2e1: {  	[sflag:s29] =	ssyncset.done $0x0  }
0x2e2: {  	[sflag:s29] =	ssyncadd.s32 $0xFFFFFF80  }
0x2e3: {  	_ =	swait.ge [sflag:s29], $0x80  }
0x2e4: {  	[sflag:s29] =	ssyncset.done $0x0  }
0x2e5: {  	[sflag:s29] =	ssyncadd.s32 $0xFFFFFF80  }
0x2e6: {  	_ =	swait.ge [sflag:s29], $0x80  }
0x2e7: {  	[sflag:s29] =	ssyncset.done $0x0  }
0x2e8: {  	[sflag:s29] =	ssyncadd.s32 $0xFFFFFF80  }
0x2e9: {  	_ =	strace $0x9000004B  }
0x2ea: {  	[bflag:$0x0] =	sbarrier.arrive $0xFFFF  }
0x2eb: {  	_ =	strace $0x8000004C  }
0x2ec: {  	s28 =	simm.s32 $0x19900;
	s9 =	simm.s32 $0x0;
	s31 =	sld [smem:$0x7FA]  }
0x2ed: {  	[tilespmem:s28], [sflag:$0x1] =	stream.linear.gather [spmem:s16], $0x900, $0x200038;
	[tilespmem:$0x1F870] =	vst v63  }
0x2ee: {  	s13 =	simm.s32 $0x900;
	s15 =	simm.s32 $0x0;
	s17 =	simm.s32 $0x0  }
0x2ef: {  	[tilespmem:s30], [sflag:$0x2] =	stream.linear.gather [spmem:s31], $0x900, $0x200038;
	[tilespmem:$0x1F870] =	vst v63  }
.LBB2_14:
0x2f0: {  	_ =	swait.ge [sflag:s0], $0x900  }
0x2f1: {  	s3 =	sadd.s32 $0x0, s15;
	s8 =	simm.s32 $0x19900;
	[sflag:s0] =	ssyncset.done $0x0  }
0x2f2: {  	s10 =	sand.u32 $0x70, s9;
	s3 =	sand.u32 $0x7FF80, s3;
	[sflag:s0] =	ssyncadd.s32 $0xFFFFF700  }
0x2f3: {  	s3 =	sor.u32 s10, s3;
	v10 =	vld [tilespmem:s8+$0x0]  }
0x2f4: {  	v11 =	vld [tilespmem:s3+$0x0];
	_ =	sdelay $0x4  }
0x2f5: {  	v10 =	vadd.f32 v10, v11;
	_ =	sdelay $0x1  }
0x2f6: {  	s21 =	simm.s32 $0x10;
	v10 =	vmax.f32 v10, $0.0e+00  }
0x2f7: {  	s24 =	simm.s32 $0x20;
	s10 =	sadd.s32 $0x10, s15;
	s8 =	simm.s32 $0x19910;
	v10 =	vmin.f32 v10, $1.000000000e+00  }
.LBB2_15:
0x2f8: {  	p2 =	sne.s32 s24, $0x8F0;
	s10 =	sand.u32 $0x7FF80, s10;
	s12 =	sand.u32 $0x70, s21;
	[tilespmem:s3+$0x0] =	vst v10  }
0x2f9: {  	s21 =	smov.u32 s24;
	s3 =	sor.u32 s12, s10;
	v10 =	vld [tilespmem:s8+$0x0]  }
0x2fa: {  	v11 =	vld [tilespmem:s3+$0x0];
	_ =	sdelay $0x3  }
.Ltmp6:
0x2fb: {  	(pc) =	sbr.rel @p2 .LBB2_15-.Ltmp6, $3  }
0x2fc: {  	v10 =	vadd.f32 v10, v11;
	_ =	sdelay $0x1  }
0x2fd: {  	v10 =	vmax.f32 v10, $0.0e+00  }
0x2fe: {  	s24 =	sadd.s32 $0x10, s24;
	s10 =	sadd.s32 s21, s15;
	s8 =	sadd.s32 $0x10, s8;
	v10 =	vmin.f32 v10, $1.000000000e+00  }
0x2ff: {  	s10 =	sand.u32 $0x7FF80, s10;
	s12 =	sand.u32 $0x70, s21;
	[tilespmem:s3+$0x0] =	vst v10  }
0x300: {  	s10 =	sor.u32 s12, s10;
	v10 =	vld [tilespmem:s8+$0x0]  }
0x301: {  	v11 =	vld [tilespmem:s10+$0x0];
	_ =	sdelay $0x4  }
0x302: {  	s12 =	smul.u32 $0x4800, s17;
	v10 =	vadd.f32 v10, v11;
	_ =	sdelay $0x1  }
0x303: {  	s3 =	sshra.s32 s12, $0x2;
	v10 =	vmax.f32 v10, $0.0e+00  }
0x304: {  	s3 =	sadd.s32 s3, s16;
	v10 =	vmin.f32 v10, $1.000000000e+00  }
0x305: {  	s21 =	sadd.s32 $0x1200, s3;
	[tilespmem:s10+$0x0] =	vst v10  }
0x306: {  	[tilespmem:s28], [sflag:$0x1] =	stream.linear.gather [spmem:s21], $0x900, $0x200038;
	[tilespmem:$0x1F870] =	vst v63  }
0x307: {  	s24 =	simm.s32 $0x0;
	_ =	swait.ge [sflag:s20], $0x900  }
0x308: {  	s25 =	sadd.s32 $0x0, s13;
	s31 =	simm.s32 $0x1A200;
	[sflag:s20] =	ssyncset.done $0x0  }
0x309: {  	s8 =	sand.u32 $0x70, s24;
	s10 =	sand.u32 $0xFFF80, s25;
	[sflag:s20] =	ssyncadd.s32 $0xFFFFF700  }
0x30a: {  	s8 =	sor.u32 s8, s10;
	v10 =	vld [tilespmem:s31+$0x0]  }
0x30b: {  	v11 =	vld [tilespmem:s8+$0x0];
	_ =	sdelay $0x4  }
0x30c: {  	v10 =	vadd.f32 v10, v11;
	_ =	sdelay $0x1  }
0x30d: {  	s24 =	simm.s32 $0x10;
	v10 =	vmax.f32 v10, $0.0e+00  }
0x30e: {  	s25 =	simm.s32 $0x20;
	s10 =	sadd.s32 $0x10, s13;
	s21 =	simm.s32 $0x1A210;
	v10 =	vmin.f32 v10, $1.000000000e+00  }
.LBB2_17:
0x30f: {  	p2 =	sne.s32 s25, $0x8F0;
	s10 =	sand.u32 $0xFFF80, s10;
	s12 =	sand.u32 $0x70, s24;
	[tilespmem:s8+$0x0] =	vst v10  }
0x310: {  	s24 =	smov.u32 s25;
	s8 =	sor.u32 s12, s10;
	v10 =	vld [tilespmem:s21+$0x0]  }
0x311: {  	v11 =	vld [tilespmem:s8+$0x0];
	_ =	sdelay $0x3  }
.Ltmp7:
0x312: {  	(pc) =	sbr.rel @p2 .LBB2_17-.Ltmp7, $3  }
0x313: {  	v10 =	vadd.f32 v10, v11;
	_ =	sdelay $0x1  }
0x314: {  	v10 =	vmax.f32 v10, $0.0e+00  }
0x315: {  	s25 =	sadd.s32 $0x10, s25;
	s10 =	sadd.s32 s24, s13;
	s21 =	sadd.s32 $0x10, s21;
	v10 =	vmin.f32 v10, $1.000000000e+00  }
0x316: {  	s10 =	sand.u32 $0xFFF80, s10;
	s12 =	sand.u32 $0x70, s24;
	[tilespmem:s8+$0x0] =	vst v10  }
0x317: {  	s31 =	sor.u32 s12, s10;
	v10 =	vld [tilespmem:s21+$0x0]  }
0x318: {  	v11 =	vld [tilespmem:s31+$0x0];
	_ =	sdelay $0x3  }
0x319: {  	s17 =	sadd.s32 $0x1, s17  }
0x31a: {  	p2 =	sne.s32 s17, $0x14;
	v10 =	vadd.f32 v10, v11  }
.Ltmp8:
0x31b: {  	_ = 	snop;
	(pc) =	sbr.rel @p2 .LBB2_14-.Ltmp8, $4  }
0x31c: {  	v10 =	vmax.f32 v10, $0.0e+00  }
0x31d: {  	v10 =	vmin.f32 v10, $1.000000000e+00  }
0x31e: {  	s3 =	sadd.s32 $0x1B00, s3;
	s15 =	sadd.s32 $0x1200, s15;
	s13 =	sadd.s32 $0x1200, s13;
	[tilespmem:s31+$0x0] =	vst v10  }
0x31f: {  	[tilespmem:s30], [sflag:$0x2] =	stream.linear.gather [spmem:s3], $0x900, $0x200038;
	[tilespmem:$0x1F870] =	vst v63  }
0x320: {  	_ =	swait.ge [sflag:s0], $0x900  }
0x321: {  	[sflag:s0] =	ssyncset.done $0x0  }
0x322: {  	s3 =	simm.s32 $0x0;
	s8 =	simm.s32 $0x19900;
	[sflag:s0] =	ssyncadd.s32 $0xFFFFF700  }
0x323: {  	s9 =	simm.s32 $0x10;
	s3 =	sand.u32 $0xFF0, s3;
	v10 =	vld [tilespmem:s8+$0x0]  }
.LBB2_20:
0x324: {  	p2 =	sne.s32 s9, $0x8F0;
	v11 =	vld [tilespmem:s3+$0x16800];
	_ =	sdelay $0x4  }
0x325: {  	v10 =	vadd.f32 v10, v11  }
.Ltmp9:
0x326: {  	(pc) =	sbr.rel @p2 .LBB2_20-.Ltmp9, $4  }
0x327: {  	v10 =	vmax.f32 v10, $0.0e+00  }
0x328: {  	v10 =	vmin.f32 v10, $1.000000000e+00  }
0x329: {  	s8 =	sadd.s32 $0x10, s8;
	[tilespmem:s3+$0x16800] =	vst v10  }
0x32a: {  	s3 =	sand.u32 $0xFF0, s9;
	s9 =	sadd.s32 $0x10, s9;
	v10 =	vld [tilespmem:s8+$0x0]  }
0x32b: {  	v11 =	vld [tilespmem:s3+$0x16800];
	_ =	sdelay $0x4  }
0x32c: {  	v10 =	vadd.f32 v10, v11;
	_ =	sdelay $0x1  }
0x32d: {  	s25 =	sld [smem:$0x7FB];
	v10 =	vmax.f32 v10, $0.0e+00  }
0x32e: {  	v10 =	vmin.f32 v10, $1.000000000e+00  }
0x32f: {  	[tilespmem:s3+$0x16800] =	vst v10  }
0x330: {  	[tilespmem:s28], [sflag:$0x1] =	stream.linear.gather [spmem:s25], $0x900, $0x200038;
	[tilespmem:$0x1F870] =	vst v63  }
0x331: {  	_ =	swait.ge [sflag:s20], $0x900  }
0x332: {  	[sflag:s20] =	ssyncset.done $0x0  }
0x333: {  	s31 =	simm.s32 $0x0;
	s8 =	simm.s32 $0x1A200;
	[sflag:s20] =	ssyncadd.s32 $0xFFFFF700  }
0x334: {  	s9 =	simm.s32 $0x10;
	s15 =	simm.s32 $0x4;
	s3 =	sand.u32 $0xFF0, s31;
	v10 =	vld [tilespmem:s8+$0x0]  }
.LBB2_22:
0x335: {  	p2 =	sne.s32 s9, $0x8F0;
	v11 =	vld [tilespmem:s3+$0x17100];
	_ =	sdelay $0x4  }
0x336: {  	v10 =	vadd.f32 v10, v11  }
.Ltmp10:
0x337: {  	(pc) =	sbr.rel @p2 .LBB2_22-.Ltmp10, $4  }
0x338: {  	v10 =	vmax.f32 v10, $0.0e+00  }
0x339: {  	v10 =	vmin.f32 v10, $1.000000000e+00  }
0x33a: {  	s8 =	sadd.s32 $0x10, s8;
	[tilespmem:s3+$0x17100] =	vst v10  }
0x33b: {  	s3 =	sand.u32 $0xFF0, s9;
	s9 =	sadd.s32 $0x10, s9;
	v10 =	vld [tilespmem:s8+$0x0]  }
0x33c: {  	v11 =	vld [tilespmem:s3+$0x17100];
	_ =	sdelay $0x4  }
0x33d: {  	v10 =	vadd.f32 v10, v11;
	_ =	sdelay $0x1  }
0x33e: {  	s25 =	sld [smem:$0x7FC];
	v10 =	vmax.f32 v10, $0.0e+00  }
0x33f: {  	v10 =	vmin.f32 v10, $1.000000000e+00  }
0x340: {  	[tilespmem:s3+$0x17100] =	vst v10  }
0x341: {  	[tilespmem:s30], [sflag:$0x2] =	stream.linear.gather [spmem:s25], $0x3A0, $0x200038;
	[tilespmem:$0x1F870] =	vst v63  }
0x342: {  	_ =	swait.ge [sflag:s0], $0x900  }
0x343: {  	[sflag:s0] =	ssyncset.done $0x0  }
0x344: {  	s31 =	simm.s32 $0x0;
	s8 =	simm.s32 $0x19900;
	[sflag:s0] =	ssyncadd.s32 $0xFFFFF700  }
0x345: {  	s9 =	simm.s32 $0x10;
	s3 =	sand.u32 $0xFF0, s31;
	v10 =	vld [tilespmem:s8+$0x0]  }
.LBB2_24:
0x346: {  	p2 =	sne.s32 s9, $0x8F0;
	v11 =	vld [tilespmem:s3+$0x17A00];
	_ =	sdelay $0x4  }
0x347: {  	v10 =	vadd.f32 v10, v11  }
.Ltmp11:
0x348: {  	(pc) =	sbr.rel @p2 .LBB2_24-.Ltmp11, $4  }
0x349: {  	v10 =	vmax.f32 v10, $0.0e+00  }
0x34a: {  	v10 =	vmin.f32 v10, $1.000000000e+00  }
0x34b: {  	s8 =	sadd.s32 $0x10, s8;
	[tilespmem:s3+$0x17A00] =	vst v10  }
0x34c: {  	s3 =	sand.u32 $0xFF0, s9;
	s9 =	sadd.s32 $0x10, s9;
	v10 =	vld [tilespmem:s8+$0x0]  }
0x34d: {  	v11 =	vld [tilespmem:s3+$0x17A00];
	_ =	sdelay $0x4  }
0x34e: {  	v10 =	vadd.f32 v10, v11;
	_ =	sdelay $0x1  }
0x34f: {  	v10 =	vmax.f32 v10, $0.0e+00  }
0x350: {  	v10 =	vmin.f32 v10, $1.000000000e+00  }
0x351: {  	[tilespmem:s3+$0x17A00] =	vst v10  }
0x352: {  	_ =	swait.ge [sflag:s20], $0x3A0  }
0x353: {  	[sflag:s20] =	ssyncset.done $0x0  }
0x354: {  	s31 =	simm.s32 $0x0;
	s8 =	simm.s32 $0x1A200;
	[sflag:s20] =	ssyncadd.s32 $0xFFFFFC60  }
0x355: {  	s9 =	simm.s32 $0x10;
	s3 =	sand.u32 $0x3F0, s31;
	v10 =	vld [tilespmem:s8+$0x0]  }
.LBB2_26:
0x356: {  	p2 =	sne.s32 s9, $0x390;
	v11 =	vld [tilespmem:s3+$0x18300];
	_ =	sdelay $0x4  }
0x357: {  	v10 =	vadd.f32 v10, v11  }
.Ltmp12:
0x358: {  	(pc) =	sbr.rel @p2 .LBB2_26-.Ltmp12, $4  }
0x359: {  	v10 =	vmax.f32 v10, $0.0e+00  }
0x35a: {  	v10 =	vmin.f32 v10, $1.000000000e+00  }
0x35b: {  	s8 =	sadd.s32 $0x10, s8;
	[tilespmem:s3+$0x18300] =	vst v10  }
0x35c: {  	s3 =	sand.u32 $0x3F0, s9;
	s9 =	sadd.s32 $0x10, s9;
	v10 =	vld [tilespmem:s8+$0x0]  }
0x35d: {  	v11 =	vld [tilespmem:s3+$0x18300];
	_ =	sdelay $0x4  }
0x35e: {  	v10 =	vadd.f32 v10, v11  }
0x35f: {  	s31 =	sld [smem:$0x7F3]  }
0x360: {  	v10 =	vmax.f32 v10, $0.0e+00  }
0x361: {  	v10 =	vmin.f32 v10, $1.000000000e+00  }
0x362: {  	[tilespmem:s3+$0x18300] =	vst v10;
	s3 =	sadd.s32 $0x1, s31  }
0x363: {  	p2 =	sne.s32 s3, $0x4  }
.Ltmp13:
0x364: {  	_ = 	snop;
	(pc) =	sbr.rel @p2 .LBB2_2-.Ltmp13, $3  }
0x365: {  	_ = 	snop  }
0x366: {  	_ =	strace $0x9000004C  }
0x367: {  	[bflag:$0x0] =	sbarrier.arrive $0xFFFF;
	_ =	sdelay $0x1  }
0x368: {  	s8 =	rddreg [dreg:$0x5]  }
0x369: {  	s3 =	simm.s32 @!p0 $0x0;
	s9 =	rddreg [dreg:$0x1c]  }
0x36a: {  	[hbm4b:s9+s3] =	stream.linear.scatter @!p0 [tilespmem:s8], [sflag:$0x4], $0x61A8, $0x38;
	[tilespmem:$0x1F870] =	vst v63  }
0x36b: {  	s3 =	simm.s32 @!p0 $0x4  }
0x36c: {  	_ =	swait.ge @!p0 [sflag:s3], $0x61A8  }
0x36d: {  	[sflag:s3] =	ssyncset.done @!p0 $0x0  }
0x36e: {  	[sflag:s3] =	ssyncadd.s32 @!p0 $0xFFFF9E58  }
0x36f: {  	_ =	strace $0x8000004D  }
0x370: {  	s13 =	simm.s32 $0x0;
	s7 =	simm.s32 $0x18700;
	s31 =	rddreg [dreg:$0x16]  }
0x371: {  	[tilespmem:s7], [sflag:$0x1] =	stream.linear.gather [hbm4b:s31+s13], $0x300, $0x200038;
	[tilespmem:$0x1F870] =	vst v63  }
0x372: {  	s10 =	simm.s32 $0x18A00;
	s9 =	rddreg [dreg:$0x8]  }
0x373: {  	[tilespmem:s10], [sflag:$0x1] =	stream.linear.gather [hbm4b:s9+s13], $0x300, $0x200038;
	[tilespmem:$0x1F870] =	vst v63  }
0x374: {  	s16 =	simm.s32 $0x18D00;
	s12 =	rddreg [dreg:$0xa]  }
0x375: {  	[tilespmem:s16], [sflag:$0x1] =	stream.linear.gather [hbm4b:s12+s13], $0x300, $0x200038;
	[tilespmem:$0x1F870] =	vst v63  }
0x376: {  	s21 =	simm.s32 $0x19000;
	s17 =	rddreg [dreg:$0xc]  }
0x377: {  	[tilespmem:s21], [sflag:$0x2] =	stream.linear.gather [hbm4b:s17+s13], $0x300, $0x200038;
	[tilespmem:$0x1F870] =	vst v63  }
0x378: {  	s24 =	rddreg [dreg:$0x10];
	s7 =	simm.s32 $0x19300  }
0x379: {  	[tilespmem:s7], [sflag:$0x2] =	stream.linear.gather [hbm4b:s24+s13], $0x300, $0x200038;
	[tilespmem:$0x1F870] =	vst v63  }
0x37a: {  	s25 =	rddreg [dreg:$0x12];
	s31 =	simm.s32 $0x19600;
	s24 =	simm.s32 $0x0  }
0x37b: {  	v10 =	vimm.f32 $1.000000000e+00;
	[tilespmem:s31], [sflag:$0x2] =	stream.linear.gather [hbm4b:s25+s13], $0x300, $0x200038;
	[tilespmem:$0x1F870] =	vst v63  }
.LBB2_29:
0x37c: {  	_ =	swait.ge [sflag:s0], $0x300  }
0x37d: {  	[sflag:s0] =	ssyncset.done $0x0  }
0x37e: {  	[sflag:s0] =	ssyncadd.s32 $0xFFFFFD00  }
0x37f: {  	_ =	swait.ge [sflag:s0], $0x300  }
0x380: {  	[sflag:s0] =	ssyncset.done $0x0  }
0x381: {  	[sflag:s0] =	ssyncadd.s32 $0xFFFFFD00  }
0x382: {  	_ =	swait.ge [sflag:s0], $0x300  }
0x383: {  	[sflag:s0] =	ssyncset.done $0x0  }
0x384: {  	s3 =	sand.u32 $0x3F0, s13;
	[sflag:s0] =	ssyncadd.s32 $0xFFFFFD00  }
0x385: {  	s8 =	simm.s32 $0x18700;
	v12 =	vld [tilespmem:s3+$0x18A00]  }
0x386: {  	v14 =	vld [tilespmem:s8+$0x0]  }
0x387: {  	v17 =	vld [tilespmem:s3+$0x18D00];
	_ =	sdelay $0x2  }
0x388: {  	s12 =	simm.s32 $0x10;
	v11 =	vshrl.u32 v12, $0x1  }
0x389: {  	s3 =	sand.u32 $0x3F0, s12;
	v13 =	vshrl.u32 v14, $0x1  }
0x38a: {  	s16 =	simm.s32 $0x18710;
	v16 =	vld [tilespmem:s3+$0x18A00];
	v18 =	vshrl.u32 v17, $0x1  }
0x38b: {  	v21 =	vld [tilespmem:s16+$0x0]  }
0x38c: {  	v15 =	vld [tilespmem:s3+$0x18D00]  }
0x38d: {  	v20 =	vld.idx.msk [tilespmem:v11+s4+$0x0], $0xffff  }
0x38e: {  	s17 =	simm.s32 $0x20;
	v22 =	vld.idx.msk [tilespmem:v13+s4+$0x0], $0xffff  }
0x38f: {  	s21 =	sand.u32 $0x3F0, s17;
	v19 =	vshrl.u32 v16, $0x1;
	v24 =	vld.idx.msk [tilespmem:v18+s4+$0x0], $0xffff  }
0x390: {  	s25 =	simm.s32 $0x18720;
	v23 =	vshrl.u32 v21, $0x1;
	v11 =	vld [tilespmem:s21+$0x18A00]  }
0x391: {  	s31 =	simm.s32 $0x30;
	v25 =	vshrl.u32 v15, $0x1;
	v13 =	vld [tilespmem:s25+$0x0]  }
0x392: {  	s3 =	sand.u32 $0x3F0, s31;
	v26 =	vand.u32 $0x1, v14;
	v12 =	vand.u32 $0x1, v12;
	v27 =	vand.u32 $0x1, v17;
	v18 =	vld [tilespmem:s21+$0x18D00]  }
0x393: {  	v14 =	vld [tilespmem:s3+$0x18A00];
	vm0 =	veq.s32 v26, $0x0;
	v28 =	vsub.f32 $1.000000000e+00, v22;
	v29 =	vsub.f32 $1.000000000e+00, v20  }
0x394: {  	vm1 =	veq.s32 v12, $0x0;
	vm15 =	veq.s32 v27, $0x0;
	v17 =	vld.idx.msk [tilespmem:v19+s4+$0x0], $0xffff;
	v12 =	vsub.f32 $1.000000000e+00, v24  }
0x395: {  	v19 =	vld.idx.msk [tilespmem:v23+s4+$0x0], $0xffff;
	v23 =	vshrl.u32 v11, $0x1;
	v22 =	vsel vm0, v22, v28;
	v26 =	vsel vm1, v20, v29  }
0x396: {  	s8 =	simm.s32 $0x18730;
	v20 =	vld.idx.msk [tilespmem:v25+s4+$0x0], $0xffff;
	v27 =	vsel vm15, v24, v12;
	v24 =	vshrl.u32 v13, $0x1;
	v22 =	vmax.f32 v22, v26  }
0x397: {  	s9 =	simm.s32 $0x40;
	v12 =	vld [tilespmem:s8+$0x0];
	v25 =	vshrl.u32 v18, $0x1;
	v22 =	vmax.f32 v22, v27  }
.LBB2_30:
0x398: {  	p2 =	sne.s32 s9, $0x2F0;
	v26 =	vld [tilespmem:s3+$0x18D00];
	s3 =	sand.u32 $0x3F0, s9;
	v10 =	vmul.f32 v22, v10  }
0x399: {  	v21 =	vand.u32 $0x1, v21;
	v34 =	vand.u32 $0x1, v16;
	v28 =	vand.u32 $0x1, v15;
	v15 =	vmovc v18;
	v16 =	vmovc v11;
	v27 =	vld [tilespmem:s3+$0x18A00]  }
.Ltmp14:
0x39a: {  	v29 =	vsub.f32 $1.000000000e+00, v17;
	v11 =	vmovc v14;
	v30 =	vmovc v17;
	v32 =	vsub.f32 $1.000000000e+00, v19;
	v17 =	vld.idx.msk [tilespmem:v23+s4+$0x0], $0xffff;
	v23 =	vshrl.u32 v14, $0x1;
	(pc) =	sbr.rel @p2 .LBB2_30-.Ltmp14, $4  }
0x39b: {  	vm0 =	veq.s32 v21, $0x0;
	vm1 =	veq.s32 v34, $0x0;
	v31 =	vmovc v19;
	v33 =	vsub.f32 $1.000000000e+00, v20;
	v22 =	vmovc v20;
	v19 =	vld.idx.msk [tilespmem:v24+s4+$0x0], $0xffff  }
0x39c: {  	v31 =	vsel vm0, v31, v32;
	vm0 =	veq.s32 v28, $0x0;
	v21 =	vmovc v13;
	v20 =	vld.idx.msk [tilespmem:v25+s4+$0x0], $0xffff;
	v25 =	vsel vm1, v30, v29  }
0x39d: {  	s8 =	sadd.s32 $0x10, s8;
	v24 =	vshrl.u32 v12, $0x1;
	v28 =	vsel vm0, v22, v33;
	v13 =	vmovc v12;
	v22 =	vmax.f32 v31, v25;
	v18 =	vmovc v26  }
0x39e: {  	s9 =	sadd.s32 $0x10, s9;
	v12 =	vld [tilespmem:s8+$0x0];
	v25 =	vshrl.u32 v18, $0x1;
	v22 =	vmax.f32 v22, v28;
	v14 =	vmov v27  }
0x39f: {  	v26 =	vld [tilespmem:s3+$0x18D00];
	_ =	sdelay $0x2  }
0x3a0: {  	v27 =	vshrl.u32 v14, $0x1;
	s8 =	sshll.u32 s24, $0x1  }
0x3a1: {  	p2 =	seq.s32 s24, $0x81;
	s3 =	sadd.s32 $0x2, s8;
	v28 =	vshrl.u32 v12, $0x1  }
0x3a2: {  	v23 =	vld.idx.msk [tilespmem:v23+s4+$0x0], $0xffff;
	s8 =	smul.u32 @!p2 $0x300, s3;
	v29 =	vshrl.u32 v26, $0x1  }
0x3a3: {  	v24 =	vld.idx.msk [tilespmem:v24+s4+$0x0], $0xffff  }
0x3a4: {  	v25 =	vld.idx.msk [tilespmem:v25+s4+$0x0], $0xffff;
	s8 =	sadd.s32 @!p2 s19, s8  }
0x3a5: {  	v27 =	vld.idx.msk [tilespmem:v27+s4+$0x0], $0xffff;
	s8 =	sshrl.u32 @!p2 s8, $0x3  }
0x3a6: {  	s9 =	simm.s32 @!p2 $0x0;
	s10 =	simm.s32 @!p2 $0x18700;
	s8 =	sadd.s32 @!p2 s5, s8;
	v28 =	vld.idx.msk [tilespmem:v28+s4+$0x0], $0xffff  }
0x3a7: {  	v29 =	vld.idx.msk [tilespmem:v29+s4+$0x0], $0xffff;
	[tilespmem:s10], [sflag:$0x1] =	stream.linear.gather @!p2 [hbm4b:s8+s9], $0x300, $0x200038  }
0x3a8: {  	s12 =	simm.s32 @!p2 $0x18A00;
	s10 =	sadd.s32 @!p2 $0x30D40, s8  }
0x3a9: {  	[tilespmem:s12], [sflag:$0x1] =	stream.linear.gather @!p2 [hbm4b:s10+s9], $0x300, $0x200038;
	[tilespmem:$0x1F870] =	vst v63  }
0x3aa: {  	p3 =	sne.s32 s3, $0x104;
	s8 =	sadd.s32 @!p2 $0x61A80, s8;
	s10 =	simm.s32 @!p2 $0x18D00  }
0x3ab: {  	[tilespmem:s10], [sflag:$0x1] =	stream.linear.gather @!p2 [hbm4b:s8+s9], $0x300, $0x200038;
	[tilespmem:$0x1F870] =	vst v63  }
0x3ac: {  	s3 =	simm.s32 @!p3 $0x0;
	s8 =	simm.s32 @!p3 $0x18700;
	s9 =	rddreg [dreg:$0x14]  }
0x3ad: {  	[tilespmem:s8], [sflag:$0x1] =	stream.linear.gather @!p3 [hbm4b:s9+s3], $0x140, $0x200038;
	[tilespmem:$0x1F870] =	vst v63  }
0x3ae: {  	s8 =	simm.s32 @!p3 $0x18840;
	s9 =	rddreg [dreg:$0x18]  }
0x3af: {  	[tilespmem:s8], [sflag:$0x1] =	stream.linear.gather @!p3 [hbm4b:s9+s3], $0x140, $0x200038;
	[tilespmem:$0x1F870] =	vst v63  }
0x3b0: {  	s8 =	simm.s32 @!p3 $0x18980;
	s9 =	rddreg [dreg:$0x1a]  }
0x3b1: {  	[tilespmem:s8], [sflag:$0x1] =	stream.linear.gather @!p3 [hbm4b:s9+s3], $0x140, $0x200038;
	[tilespmem:$0x1F870] =	vst v63  }
0x3b2: {  	_ =	swait.ge [sflag:s20], $0x300  }
0x3b3: {  	[sflag:s20] =	ssyncset.done $0x0  }
0x3b4: {  	[sflag:s20] =	ssyncadd.s32 $0xFFFFFD00  }
0x3b5: {  	_ =	swait.ge [sflag:s20], $0x300  }
0x3b6: {  	v21 =	vand.u32 $0x1, v21;
	v16 =	vand.u32 $0x1, v16;
	[sflag:s20] =	ssyncset.done $0x0  }
0x3b7: {  	v30 =	vsub.f32 $1.000000000e+00, v19;
	vm0 =	veq.s32 v21, $0x0;
	v21 =	vsub.f32 $1.000000000e+00, v17;
	[sflag:s20] =	ssyncadd.s32 $0xFFFFFD00  }
0x3b8: {  	v15 =	vand.u32 $0x1, v15;
	vm1 =	veq.s32 v16, $0x0;
	v16 =	vsub.f32 $1.000000000e+00, v20;
	_ =	swait.ge [sflag:s20], $0x300  }
0x3b9: {  	vm6 =	veq.s32 v15, $0x0;
	v19 =	vsel vm0, v19, v30;
	v17 =	vsel vm1, v17, v21;
	s9 =	simm.s32 $0x0;
	[sflag:s20] =	ssyncset.done $0x0  }
0x3ba: {  	v15 =	vsel vm6, v20, v16;
	v16 =	vmax.f32 v19, v17;
	s3 =	sand.u32 $0x3F0, s9;
	[sflag:s20] =	ssyncadd.s32 $0xFFFFFD00  }
0x3bb: {  	v15 =	vmax.f32 v16, v15;
	s10 =	simm.s32 $0x19000;
	v16 =	vld [tilespmem:s3+$0x19300]  }
0x3bc: {  	v10 =	vmul.f32 v22, v10;
	v17 =	vld [tilespmem:s10+$0x0]  }
0x3bd: {  	v11 =	vand.u32 $0x1, v11;
	v18 =	vand.u32 $0x1, v18;
	v20 =	vsub.f32 $1.000000000e+00, v23;
	v19 =	vld [tilespmem:s3+$0x19600]  }
0x3be: {  	v15 =	vmul.f32 v15, v10;
	v10 =	vand.u32 $0x1, v13;
	v13 =	vsub.f32 $1.000000000e+00, v24  }
0x3bf: {  	vm8 =	veq.s32 v11, $0x0;
	vm7 =	veq.s32 v10, $0x0;
	v10 =	vsub.f32 $1.000000000e+00, v25  }
0x3c0: {  	v11 =	vsel vm7, v24, v13;
	v13 =	vsel vm8, v23, v20;
	v20 =	vshrl.u32 v16, $0x1  }
0x3c1: {  	s16 =	simm.s32 $0x19010;
	vm9 =	veq.s32 v18, $0x0;
	v11 =	vmax.f32 v11, v13;
	s12 =	simm.s32 $0x10;
	v13 =	vshrl.u32 v17, $0x1  }
0x3c2: {  	v10 =	vsel vm9, v25, v10;
	s3 =	sand.u32 $0x3F0, s12;
	v18 =	vld [tilespmem:s16+$0x0];
	v21 =	vshrl.u32 v19, $0x1  }
0x3c3: {  	v14 =	vand.u32 $0x1, v14;
	v11 =	vmax.f32 v11, v10;
	v10 =	vld [tilespmem:s3+$0x19300]  }
0x3c4: {  	v12 =	vand.u32 $0x1, v12;
	v15 =	vmul.f32 v11, v15;
	v22 =	vsub.f32 $1.000000000e+00, v28;
	v11 =	vld [tilespmem:s3+$0x19600]  }
0x3c5: {  	vm11 =	veq.s32 v14, $0x0;
	vm10 =	veq.s32 v12, $0x0;
	v24 =	vsub.f32 $1.000000000e+00, v27;
	v20 =	vld.idx.msk [tilespmem:v20+s4+$0x0], $0xffff  }
0x3c6: {  	s17 =	simm.s32 $0x20;
	v23 =	vand.u32 $0x1, v26;
	v12 =	vsub.f32 $1.000000000e+00, v29;
	v14 =	vsel vm10, v28, v22;
	v22 =	vld.idx.msk [tilespmem:v13+s4+$0x0], $0xffff  }
0x3c7: {  	s21 =	sand.u32 $0x3F0, s17;
	vm12 =	veq.s32 v23, $0x0;
	v25 =	vshrl.u32 v18, $0x1;
	v13 =	vsel vm11, v27, v24;
	v24 =	vld.idx.msk [tilespmem:v21+s4+$0x0], $0xffff  }
0x3c8: {  	s25 =	simm.s32 $0x19020;
	v23 =	vshrl.u32 v10, $0x1;
	v21 =	vsel vm12, v29, v12;
	v12 =	vld [tilespmem:s21+$0x19300];
	v13 =	vmax.f32 v14, v13  }
0x3c9: {  	s31 =	simm.s32 $0x30;
	v61 =	vand.u32 $0x1, v19;
	v26 =	vshrl.u32 v11, $0x1;
	v14 =	vmax.f32 v13, v21;
	v13 =	vld [tilespmem:s25+$0x0]  }
0x3ca: {  	s3 =	sand.u32 $0x3F0, s31;
	vm15 =	veq.s32 v61, $0x0;
	v27 =	vand.u32 $0x1, v16;
	v21 =	vld [tilespmem:s21+$0x19600];
	v14 =	vmul.f32 v14, v15  }
0x3cb: {  	v16 =	vld [tilespmem:s3+$0x19300];
	v15 =	vand.u32 $0x1, v17;
	v62 =	vsub.f32 $1.000000000e+00, v22;
	v63 =	vsub.f32 $1.000000000e+00, v20  }
0x3cc: {  	v19 =	vld.idx.msk [tilespmem:v25+s4+$0x0], $0xffff;
	vm14 =	veq.s32 v27, $0x0;
	vm13 =	veq.s32 v15, $0x0;
	v15 =	vsub.f32 $1.000000000e+00, v24  }
0x3cd: {  	v17 =	vld.idx.msk [tilespmem:v23+s4+$0x0], $0xffff;
	v23 =	vsel vm13, v22, v62;
	v25 =	vsel vm14, v20, v63;
	v22 =	vshrl.u32 v12, $0x1  }
0x3ce: {  	s8 =	simm.s32 $0x19030;
	v20 =	vld.idx.msk [tilespmem:v26+s4+$0x0], $0xffff;
	v26 =	vsel vm15, v24, v15;
	v25 =	vmax.f32 v23, v25;
	v23 =	vshrl.u32 v13, $0x1  }
0x3cf: {  	s9 =	simm.s32 $0x40;
	v15 =	vld [tilespmem:s8+$0x0];
	v24 =	vshrl.u32 v21, $0x1;
	v25 =	vmax.f32 v25, v26  }
.LBB2_32:
0x3d0: {  	p3 =	sne.s32 s9, $0x2F0;
	v26 =	vld [tilespmem:s3+$0x19600];
	s3 =	sand.u32 $0x3F0, s9;
	v14 =	vmul.f32 v25, v14  }
0x3d1: {  	v18 =	vand.u32 $0x1, v18;
	v34 =	vand.u32 $0x1, v10;
	v28 =	vand.u32 $0x1, v11;
	v11 =	vmovc v21;
	v10 =	vmovc v12;
	v27 =	vld [tilespmem:s3+$0x19300]  }
.Ltmp15:
0x3d2: {  	v29 =	vsub.f32 $1.000000000e+00, v17;
	v12 =	vmovc v16;
	v30 =	vmovc v17;
	v32 =	vsub.f32 $1.000000000e+00, v19;
	v17 =	vld.idx.msk [tilespmem:v22+s4+$0x0], $0xffff;
	v22 =	vshrl.u32 v16, $0x1;
	(pc) =	sbr.rel @p3 .LBB2_32-.Ltmp15, $4  }
0x3d3: {  	vm0 =	veq.s32 v18, $0x0;
	vm1 =	veq.s32 v34, $0x0;
	v31 =	vmovc v19;
	v33 =	vsub.f32 $1.000000000e+00, v20;
	v25 =	vmovc v20;
	v19 =	vld.idx.msk [tilespmem:v23+s4+$0x0], $0xffff  }
0x3d4: {  	v31 =	vsel vm0, v31, v32;
	vm0 =	veq.s32 v28, $0x0;
	v18 =	vmovc v13;
	v20 =	vld.idx.msk [tilespmem:v24+s4+$0x0], $0xffff;
	v24 =	vsel vm1, v30, v29  }
0x3d5: {  	s8 =	sadd.s32 $0x10, s8;
	v23 =	vshrl.u32 v15, $0x1;
	v28 =	vsel vm0, v25, v33;
	v13 =	vmovc v15;
	v25 =	vmax.f32 v31, v24;
	v21 =	vmovc v26  }
0x3d6: {  	s9 =	sadd.s32 $0x10, s9;
	v15 =	vld [tilespmem:s8+$0x0];
	v24 =	vshrl.u32 v21, $0x1;
	v25 =	vmax.f32 v25, v28;
	v16 =	vmov v27  }
0x3d7: {  	v26 =	vld [tilespmem:s3+$0x19600];
	_ =	sdelay $0x1  }
0x3d8: {  	v18 =	vand.u32 $0x1, v18;
	v10 =	vand.u32 $0x1, v10  }
0x3d9: {  	v11 =	vand.u32 $0x1, v11;
	v27 =	vshrl.u32 v16, $0x1;
	v29 =	vsub.f32 $1.000000000e+00, v17  }
0x3da: {  	v13 =	vand.u32 $0x1, v13;
	v12 =	vand.u32 $0x1, v12;
	v47 =	vshrl.u32 v15, $0x1  }
0x3db: {  	v22 =	vld.idx.msk [tilespmem:v22+s4+$0x0], $0xffff;
	v50 =	vand.u32 $0x1, v21;
	v57 =	vand.u32 $0x1, v16;
	v30 =	vshrl.u32 v26, $0x1  }
0x3dc: {  	v23 =	vld.idx.msk [tilespmem:v23+s4+$0x0], $0xffff;
	v28 =	vsub.f32 $1.000000000e+00, v19;
	vm0 =	veq.s32 v18, $0x0;
	vm1 =	veq.s32 v10, $0x0  }
0x3dd: {  	v24 =	vld.idx.msk [tilespmem:v24+s4+$0x0], $0xffff;
	vm9 =	veq.s32 v11, $0x0;
	v11 =	vmul.f32 v25, v14;
	vm10 =	veq.s32 v13, $0x0  }
0x3de: {  	vm11 =	veq.s32 v12, $0x0;
	vm12 =	veq.s32 v50, $0x0;
	v10 =	vsub.f32 $1.000000000e+00, v20;
	v49 =	vld.idx.msk [tilespmem:v27+s4+$0x0], $0xffff  }
0x3df: {  	vm14 =	veq.s32 v57, $0x0;
	v17 =	vsel vm1, v17, v29;
	v19 =	vsel vm0, v19, v28;
	v18 =	vld.idx.msk [tilespmem:v47+s4+$0x0], $0xffff  }
0x3e0: {  	v10 =	vsel vm9, v20, v10;
	v48 =	vmax.f32 v19, v17;
	v56 =	vand.u32 $0x1, v15;
	v54 =	vld.idx.msk [tilespmem:v30+s4+$0x0], $0xffff  }
0x3e1: {  	v10 =	vmax.f32 v48, v10;
	v51 =	vsub.f32 $1.000000000e+00, v23;
	v52 =	vsub.f32 $1.000000000e+00, v22  }
0x3e2: {  	v53 =	vsub.f32 $1.000000000e+00, v24;
	v58 =	vand.u32 $0x1, v26;
	vm13 =	veq.s32 v56, $0x0  }
0x3e3: {  	v10 =	vmul.f32 v10, v11;
	vm15 =	veq.s32 v58, $0x0;
	v19 =	vsel vm10, v23, v51  }
0x3e4: {  	v20 =	vsel vm11, v22, v52;
	v60 =	vsub.f32 $1.000000000e+00, v49;
	v59 =	vsub.f32 $1.000000000e+00, v18  }
0x3e5: {  	v11 =	vsel vm12, v24, v53;
	v55 =	vmax.f32 v19, v20;
	v61 =	vsub.f32 $1.000000000e+00, v54  }
.Ltmp16:
0x3e6: {  	v11 =	vmax.f32 v55, v11;
	v14 =	vsel vm14, v49, v60;
	v62 =	vsel vm13, v18, v59;
	(pc) =	sbr.rel @p2 .LBB2_35-.Ltmp16, $3  }
0x3e7: {  	v10 =	vmul.f32 v11, v10;
	v11 =	vsel vm15, v54, v61;
	v63 =	vmax.f32 v62, v14  }
0x3e8: {  	v11 =	vmax.f32 v63, v11  }
0x3e9: {  	v10 =	vmul.f32 v11, v10;
	_ =	sdelay $0x1  }
0x3ea: {  	s8 =	sld [smem:$0x7F9]  }
0x3eb: {  	s3 =	smul.u32 $0x600, s24;
	_ =	sdelay $0x1  }
0x3ec: {  	s3 =	sadd.s32 s3, s8  }
0x3ed: {  	s3 =	sshrl.u32 s3, $0x3  }
0x3ee: {  	s21 =	simm.s32 $0x19000;
	s3 =	sadd.s32 s5, s3  }
0x3ef: {  	[tilespmem:s21], [sflag:$0x2] =	stream.linear.gather [hbm4b:s3+s4], $0x300, $0x200038;
	[tilespmem:$0x1F870] =	vst v63  }
.Ltmp17:
0x3f0: {  	_ = 	snop;
	(pc) =	sbr.rel .LBB2_29-.Ltmp17, $4  }
0x3f1: {  	s7 =	simm.s32 $0x19300;
	s25 =	sadd.s32 $0x30D40, s3  }
0x3f2: {  	[tilespmem:s7], [sflag:$0x2] =	stream.linear.gather [hbm4b:s25+s4], $0x300, $0x200038;
	[tilespmem:$0x1F870] =	vst v63  }
0x3f3: {  	s31 =	simm.s32 $0x19600;
	s24 =	sadd.s32 $0x1, s24;
	s3 =	sadd.s32 $0x61A80, s3  }
0x3f4: {  	[tilespmem:s31], [sflag:$0x2] =	stream.linear.gather [hbm4b:s3+s4], $0x300, $0x200038;
	[tilespmem:$0x1F870] =	vst v63  }
.LBB2_35:
0x3f5: {  	_ =	swait.ge [sflag:s0], $0x140  }
0x3f6: {  	[sflag:s0] =	ssyncset.done $0x0  }
0x3f7: {  	[sflag:s0] =	ssyncadd.s32 $0xFFFFFEC0  }
0x3f8: {  	_ =	swait.ge [sflag:s0], $0x140  }
0x3f9: {  	[sflag:s0] =	ssyncset.done $0x0  }
0x3fa: {  	[sflag:s0] =	ssyncadd.s32 $0xFFFFFEC0  }
0x3fb: {  	_ =	swait.ge [sflag:s0], $0x140  }
0x3fc: {  	[sflag:s0] =	ssyncset.done $0x0  }
0x3fd: {  	s3 =	simm.s32 $0x18840;
	[sflag:s0] =	ssyncadd.s32 $0xFFFFFEC0  }
0x3fe: {  	s8 =	simm.s32 $0x0;
	v11 =	vld [tilespmem:s3+$0xFFFFFEC0]  }
0x3ff: {  	s13 =	sand.u32 $0x1F0, s8;
	v12 =	vld [tilespmem:s3+$0x0]  }
0x400: {  	v13 =	vld [tilespmem:s13+$0x18980];
	_ =	sdelay $0x2  }
0x401: {  	v14 =	vshrl.u32 v11, $0x1  }
0x402: {  	s16 =	simm.s32 $0x18850;
	v15 =	vshrl.u32 v12, $0x1  }
0x403: {  	s17 =	simm.s32 $0x10;
	v16 =	vld [tilespmem:s16+$0xFFFFFEC0];
	v17 =	vshrl.u32 v13, $0x1  }
0x404: {  	s21 =	sand.u32 $0x1F0, s17;
	v18 =	vld [tilespmem:s16+$0x0]  }
0x405: {  	v19 =	vld [tilespmem:s21+$0x18980]  }
0x406: {  	v20 =	vld.idx.msk [tilespmem:v14+s4+$0x0], $0xffff  }
0x407: {  	v21 =	vld.idx.msk [tilespmem:v15+s4+$0x0], $0xffff  }
0x408: {  	s24 =	simm.s32 $0x18860;
	v14 =	vshrl.u32 v16, $0x1;
	v23 =	vld.idx.msk [tilespmem:v17+s4+$0x0], $0xffff  }
0x409: {  	s25 =	simm.s32 $0x20;
	v25 =	vld [tilespmem:s24+$0xFFFFFEC0];
	v22 =	vand.u32 $0x1, v11;
	v12 =	vand.u32 $0x1, v12;
	v24 =	vshrl.u32 v18, $0x1  }
0x40a: {  	s31 =	sand.u32 $0x1F0, s25;
	v28 =	vld [tilespmem:s24+$0x0];
	v26 =	vand.u32 $0x1, v13;
	v27 =	vshrl.u32 v19, $0x1;
	v11 =	vand.u32 $0x1, v19  }
0x40b: {  	v13 =	vld [tilespmem:s31+$0x18980];
	vm0 =	veq.s32 v22, $0x0;
	v15 =	vand.u32 $0x1, v16;
	v16 =	vsub.f32 $1.000000000e+00, v20  }
0x40c: {  	vm1 =	veq.s32 v26, $0x0;
	v17 =	vand.u32 $0x1, v18;
	v18 =	vsub.f32 $1.000000000e+00, v21  }
0x40d: {  	vm15 =	veq.s32 v12, $0x0;
	v14 =	vld.idx.msk [tilespmem:v14+s4+$0x0], $0xffff;
	v19 =	vsel vm0, v20, v16;
	v20 =	vsub.f32 $1.000000000e+00, v23  }
0x40e: {  	v22 =	vshrl.u32 v25, $0x1;
	v12 =	vand.u32 $0x1, v25;
	v16 =	vld.idx.msk [tilespmem:v24+s4+$0x0], $0xffff;
	v24 =	vsel vm15, v21, v18  }
0x40f: {  	s3 =	simm.s32 $0x18870;
	v18 =	vld.idx.msk [tilespmem:v27+s4+$0x0], $0xffff;
	v21 =	vshrl.u32 v28, $0x1;
	v24 =	vmax.f32 v19, v24;
	v25 =	vsel vm1, v23, v20  }
0x410: {  	s9 =	simm.s32 $0x40;
	s8 =	simm.s32 $0x30;
	v19 =	vand.u32 $0x1, v28;
	v20 =	vld [tilespmem:s3+$0xFFFFFEC0];
	v23 =	vshrl.u32 v13, $0x1;
	v24 =	vmax.f32 v24, v25  }
.LBB2_36:
0x411: {  	p2 =	sne.s32 s9, $0x130  }
0x412: {  	v25 =	vld [tilespmem:s3+$0x0];
	s10 =	sand.u32 $0x1F0, s8;
	v29 =	vand.u32 $0x1, v13;
	v10 =	vmul.f32 v24, v10;
	s8 =	smov.u32 s9;
	s9 =	sadd.s32 $0x10, s9  }
0x413: {  	v24 =	vsub.f32 $1.000000000e+00, v14;
	v27 =	vmov v14;
	v13 =	vld [tilespmem:s10+$0x18980]  }
.Ltmp18:
0x414: {  	vm0 =	veq.s32 v15, $0x0;
	vm1 =	veq.s32 v11, $0x0;
	v28 =	vsub.f32 $1.000000000e+00, v16;
	v11 =	vmovc v29;
	v26 =	vmovc v16;
	v14 =	vld.idx.msk [tilespmem:v22+s4+$0x0], $0xffff;
	(pc) =	sbr.rel @p2 .LBB2_36-.Ltmp18, $4  }
0x415: {  	v15 =	vmovc v12;
	v24 =	vsel vm0, v27, v24;
	vm0 =	veq.s32 v17, $0x0;
	v27 =	vsub.f32 $1.000000000e+00, v18;
	v16 =	vld.idx.msk [tilespmem:v21+s4+$0x0], $0xffff;
	v29 =	vmovc v18  }
0x416: {  	v17 =	vmovc v19;
	v22 =	vshrl.u32 v20, $0x1;
	v12 =	vand.u32 $0x1, v20;
	v18 =	vld.idx.msk [tilespmem:v23+s4+$0x0], $0xffff;
	v20 =	vsel vm0, v26, v28  }
0x417: {  	s3 =	sadd.s32 $0x10, s3;
	v26 =	vsel vm1, v29, v27;
	v21 =	vshrl.u32 v25, $0x1;
	v24 =	vmax.f32 v24, v20  }
0x418: {  	v19 =	vand.u32 $0x1, v25;
	v20 =	vld [tilespmem:s3+$0xFFFFFEC0];
	v23 =	vshrl.u32 v13, $0x1;
	v24 =	vmax.f32 v24, v26  }
0x419: {  	v25 =	vld [tilespmem:s3+$0x0];
	s21 =	sand.u32 $0x1F0, s8  }
0x41a: {  	v26 =	vld [tilespmem:s21+$0x18980];
	_ =	sdelay $0x2  }
0x41b: {  	v27 =	vshrl.u32 v20, $0x1  }
0x41c: {  	v10 =	vmul.f32 v24, v10;
	v22 =	vld.idx.msk [tilespmem:v22+s4+$0x0], $0xffff;
	v46 =	vshrl.u32 v25, $0x1  }
0x41d: {  	v28 =	vsub.f32 $1.000000000e+00, v14;
	v21 =	vld.idx.msk [tilespmem:v21+s4+$0x0], $0xffff;
	vm0 =	veq.s32 v15, $0x0;
	v30 =	vshrl.u32 v26, $0x1  }
0x41e: {  	vm1 =	veq.s32 v17, $0x0;
	v48 =	vld.idx.msk [tilespmem:v23+s4+$0x0], $0xffff;
	vm9 =	veq.s32 v11, $0x0;
	v29 =	vsub.f32 $1.000000000e+00, v16  }
0x41f: {  	v13 =	vand.u32 $0x1, v13;
	vm10 =	veq.s32 v12, $0x0;
	v47 =	vsub.f32 $1.000000000e+00, v18  }
0x420: {  	vm11 =	veq.s32 v19, $0x0;
	v14 =	vsel vm0, v14, v28;
	v11 =	vsel vm1, v16, v29;
	v49 =	vld.idx.msk [tilespmem:v27+s4+$0x0], $0xffff  }
0x421: {  	vm12 =	veq.s32 v13, $0x0;
	v15 =	vsel vm9, v18, v47;
	v11 =	vmax.f32 v14, v11;
	v52 =	vld.idx.msk [tilespmem:v46+s4+$0x0], $0xffff  }
0x422: {  	v50 =	vand.u32 $0x1, v20;
	v51 =	vand.u32 $0x1, v25;
	v54 =	vsub.f32 $1.000000000e+00, v22;
	v56 =	vld.idx.msk [tilespmem:v30+s4+$0x0], $0xffff  }
0x423: {  	v11 =	vmax.f32 v11, v15;
	v55 =	vsub.f32 $1.000000000e+00, v21;
	v57 =	vsub.f32 $1.000000000e+00, v48  }
0x424: {  	vm13 =	veq.s32 v50, $0x0;
	v53 =	vand.u32 $0x1, v26;
	v10 =	vmul.f32 v11, v10  }
0x425: {  	vm14 =	veq.s32 v51, $0x0;
	v58 =	vsel vm10, v22, v54;
	v59 =	vsel vm11, v21, v55  }
0x426: {  	v11 =	vsel vm12, v48, v57;
	v61 =	vsub.f32 $1.000000000e+00, v49;
	v62 =	vsub.f32 $1.000000000e+00, v52  }
0x427: {  	vm15 =	veq.s32 v53, $0x0;
	v60 =	vmax.f32 v58, v59;
	v63 =	vsub.f32 $1.000000000e+00, v56  }
0x428: {  	v11 =	vmax.f32 v60, v11;
	v12 =	vsel vm13, v49, v61;
	v13 =	vsel vm14, v52, v62  }
0x429: {  	v10 =	vmul.f32 v11, v10;
	v11 =	vsel vm15, v56, v63;
	v12 =	vmax.f32 v12, v13  }
0x42a: {  	v11 =	vmax.f32 v12, v11  }
0x42b: {  	v10 =	vmul.f32 v11, v10;
	_ =	sdelay $0x1  }
0x42c: {  	s7 =	simm.s32 $0x1C300;
	_ =	strace $0x9000004D;
	[tilespmem:$0x1C300] =	vst v10  }
0x42d: {  	v11 =	vld.idx.msk [tilespmem:v6+s7+$0x0], $0xffff;
	_ =	sdelay $0x4  }
0x42e: {  	v10 =	vmul.f32 v11, v10;
	_ =	sdelay $0x1  }
0x42f: {  	[tilespmem:$0x1C300] =	vst v10  }
0x430: {  	v11 =	vld.idx.msk [tilespmem:v7+s7+$0x0], $0xffff;
	_ =	sdelay $0x4  }
0x431: {  	v10 =	vmul.f32 v11, v10;
	_ =	sdelay $0x1  }
0x432: {  	[tilespmem:$0x1C300] =	vst v10  }
0x433: {  	v11 =	vld.idx.msk [tilespmem:v8+s7+$0x0], $0xffff;
	_ =	sdelay $0x4  }
0x434: {  	v10 =	vmul.f32 v11, v10;
	_ =	sdelay $0x1  }
0x435: {  	[tilespmem:$0x1C300] =	vst v10  }
0x436: {  	v11 =	vld.idx.msk [tilespmem:v9+s7+$0x0], $0xffff;
	_ =	sdelay $0x4  }
0x437: {  	v10 =	vmul.f32 v11, v10;
	_ =	sdelay $0x1  }
0x438: {  	s24 =	rddreg [dreg:$0xd];
	[tilespmem:$0x1C300] =	vst v10  }
0x439: {  	[spmem:s24] =	stream.linear.scatter [tilespmem:s7], [sflag:$0x4], $0x80, $0x38;
	[tilespmem:$0x1F870] =	vst v63  }
0x43a: {  	_ =	swait.ge [sflag:s15], $0x80  }
0x43b: {  	[sflag:s15] =	ssyncset.done $0x0  }
0x43c: {  	[sflag:s15] =	ssyncadd.s32 $0xFFFFFF80  }
0x43d: {  	[bflag:$0x0] =	sbarrier.arrive $0xFFFF  }
0x43e: {  	s3 =	simm.s32 @!p1 $0x1C380;
	s8 =	rddreg [dreg:$0xe]  }
0x43f: {  	[tilespmem:s3], [sflag:$0x4] =	stream.linear.gather @!p1 [spmem:s8], $0x400, $0x38;
	[tilespmem:$0x1F870] =	vst v63  }
0x440: {  	s3 =	simm.s32 @!p1 $0x4  }
0x441: {  	_ =	swait.ge @!p1 [sflag:s3], $0x400  }
0x442: {  	[sflag:s3] =	ssyncset.done @!p1 $0x0  }
0x443: {  	[sflag:s3] =	ssyncadd.s32 @!p1 $0xFFFFFC00  }
0x444: {  	v10 =	vld @!p1 [tilespmem:$0x1C380]  }
0x445: {  	v11 =	vld @!p1 [tilespmem:$0x1C400];
	_ =	sdelay $0x1  }
0x446: {  	v12 =	vld @!p1 [tilespmem:$0x1C480];
	_ =	sdelay $0x1  }
0x447: {  	v13 =	vld @!p1 [tilespmem:$0x1C500]  }
0x448: {  	v10 =	vmul.f32 @!p1 v11, v10  }
0x449: {  	v11 =	vld @!p1 [tilespmem:$0x1C580]  }
0x44a: {  	v10 =	vmul.f32 @!p1 v12, v10  }
0x44b: {  	v12 =	vld @!p1 [tilespmem:$0x1C600]  }
0x44c: {  	v10 =	vmul.f32 @!p1 v13, v10  }
0x44d: {  	v13 =	vld @!p1 [tilespmem:$0x1C680]  }
0x44e: {  	v10 =	vmul.f32 @!p1 v11, v10  }
0x44f: {  	v11 =	vld @!p1 [tilespmem:$0x1C700]  }
0x450: {  	v10 =	vmul.f32 @!p1 v12, v10;
	_ =	sdelay $0x1  }
0x451: {  	v10 =	vmul.f32 @!p1 v13, v10;
	_ =	sdelay $0x1  }
0x452: {  	v10 =	vmul.f32 @!p1 v11, v10;
	_ =	sdelay $0x1  }
0x453: {  	s9 =	simm.s32 @!p1 $0x1C300;
	s8 =	simm.s32 @!p1 $0x0;
	s10 =	rddreg [dreg:$0x1d];
	[tilespmem:$0x1C300] =	vst @!p1 v10  }
0x454: {  	[hbm4b:s10+s8] =	stream.linear.scatter @!p1 [tilespmem:s9], [sflag:$0x4], $0x80, $0x38;
	[tilespmem:$0x1F870] =	vst v63  }
0x455: {  	_ =	swait.ge @!p1 [sflag:s3], $0x80  }
0x456: {  	s25 =	sld [smem:$0x7F4];
	_ =	sdelay $0x2  }
0x457: {  	s31 =	rddreg [dreg:$0x1e];
	s7 =	sadd.s32 $0x1, s25  }
0x458: {  	p2 =	sne.s32 s7, s31  }
.Ltmp19:
0x459: {  	_ = 	snop;
	(pc) =	sbr.rel @p2 .LBB2_1-.Ltmp19, $3  }
0x45a: {  	_ =	sdelay $0x1  }
0x45b: {  	[sflag:s3] =	ssyncset.done @!p1 $0x0  }
0x45c: {  	[sflag:s3] =	ssyncadd.s32 @!p1 $0xFFFFFF80  }
0x45d: {  	_ =	sfence.sel $0x180000  }
0x45e: {  	[bflag:$0x0] =	sbarrier.arrive $0xFFFF  }
0x45f: {  	_ =	strace $0x9000004A  }
0x460: {  	s0 =	stileid.u32;
	[bflag:$0x2] =	sbarrier.arrive $0xFFFF  }
0x461: {  	p0 =	sne.s32 s0, $0x0;
	s0 =	rddreg [dreg:$0x4]  }
0x462: {  	s0 =	sadd.s32 @!p0 $0x100000, s0  }
0x463: {  	[sflag:s0] =	ssyncadd.tile.s32 @!p0 $0x1;
	_ =	shalt  }
.Lfunc_end2:
_tile_overlayer_lowered:
.L_overlay_start_2:
0x464: {  	(tag) =	ssettag $0x2  }
0x465: {  	s0 =	rddreg [dreg:$0x0];
	s2 =	stileid.u32  }
0x466: {  	s1 =	rddreg [dreg:$0x1];
	p0 =	sne.s32 s2, $0x0  }
0x467: {  	s3 =	rddreg [dreg:$0x2];
	[bflag:$0x3] =	sbarrier.arrive $0xFFFF;
	s2 =	simm.s32 @!p0 $0x1C04  }
0x468: {  	[timem:s3], [sflag:s2] =	dma.local @!p0 [hbm:s0], s1  }
0x469: {  	s0 =	simm.s32 @!p0 $0x4  }
0x46a: {  	_ =	swait.ge @!p0 [sflag:s0], s1  }
0x46b: {  	s1 =	ssub.s32 @!p0 $0x0, s1;
	[sflag:s0] =	ssyncset.done @!p0 $0x0  }
0x46c: {  	[sflag:s0] =	ssyncadd.s32 @!p0 s1  }
0x46d: {  	[bflag:$0x3] =	sbarrier.arrive $0xFFFF  }
0x46e: {  	_ =	shalt  }

</sc_bundles>
